<compile_context>
chip_gen: v7x
topology: tpu7x:2x2x1
jax: 0.10.2.dev20260603
libtpu: 0.0.44.dev20260713+nightly
codegen_flags: <defaults>
</compile_context>

<pallas_src>
import functools

import jax
import jax.numpy as jnp
from jax import lax
from jax.experimental import pallas as pl
from jax.experimental.pallas import tpu as pltpu
from jax.experimental.pallas import tpu_sc as plsc

_N = 10000
_E = 160000
_D = 256
_H = 512
_C = 16
_G = 64

_NP = 10240
_EP = 163840
_CHW = 128
_NB = 1024
_NRB = _NP // _NB

_NSUB = 16
_KE = 128
_STG = 16
_EPT = _EP // _NSUB
_NBLK = _EPT // _KE
_EPT2 = _EP // (2 * _NSUB)
_NBLK2 = _EPT2 // _KE
_RPT = _NP // _NSUB
_ZR = 64

_sc_mesh = plsc.VectorSubcoreMesh(core_axis_name="c", subcore_axis_name="s")


@functools.partial(
    pl.kernel,
    mesh=_sc_mesh,
    out_type=jax.ShapeDtypeStruct((2, _NP, _CHW), jnp.float32),
    scratch_types=[
        pltpu.VMEM((_KE,), jnp.int32),
        pltpu.VMEM((_KE, _CHW), jnp.float32),
        pltpu.VMEM((_ZR, _CHW), jnp.float32),
        pltpu.VMEM_SHARED((_NP, _CHW), jnp.float32),
        pltpu.SemaphoreType.DMA,
    ],
)
def _deg_sc(dst_hbm, out_hbm, dst_v, ones_v, zro_v, acc_sh, sem):
    cid = lax.axis_index("c")
    sid = lax.axis_index("s")

    @pl.loop(0, _KE)
    def _(r):
        @pl.loop(0, _CHW, step=16)
        def _(l):
            ones_v[r, pl.ds(l, 16)] = jnp.ones((16,), jnp.float32)

    @pl.loop(0, _ZR)
    def _(r):
        @pl.loop(0, _CHW, step=16)
        def _(l):
            zro_v[r, pl.ds(l, 16)] = jnp.zeros((16,), jnp.float32)

    @pl.loop(0, _RPT, step=_ZR)
    def _(r0):
        pltpu.sync_copy(zro_v, acc_sh.at[pl.ds(sid * _RPT + r0, _ZR)])

    plsc.subcore_barrier()
    base = (sid * 2 + cid) * _EPT2

    @pl.loop(0, _NBLK2)
    def _(b):
        pltpu.sync_copy(dst_hbm.at[pl.ds(base + b * _KE, _KE)], dst_v)
        pltpu.sync_copy(ones_v, acc_sh.at[dst_v], add=True)

    plsc.subcore_barrier()

    @pl.loop(0, _RPT, step=_ZR)
    def _(r0):
        r = sid * _RPT + r0
        pltpu.sync_copy(acc_sh.at[pl.ds(r, _ZR)], out_hbm.at[cid, pl.ds(r, _ZR)])


def _make_agg(nch):
    jpc = nch // 2

    @functools.partial(
        pl.kernel,
        mesh=_sc_mesh,
        out_type=jax.ShapeDtypeStruct((nch, _NP, _CHW), jnp.float32),
        scratch_types=[
            pltpu.VMEM((_STG, _KE), jnp.int32),
            pltpu.VMEM((_STG, _KE), jnp.int32),
            pltpu.VMEM((_KE, _CHW), jnp.float32),
            pltpu.VMEM((_KE, _CHW), jnp.float32),
            pltpu.VMEM((_ZR, _CHW), jnp.float32),
            pltpu.VMEM_SHARED((_NP, _CHW), jnp.float32),
            pltpu.SemaphoreType.DMA,
            pltpu.SemaphoreType.DMA,
        ],
    )
    def agg(xd_hbm, srcc_hbm, dst_hbm, out_hbm, srcb_v, dstb_v, rows0_v,
            rows1_v, zro_v, acc_sh, sem0, sem1):
        cid = lax.axis_index("c")
        sid = lax.axis_index("s")

        @pl.loop(0, _ZR)
        def _(r):
            @pl.loop(0, _CHW, step=16)
            def _(l):
                zro_v[r, pl.ds(l, 16)] = jnp.zeros((16,), jnp.float32)

        def _gather_start(buf, sem, blk):
            pltpu.async_copy(xd_hbm.at[srcb_v.at[blk]], buf, sem)

        def _gather_wait(buf, sem, blk):
            pltpu.make_async_copy(xd_hbm.at[srcb_v.at[blk]], buf, sem).wait()

        def _stage_load(chunk, s):
            pltpu.sync_copy(srcc_hbm.at[chunk, sid, pl.ds(s * _STG, _STG)],
                            srcb_v)
            pltpu.sync_copy(dst_hbm.at[sid, pl.ds(s * _STG, _STG)], dstb_v)
            _gather_start(rows0_v, sem0, 0)
            _gather_start(rows1_v, sem1, 1)

        for j in range(jpc):
            chunk = jpc * cid + j
            _stage_load(chunk, 0)

            @pl.loop(0, _RPT, step=_ZR)
            def _(r0):
                pltpu.sync_copy(zro_v, acc_sh.at[pl.ds(sid * _RPT + r0, _ZR)])

            plsc.subcore_barrier()

            @pl.loop(0, _NBLK // _STG)
            def _(s):
                @pl.when(s > 0)
                def _():
                    _stage_load(chunk, s)

                @pl.loop(0, _STG, step=2)
                def _(b):
                    _gather_wait(rows0_v, sem0, b)
                    pltpu.sync_copy(rows0_v, acc_sh.at[dstb_v.at[b]], add=True)

                    @pl.when(b + 2 < _STG)
                    def _():
                        _gather_start(rows0_v, sem0, b + 2)

                    _gather_wait(rows1_v, sem1, b + 1)
                    pltpu.sync_copy(rows1_v, acc_sh.at[dstb_v.at[b + 1]],
                                    add=True)

                    @pl.when(b + 3 < _STG)
                    def _():
                        _gather_start(rows1_v, sem1, b + 3)

            plsc.subcore_barrier()

            @pl.loop(0, _RPT, step=_ZR)
            def _(r0):
                r = sid * _RPT + r0
                pltpu.sync_copy(acc_sh.at[pl.ds(r, _ZR)],
                                out_hbm.at[chunk, pl.ds(r, _ZR)])

    return agg


_agg2 = _make_agg(2)
_agg4 = _make_agg(4)


def _dinv_of(dg_ref):
    deg = dg_ref[0, :, 0:1] + dg_ref[1, :, 0:1] + 1.0
    return lax.rsqrt(deg)


def _scale1_body(x_ref, dg_ref, o_ref):
    dinv = _dinv_of(dg_ref)
    o_ref[0] = x_ref[:, : _CHW] * dinv
    o_ref[1] = x_ref[:, _CHW:] * dinv


_scale1 = pl.pallas_call(
    _scale1_body,
    grid=(_NRB,),
    in_specs=[
        pl.BlockSpec((_NB, _D), lambda i: (i, 0)),
        pl.BlockSpec((2, _NB, _CHW), lambda i: (0, i, 0)),
    ],
    out_specs=pl.BlockSpec((2, _NB, _CHW), lambda i: (0, i, 0)),
    out_shape=jax.ShapeDtypeStruct((_D // _CHW, _NP, _CHW), jnp.float32),
)


def _make_mm(nch_in):
    def body(u_ref, xd_ref, dg_ref, b_ref, w_ref, o_ref):
        dinv = _dinv_of(dg_ref)
        out = jnp.zeros((_NB, _CHW), jnp.float32)
        for kc in range(nch_in):
            t = (dinv * (u_ref[kc] + xd_ref[kc])).astype(jnp.bfloat16)
            w = w_ref[pl.ds(kc * _CHW, _CHW), :].astype(jnp.bfloat16)
            out = out + jnp.dot(t, w, preferred_element_type=jnp.float32)
        o_ref[0] = dinv * jnp.maximum(out + b_ref[0, 0][None, :], 0.0)

    return pl.pallas_call(
        body,
        grid=(_NRB, _H // _CHW),
        in_specs=[
            pl.BlockSpec((nch_in, _NB, _CHW), lambda i, c: (0, i, 0)),
            pl.BlockSpec((nch_in, _NB, _CHW), lambda i, c: (0, i, 0)),
            pl.BlockSpec((2, _NB, _CHW), lambda i, c: (0, i, 0)),
            pl.BlockSpec((1, 1, _CHW), lambda i, c: (c, 0, 0)),
            pl.BlockSpec((nch_in * _CHW, _CHW), lambda i, c: (0, c)),
        ],
        out_specs=pl.BlockSpec((1, _NB, _CHW), lambda i, c: (c, i, 0)),
        out_shape=jax.ShapeDtypeStruct((_H // _CHW, _NP, _CHW), jnp.float32),
    )


_mmA = _make_mm(_D // _CHW)
_mmB = _make_mm(_H // _CHW)


def _fin_body(u_ref, xd_ref, dg_ref, b3_ref, w3_ref, bt_ref, wl_ref, bl_ref,
              o_ref, sum_s, cnt_s):
    i = pl.program_id(0)

    @pl.when(i == 0)
    def _():
        sum_s[...] = jnp.zeros_like(sum_s)
        cnt_s[...] = jnp.zeros_like(cnt_s)

    dinv = _dinv_of(dg_ref)
    out3 = jnp.zeros((_NB, _H), jnp.float32)
    for kc in range(_H // _CHW):
        t = (dinv * (u_ref[kc] + xd_ref[kc])).astype(jnp.bfloat16)
        w = w3_ref[pl.ds(kc * _CHW, _CHW), :].astype(jnp.bfloat16)
        out3 = out3 + jnp.dot(t, w, preferred_element_type=jnp.float32)
    out3 = out3 + b3_ref[...]
    z = jnp.dot(out3.astype(jnp.bfloat16), wl_ref[...].astype(jnp.bfloat16),
                preferred_element_type=jnp.float32)
    pt = (bt_ref[...] == lax.broadcasted_iota(jnp.int32, (_NB, _G), 1))
    pt = pt.astype(jnp.float32)
    dn = (((0,), (0,)), ((), ()))
    sum_s[...] += lax.dot_general(pt, z, dn,
                                  preferred_element_type=jnp.float32)
    cnt_s[...] += lax.dot_general(pt, jnp.ones((_NB, _C), jnp.float32), dn,
                                  preferred_element_type=jnp.float32)

    @pl.when(i == _NRB - 1)
    def _():
        o_ref[...] = sum_s[...] / jnp.maximum(cnt_s[...], 1.0) + bl_ref[...]


_fin = pl.pallas_call(
    _fin_body,
    grid=(_NRB,),
    in_specs=[
        pl.BlockSpec((_H // _CHW, _NB, _CHW), lambda i: (0, i, 0)),
        pl.BlockSpec((_H // _CHW, _NB, _CHW), lambda i: (0, i, 0)),
        pl.BlockSpec((2, _NB, _CHW), lambda i: (0, i, 0)),
        pl.BlockSpec((1, _H), lambda i: (0, 0)),
        pl.BlockSpec((_H, _H), lambda i: (0, 0)),
        pl.BlockSpec((_NB, 1), lambda i: (i, 0)),
        pl.BlockSpec((_H, _C), lambda i: (0, 0)),
        pl.BlockSpec((1, _C), lambda i: (0, 0)),
    ],
    out_specs=pl.BlockSpec((_G, _C), lambda i: (0, 0)),
    out_shape=jax.ShapeDtypeStruct((_G, _C), jnp.float32),
    scratch_shapes=[
        pltpu.VMEM((_G, _C), jnp.float32),
        pltpu.VMEM((_G, _C), jnp.float32),
    ],
)


def kernel(x, edge_index, batch, W1, b1, W2, b2, W3, b3, Wlin, blin):
    x_p = jnp.pad(x, ((0, _NP - _N), (0, 0)))
    src_p = jnp.pad(edge_index[0], (0, _EP - _E))
    dst_p = jnp.pad(edge_index[1], (0, _EP - _E), constant_values=_NP - 1)
    offs = jnp.arange(4, dtype=jnp.int32) * _NP
    srcc2 = (src_p[None, :] + offs[:2, None]).reshape(2, _NSUB, _NBLK, _KE)
    srcc4 = (src_p[None, :] + offs[:, None]).reshape(4, _NSUB, _NBLK, _KE)
    dst4 = dst_p.reshape(_NSUB, _NBLK, _KE)
    batch_p = jnp.pad(batch, (0, _NP - _N), constant_values=_G)
    batch_p = batch_p.reshape(_NP, 1)

    degh = _deg_sc(dst_p)
    xd = _scale1(x_p, degh)
    u1 = _agg2(xd.reshape(2 * _NP, _CHW), srcc2, dst4)
    x2d = _mmA(u1, xd, degh, b1.reshape(4, 1, _CHW), W1)
    u2 = _agg4(x2d.reshape(4 * _NP, _CHW), srcc4, dst4)
    x3d = _mmB(u2, x2d, degh, b2.reshape(4, 1, _CHW), W2)
    u3 = _agg4(x3d.reshape(4 * _NP, _CHW), srcc4, dst4)
    return _fin(u3, x3d, degh, b3.reshape(1, _H), W3, batch_p, Wlin,
                blin.reshape(1, _C))

# --- scband reference (transcript-rebuilt; emitter-appended) ---
"""Pipeline reference for scband-gcn-65515431133473 (READ-ONLY COPY).

The authoritative reference and input builder live on the scoring server;
editing this copy changes nothing except your own understanding.
"""

import jax, jax.numpy as jnp
import numpy as np

N = 10000
E = 160000
D = 256
H = 512
C = 16
G = 64


def setup_inputs(seed: int = 0) -> dict:
    key = jax.random.key(seed)
    ks = jax.random.split(key, 12)
    x = jax.random.normal(ks[0], (N, D), dtype=jnp.float32)
    edge_index = jax.random.randint(ks[1], (2, E), 0, N, dtype=jnp.int32)
    batch = jnp.sort(jax.random.randint(ks[2], (N,), 0, G, dtype=jnp.int32))
    W1 = jax.random.normal(ks[3], (D, H), dtype=jnp.float32) * (1.0 / np.sqrt(D))
    b1 = jnp.zeros((H,), dtype=jnp.float32)
    W2 = jax.random.normal(ks[4], (H, H), dtype=jnp.float32) * (1.0 / np.sqrt(H))
    b2 = jnp.zeros((H,), dtype=jnp.float32)
    W3 = jax.random.normal(ks[5], (H, H), dtype=jnp.float32) * (1.0 / np.sqrt(H))
    b3 = jnp.zeros((H,), dtype=jnp.float32)
    Wlin = jax.random.normal(ks[6], (H, C), dtype=jnp.float32) * (1.0 / np.sqrt(H))
    blin = jnp.zeros((C,), dtype=jnp.float32)
    return {"x": x, "edge_index": edge_index, "batch": batch,
            "W1": W1, "b1": b1, "W2": W2, "b2": b2, "W3": W3, "b3": b3,
            "Wlin": Wlin, "blin": blin}


def _gcn_conv(x, edge_index, W, b):
    # GCNConv with self-loops and symmetric D^{-1/2} (A+I) D^{-1/2} normalization
    h = x @ W
    loop = jnp.arange(N, dtype=edge_index.dtype)
    src = jnp.concatenate([edge_index[0], loop])
    dst = jnp.concatenate([edge_index[1], loop])
    deg = jax.ops.segment_sum(jnp.ones_like(dst, dtype=h.dtype), dst, num_segments=N)
    dinv = jnp.where(deg > 0, jax.lax.rsqrt(jnp.maximum(deg, 1e-12)), 0.0)
    norm = dinv[src] * dinv[dst]
    msg = h[src] * norm[:, None]
    out = jax.ops.segment_sum(msg, dst, num_segments=N)
    return out + b


def reference(x, edge_index, batch, W1, b1, W2, b2, W3, b3, Wlin, blin):
    h = jax.nn.relu(_gcn_conv(x, edge_index, W1, b1))
    h = jax.nn.relu(_gcn_conv(h, edge_index, W2, b2))
    h = _gcn_conv(h, edge_index, W3, b3)
    sums = jax.ops.segment_sum(h, batch, num_segments=G)
    cnts = jax.ops.segment_sum(jnp.ones((N,), dtype=h.dtype), batch, num_segments=G)
    pooled = sums / jnp.maximum(cnts, 1.0)[:, None]
    # dropout is identity in eval mode
    return pooled @ Wlin + blin

if __name__ == "__main__":
    import jax
    _d = setup_inputs()
    print(jax.jit(kernel)(*tuple(_d.values())))

</pallas_src>

<mosaic_0001>
#map = affine_map<(d0, d1) -> (0)>
#map1 = affine_map<(d0, d1) -> (0, 0, 0)>
module attributes {stable_mosaic.version = 14 : i64} {
  func.func @_deg_sc(%arg0: i32, %arg1: i32, %arg2: memref<163840xi32, #tpu.memory_space<hbm>>, %arg3: memref<2x10240x128xf32, #tpu.memory_space<hbm>>, %arg4: memref<128xi32, #tpu.memory_space<vmem>>, %arg5: memref<128x128xf32, #tpu.memory_space<vmem>>, %arg6: memref<64x128xf32, #tpu.memory_space<vmem>>, %arg7: memref<10240x128xf32, #tpu.memory_space<vmem_shared>>, %arg8: memref<!tpu.dma_semaphore, #tpu.memory_space<semaphore_mem>>) attributes {dimension_semantics = [#tpu.dimension_semantics<core_parallel>, #tpu.dimension_semantics<subcore_parallel>], iteration_bounds = array<i64: 2, 16>, scalar_prefetch = 0 : i64, scratch_operands = 5 : i64, tpu.core_type = #tpu.core_type<sc_vector_subcore>, window_params = [{transform_indices = #map}, {transform_indices = #map1}]} {
    %scan3A = arith.constant 0 : i32
    %scan3A_0 = arith.constant 128 : i32
    %scan3A_1 = arith.addi %scan3A, %scan3A_0 : i32
    %scan3A_2 = arith.constant 1 : i32
    scf.for %scan3A_28 = %scan3A to %scan3A_1 step %scan3A_2  : i32 {
      %mul3A_29 = arith.constant 1 : i32
      %mul3A_30 = arith.muli %scan3A_28, %mul3A_29 : i32
      %add3A_31 = arith.constant 0 : i32
      %add3A_32 = arith.addi %add3A_31, %mul3A_30 : i32
      %scan3A_33 = arith.constant 0 : i32
      %scan3A_34 = arith.constant 8 : i32
      %scan3A_35 = arith.addi %scan3A_33, %scan3A_34 : i32
      %scan3A_36 = arith.constant 1 : i32
      scf.for %scan3A_38 = %scan3A_33 to %scan3A_35 step %scan3A_36  : i32 {
        %mul3A_39 = arith.constant 16 : i32
        %mul3A_40 = arith.muli %scan3A_38, %mul3A_39 : i32
        %add3A_41 = arith.constant 0 : i32
        %add3A_42 = arith.addi %add3A_41, %mul3A_40 : i32
        %broadcast_in_dim3A = arith.constant 1.000000e+00 : f32
        %broadcast_in_dim3A_43 = vector.broadcast %broadcast_in_dim3A : f32 to vector<16xf32>
        %swap3A = arith.index_cast %add3A_32 : i32 to index
        %swap3A_44 = arith.index_cast %add3A_42 : i32 to index
        %swap3A_45 = tpu.vector_load %arg5[%swap3A, %swap3A_44] {strides = array<i32>} : memref<128x128xf32, #tpu.memory_space<vmem>>, vector<1x16xf32>,
        %swap3A_46 = vector.shape_cast %swap3A_45 : vector<1x16xf32> to vector<16xf32>
        %swap3A_47 = vector.shape_cast %broadcast_in_dim3A_43 : vector<16xf32> to vector<1x16xf32>
        tpu.vector_store %arg5[%swap3A, %swap3A_44], %swap3A_47 {strides = array<i32>} : memref<128x128xf32, #tpu.memory_space<vmem>>, vector<1x16xf32>,
      }
      %scan3A_37 = arith.constant 8 : i32
    }
    %scan3A_3 = arith.constant 128 : i32
    %scan3A_4 = arith.constant 0 : i32
    %scan3A_5 = arith.constant 64 : i32
    %scan3A_6 = arith.addi %scan3A_4, %scan3A_5 : i32
    %scan3A_7 = arith.constant 1 : i32
    scf.for %scan3A_28 = %scan3A_4 to %scan3A_6 step %scan3A_7  : i32 {
      %mul3A_29 = arith.constant 1 : i32
      %mul3A_30 = arith.muli %scan3A_28, %mul3A_29 : i32
      %add3A_31 = arith.constant 0 : i32
      %add3A_32 = arith.addi %add3A_31, %mul3A_30 : i32
      %scan3A_33 = arith.constant 0 : i32
      %scan3A_34 = arith.constant 8 : i32
      %scan3A_35 = arith.addi %scan3A_33, %scan3A_34 : i32
      %scan3A_36 = arith.constant 1 : i32
      scf.for %scan3A_38 = %scan3A_33 to %scan3A_35 step %scan3A_36  : i32 {
        %mul3A_39 = arith.constant 16 : i32
        %mul3A_40 = arith.muli %scan3A_38, %mul3A_39 : i32
        %add3A_41 = arith.constant 0 : i32
        %add3A_42 = arith.addi %add3A_41, %mul3A_40 : i32
        %broadcast_in_dim3A = arith.constant 0.000000e+00 : f32
        %broadcast_in_dim3A_43 = vector.broadcast %broadcast_in_dim3A : f32 to vector<16xf32>
        %swap3A = arith.index_cast %add3A_32 : i32 to index
        %swap3A_44 = arith.index_cast %add3A_42 : i32 to index
        %swap3A_45 = tpu.vector_load %arg6[%swap3A, %swap3A_44] {strides = array<i32>} : memref<64x128xf32, #tpu.memory_space<vmem>>, vector<1x16xf32>,
        %swap3A_46 = vector.shape_cast %swap3A_45 : vector<1x16xf32> to vector<16xf32>
        %swap3A_47 = vector.shape_cast %broadcast_in_dim3A_43 : vector<16xf32> to vector<1x16xf32>
        tpu.vector_store %arg6[%swap3A, %swap3A_44], %swap3A_47 {strides = array<i32>} : memref<64x128xf32, #tpu.memory_space<vmem>>, vector<1x16xf32>,
      }
      %scan3A_37 = arith.constant 8 : i32
    }
    %scan3A_8 = arith.constant 64 : i32
    %scan3A_9 = arith.constant 0 : i32
    %scan3A_10 = arith.constant 10 : i32
    %scan3A_11 = arith.addi %scan3A_9, %scan3A_10 : i32
    %scan3A_12 = arith.constant 1 : i32
    scf.for %scan3A_28 = %scan3A_9 to %scan3A_11 step %scan3A_12  : i32 {
      %mul3A_29 = arith.constant 64 : i32
      %mul3A_30 = arith.muli %scan3A_28, %mul3A_29 : i32
      %add3A_31 = arith.constant 0 : i32
      %add3A_32 = arith.addi %add3A_31, %mul3A_30 : i32
      %mul3A_33 = arith.constant 640 : i32
      %mul3A_34 = arith.muli %arg1, %mul3A_33 : i32
      %add3A_35 = arith.addi %mul3A_34, %add3A_32 : i32
      "tpu.region"() ({
        %run_scoped3A = tpu.sem_alloc : memref<!tpu.dma_semaphore, #tpu.memory_space<semaphore_mem>>
        %dma_start3A = arith.constant 0 : i32
        %dma_start3A_36 = tpu.memref_slice %arg7[%add3A_35, %dma_start3A] : memref<10240x128xf32, #tpu.memory_space<vmem_shared>> -> memref<64x128xf32, #tpu.memory_space<vmem_shared>>
        %dma_start3A_37 = arith.constant 0 : i32
        %dma_start3A_38 = tpu.memref_slice %arg7[%add3A_35, %dma_start3A_37] : memref<10240x128xf32, #tpu.memory_space<vmem_shared>> -> memref<64x128xf32, #tpu.memory_space<vmem_shared>>
        tpu.enqueue_dma source(%arg6 : memref<64x128xf32, #tpu.memory_space<vmem>>) target(%dma_start3A_38 : memref<64x128xf32, #tpu.memory_space<vmem_shared>>) target_semaphore(%run_scoped3A : memref<!tpu.dma_semaphore, #tpu.memory_space<semaphore_mem>>)
        %dma_wait3A = arith.constant 0 : i32
        %dma_wait3A_39 = tpu.memref_slice %arg7[%add3A_35, %dma_wait3A] : memref<10240x128xf32, #tpu.memory_space<vmem_shared>> -> memref<64x128xf32, #tpu.memory_space<vmem_shared>>
        %dma_wait3A_40 = arith.constant 0 : i32
        %dma_wait3A_41 = tpu.memref_slice %arg7[%add3A_35, %dma_wait3A_40] : memref<10240x128xf32, #tpu.memory_space<vmem_shared>> -> memref<64x128xf32, #tpu.memory_space<vmem_shared>>
        tpu.wait_dma2 semaphore(%run_scoped3A : memref<!tpu.dma_semaphore, #tpu.memory_space<semaphore_mem>>) src(%arg6 : memref<64x128xf32, #tpu.memory_space<vmem>>) dst(%dma_wait3A_41 : memref<64x128xf32, #tpu.memory_space<vmem_shared>>)
        tpu.yield
      }) : () -> ()
    }
    %scan3A_13 = arith.constant 10 : i32
    %barrier3A = arith.constant 0 : index
    tpu.barrier barrier_id(%barrier3A)
    %mul3A = arith.constant 2 : i32
    %mul3A_14 = arith.muli %arg1, %mul3A : i32
    %add3A = arith.addi %mul3A_14, %arg0 : i32
    %mul3A_15 = arith.constant 5120 : i32
    %mul3A_16 = arith.muli %add3A, %mul3A_15 : i32
    %scan3A_17 = arith.constant 0 : i32
    %scan3A_18 = arith.constant 40 : i32
    %scan3A_19 = arith.addi %scan3A_17, %scan3A_18 : i32
    %scan3A_20 = arith.constant 1 : i32
    scf.for %scan3A_28 = %scan3A_17 to %scan3A_19 step %scan3A_20  : i32 {
      %mul3A_29 = arith.constant 1 : i32
      %mul3A_30 = arith.muli %scan3A_28, %mul3A_29 : i32
      %add3A_31 = arith.constant 0 : i32
      %add3A_32 = arith.addi %add3A_31, %mul3A_30 : i32
      %mul3A_33 = arith.constant 128 : i32
      %mul3A_34 = arith.muli %add3A_32, %mul3A_33 : i32
      %add3A_35 = arith.addi %mul3A_16, %mul3A_34 : i32
      "tpu.region"() ({
        %run_scoped3A = tpu.sem_alloc : memref<!tpu.dma_semaphore, #tpu.memory_space<semaphore_mem>>
        %dma_start3A = tpu.memref_slice %arg2[%add3A_35] : memref<163840xi32, #tpu.memory_space<hbm>> -> memref<128xi32, #tpu.memory_space<hbm>>
        %dma_start3A_36 = tpu.memref_slice %arg2[%add3A_35] : memref<163840xi32, #tpu.memory_space<hbm>> -> memref<128xi32, #tpu.memory_space<hbm>>
        tpu.enqueue_dma source(%dma_start3A_36 : memref<128xi32, #tpu.memory_space<hbm>>) target(%arg4 : memref<128xi32, #tpu.memory_space<vmem>>) target_semaphore(%run_scoped3A : memref<!tpu.dma_semaphore, #tpu.memory_space<semaphore_mem>>)
        %dma_wait3A = tpu.memref_slice %arg2[%add3A_35] : memref<163840xi32, #tpu.memory_space<hbm>> -> memref<128xi32, #tpu.memory_space<hbm>>
        %dma_wait3A_37 = tpu.memref_slice %arg2[%add3A_35] : memref<163840xi32, #tpu.memory_space<hbm>> -> memref<128xi32, #tpu.memory_space<hbm>>
        tpu.wait_dma2 semaphore(%run_scoped3A : memref<!tpu.dma_semaphore, #tpu.memory_space<semaphore_mem>>) src(%dma_wait3A_37 : memref<128xi32, #tpu.memory_space<hbm>>) dst(%arg4 : memref<128xi32, #tpu.memory_space<vmem>>)
        tpu.yield
      }) : () -> ()
      "tpu.region"() ({
        %run_scoped3A = tpu.sem_alloc : memref<!tpu.dma_semaphore, #tpu.memory_space<semaphore_mem>>
        %dma_start3A = arith.constant 0 : i32
        %dma_start3A_36 = arith.constant 0 : i32
        %dma_start3A_37 = tpu.memref_slice %arg7[%dma_start3A, %dma_start3A_36] : memref<10240x128xf32, #tpu.memory_space<vmem_shared>> -> memref<10240x128xf32, #tpu.memory_space<vmem_shared>>
        tpu.enqueue_indirect_dma source(%arg5 : memref<128x128xf32, #tpu.memory_space<vmem>>) target(%dma_start3A_37 : memref<10240x128xf32, #tpu.memory_space<vmem_shared>>) offsets(%arg4 : memref<128xi32, #tpu.memory_space<vmem>>) semaphore(%run_scoped3A : memref<!tpu.dma_semaphore, #tpu.memory_space<semaphore_mem>>) {add = true}
        %dma_wait3A = arith.constant 0 : i32
        %dma_wait3A_38 = arith.constant 0 : i32
        %dma_wait3A_39 = tpu.memref_slice %arg7[%dma_wait3A, %dma_wait3A_38] : memref<10240x128xf32, #tpu.memory_space<vmem_shared>> -> memref<10240x128xf32, #tpu.memory_space<vmem_shared>>
        tpu.wait_indirect_dma semaphore(%run_scoped3A : memref<!tpu.dma_semaphore, #tpu.memory_space<semaphore_mem>>) src(%arg5 : memref<128x128xf32, #tpu.memory_space<vmem>>) dst(%dma_wait3A_39 : memref<10240x128xf32, #tpu.memory_space<vmem_shared>>)
        tpu.yield
      }) : () -> ()
    }
    %scan3A_21 = arith.constant 40 : i32
    %barrier3A_22 = arith.constant 0 : index
    tpu.barrier barrier_id(%barrier3A_22)
    %scan3A_23 = arith.constant 0 : i32
    %scan3A_24 = arith.constant 10 : i32
    %scan3A_25 = arith.addi %scan3A_23, %scan3A_24 : i32
    %scan3A_26 = arith.constant 1 : i32
    scf.for %scan3A_28 = %scan3A_23 to %scan3A_25 step %scan3A_26  : i32 {
      %mul3A_29 = arith.constant 64 : i32
      %mul3A_30 = arith.muli %scan3A_28, %mul3A_29 : i32
      %add3A_31 = arith.constant 0 : i32
      %add3A_32 = arith.addi %add3A_31, %mul3A_30 : i32
      %mul3A_33 = arith.constant 640 : i32
      %mul3A_34 = arith.muli %arg1, %mul3A_33 : i32
      %add3A_35 = arith.addi %mul3A_34, %add3A_32 : i32
      "tpu.region"() ({
        %run_scoped3A = tpu.sem_alloc : memref<!tpu.dma_semaphore, #tpu.memory_space<semaphore_mem>>
        %dma_start3A = arith.constant 0 : i32
        %dma_start3A_36 = tpu.memref_slice %arg3[%arg0, %add3A_35, %dma_start3A] : memref<2x10240x128xf32, #tpu.memory_space<hbm>> -> memref<1x64x128xf32, #tpu.memory_space<hbm>>
        %dma_start3A_37 = tpu.memref_squeeze %dma_start3A_36 : memref<1x64x128xf32, #tpu.memory_space<hbm>> -> memref<64x128xf32, #tpu.memory_space<hbm>>
        %dma_start3A_38 = arith.constant 0 : i32
        %dma_start3A_39 = tpu.memref_slice %arg7[%add3A_35, %dma_start3A_38] : memref<10240x128xf32, #tpu.memory_space<vmem_shared>> -> memref<64x128xf32, #tpu.memory_space<vmem_shared>>
        tpu.enqueue_dma source(%dma_start3A_39 : memref<64x128xf32, #tpu.memory_space<vmem_shared>>) target(%dma_start3A_37 : memref<64x128xf32, #tpu.memory_space<hbm>>) target_semaphore(%run_scoped3A : memref<!tpu.dma_semaphore, #tpu.memory_space<semaphore_mem>>)
        %dma_wait3A = arith.constant 0 : i32
        %dma_wait3A_40 = tpu.memref_slice %arg3[%arg0, %add3A_35, %dma_wait3A] : memref<2x10240x128xf32, #tpu.memory_space<hbm>> -> memref<1x64x128xf32, #tpu.memory_space<hbm>>
        %dma_wait3A_41 = tpu.memref_squeeze %dma_wait3A_40 : memref<1x64x128xf32, #tpu.memory_space<hbm>> -> memref<64x128xf32, #tpu.memory_space<hbm>>
        %dma_wait3A_42 = arith.constant 0 : i32
        %dma_wait3A_43 = tpu.memref_slice %arg7[%add3A_35, %dma_wait3A_42] : memref<10240x128xf32, #tpu.memory_space<vmem_shared>> -> memref<64x128xf32, #tpu.memory_space<vmem_shared>>
        tpu.wait_dma2 semaphore(%run_scoped3A : memref<!tpu.dma_semaphore, #tpu.memory_space<semaphore_mem>>) src(%dma_wait3A_43 : memref<64x128xf32, #tpu.memory_space<vmem_shared>>) dst(%dma_wait3A_41 : memref<64x128xf32, #tpu.memory_space<hbm>>)
        tpu.yield
      }) : () -> ()
    }
    %scan3A_27 = arith.constant 10 : i32
    return
  }
}

#map = affine_map<(d0, d1) -> (0, 0)>
#map1 = affine_map<(d0, d1) -> (0, 0, 0, 0)>
#map2 = affine_map<(d0, d1) -> (0, 0, 0)>
module attributes {stable_mosaic.version = 14 : i64} {
  func.func @agg(%arg0: i32, %arg1: i32, %arg2: memref<40960x128xf32, #tpu.memory_space<hbm>>, %arg3: memref<4x16x80x128xi32, #tpu.memory_space<hbm>>, %arg4: memref<16x80x128xi32, #tpu.memory_space<hbm>>, %arg5: memref<4x10240x128xf32, #tpu.memory_space<hbm>>, %arg6: memref<16x128xi32, #tpu.memory_space<vmem>>, %arg7: memref<16x128xi32, #tpu.memory_space<vmem>>, %arg8: memref<128x128xf32, #tpu.memory_space<vmem>>, %arg9: memref<128x128xf32, #tpu.memory_space<vmem>>, %arg10: memref<64x128xf32, #tpu.memory_space<vmem>>, %arg11: memref<10240x128xf32, #tpu.memory_space<vmem_shared>>, %arg12: memref<!tpu.dma_semaphore, #tpu.memory_space<semaphore_mem>>, %arg13: memref<!tpu.dma_semaphore, #tpu.memory_space<semaphore_mem>>) attributes {dimension_semantics = [#tpu.dimension_semantics<core_parallel>, #tpu.dimension_semantics<subcore_parallel>], iteration_bounds = array<i64: 2, 16>, scalar_prefetch = 0 : i64, scratch_operands = 8 : i64, tpu.core_type = #tpu.core_type<sc_vector_subcore>, window_params = [{transform_indices = #map}, {transform_indices = #map1}, {transform_indices = #map2}, {transform_indices = #map2}]} {
    %scan3A = arith.constant 0 : i32
    %scan3A_0 = arith.constant 64 : i32
    %scan3A_1 = arith.addi %scan3A, %scan3A_0 : i32
    %scan3A_2 = arith.constant 1 : i32
    scf.for %scan3A_70 = %scan3A to %scan3A_1 step %scan3A_2  : i32 {
      %mul3A_71 = arith.constant 1 : i32
      %mul3A_72 = arith.muli %scan3A_70, %mul3A_71 : i32
      %add3A_73 = arith.constant 0 : i32
      %add3A_74 = arith.addi %add3A_73, %mul3A_72 : i32
      %scan3A_75 = arith.constant 0 : i32
      %scan3A_76 = arith.constant 8 : i32
      %scan3A_77 = arith.addi %scan3A_75, %scan3A_76 : i32
      %scan3A_78 = arith.constant 1 : i32
      scf.for %scan3A_80 = %scan3A_75 to %scan3A_77 step %scan3A_78  : i32 {
        %mul3A_81 = arith.constant 16 : i32
        %mul3A_82 = arith.muli %scan3A_80, %mul3A_81 : i32
        %add3A_83 = arith.constant 0 : i32
        %add3A_84 = arith.addi %add3A_83, %mul3A_82 : i32
        %broadcast_in_dim3A = arith.constant 0.000000e+00 : f32
        %broadcast_in_dim3A_85 = vector.broadcast %broadcast_in_dim3A : f32 to vector<16xf32>
        %swap3A = arith.index_cast %add3A_74 : i32 to index
        %swap3A_86 = arith.index_cast %add3A_84 : i32 to index
        %swap3A_87 = tpu.vector_load %arg10[%swap3A, %swap3A_86] {strides = array<i32>} : memref<64x128xf32, #tpu.memory_space<vmem>>, vector<1x16xf32>,
        %swap3A_88 = vector.shape_cast %swap3A_87 : vector<1x16xf32> to vector<16xf32>
        %swap3A_89 = vector.shape_cast %broadcast_in_dim3A_85 : vector<16xf32> to vector<1x16xf32>
        tpu.vector_store %arg10[%swap3A, %swap3A_86], %swap3A_89 {strides = array<i32>} : memref<64x128xf32, #tpu.memory_space<vmem>>, vector<1x16xf32>,
      }
      %scan3A_79 = arith.constant 8 : i32
    }
    %scan3A_3 = arith.constant 64 : i32
    %mul3A = arith.constant 2 : i32
    %mul3A_4 = arith.muli %mul3A, %arg0 : i32
    %add3A = arith.constant 0 : i32
    %add3A_5 = arith.addi %mul3A_4, %add3A : i32
    "tpu.region"() ({
      %run_scoped3A = tpu.sem_alloc : memref<!tpu.dma_semaphore, #tpu.memory_space<semaphore_mem>>
      %dma_start3A_70 = arith.constant 0 : i32
      %dma_start3A_71 = arith.constant 0 : i32
      %dma_start3A_72 = tpu.memref_slice %arg3[%add3A_5, %arg1, %dma_start3A_70, %dma_start3A_71] : memref<4x16x80x128xi32, #tpu.memory_space<hbm>> -> memref<1x1x16x128xi32, #tpu.memory_space<hbm>>
      %dma_start3A_73 = tpu.memref_squeeze %dma_start3A_72 : memref<1x1x16x128xi32, #tpu.memory_space<hbm>> -> memref<16x128xi32, #tpu.memory_space<hbm>>
      %dma_start3A_74 = arith.constant 0 : i32
      %dma_start3A_75 = arith.constant 0 : i32
      %dma_start3A_76 = tpu.memref_slice %arg3[%add3A_5, %arg1, %dma_start3A_74, %dma_start3A_75] : memref<4x16x80x128xi32, #tpu.memory_space<hbm>> -> memref<1x1x16x128xi32, #tpu.memory_space<hbm>>
      %dma_start3A_77 = tpu.memref_squeeze %dma_start3A_76 : memref<1x1x16x128xi32, #tpu.memory_space<hbm>> -> memref<16x128xi32, #tpu.memory_space<hbm>>
      tpu.enqueue_dma source(%dma_start3A_77 : memref<16x128xi32, #tpu.memory_space<hbm>>) target(%arg6 : memref<16x128xi32, #tpu.memory_space<vmem>>) target_semaphore(%run_scoped3A : memref<!tpu.dma_semaphore, #tpu.memory_space<semaphore_mem>>)
      %dma_wait3A = arith.constant 0 : i32
      %dma_wait3A_78 = arith.constant 0 : i32
      %dma_wait3A_79 = tpu.memref_slice %arg3[%add3A_5, %arg1, %dma_wait3A, %dma_wait3A_78] : memref<4x16x80x128xi32, #tpu.memory_space<hbm>> -> memref<1x1x16x128xi32, #tpu.memory_space<hbm>>
      %dma_wait3A_80 = tpu.memref_squeeze %dma_wait3A_79 : memref<1x1x16x128xi32, #tpu.memory_space<hbm>> -> memref<16x128xi32, #tpu.memory_space<hbm>>
      %dma_wait3A_81 = arith.constant 0 : i32
      %dma_wait3A_82 = arith.constant 0 : i32
      %dma_wait3A_83 = tpu.memref_slice %arg3[%add3A_5, %arg1, %dma_wait3A_81, %dma_wait3A_82] : memref<4x16x80x128xi32, #tpu.memory_space<hbm>> -> memref<1x1x16x128xi32, #tpu.memory_space<hbm>>
      %dma_wait3A_84 = tpu.memref_squeeze %dma_wait3A_83 : memref<1x1x16x128xi32, #tpu.memory_space<hbm>> -> memref<16x128xi32, #tpu.memory_space<hbm>>
      tpu.wait_dma2 semaphore(%run_scoped3A : memref<!tpu.dma_semaphore, #tpu.memory_space<semaphore_mem>>) src(%dma_wait3A_84 : memref<16x128xi32, #tpu.memory_space<hbm>>) dst(%arg6 : memref<16x128xi32, #tpu.memory_space<vmem>>)
      tpu.yield
    }) : () -> ()
    "tpu.region"() ({
      %run_scoped3A = tpu.sem_alloc : memref<!tpu.dma_semaphore, #tpu.memory_space<semaphore_mem>>
      %dma_start3A_70 = arith.constant 0 : i32
      %dma_start3A_71 = arith.constant 0 : i32
      %dma_start3A_72 = tpu.memref_slice %arg4[%arg1, %dma_start3A_70, %dma_start3A_71] : memref<16x80x128xi32, #tpu.memory_space<hbm>> -> memref<1x16x128xi32, #tpu.memory_space<hbm>>
      %dma_start3A_73 = tpu.memref_squeeze %dma_start3A_72 : memref<1x16x128xi32, #tpu.memory_space<hbm>> -> memref<16x128xi32, #tpu.memory_space<hbm>>
      %dma_start3A_74 = arith.constant 0 : i32
      %dma_start3A_75 = arith.constant 0 : i32
      %dma_start3A_76 = tpu.memref_slice %arg4[%arg1, %dma_start3A_74, %dma_start3A_75] : memref<16x80x128xi32, #tpu.memory_space<hbm>> -> memref<1x16x128xi32, #tpu.memory_space<hbm>>
      %dma_start3A_77 = tpu.memref_squeeze %dma_start3A_76 : memref<1x16x128xi32, #tpu.memory_space<hbm>> -> memref<16x128xi32, #tpu.memory_space<hbm>>
      tpu.enqueue_dma source(%dma_start3A_77 : memref<16x128xi32, #tpu.memory_space<hbm>>) target(%arg7 : memref<16x128xi32, #tpu.memory_space<vmem>>) target_semaphore(%run_scoped3A : memref<!tpu.dma_semaphore, #tpu.memory_space<semaphore_mem>>)
      %dma_wait3A = arith.constant 0 : i32
      %dma_wait3A_78 = arith.constant 0 : i32
      %dma_wait3A_79 = tpu.memref_slice %arg4[%arg1, %dma_wait3A, %dma_wait3A_78] : memref<16x80x128xi32, #tpu.memory_space<hbm>> -> memref<1x16x128xi32, #tpu.memory_space<hbm>>
      %dma_wait3A_80 = tpu.memref_squeeze %dma_wait3A_79 : memref<1x16x128xi32, #tpu.memory_space<hbm>> -> memref<16x128xi32, #tpu.memory_space<hbm>>
      %dma_wait3A_81 = arith.constant 0 : i32
      %dma_wait3A_82 = arith.constant 0 : i32
      %dma_wait3A_83 = tpu.memref_slice %arg4[%arg1, %dma_wait3A_81, %dma_wait3A_82] : memref<16x80x128xi32, #tpu.memory_space<hbm>> -> memref<1x16x128xi32, #tpu.memory_space<hbm>>
      %dma_wait3A_84 = tpu.memref_squeeze %dma_wait3A_83 : memref<1x16x128xi32, #tpu.memory_space<hbm>> -> memref<16x128xi32, #tpu.memory_space<hbm>>
      tpu.wait_dma2 semaphore(%run_scoped3A : memref<!tpu.dma_semaphore, #tpu.memory_space<semaphore_mem>>) src(%dma_wait3A_84 : memref<16x128xi32, #tpu.memory_space<hbm>>) dst(%arg7 : memref<16x128xi32, #tpu.memory_space<vmem>>)
      tpu.yield
    }) : () -> ()
    %dma_start3A = arith.constant 0 : i32
    %dma_start3A_6 = arith.constant 0 : i32
    %dma_start3A_7 = tpu.memref_slice %arg6[%dma_start3A, %dma_start3A_6] : memref<16x128xi32, #tpu.memory_space<vmem>> -> memref<1x128xi32, #tpu.memory_space<vmem>>
    %dma_start3A_8 = tpu.memref_squeeze %dma_start3A_7 : memref<1x128xi32, #tpu.memory_space<vmem>> -> memref<128xi32, #tpu.memory_space<vmem>>
    %dma_start3A_9 = arith.constant 0 : i32
    %dma_start3A_10 = arith.constant 0 : i32
    %dma_start3A_11 = tpu.memref_slice %arg2[%dma_start3A_9, %dma_start3A_10] : memref<40960x128xf32, #tpu.memory_space<hbm>> -> memref<40960x128xf32, #tpu.memory_space<hbm>>
    tpu.enqueue_indirect_dma source(%dma_start3A_11 : memref<40960x128xf32, #tpu.memory_space<hbm>>) target(%arg8 : memref<128x128xf32, #tpu.memory_space<vmem>>) offsets(%dma_start3A_8 : memref<128xi32, #tpu.memory_space<vmem>>) semaphore(%arg12 : memref<!tpu.dma_semaphore, #tpu.memory_space<semaphore_mem>>)
    %dma_start3A_12 = arith.constant 1 : i32
    %dma_start3A_13 = arith.constant 0 : i32
    %dma_start3A_14 = tpu.memref_slice %arg6[%dma_start3A_12, %dma_start3A_13] : memref<16x128xi32, #tpu.memory_space<vmem>> -> memref<1x128xi32, #tpu.memory_space<vmem>>
    %dma_start3A_15 = tpu.memref_squeeze %dma_start3A_14 : memref<1x128xi32, #tpu.memory_space<vmem>> -> memref<128xi32, #tpu.memory_space<vmem>>
    %dma_start3A_16 = arith.constant 0 : i32
    %dma_start3A_17 = arith.constant 0 : i32
    %dma_start3A_18 = tpu.memref_slice %arg2[%dma_start3A_16, %dma_start3A_17] : memref<40960x128xf32, #tpu.memory_space<hbm>> -> memref<40960x128xf32, #tpu.memory_space<hbm>>
    tpu.enqueue_indirect_dma source(%dma_start3A_18 : memref<40960x128xf32, #tpu.memory_space<hbm>>) target(%arg9 : memref<128x128xf32, #tpu.memory_space<vmem>>) offsets(%dma_start3A_15 : memref<128xi32, #tpu.memory_space<vmem>>) semaphore(%arg13 : memref<!tpu.dma_semaphore, #tpu.memory_space<semaphore_mem>>)
    %scan3A_19 = arith.constant 0 : i32
    %scan3A_20 = arith.constant 10 : i32
    %scan3A_21 = arith.addi %scan3A_19, %scan3A_20 : i32
    %scan3A_22 = arith.constant 1 : i32
    scf.for %scan3A_70 = %scan3A_19 to %scan3A_21 step %scan3A_22  : i32 {
      %mul3A_71 = arith.constant 64 : i32
      %mul3A_72 = arith.muli %scan3A_70, %mul3A_71 : i32
      %add3A_73 = arith.constant 0 : i32
      %add3A_74 = arith.addi %add3A_73, %mul3A_72 : i32
      %mul3A_75 = arith.constant 640 : i32
      %mul3A_76 = arith.muli %arg1, %mul3A_75 : i32
      %add3A_77 = arith.addi %mul3A_76, %add3A_74 : i32
      "tpu.region"() ({
        %run_scoped3A = tpu.sem_alloc : memref<!tpu.dma_semaphore, #tpu.memory_space<semaphore_mem>>
        %dma_start3A_78 = arith.constant 0 : i32
        %dma_start3A_79 = tpu.memref_slice %arg11[%add3A_77, %dma_start3A_78] : memref<10240x128xf32, #tpu.memory_space<vmem_shared>> -> memref<64x128xf32, #tpu.memory_space<vmem_shared>>
        %dma_start3A_80 = arith.constant 0 : i32
        %dma_start3A_81 = tpu.memref_slice %arg11[%add3A_77, %dma_start3A_80] : memref<10240x128xf32, #tpu.memory_space<vmem_shared>> -> memref<64x128xf32, #tpu.memory_space<vmem_shared>>
        tpu.enqueue_dma source(%arg10 : memref<64x128xf32, #tpu.memory_space<vmem>>) target(%dma_start3A_81 : memref<64x128xf32, #tpu.memory_space<vmem_shared>>) target_semaphore(%run_scoped3A : memref<!tpu.dma_semaphore, #tpu.memory_space<semaphore_mem>>)
        %dma_wait3A = arith.constant 0 : i32
        %dma_wait3A_82 = tpu.memref_slice %arg11[%add3A_77, %dma_wait3A] : memref<10240x128xf32, #tpu.memory_space<vmem_shared>> -> memref<64x128xf32, #tpu.memory_space<vmem_shared>>
        %dma_wait3A_83 = arith.constant 0 : i32
        %dma_wait3A_84 = tpu.memref_slice %arg11[%add3A_77, %dma_wait3A_83] : memref<10240x128xf32, #tpu.memory_space<vmem_shared>> -> memref<64x128xf32, #tpu.memory_space<vmem_shared>>
        tpu.wait_dma2 semaphore(%run_scoped3A : memref<!tpu.dma_semaphore, #tpu.memory_space<semaphore_mem>>) src(%arg10 : memref<64x128xf32, #tpu.memory_space<vmem>>) dst(%dma_wait3A_84 : memref<64x128xf32, #tpu.memory_space<vmem_shared>>)
        tpu.yield
      }) : () -> ()
    }
    %scan3A_23 = arith.constant 10 : i32
    %barrier3A = arith.constant 0 : index
    tpu.barrier barrier_id(%barrier3A)
    %scan3A_24 = arith.constant 0 : i32
    %scan3A_25 = arith.constant 5 : i32
    %scan3A_26 = arith.addi %scan3A_24, %scan3A_25 : i32
    %scan3A_27 = arith.constant 1 : i32
    scf.for %scan3A_70 = %scan3A_24 to %scan3A_26 step %scan3A_27  : i32 {
      %mul3A_71 = arith.constant 1 : i32
      %mul3A_72 = arith.muli %scan3A_70, %mul3A_71 : i32
      %add3A_73 = arith.constant 0 : i32
      %add3A_74 = arith.addi %add3A_73, %mul3A_72 : i32
      %gt3A = arith.constant 0 : i32
      %gt3A_75 = arith.cmpi sgt, %add3A_74, %gt3A : i32
      %convert_element_type3A = arith.extui %gt3A_75 : i1 to i32
      %cond3A = arith.constant 0 : i32
      %cond3A_76 = arith.cmpi ne, %convert_element_type3A, %cond3A : i32
      scf.if %cond3A_76 {
        %mul3A_82 = arith.constant 16 : i32
        %mul3A_83 = arith.muli %add3A_74, %mul3A_82 : i32
        "tpu.region"() ({
          %run_scoped3A = tpu.sem_alloc : memref<!tpu.dma_semaphore, #tpu.memory_space<semaphore_mem>>
          %dma_start3A_100 = arith.constant 0 : i32
          %dma_start3A_101 = tpu.memref_slice %arg3[%add3A_5, %arg1, %mul3A_83, %dma_start3A_100] : memref<4x16x80x128xi32, #tpu.memory_space<hbm>> -> memref<1x1x16x128xi32, #tpu.memory_space<hbm>>
          %dma_start3A_102 = tpu.memref_squeeze %dma_start3A_101 : memref<1x1x16x128xi32, #tpu.memory_space<hbm>> -> memref<16x128xi32, #tpu.memory_space<hbm>>
          %dma_start3A_103 = arith.constant 0 : i32
          %dma_start3A_104 = tpu.memref_slice %arg3[%add3A_5, %arg1, %mul3A_83, %dma_start3A_103] : memref<4x16x80x128xi32, #tpu.memory_space<hbm>> -> memref<1x1x16x128xi32, #tpu.memory_space<hbm>>
          %dma_start3A_105 = tpu.memref_squeeze %dma_start3A_104 : memref<1x1x16x128xi32, #tpu.memory_space<hbm>> -> memref<16x128xi32, #tpu.memory_space<hbm>>
          tpu.enqueue_dma source(%dma_start3A_105 : memref<16x128xi32, #tpu.memory_space<hbm>>) target(%arg6 : memref<16x128xi32, #tpu.memory_space<vmem>>) target_semaphore(%run_scoped3A : memref<!tpu.dma_semaphore, #tpu.memory_space<semaphore_mem>>)
          %dma_wait3A = arith.constant 0 : i32
          %dma_wait3A_106 = tpu.memref_slice %arg3[%add3A_5, %arg1, %mul3A_83, %dma_wait3A] : memref<4x16x80x128xi32, #tpu.memory_space<hbm>> -> memref<1x1x16x128xi32, #tpu.memory_space<hbm>>
          %dma_wait3A_107 = tpu.memref_squeeze %dma_wait3A_106 : memref<1x1x16x128xi32, #tpu.memory_space<hbm>> -> memref<16x128xi32, #tpu.memory_space<hbm>>
          %dma_wait3A_108 = arith.constant 0 : i32
          %dma_wait3A_109 = tpu.memref_slice %arg3[%add3A_5, %arg1, %mul3A_83, %dma_wait3A_108] : memref<4x16x80x128xi32, #tpu.memory_space<hbm>> -> memref<1x1x16x128xi32, #tpu.memory_space<hbm>>
          %dma_wait3A_110 = tpu.memref_squeeze %dma_wait3A_109 : memref<1x1x16x128xi32, #tpu.memory_space<hbm>> -> memref<16x128xi32, #tpu.memory_space<hbm>>
          tpu.wait_dma2 semaphore(%run_scoped3A : memref<!tpu.dma_semaphore, #tpu.memory_space<semaphore_mem>>) src(%dma_wait3A_110 : memref<16x128xi32, #tpu.memory_space<hbm>>) dst(%arg6 : memref<16x128xi32, #tpu.memory_space<vmem>>)
          tpu.yield
        }) : () -> ()
        %mul3A_84 = arith.constant 16 : i32
        %mul3A_85 = arith.muli %add3A_74, %mul3A_84 : i32
        "tpu.region"() ({
          %run_scoped3A = tpu.sem_alloc : memref<!tpu.dma_semaphore, #tpu.memory_space<semaphore_mem>>
          %dma_start3A_100 = arith.constant 0 : i32
          %dma_start3A_101 = tpu.memref_slice %arg4[%arg1, %mul3A_85, %dma_start3A_100] : memref<16x80x128xi32, #tpu.memory_space<hbm>> -> memref<1x16x128xi32, #tpu.memory_space<hbm>>
          %dma_start3A_102 = tpu.memref_squeeze %dma_start3A_101 : memref<1x16x128xi32, #tpu.memory_space<hbm>> -> memref<16x128xi32, #tpu.memory_space<hbm>>
          %dma_start3A_103 = arith.constant 0 : i32
          %dma_start3A_104 = tpu.memref_slice %arg4[%arg1, %mul3A_85, %dma_start3A_103] : memref<16x80x128xi32, #tpu.memory_space<hbm>> -> memref<1x16x128xi32, #tpu.memory_space<hbm>>
          %dma_start3A_105 = tpu.memref_squeeze %dma_start3A_104 : memref<1x16x128xi32, #tpu.memory_space<hbm>> -> memref<16x128xi32, #tpu.memory_space<hbm>>
          tpu.enqueue_dma source(%dma_start3A_105 : memref<16x128xi32, #tpu.memory_space<hbm>>) target(%arg7 : memref<16x128xi32, #tpu.memory_space<vmem>>) target_semaphore(%run_scoped3A : memref<!tpu.dma_semaphore, #tpu.memory_space<semaphore_mem>>)
          %dma_wait3A = arith.constant 0 : i32
          %dma_wait3A_106 = tpu.memref_slice %arg4[%arg1, %mul3A_85, %dma_wait3A] : memref<16x80x128xi32, #tpu.memory_space<hbm>> -> memref<1x16x128xi32, #tpu.memory_space<hbm>>
          %dma_wait3A_107 = tpu.memref_squeeze %dma_wait3A_106 : memref<1x16x128xi32, #tpu.memory_space<hbm>> -> memref<16x128xi32, #tpu.memory_space<hbm>>
          %dma_wait3A_108 = arith.constant 0 : i32
          %dma_wait3A_109 = tpu.memref_slice %arg4[%arg1, %mul3A_85, %dma_wait3A_108] : memref<16x80x128xi32, #tpu.memory_space<hbm>> -> memref<1x16x128xi32, #tpu.memory_space<hbm>>
          %dma_wait3A_110 = tpu.memref_squeeze %dma_wait3A_109 : memref<1x16x128xi32, #tpu.memory_space<hbm>> -> memref<16x128xi32, #tpu.memory_space<hbm>>
          tpu.wait_dma2 semaphore(%run_scoped3A : memref<!tpu.dma_semaphore, #tpu.memory_space<semaphore_mem>>) src(%dma_wait3A_110 : memref<16x128xi32, #tpu.memory_space<hbm>>) dst(%arg7 : memref<16x128xi32, #tpu.memory_space<vmem>>)
          tpu.yield
        }) : () -> ()
        %dma_start3A_86 = arith.constant 0 : i32
        %dma_start3A_87 = arith.constant 0 : i32
        %dma_start3A_88 = tpu.memref_slice %arg6[%dma_start3A_86, %dma_start3A_87] : memref<16x128xi32, #tpu.memory_space<vmem>> -> memref<1x128xi32, #tpu.memory_space<vmem>>
        %dma_start3A_89 = tpu.memref_squeeze %dma_start3A_88 : memref<1x128xi32, #tpu.memory_space<vmem>> -> memref<128xi32, #tpu.memory_space<vmem>>
        %dma_start3A_90 = arith.constant 0 : i32
        %dma_start3A_91 = arith.constant 0 : i32
        %dma_start3A_92 = tpu.memref_slice %arg2[%dma_start3A_90, %dma_start3A_91] : memref<40960x128xf32, #tpu.memory_space<hbm>> -> memref<40960x128xf32, #tpu.memory_space<hbm>>
        tpu.enqueue_indirect_dma source(%dma_start3A_92 : memref<40960x128xf32, #tpu.memory_space<hbm>>) target(%arg8 : memref<128x128xf32, #tpu.memory_space<vmem>>) offsets(%dma_start3A_89 : memref<128xi32, #tpu.memory_space<vmem>>) semaphore(%arg12 : memref<!tpu.dma_semaphore, #tpu.memory_space<semaphore_mem>>)
        %dma_start3A_93 = arith.constant 1 : i32
        %dma_start3A_94 = arith.constant 0 : i32
        %dma_start3A_95 = tpu.memref_slice %arg6[%dma_start3A_93, %dma_start3A_94] : memref<16x128xi32, #tpu.memory_space<vmem>> -> memref<1x128xi32, #tpu.memory_space<vmem>>
        %dma_start3A_96 = tpu.memref_squeeze %dma_start3A_95 : memref<1x128xi32, #tpu.memory_space<vmem>> -> memref<128xi32, #tpu.memory_space<vmem>>
        %dma_start3A_97 = arith.constant 0 : i32
        %dma_start3A_98 = arith.constant 0 : i32
        %dma_start3A_99 = tpu.memref_slice %arg2[%dma_start3A_97, %dma_start3A_98] : memref<40960x128xf32, #tpu.memory_space<hbm>> -> memref<40960x128xf32, #tpu.memory_space<hbm>>
        tpu.enqueue_indirect_dma source(%dma_start3A_99 : memref<40960x128xf32, #tpu.memory_space<hbm>>) target(%arg9 : memref<128x128xf32, #tpu.memory_space<vmem>>) offsets(%dma_start3A_96 : memref<128xi32, #tpu.memory_space<vmem>>) semaphore(%arg13 : memref<!tpu.dma_semaphore, #tpu.memory_space<semaphore_mem>>)
      } else {
      }
      %scan3A_77 = arith.constant 0 : i32
      %scan3A_78 = arith.constant 8 : i32
      %scan3A_79 = arith.addi %scan3A_77, %scan3A_78 : i32
      %scan3A_80 = arith.constant 1 : i32
      scf.for %scan3A_82 = %scan3A_77 to %scan3A_79 step %scan3A_80  : i32 {
        %mul3A_83 = arith.constant 2 : i32
        %mul3A_84 = arith.muli %scan3A_82, %mul3A_83 : i32
        %add3A_85 = arith.constant 0 : i32
        %add3A_86 = arith.addi %add3A_85, %mul3A_84 : i32
        %dma_wait3A = arith.constant 0 : i32
        %dma_wait3A_87 = tpu.memref_slice %arg6[%add3A_86, %dma_wait3A] : memref<16x128xi32, #tpu.memory_space<vmem>> -> memref<1x128xi32, #tpu.memory_space<vmem>>
        %dma_wait3A_88 = tpu.memref_squeeze %dma_wait3A_87 : memref<1x128xi32, #tpu.memory_space<vmem>> -> memref<128xi32, #tpu.memory_space<vmem>>
        %dma_wait3A_89 = arith.constant 0 : i32
        %dma_wait3A_90 = arith.constant 0 : i32
        %dma_wait3A_91 = tpu.memref_slice %arg2[%dma_wait3A_89, %dma_wait3A_90] : memref<40960x128xf32, #tpu.memory_space<hbm>> -> memref<40960x128xf32, #tpu.memory_space<hbm>>
        tpu.wait_indirect_dma semaphore(%arg12 : memref<!tpu.dma_semaphore, #tpu.memory_space<semaphore_mem>>) src(%dma_wait3A_91 : memref<40960x128xf32, #tpu.memory_space<hbm>>) dst(%arg8 : memref<128x128xf32, #tpu.memory_space<vmem>>)
        "tpu.region"() ({
          %run_scoped3A = tpu.sem_alloc : memref<!tpu.dma_semaphore, #tpu.memory_space<semaphore_mem>>
          %dma_start3A_115 = arith.constant 0 : i32
          %dma_start3A_116 = tpu.memref_slice %arg7[%add3A_86, %dma_start3A_115] : memref<16x128xi32, #tpu.memory_space<vmem>> -> memref<1x128xi32, #tpu.memory_space<vmem>>
          %dma_start3A_117 = tpu.memref_squeeze %dma_start3A_116 : memref<1x128xi32, #tpu.memory_space<vmem>> -> memref<128xi32, #tpu.memory_space<vmem>>
          %dma_start3A_118 = arith.constant 0 : i32
          %dma_start3A_119 = arith.constant 0 : i32
          %dma_start3A_120 = tpu.memref_slice %arg11[%dma_start3A_118, %dma_start3A_119] : memref<10240x128xf32, #tpu.memory_space<vmem_shared>> -> memref<10240x128xf32, #tpu.memory_space<vmem_shared>>
          tpu.enqueue_indirect_dma source(%arg8 : memref<128x128xf32, #tpu.memory_space<vmem>>) target(%dma_start3A_120 : memref<10240x128xf32, #tpu.memory_space<vmem_shared>>) offsets(%dma_start3A_117 : memref<128xi32, #tpu.memory_space<vmem>>) semaphore(%run_scoped3A : memref<!tpu.dma_semaphore, #tpu.memory_space<semaphore_mem>>) {add = true}
          %dma_wait3A_121 = arith.constant 0 : i32
          %dma_wait3A_122 = tpu.memref_slice %arg7[%add3A_86, %dma_wait3A_121] : memref<16x128xi32, #tpu.memory_space<vmem>> -> memref<1x128xi32, #tpu.memory_space<vmem>>
          %dma_wait3A_123 = tpu.memref_squeeze %dma_wait3A_122 : memref<1x128xi32, #tpu.memory_space<vmem>> -> memref<128xi32, #tpu.memory_space<vmem>>
          %dma_wait3A_124 = arith.constant 0 : i32
          %dma_wait3A_125 = arith.constant 0 : i32
          %dma_wait3A_126 = tpu.memref_slice %arg11[%dma_wait3A_124, %dma_wait3A_125] : memref<10240x128xf32, #tpu.memory_space<vmem_shared>> -> memref<10240x128xf32, #tpu.memory_space<vmem_shared>>
          tpu.wait_indirect_dma semaphore(%run_scoped3A : memref<!tpu.dma_semaphore, #tpu.memory_space<semaphore_mem>>) src(%arg8 : memref<128x128xf32, #tpu.memory_space<vmem>>) dst(%dma_wait3A_126 : memref<10240x128xf32, #tpu.memory_space<vmem_shared>>)
          tpu.yield
        }) : () -> ()
        %add3A_92 = arith.constant 2 : i32
        %add3A_93 = arith.addi %add3A_86, %add3A_92 : i32
        %lt3A = arith.constant 16 : i32
        %lt3A_94 = arith.cmpi slt, %add3A_93, %lt3A : i32
        %convert_element_type3A_95 = arith.extui %lt3A_94 : i1 to i32
        %cond3A_96 = arith.constant 0 : i32
        %cond3A_97 = arith.cmpi ne, %convert_element_type3A_95, %cond3A_96 : i32
        scf.if %cond3A_97 {
          %add3A_115 = arith.constant 2 : i32
          %add3A_116 = arith.addi %add3A_86, %add3A_115 : i32
          %dma_start3A_117 = arith.constant 0 : i32
          %dma_start3A_118 = tpu.memref_slice %arg6[%add3A_116, %dma_start3A_117] : memref<16x128xi32, #tpu.memory_space<vmem>> -> memref<1x128xi32, #tpu.memory_space<vmem>>
          %dma_start3A_119 = tpu.memref_squeeze %dma_start3A_118 : memref<1x128xi32, #tpu.memory_space<vmem>> -> memref<128xi32, #tpu.memory_space<vmem>>
          %dma_start3A_120 = arith.constant 0 : i32
          %dma_start3A_121 = arith.constant 0 : i32
          %dma_start3A_122 = tpu.memref_slice %arg2[%dma_start3A_120, %dma_start3A_121] : memref<40960x128xf32, #tpu.memory_space<hbm>> -> memref<40960x128xf32, #tpu.memory_space<hbm>>
          tpu.enqueue_indirect_dma source(%dma_start3A_122 : memref<40960x128xf32, #tpu.memory_space<hbm>>) target(%arg8 : memref<128x128xf32, #tpu.memory_space<vmem>>) offsets(%dma_start3A_119 : memref<128xi32, #tpu.memory_space<vmem>>) semaphore(%arg12 : memref<!tpu.dma_semaphore, #tpu.memory_space<semaphore_mem>>)
        } else {
        }
        %add3A_98 = arith.constant 1 : i32
        %add3A_99 = arith.addi %add3A_86, %add3A_98 : i32
        %dma_wait3A_100 = arith.constant 0 : i32
        %dma_wait3A_101 = tpu.memref_slice %arg6[%add3A_99, %dma_wait3A_100] : memref<16x128xi32, #tpu.memory_space<vmem>> -> memref<1x128xi32, #tpu.memory_space<vmem>>
        %dma_wait3A_102 = tpu.memref_squeeze %dma_wait3A_101 : memref<1x128xi32, #tpu.memory_space<vmem>> -> memref<128xi32, #tpu.memory_space<vmem>>
        %dma_wait3A_103 = arith.constant 0 : i32
        %dma_wait3A_104 = arith.constant 0 : i32
        %dma_wait3A_105 = tpu.memref_slice %arg2[%dma_wait3A_103, %dma_wait3A_104] : memref<40960x128xf32, #tpu.memory_space<hbm>> -> memref<40960x128xf32, #tpu.memory_space<hbm>>
        tpu.wait_indirect_dma semaphore(%arg13 : memref<!tpu.dma_semaphore, #tpu.memory_space<semaphore_mem>>) src(%dma_wait3A_105 : memref<40960x128xf32, #tpu.memory_space<hbm>>) dst(%arg9 : memref<128x128xf32, #tpu.memory_space<vmem>>)
        %add3A_106 = arith.constant 1 : i32
        %add3A_107 = arith.addi %add3A_86, %add3A_106 : i32
        "tpu.region"() ({
          %run_scoped3A = tpu.sem_alloc : memref<!tpu.dma_semaphore, #tpu.memory_space<semaphore_mem>>
          %dma_start3A_115 = arith.constant 0 : i32
          %dma_start3A_116 = tpu.memref_slice %arg7[%add3A_107, %dma_start3A_115] : memref<16x128xi32, #tpu.memory_space<vmem>> -> memref<1x128xi32, #tpu.memory_space<vmem>>
          %dma_start3A_117 = tpu.memref_squeeze %dma_start3A_116 : memref<1x128xi32, #tpu.memory_space<vmem>> -> memref<128xi32, #tpu.memory_space<vmem>>
          %dma_start3A_118 = arith.constant 0 : i32
          %dma_start3A_119 = arith.constant 0 : i32
          %dma_start3A_120 = tpu.memref_slice %arg11[%dma_start3A_118, %dma_start3A_119] : memref<10240x128xf32, #tpu.memory_space<vmem_shared>> -> memref<10240x128xf32, #tpu.memory_space<vmem_shared>>
          tpu.enqueue_indirect_dma source(%arg9 : memref<128x128xf32, #tpu.memory_space<vmem>>) target(%dma_start3A_120 : memref<10240x128xf32, #tpu.memory_space<vmem_shared>>) offsets(%dma_start3A_117 : memref<128xi32, #tpu.memory_space<vmem>>) semaphore(%run_scoped3A : memref<!tpu.dma_semaphore, #tpu.memory_space<semaphore_mem>>) {add = true}
          %dma_wait3A_121 = arith.constant 0 : i32
          %dma_wait3A_122 = tpu.memref_slice %arg7[%add3A_107, %dma_wait3A_121] : memref<16x128xi32, #tpu.memory_space<vmem>> -> memref<1x128xi32, #tpu.memory_space<vmem>>
          %dma_wait3A_123 = tpu.memref_squeeze %dma_wait3A_122 : memref<1x128xi32, #tpu.memory_space<vmem>> -> memref<128xi32, #tpu.memory_space<vmem>>
          %dma_wait3A_124 = arith.constant 0 : i32
          %dma_wait3A_125 = arith.constant 0 : i32
          %dma_wait3A_126 = tpu.memref_slice %arg11[%dma_wait3A_124, %dma_wait3A_125] : memref<10240x128xf32, #tpu.memory_space<vmem_shared>> -> memref<10240x128xf32, #tpu.memory_space<vmem_shared>>
          tpu.wait_indirect_dma semaphore(%run_scoped3A : memref<!tpu.dma_semaphore, #tpu.memory_space<semaphore_mem>>) src(%arg9 : memref<128x128xf32, #tpu.memory_space<vmem>>) dst(%dma_wait3A_126 : memref<10240x128xf32, #tpu.memory_space<vmem_shared>>)
          tpu.yield
        }) : () -> ()
        %add3A_108 = arith.constant 3 : i32
        %add3A_109 = arith.addi %add3A_86, %add3A_108 : i32
        %lt3A_110 = arith.constant 16 : i32
        %lt3A_111 = arith.cmpi slt, %add3A_109, %lt3A_110 : i32
        %convert_element_type3A_112 = arith.extui %lt3A_111 : i1 to i32
        %cond3A_113 = arith.constant 0 : i32
        %cond3A_114 = arith.cmpi ne, %convert_element_type3A_112, %cond3A_113 : i32
        scf.if %cond3A_114 {
          %add3A_115 = arith.constant 3 : i32
          %add3A_116 = arith.addi %add3A_86, %add3A_115 : i32
          %dma_start3A_117 = arith.constant 0 : i32
          %dma_start3A_118 = tpu.memref_slice %arg6[%add3A_116, %dma_start3A_117] : memref<16x128xi32, #tpu.memory_space<vmem>> -> memref<1x128xi32, #tpu.memory_space<vmem>>
          %dma_start3A_119 = tpu.memref_squeeze %dma_start3A_118 : memref<1x128xi32, #tpu.memory_space<vmem>> -> memref<128xi32, #tpu.memory_space<vmem>>
          %dma_start3A_120 = arith.constant 0 : i32
          %dma_start3A_121 = arith.constant 0 : i32
          %dma_start3A_122 = tpu.memref_slice %arg2[%dma_start3A_120, %dma_start3A_121] : memref<40960x128xf32, #tpu.memory_space<hbm>> -> memref<40960x128xf32, #tpu.memory_space<hbm>>
          tpu.enqueue_indirect_dma source(%dma_start3A_122 : memref<40960x128xf32, #tpu.memory_space<hbm>>) target(%arg9 : memref<128x128xf32, #tpu.memory_space<vmem>>) offsets(%dma_start3A_119 : memref<128xi32, #tpu.memory_space<vmem>>) semaphore(%arg13 : memref<!tpu.dma_semaphore, #tpu.memory_space<semaphore_mem>>)
        } else {
        }
      }
      %scan3A_81 = arith.constant 8 : i32
    }
    %scan3A_28 = arith.constant 5 : i32
    %barrier3A_29 = arith.constant 0 : index
    tpu.barrier barrier_id(%barrier3A_29)
    %scan3A_30 = arith.constant 0 : i32
    %scan3A_31 = arith.constant 10 : i32
    %scan3A_32 = arith.addi %scan3A_30, %scan3A_31 : i32
    %scan3A_33 = arith.constant 1 : i32
    scf.for %scan3A_70 = %scan3A_30 to %scan3A_32 step %scan3A_33  : i32 {
      %mul3A_71 = arith.constant 64 : i32
      %mul3A_72 = arith.muli %scan3A_70, %mul3A_71 : i32
      %add3A_73 = arith.constant 0 : i32
      %add3A_74 = arith.addi %add3A_73, %mul3A_72 : i32
      %mul3A_75 = arith.constant 640 : i32
      %mul3A_76 = arith.muli %arg1, %mul3A_75 : i32
      %add3A_77 = arith.addi %mul3A_76, %add3A_74 : i32
      "tpu.region"() ({
        %run_scoped3A = tpu.sem_alloc : memref<!tpu.dma_semaphore, #tpu.memory_space<semaphore_mem>>
        %dma_start3A_78 = arith.constant 0 : i32
        %dma_start3A_79 = tpu.memref_slice %arg5[%add3A_5, %add3A_77, %dma_start3A_78] : memref<4x10240x128xf32, #tpu.memory_space<hbm>> -> memref<1x64x128xf32, #tpu.memory_space<hbm>>
        %dma_start3A_80 = tpu.memref_squeeze %dma_start3A_79 : memref<1x64x128xf32, #tpu.memory_space<hbm>> -> memref<64x128xf32, #tpu.memory_space<hbm>>
        %dma_start3A_81 = arith.constant 0 : i32
        %dma_start3A_82 = tpu.memref_slice %arg11[%add3A_77, %dma_start3A_81] : memref<10240x128xf32, #tpu.memory_space<vmem_shared>> -> memref<64x128xf32, #tpu.memory_space<vmem_shared>>
        tpu.enqueue_dma source(%dma_start3A_82 : memref<64x128xf32, #tpu.memory_space<vmem_shared>>) target(%dma_start3A_80 : memref<64x128xf32, #tpu.memory_space<hbm>>) target_semaphore(%run_scoped3A : memref<!tpu.dma_semaphore, #tpu.memory_space<semaphore_mem>>)
        %dma_wait3A = arith.constant 0 : i32
        %dma_wait3A_83 = tpu.memref_slice %arg5[%add3A_5, %add3A_77, %dma_wait3A] : memref<4x10240x128xf32, #tpu.memory_space<hbm>> -> memref<1x64x128xf32, #tpu.memory_space<hbm>>
        %dma_wait3A_84 = tpu.memref_squeeze %dma_wait3A_83 : memref<1x64x128xf32, #tpu.memory_space<hbm>> -> memref<64x128xf32, #tpu.memory_space<hbm>>
        %dma_wait3A_85 = arith.constant 0 : i32
        %dma_wait3A_86 = tpu.memref_slice %arg11[%add3A_77, %dma_wait3A_85] : memref<10240x128xf32, #tpu.memory_space<vmem_shared>> -> memref<64x128xf32, #tpu.memory_space<vmem_shared>>
        tpu.wait_dma2 semaphore(%run_scoped3A : memref<!tpu.dma_semaphore, #tpu.memory_space<semaphore_mem>>) src(%dma_wait3A_86 : memref<64x128xf32, #tpu.memory_space<vmem_shared>>) dst(%dma_wait3A_84 : memref<64x128xf32, #tpu.memory_space<hbm>>)
        tpu.yield
      }) : () -> ()
    }
    %scan3A_34 = arith.constant 10 : i32
    %mul3A_35 = arith.constant 2 : i32
    %mul3A_36 = arith.muli %mul3A_35, %arg0 : i32
    %add3A_37 = arith.constant 1 : i32
    %add3A_38 = arith.addi %mul3A_36, %add3A_37 : i32
    "tpu.region"() ({
      %run_scoped3A = tpu.sem_alloc : memref<!tpu.dma_semaphore, #tpu.memory_space<semaphore_mem>>
      %dma_start3A_70 = arith.constant 0 : i32
      %dma_start3A_71 = arith.constant 0 : i32
      %dma_start3A_72 = tpu.memref_slice %arg3[%add3A_38, %arg1, %dma_start3A_70, %dma_start3A_71] : memref<4x16x80x128xi32, #tpu.memory_space<hbm>> -> memref<1x1x16x128xi32, #tpu.memory_space<hbm>>
      %dma_start3A_73 = tpu.memref_squeeze %dma_start3A_72 : memref<1x1x16x128xi32, #tpu.memory_space<hbm>> -> memref<16x128xi32, #tpu.memory_space<hbm>>
      %dma_start3A_74 = arith.constant 0 : i32
      %dma_start3A_75 = arith.constant 0 : i32
      %dma_start3A_76 = tpu.memref_slice %arg3[%add3A_38, %arg1, %dma_start3A_74, %dma_start3A_75] : memref<4x16x80x128xi32, #tpu.memory_space<hbm>> -> memref<1x1x16x128xi32, #tpu.memory_space<hbm>>
      %dma_start3A_77 = tpu.memref_squeeze %dma_start3A_76 : memref<1x1x16x128xi32, #tpu.memory_space<hbm>> -> memref<16x128xi32, #tpu.memory_space<hbm>>
      tpu.enqueue_dma source(%dma_start3A_77 : memref<16x128xi32, #tpu.memory_space<hbm>>) target(%arg6 : memref<16x128xi32, #tpu.memory_space<vmem>>) target_semaphore(%run_scoped3A : memref<!tpu.dma_semaphore, #tpu.memory_space<semaphore_mem>>)
      %dma_wait3A = arith.constant 0 : i32
      %dma_wait3A_78 = arith.constant 0 : i32
      %dma_wait3A_79 = tpu.memref_slice %arg3[%add3A_38, %arg1, %dma_wait3A, %dma_wait3A_78] : memref<4x16x80x128xi32, #tpu.memory_space<hbm>> -> memref<1x1x16x128xi32, #tpu.memory_space<hbm>>
      %dma_wait3A_80 = tpu.memref_squeeze %dma_wait3A_79 : memref<1x1x16x128xi32, #tpu.memory_space<hbm>> -> memref<16x128xi32, #tpu.memory_space<hbm>>
      %dma_wait3A_81 = arith.constant 0 : i32
      %dma_wait3A_82 = arith.constant 0 : i32
      %dma_wait3A_83 = tpu.memref_slice %arg3[%add3A_38, %arg1, %dma_wait3A_81, %dma_wait3A_82] : memref<4x16x80x128xi32, #tpu.memory_space<hbm>> -> memref<1x1x16x128xi32, #tpu.memory_space<hbm>>
      %dma_wait3A_84 = tpu.memref_squeeze %dma_wait3A_83 : memref<1x1x16x128xi32, #tpu.memory_space<hbm>> -> memref<16x128xi32, #tpu.memory_space<hbm>>
      tpu.wait_dma2 semaphore(%run_scoped3A : memref<!tpu.dma_semaphore, #tpu.memory_space<semaphore_mem>>) src(%dma_wait3A_84 : memref<16x128xi32, #tpu.memory_space<hbm>>) dst(%arg6 : memref<16x128xi32, #tpu.memory_space<vmem>>)
      tpu.yield
    }) : () -> ()
    "tpu.region"() ({
      %run_scoped3A = tpu.sem_alloc : memref<!tpu.dma_semaphore, #tpu.memory_space<semaphore_mem>>
      %dma_start3A_70 = arith.constant 0 : i32
      %dma_start3A_71 = arith.constant 0 : i32
      %dma_start3A_72 = tpu.memref_slice %arg4[%arg1, %dma_start3A_70, %dma_start3A_71] : memref<16x80x128xi32, #tpu.memory_space<hbm>> -> memref<1x16x128xi32, #tpu.memory_space<hbm>>
      %dma_start3A_73 = tpu.memref_squeeze %dma_start3A_72 : memref<1x16x128xi32, #tpu.memory_space<hbm>> -> memref<16x128xi32, #tpu.memory_space<hbm>>
      %dma_start3A_74 = arith.constant 0 : i32
      %dma_start3A_75 = arith.constant 0 : i32
      %dma_start3A_76 = tpu.memref_slice %arg4[%arg1, %dma_start3A_74, %dma_start3A_75] : memref<16x80x128xi32, #tpu.memory_space<hbm>> -> memref<1x16x128xi32, #tpu.memory_space<hbm>>
      %dma_start3A_77 = tpu.memref_squeeze %dma_start3A_76 : memref<1x16x128xi32, #tpu.memory_space<hbm>> -> memref<16x128xi32, #tpu.memory_space<hbm>>
      tpu.enqueue_dma source(%dma_start3A_77 : memref<16x128xi32, #tpu.memory_space<hbm>>) target(%arg7 : memref<16x128xi32, #tpu.memory_space<vmem>>) target_semaphore(%run_scoped3A : memref<!tpu.dma_semaphore, #tpu.memory_space<semaphore_mem>>)
      %dma_wait3A = arith.constant 0 : i32
      %dma_wait3A_78 = arith.constant 0 : i32
      %dma_wait3A_79 = tpu.memref_slice %arg4[%arg1, %dma_wait3A, %dma_wait3A_78] : memref<16x80x128xi32, #tpu.memory_space<hbm>> -> memref<1x16x128xi32, #tpu.memory_space<hbm>>
      %dma_wait3A_80 = tpu.memref_squeeze %dma_wait3A_79 : memref<1x16x128xi32, #tpu.memory_space<hbm>> -> memref<16x128xi32, #tpu.memory_space<hbm>>
      %dma_wait3A_81 = arith.constant 0 : i32
      %dma_wait3A_82 = arith.constant 0 : i32
      %dma_wait3A_83 = tpu.memref_slice %arg4[%arg1, %dma_wait3A_81, %dma_wait3A_82] : memref<16x80x128xi32, #tpu.memory_space<hbm>> -> memref<1x16x128xi32, #tpu.memory_space<hbm>>
      %dma_wait3A_84 = tpu.memref_squeeze %dma_wait3A_83 : memref<1x16x128xi32, #tpu.memory_space<hbm>> -> memref<16x128xi32, #tpu.memory_space<hbm>>
      tpu.wait_dma2 semaphore(%run_scoped3A : memref<!tpu.dma_semaphore, #tpu.memory_space<semaphore_mem>>) src(%dma_wait3A_84 : memref<16x128xi32, #tpu.memory_space<hbm>>) dst(%arg7 : memref<16x128xi32, #tpu.memory_space<vmem>>)
      tpu.yield
    }) : () -> ()
    %dma_start3A_39 = arith.constant 0 : i32
    %dma_start3A_40 = arith.constant 0 : i32
    %dma_start3A_41 = tpu.memref_slice %arg6[%dma_start3A_39, %dma_start3A_40] : memref<16x128xi32, #tpu.memory_space<vmem>> -> memref<1x128xi32, #tpu.memory_space<vmem>>
    %dma_start3A_42 = tpu.memref_squeeze %dma_start3A_41 : memref<1x128xi32, #tpu.memory_space<vmem>> -> memref<128xi32, #tpu.memory_space<vmem>>
    %dma_start3A_43 = arith.constant 0 : i32
    %dma_start3A_44 = arith.constant 0 : i32
    %dma_start3A_45 = tpu.memref_slice %arg2[%dma_start3A_43, %dma_start3A_44] : memref<40960x128xf32, #tpu.memory_space<hbm>> -> memref<40960x128xf32, #tpu.memory_space<hbm>>
    tpu.enqueue_indirect_dma source(%dma_start3A_45 : memref<40960x128xf32, #tpu.memory_space<hbm>>) target(%arg8 : memref<128x128xf32, #tpu.memory_space<vmem>>) offsets(%dma_start3A_42 : memref<128xi32, #tpu.memory_space<vmem>>) semaphore(%arg12 : memref<!tpu.dma_semaphore, #tpu.memory_space<semaphore_mem>>)
    %dma_start3A_46 = arith.constant 1 : i32
    %dma_start3A_47 = arith.constant 0 : i32
    %dma_start3A_48 = tpu.memref_slice %arg6[%dma_start3A_46, %dma_start3A_47] : memref<16x128xi32, #tpu.memory_space<vmem>> -> memref<1x128xi32, #tpu.memory_space<vmem>>
    %dma_start3A_49 = tpu.memref_squeeze %dma_start3A_48 : memref<1x128xi32, #tpu.memory_space<vmem>> -> memref<128xi32, #tpu.memory_space<vmem>>
    %dma_start3A_50 = arith.constant 0 : i32
    %dma_start3A_51 = arith.constant 0 : i32
    %dma_start3A_52 = tpu.memref_slice %arg2[%dma_start3A_50, %dma_start3A_51] : memref<40960x128xf32, #tpu.memory_space<hbm>> -> memref<40960x128xf32, #tpu.memory_space<hbm>>
    tpu.enqueue_indirect_dma source(%dma_start3A_52 : memref<40960x128xf32, #tpu.memory_space<hbm>>) target(%arg9 : memref<128x128xf32, #tpu.memory_space<vmem>>) offsets(%dma_start3A_49 : memref<128xi32, #tpu.memory_space<vmem>>) semaphore(%arg13 : memref<!tpu.dma_semaphore, #tpu.memory_space<semaphore_mem>>)
    %scan3A_53 = arith.constant 0 : i32
    %scan3A_54 = arith.constant 10 : i32
    %scan3A_55 = arith.addi %scan3A_53, %scan3A_54 : i32
    %scan3A_56 = arith.constant 1 : i32
    scf.for %scan3A_70 = %scan3A_53 to %scan3A_55 step %scan3A_56  : i32 {
      %mul3A_71 = arith.constant 64 : i32
      %mul3A_72 = arith.muli %scan3A_70, %mul3A_71 : i32
      %add3A_73 = arith.constant 0 : i32
      %add3A_74 = arith.addi %add3A_73, %mul3A_72 : i32
      %mul3A_75 = arith.constant 640 : i32
      %mul3A_76 = arith.muli %arg1, %mul3A_75 : i32
      %add3A_77 = arith.addi %mul3A_76, %add3A_74 : i32
      "tpu.region"() ({
        %run_scoped3A = tpu.sem_alloc : memref<!tpu.dma_semaphore, #tpu.memory_space<semaphore_mem>>
        %dma_start3A_78 = arith.constant 0 : i32
        %dma_start3A_79 = tpu.memref_slice %arg11[%add3A_77, %dma_start3A_78] : memref<10240x128xf32, #tpu.memory_space<vmem_shared>> -> memref<64x128xf32, #tpu.memory_space<vmem_shared>>
        %dma_start3A_80 = arith.constant 0 : i32
        %dma_start3A_81 = tpu.memref_slice %arg11[%add3A_77, %dma_start3A_80] : memref<10240x128xf32, #tpu.memory_space<vmem_shared>> -> memref<64x128xf32, #tpu.memory_space<vmem_shared>>
        tpu.enqueue_dma source(%arg10 : memref<64x128xf32, #tpu.memory_space<vmem>>) target(%dma_start3A_81 : memref<64x128xf32, #tpu.memory_space<vmem_shared>>) target_semaphore(%run_scoped3A : memref<!tpu.dma_semaphore, #tpu.memory_space<semaphore_mem>>)
        %dma_wait3A = arith.constant 0 : i32
        %dma_wait3A_82 = tpu.memref_slice %arg11[%add3A_77, %dma_wait3A] : memref<10240x128xf32, #tpu.memory_space<vmem_shared>> -> memref<64x128xf32, #tpu.memory_space<vmem_shared>>
        %dma_wait3A_83 = arith.constant 0 : i32
        %dma_wait3A_84 = tpu.memref_slice %arg11[%add3A_77, %dma_wait3A_83] : memref<10240x128xf32, #tpu.memory_space<vmem_shared>> -> memref<64x128xf32, #tpu.memory_space<vmem_shared>>
        tpu.wait_dma2 semaphore(%run_scoped3A : memref<!tpu.dma_semaphore, #tpu.memory_space<semaphore_mem>>) src(%arg10 : memref<64x128xf32, #tpu.memory_space<vmem>>) dst(%dma_wait3A_84 : memref<64x128xf32, #tpu.memory_space<vmem_shared>>)
        tpu.yield
      }) : () -> ()
    }
    %scan3A_57 = arith.constant 10 : i32
    %barrier3A_58 = arith.constant 0 : index
    tpu.barrier barrier_id(%barrier3A_58)
    %scan3A_59 = arith.constant 0 : i32
    %scan3A_60 = arith.constant 5 : i32
    %scan3A_61 = arith.addi %scan3A_59, %scan3A_60 : i32
    %scan3A_62 = arith.constant 1 : i32
    scf.for %scan3A_70 = %scan3A_59 to %scan3A_61 step %scan3A_62  : i32 {
      %mul3A_71 = arith.constant 1 : i32
      %mul3A_72 = arith.muli %scan3A_70, %mul3A_71 : i32
      %add3A_73 = arith.constant 0 : i32
      %add3A_74 = arith.addi %add3A_73, %mul3A_72 : i32
      %gt3A = arith.constant 0 : i32
      %gt3A_75 = arith.cmpi sgt, %add3A_74, %gt3A : i32
      %convert_element_type3A = arith.extui %gt3A_75 : i1 to i32
      %cond3A = arith.constant 0 : i32
      %cond3A_76 = arith.cmpi ne, %convert_element_type3A, %cond3A : i32
      scf.if %cond3A_76 {
        %mul3A_82 = arith.constant 16 : i32
        %mul3A_83 = arith.muli %add3A_74, %mul3A_82 : i32
        "tpu.region"() ({
          %run_scoped3A = tpu.sem_alloc : memref<!tpu.dma_semaphore, #tpu.memory_space<semaphore_mem>>
          %dma_start3A_100 = arith.constant 0 : i32
          %dma_start3A_101 = tpu.memref_slice %arg3[%add3A_38, %arg1, %mul3A_83, %dma_start3A_100] : memref<4x16x80x128xi32, #tpu.memory_space<hbm>> -> memref<1x1x16x128xi32, #tpu.memory_space<hbm>>
          %dma_start3A_102 = tpu.memref_squeeze %dma_start3A_101 : memref<1x1x16x128xi32, #tpu.memory_space<hbm>> -> memref<16x128xi32, #tpu.memory_space<hbm>>
          %dma_start3A_103 = arith.constant 0 : i32
          %dma_start3A_104 = tpu.memref_slice %arg3[%add3A_38, %arg1, %mul3A_83, %dma_start3A_103] : memref<4x16x80x128xi32, #tpu.memory_space<hbm>> -> memref<1x1x16x128xi32, #tpu.memory_space<hbm>>
          %dma_start3A_105 = tpu.memref_squeeze %dma_start3A_104 : memref<1x1x16x128xi32, #tpu.memory_space<hbm>> -> memref<16x128xi32, #tpu.memory_space<hbm>>
          tpu.enqueue_dma source(%dma_start3A_105 : memref<16x128xi32, #tpu.memory_space<hbm>>) target(%arg6 : memref<16x128xi32, #tpu.memory_space<vmem>>) target_semaphore(%run_scoped3A : memref<!tpu.dma_semaphore, #tpu.memory_space<semaphore_mem>>)
          %dma_wait3A = arith.constant 0 : i32
          %dma_wait3A_106 = tpu.memref_slice %arg3[%add3A_38, %arg1, %mul3A_83, %dma_wait3A] : memref<4x16x80x128xi32, #tpu.memory_space<hbm>> -> memref<1x1x16x128xi32, #tpu.memory_space<hbm>>
          %dma_wait3A_107 = tpu.memref_squeeze %dma_wait3A_106 : memref<1x1x16x128xi32, #tpu.memory_space<hbm>> -> memref<16x128xi32, #tpu.memory_space<hbm>>
          %dma_wait3A_108 = arith.constant 0 : i32
          %dma_wait3A_109 = tpu.memref_slice %arg3[%add3A_38, %arg1, %mul3A_83, %dma_wait3A_108] : memref<4x16x80x128xi32, #tpu.memory_space<hbm>> -> memref<1x1x16x128xi32, #tpu.memory_space<hbm>>
          %dma_wait3A_110 = tpu.memref_squeeze %dma_wait3A_109 : memref<1x1x16x128xi32, #tpu.memory_space<hbm>> -> memref<16x128xi32, #tpu.memory_space<hbm>>
          tpu.wait_dma2 semaphore(%run_scoped3A : memref<!tpu.dma_semaphore, #tpu.memory_space<semaphore_mem>>) src(%dma_wait3A_110 : memref<16x128xi32, #tpu.memory_space<hbm>>) dst(%arg6 : memref<16x128xi32, #tpu.memory_space<vmem>>)
          tpu.yield
        }) : () -> ()
        %mul3A_84 = arith.constant 16 : i32
        %mul3A_85 = arith.muli %add3A_74, %mul3A_84 : i32
        "tpu.region"() ({
          %run_scoped3A = tpu.sem_alloc : memref<!tpu.dma_semaphore, #tpu.memory_space<semaphore_mem>>
          %dma_start3A_100 = arith.constant 0 : i32
          %dma_start3A_101 = tpu.memref_slice %arg4[%arg1, %mul3A_85, %dma_start3A_100] : memref<16x80x128xi32, #tpu.memory_space<hbm>> -> memref<1x16x128xi32, #tpu.memory_space<hbm>>
          %dma_start3A_102 = tpu.memref_squeeze %dma_start3A_101 : memref<1x16x128xi32, #tpu.memory_space<hbm>> -> memref<16x128xi32, #tpu.memory_space<hbm>>
          %dma_start3A_103 = arith.constant 0 : i32
          %dma_start3A_104 = tpu.memref_slice %arg4[%arg1, %mul3A_85, %dma_start3A_103] : memref<16x80x128xi32, #tpu.memory_space<hbm>> -> memref<1x16x128xi32, #tpu.memory_space<hbm>>
          %dma_start3A_105 = tpu.memref_squeeze %dma_start3A_104 : memref<1x16x128xi32, #tpu.memory_space<hbm>> -> memref<16x128xi32, #tpu.memory_space<hbm>>
          tpu.enqueue_dma source(%dma_start3A_105 : memref<16x128xi32, #tpu.memory_space<hbm>>) target(%arg7 : memref<16x128xi32, #tpu.memory_space<vmem>>) target_semaphore(%run_scoped3A : memref<!tpu.dma_semaphore, #tpu.memory_space<semaphore_mem>>)
          %dma_wait3A = arith.constant 0 : i32
          %dma_wait3A_106 = tpu.memref_slice %arg4[%arg1, %mul3A_85, %dma_wait3A] : memref<16x80x128xi32, #tpu.memory_space<hbm>> -> memref<1x16x128xi32, #tpu.memory_space<hbm>>
          %dma_wait3A_107 = tpu.memref_squeeze %dma_wait3A_106 : memref<1x16x128xi32, #tpu.memory_space<hbm>> -> memref<16x128xi32, #tpu.memory_space<hbm>>
          %dma_wait3A_108 = arith.constant 0 : i32
          %dma_wait3A_109 = tpu.memref_slice %arg4[%arg1, %mul3A_85, %dma_wait3A_108] : memref<16x80x128xi32, #tpu.memory_space<hbm>> -> memref<1x16x128xi32, #tpu.memory_space<hbm>>
          %dma_wait3A_110 = tpu.memref_squeeze %dma_wait3A_109 : memref<1x16x128xi32, #tpu.memory_space<hbm>> -> memref<16x128xi32, #tpu.memory_space<hbm>>
          tpu.wait_dma2 semaphore(%run_scoped3A : memref<!tpu.dma_semaphore, #tpu.memory_space<semaphore_mem>>) src(%dma_wait3A_110 : memref<16x128xi32, #tpu.memory_space<hbm>>) dst(%arg7 : memref<16x128xi32, #tpu.memory_space<vmem>>)
          tpu.yield
        }) : () -> ()
        %dma_start3A_86 = arith.constant 0 : i32
        %dma_start3A_87 = arith.constant 0 : i32
        %dma_start3A_88 = tpu.memref_slice %arg6[%dma_start3A_86, %dma_start3A_87] : memref<16x128xi32, #tpu.memory_space<vmem>> -> memref<1x128xi32, #tpu.memory_space<vmem>>
        %dma_start3A_89 = tpu.memref_squeeze %dma_start3A_88 : memref<1x128xi32, #tpu.memory_space<vmem>> -> memref<128xi32, #tpu.memory_space<vmem>>
        %dma_start3A_90 = arith.constant 0 : i32
        %dma_start3A_91 = arith.constant 0 : i32
        %dma_start3A_92 = tpu.memref_slice %arg2[%dma_start3A_90, %dma_start3A_91] : memref<40960x128xf32, #tpu.memory_space<hbm>> -> memref<40960x128xf32, #tpu.memory_space<hbm>>
        tpu.enqueue_indirect_dma source(%dma_start3A_92 : memref<40960x128xf32, #tpu.memory_space<hbm>>) target(%arg8 : memref<128x128xf32, #tpu.memory_space<vmem>>) offsets(%dma_start3A_89 : memref<128xi32, #tpu.memory_space<vmem>>) semaphore(%arg12 : memref<!tpu.dma_semaphore, #tpu.memory_space<semaphore_mem>>)
        %dma_start3A_93 = arith.constant 1 : i32
        %dma_start3A_94 = arith.constant 0 : i32
        %dma_start3A_95 = tpu.memref_slice %arg6[%dma_start3A_93, %dma_start3A_94] : memref<16x128xi32, #tpu.memory_space<vmem>> -> memref<1x128xi32, #tpu.memory_space<vmem>>
        %dma_start3A_96 = tpu.memref_squeeze %dma_start3A_95 : memref<1x128xi32, #tpu.memory_space<vmem>> -> memref<128xi32, #tpu.memory_space<vmem>>
        %dma_start3A_97 = arith.constant 0 : i32
        %dma_start3A_98 = arith.constant 0 : i32
        %dma_start3A_99 = tpu.memref_slice %arg2[%dma_start3A_97, %dma_start3A_98] : memref<40960x128xf32, #tpu.memory_space<hbm>> -> memref<40960x128xf32, #tpu.memory_space<hbm>>
        tpu.enqueue_indirect_dma source(%dma_start3A_99 : memref<40960x128xf32, #tpu.memory_space<hbm>>) target(%arg9 : memref<128x128xf32, #tpu.memory_space<vmem>>) offsets(%dma_start3A_96 : memref<128xi32, #tpu.memory_space<vmem>>) semaphore(%arg13 : memref<!tpu.dma_semaphore, #tpu.memory_space<semaphore_mem>>)
      } else {
      }
      %scan3A_77 = arith.constant 0 : i32
      %scan3A_78 = arith.constant 8 : i32
      %scan3A_79 = arith.addi %scan3A_77, %scan3A_78 : i32
      %scan3A_80 = arith.constant 1 : i32
      scf.for %scan3A_82 = %scan3A_77 to %scan3A_79 step %scan3A_80  : i32 {
        %mul3A_83 = arith.constant 2 : i32
        %mul3A_84 = arith.muli %scan3A_82, %mul3A_83 : i32
        %add3A_85 = arith.constant 0 : i32
        %add3A_86 = arith.addi %add3A_85, %mul3A_84 : i32
        %dma_wait3A = arith.constant 0 : i32
        %dma_wait3A_87 = tpu.memref_slice %arg6[%add3A_86, %dma_wait3A] : memref<16x128xi32, #tpu.memory_space<vmem>> -> memref<1x128xi32, #tpu.memory_space<vmem>>
        %dma_wait3A_88 = tpu.memref_squeeze %dma_wait3A_87 : memref<1x128xi32, #tpu.memory_space<vmem>> -> memref<128xi32, #tpu.memory_space<vmem>>
        %dma_wait3A_89 = arith.constant 0 : i32
        %dma_wait3A_90 = arith.constant 0 : i32
        %dma_wait3A_91 = tpu.memref_slice %arg2[%dma_wait3A_89, %dma_wait3A_90] : memref<40960x128xf32, #tpu.memory_space<hbm>> -> memref<40960x128xf32, #tpu.memory_space<hbm>>
        tpu.wait_indirect_dma semaphore(%arg12 : memref<!tpu.dma_semaphore, #tpu.memory_space<semaphore_mem>>) src(%dma_wait3A_91 : memref<40960x128xf32, #tpu.memory_space<hbm>>) dst(%arg8 : memref<128x128xf32, #tpu.memory_space<vmem>>)
        "tpu.region"() ({
          %run_scoped3A = tpu.sem_alloc : memref<!tpu.dma_semaphore, #tpu.memory_space<semaphore_mem>>
          %dma_start3A_115 = arith.constant 0 : i32
          %dma_start3A_116 = tpu.memref_slice %arg7[%add3A_86, %dma_start3A_115] : memref<16x128xi32, #tpu.memory_space<vmem>> -> memref<1x128xi32, #tpu.memory_space<vmem>>
          %dma_start3A_117 = tpu.memref_squeeze %dma_start3A_116 : memref<1x128xi32, #tpu.memory_space<vmem>> -> memref<128xi32, #tpu.memory_space<vmem>>
          %dma_start3A_118 = arith.constant 0 : i32
          %dma_start3A_119 = arith.constant 0 : i32
          %dma_start3A_120 = tpu.memref_slice %arg11[%dma_start3A_118, %dma_start3A_119] : memref<10240x128xf32, #tpu.memory_space<vmem_shared>> -> memref<10240x128xf32, #tpu.memory_space<vmem_shared>>
          tpu.enqueue_indirect_dma source(%arg8 : memref<128x128xf32, #tpu.memory_space<vmem>>) target(%dma_start3A_120 : memref<10240x128xf32, #tpu.memory_space<vmem_shared>>) offsets(%dma_start3A_117 : memref<128xi32, #tpu.memory_space<vmem>>) semaphore(%run_scoped3A : memref<!tpu.dma_semaphore, #tpu.memory_space<semaphore_mem>>) {add = true}
          %dma_wait3A_121 = arith.constant 0 : i32
          %dma_wait3A_122 = tpu.memref_slice %arg7[%add3A_86, %dma_wait3A_121] : memref<16x128xi32, #tpu.memory_space<vmem>> -> memref<1x128xi32, #tpu.memory_space<vmem>>
          %dma_wait3A_123 = tpu.memref_squeeze %dma_wait3A_122 : memref<1x128xi32, #tpu.memory_space<vmem>> -> memref<128xi32, #tpu.memory_space<vmem>>
          %dma_wait3A_124 = arith.constant 0 : i32
          %dma_wait3A_125 = arith.constant 0 : i32
          %dma_wait3A_126 = tpu.memref_slice %arg11[%dma_wait3A_124, %dma_wait3A_125] : memref<10240x128xf32, #tpu.memory_space<vmem_shared>> -> memref<10240x128xf32, #tpu.memory_space<vmem_shared>>
          tpu.wait_indirect_dma semaphore(%run_scoped3A : memref<!tpu.dma_semaphore, #tpu.memory_space<semaphore_mem>>) src(%arg8 : memref<128x128xf32, #tpu.memory_space<vmem>>) dst(%dma_wait3A_126 : memref<10240x128xf32, #tpu.memory_space<vmem_shared>>)
          tpu.yield
        }) : () -> ()
        %add3A_92 = arith.constant 2 : i32
        %add3A_93 = arith.addi %add3A_86, %add3A_92 : i32
        %lt3A = arith.constant 16 : i32
        %lt3A_94 = arith.cmpi slt, %add3A_93, %lt3A : i32
        %convert_element_type3A_95 = arith.extui %lt3A_94 : i1 to i32
        %cond3A_96 = arith.constant 0 : i32
        %cond3A_97 = arith.cmpi ne, %convert_element_type3A_95, %cond3A_96 : i32
        scf.if %cond3A_97 {
          %add3A_115 = arith.constant 2 : i32
          %add3A_116 = arith.addi %add3A_86, %add3A_115 : i32
          %dma_start3A_117 = arith.constant 0 : i32
          %dma_start3A_118 = tpu.memref_slice %arg6[%add3A_116, %dma_start3A_117] : memref<16x128xi32, #tpu.memory_space<vmem>> -> memref<1x128xi32, #tpu.memory_space<vmem>>
          %dma_start3A_119 = tpu.memref_squeeze %dma_start3A_118 : memref<1x128xi32, #tpu.memory_space<vmem>> -> memref<128xi32, #tpu.memory_space<vmem>>
          %dma_start3A_120 = arith.constant 0 : i32
          %dma_start3A_121 = arith.constant 0 : i32
          %dma_start3A_122 = tpu.memref_slice %arg2[%dma_start3A_120, %dma_start3A_121] : memref<40960x128xf32, #tpu.memory_space<hbm>> -> memref<40960x128xf32, #tpu.memory_space<hbm>>
          tpu.enqueue_indirect_dma source(%dma_start3A_122 : memref<40960x128xf32, #tpu.memory_space<hbm>>) target(%arg8 : memref<128x128xf32, #tpu.memory_space<vmem>>) offsets(%dma_start3A_119 : memref<128xi32, #tpu.memory_space<vmem>>) semaphore(%arg12 : memref<!tpu.dma_semaphore, #tpu.memory_space<semaphore_mem>>)
        } else {
        }
        %add3A_98 = arith.constant 1 : i32
        %add3A_99 = arith.addi %add3A_86, %add3A_98 : i32
        %dma_wait3A_100 = arith.constant 0 : i32
        %dma_wait3A_101 = tpu.memref_slice %arg6[%add3A_99, %dma_wait3A_100] : memref<16x128xi32, #tpu.memory_space<vmem>> -> memref<1x128xi32, #tpu.memory_space<vmem>>
        %dma_wait3A_102 = tpu.memref_squeeze %dma_wait3A_101 : memref<1x128xi32, #tpu.memory_space<vmem>> -> memref<128xi32, #tpu.memory_space<vmem>>
        %dma_wait3A_103 = arith.constant 0 : i32
        %dma_wait3A_104 = arith.constant 0 : i32
        %dma_wait3A_105 = tpu.memref_slice %arg2[%dma_wait3A_103, %dma_wait3A_104] : memref<40960x128xf32, #tpu.memory_space<hbm>> -> memref<40960x128xf32, #tpu.memory_space<hbm>>
        tpu.wait_indirect_dma semaphore(%arg13 : memref<!tpu.dma_semaphore, #tpu.memory_space<semaphore_mem>>) src(%dma_wait3A_105 : memref<40960x128xf32, #tpu.memory_space<hbm>>) dst(%arg9 : memref<128x128xf32, #tpu.memory_space<vmem>>)
        %add3A_106 = arith.constant 1 : i32
        %add3A_107 = arith.addi %add3A_86, %add3A_106 : i32
        "tpu.region"() ({
          %run_scoped3A = tpu.sem_alloc : memref<!tpu.dma_semaphore, #tpu.memory_space<semaphore_mem>>
          %dma_start3A_115 = arith.constant 0 : i32
          %dma_start3A_116 = tpu.memref_slice %arg7[%add3A_107, %dma_start3A_115] : memref<16x128xi32, #tpu.memory_space<vmem>> -> memref<1x128xi32, #tpu.memory_space<vmem>>
          %dma_start3A_117 = tpu.memref_squeeze %dma_start3A_116 : memref<1x128xi32, #tpu.memory_space<vmem>> -> memref<128xi32, #tpu.memory_space<vmem>>
          %dma_start3A_118 = arith.constant 0 : i32
          %dma_start3A_119 = arith.constant 0 : i32
          %dma_start3A_120 = tpu.memref_slice %arg11[%dma_start3A_118, %dma_start3A_119] : memref<10240x128xf32, #tpu.memory_space<vmem_shared>> -> memref<10240x128xf32, #tpu.memory_space<vmem_shared>>
          tpu.enqueue_indirect_dma source(%arg9 : memref<128x128xf32, #tpu.memory_space<vmem>>) target(%dma_start3A_120 : memref<10240x128xf32, #tpu.memory_space<vmem_shared>>) offsets(%dma_start3A_117 : memref<128xi32, #tpu.memory_space<vmem>>) semaphore(%run_scoped3A : memref<!tpu.dma_semaphore, #tpu.memory_space<semaphore_mem>>) {add = true}
          %dma_wait3A_121 = arith.constant 0 : i32
          %dma_wait3A_122 = tpu.memref_slice %arg7[%add3A_107, %dma_wait3A_121] : memref<16x128xi32, #tpu.memory_space<vmem>> -> memref<1x128xi32, #tpu.memory_space<vmem>>
          %dma_wait3A_123 = tpu.memref_squeeze %dma_wait3A_122 : memref<1x128xi32, #tpu.memory_space<vmem>> -> memref<128xi32, #tpu.memory_space<vmem>>
          %dma_wait3A_124 = arith.constant 0 : i32
          %dma_wait3A_125 = arith.constant 0 : i32
          %dma_wait3A_126 = tpu.memref_slice %arg11[%dma_wait3A_124, %dma_wait3A_125] : memref<10240x128xf32, #tpu.memory_space<vmem_shared>> -> memref<10240x128xf32, #tpu.memory_space<vmem_shared>>
          tpu.wait_indirect_dma semaphore(%run_scoped3A : memref<!tpu.dma_semaphore, #tpu.memory_space<semaphore_mem>>) src(%arg9 : memref<128x128xf32, #tpu.memory_space<vmem>>) dst(%dma_wait3A_126 : memref<10240x128xf32, #tpu.memory_space<vmem_shared>>)
          tpu.yield
        }) : () -> ()
        %add3A_108 = arith.constant 3 : i32
        %add3A_109 = arith.addi %add3A_86, %add3A_108 : i32
        %lt3A_110 = arith.constant 16 : i32
        %lt3A_111 = arith.cmpi slt, %add3A_109, %lt3A_110 : i32
        %convert_element_type3A_112 = arith.extui %lt3A_111 : i1 to i32
        %cond3A_113 = arith.constant 0 : i32
        %cond3A_114 = arith.cmpi ne, %convert_element_type3A_112, %cond3A_113 : i32
        scf.if %cond3A_114 {
          %add3A_115 = arith.constant 3 : i32
          %add3A_116 = arith.addi %add3A_86, %add3A_115 : i32
          %dma_start3A_117 = arith.constant 0 : i32
          %dma_start3A_118 = tpu.memref_slice %arg6[%add3A_116, %dma_start3A_117] : memref<16x128xi32, #tpu.memory_space<vmem>> -> memref<1x128xi32, #tpu.memory_space<vmem>>
          %dma_start3A_119 = tpu.memref_squeeze %dma_start3A_118 : memref<1x128xi32, #tpu.memory_space<vmem>> -> memref<128xi32, #tpu.memory_space<vmem>>
          %dma_start3A_120 = arith.constant 0 : i32
          %dma_start3A_121 = arith.constant 0 : i32
          %dma_start3A_122 = tpu.memref_slice %arg2[%dma_start3A_120, %dma_start3A_121] : memref<40960x128xf32, #tpu.memory_space<hbm>> -> memref<40960x128xf32, #tpu.memory_space<hbm>>
          tpu.enqueue_indirect_dma source(%dma_start3A_122 : memref<40960x128xf32, #tpu.memory_space<hbm>>) target(%arg9 : memref<128x128xf32, #tpu.memory_space<vmem>>) offsets(%dma_start3A_119 : memref<128xi32, #tpu.memory_space<vmem>>) semaphore(%arg13 : memref<!tpu.dma_semaphore, #tpu.memory_space<semaphore_mem>>)
        } else {
        }
      }
      %scan3A_81 = arith.constant 8 : i32
    }
    %scan3A_63 = arith.constant 5 : i32
    %barrier3A_64 = arith.constant 0 : index
    tpu.barrier barrier_id(%barrier3A_64)
    %scan3A_65 = arith.constant 0 : i32
    %scan3A_66 = arith.constant 10 : i32
    %scan3A_67 = arith.addi %scan3A_65, %scan3A_66 : i32
    %scan3A_68 = arith.constant 1 : i32
    scf.for %scan3A_70 = %scan3A_65 to %scan3A_67 step %scan3A_68  : i32 {
      %mul3A_71 = arith.constant 64 : i32
      %mul3A_72 = arith.muli %scan3A_70, %mul3A_71 : i32
      %add3A_73 = arith.constant 0 : i32
      %add3A_74 = arith.addi %add3A_73, %mul3A_72 : i32
      %mul3A_75 = arith.constant 640 : i32
      %mul3A_76 = arith.muli %arg1, %mul3A_75 : i32
      %add3A_77 = arith.addi %mul3A_76, %add3A_74 : i32
      "tpu.region"() ({
        %run_scoped3A = tpu.sem_alloc : memref<!tpu.dma_semaphore, #tpu.memory_space<semaphore_mem>>
        %dma_start3A_78 = arith.constant 0 : i32
        %dma_start3A_79 = tpu.memref_slice %arg5[%add3A_38, %add3A_77, %dma_start3A_78] : memref<4x10240x128xf32, #tpu.memory_space<hbm>> -> memref<1x64x128xf32, #tpu.memory_space<hbm>>
        %dma_start3A_80 = tpu.memref_squeeze %dma_start3A_79 : memref<1x64x128xf32, #tpu.memory_space<hbm>> -> memref<64x128xf32, #tpu.memory_space<hbm>>
        %dma_start3A_81 = arith.constant 0 : i32
        %dma_start3A_82 = tpu.memref_slice %arg11[%add3A_77, %dma_start3A_81] : memref<10240x128xf32, #tpu.memory_space<vmem_shared>> -> memref<64x128xf32, #tpu.memory_space<vmem_shared>>
        tpu.enqueue_dma source(%dma_start3A_82 : memref<64x128xf32, #tpu.memory_space<vmem_shared>>) target(%dma_start3A_80 : memref<64x128xf32, #tpu.memory_space<hbm>>) target_semaphore(%run_scoped3A : memref<!tpu.dma_semaphore, #tpu.memory_space<semaphore_mem>>)
        %dma_wait3A = arith.constant 0 : i32
        %dma_wait3A_83 = tpu.memref_slice %arg5[%add3A_38, %add3A_77, %dma_wait3A] : memref<4x10240x128xf32, #tpu.memory_space<hbm>> -> memref<1x64x128xf32, #tpu.memory_space<hbm>>
        %dma_wait3A_84 = tpu.memref_squeeze %dma_wait3A_83 : memref<1x64x128xf32, #tpu.memory_space<hbm>> -> memref<64x128xf32, #tpu.memory_space<hbm>>
        %dma_wait3A_85 = arith.constant 0 : i32
        %dma_wait3A_86 = tpu.memref_slice %arg11[%add3A_77, %dma_wait3A_85] : memref<10240x128xf32, #tpu.memory_space<vmem_shared>> -> memref<64x128xf32, #tpu.memory_space<vmem_shared>>
        tpu.wait_dma2 semaphore(%run_scoped3A : memref<!tpu.dma_semaphore, #tpu.memory_space<semaphore_mem>>) src(%dma_wait3A_86 : memref<64x128xf32, #tpu.memory_space<vmem_shared>>) dst(%dma_wait3A_84 : memref<64x128xf32, #tpu.memory_space<hbm>>)
        tpu.yield
      }) : () -> ()
    }
    %scan3A_69 = arith.constant 10 : i32
    return
  }
}

#map = affine_map<(d0, d1) -> (0, 0)>
#map1 = affine_map<(d0, d1) -> (0, 0, 0, 0)>
#map2 = affine_map<(d0, d1) -> (0, 0, 0)>
module attributes {stable_mosaic.version = 14 : i64} {
  func.func @agg(%arg0: i32, %arg1: i32, %arg2: memref<40960x128xf32, #tpu.memory_space<hbm>>, %arg3: memref<4x16x80x128xi32, #tpu.memory_space<hbm>>, %arg4: memref<16x80x128xi32, #tpu.memory_space<hbm>>, %arg5: memref<4x10240x128xf32, #tpu.memory_space<hbm>>, %arg6: memref<16x128xi32, #tpu.memory_space<vmem>>, %arg7: memref<16x128xi32, #tpu.memory_space<vmem>>, %arg8: memref<128x128xf32, #tpu.memory_space<vmem>>, %arg9: memref<128x128xf32, #tpu.memory_space<vmem>>, %arg10: memref<64x128xf32, #tpu.memory_space<vmem>>, %arg11: memref<10240x128xf32, #tpu.memory_space<vmem_shared>>, %arg12: memref<!tpu.dma_semaphore, #tpu.memory_space<semaphore_mem>>, %arg13: memref<!tpu.dma_semaphore, #tpu.memory_space<semaphore_mem>>) attributes {dimension_semantics = [#tpu.dimension_semantics<core_parallel>, #tpu.dimension_semantics<subcore_parallel>], iteration_bounds = array<i64: 2, 16>, scalar_prefetch = 0 : i64, scratch_operands = 8 : i64, tpu.core_type = #tpu.core_type<sc_vector_subcore>, window_params = [{transform_indices = #map}, {transform_indices = #map1}, {transform_indices = #map2}, {transform_indices = #map2}]} {
    %scan3A = arith.constant 0 : i32
    %scan3A_0 = arith.constant 64 : i32
    %scan3A_1 = arith.addi %scan3A, %scan3A_0 : i32
    %scan3A_2 = arith.constant 1 : i32
    scf.for %scan3A_70 = %scan3A to %scan3A_1 step %scan3A_2  : i32 {
      %mul3A_71 = arith.constant 1 : i32
      %mul3A_72 = arith.muli %scan3A_70, %mul3A_71 : i32
      %add3A_73 = arith.constant 0 : i32
      %add3A_74 = arith.addi %add3A_73, %mul3A_72 : i32
      %scan3A_75 = arith.constant 0 : i32
      %scan3A_76 = arith.constant 8 : i32
      %scan3A_77 = arith.addi %scan3A_75, %scan3A_76 : i32
      %scan3A_78 = arith.constant 1 : i32
      scf.for %scan3A_80 = %scan3A_75 to %scan3A_77 step %scan3A_78  : i32 {
        %mul3A_81 = arith.constant 16 : i32
        %mul3A_82 = arith.muli %scan3A_80, %mul3A_81 : i32
        %add3A_83 = arith.constant 0 : i32
        %add3A_84 = arith.addi %add3A_83, %mul3A_82 : i32
        %broadcast_in_dim3A = arith.constant 0.000000e+00 : f32
        %broadcast_in_dim3A_85 = vector.broadcast %broadcast_in_dim3A : f32 to vector<16xf32>
        %swap3A = arith.index_cast %add3A_74 : i32 to index
        %swap3A_86 = arith.index_cast %add3A_84 : i32 to index
        %swap3A_87 = tpu.vector_load %arg10[%swap3A, %swap3A_86] {strides = array<i32>} : memref<64x128xf32, #tpu.memory_space<vmem>>, vector<1x16xf32>,
        %swap3A_88 = vector.shape_cast %swap3A_87 : vector<1x16xf32> to vector<16xf32>
        %swap3A_89 = vector.shape_cast %broadcast_in_dim3A_85 : vector<16xf32> to vector<1x16xf32>
        tpu.vector_store %arg10[%swap3A, %swap3A_86], %swap3A_89 {strides = array<i32>} : memref<64x128xf32, #tpu.memory_space<vmem>>, vector<1x16xf32>,
      }
      %scan3A_79 = arith.constant 8 : i32
    }
    %scan3A_3 = arith.constant 64 : i32
    %mul3A = arith.constant 2 : i32
    %mul3A_4 = arith.muli %mul3A, %arg0 : i32
    %add3A = arith.constant 0 : i32
    %add3A_5 = arith.addi %mul3A_4, %add3A : i32
    "tpu.region"() ({
      %run_scoped3A = tpu.sem_alloc : memref<!tpu.dma_semaphore, #tpu.memory_space<semaphore_mem>>
      %dma_start3A_70 = arith.constant 0 : i32
      %dma_start3A_71 = arith.constant 0 : i32
      %dma_start3A_72 = tpu.memref_slice %arg3[%add3A_5, %arg1, %dma_start3A_70, %dma_start3A_71] : memref<4x16x80x128xi32, #tpu.memory_space<hbm>> -> memref<1x1x16x128xi32, #tpu.memory_space<hbm>>
      %dma_start3A_73 = tpu.memref_squeeze %dma_start3A_72 : memref<1x1x16x128xi32, #tpu.memory_space<hbm>> -> memref<16x128xi32, #tpu.memory_space<hbm>>
      %dma_start3A_74 = arith.constant 0 : i32
      %dma_start3A_75 = arith.constant 0 : i32
      %dma_start3A_76 = tpu.memref_slice %arg3[%add3A_5, %arg1, %dma_start3A_74, %dma_start3A_75] : memref<4x16x80x128xi32, #tpu.memory_space<hbm>> -> memref<1x1x16x128xi32, #tpu.memory_space<hbm>>
      %dma_start3A_77 = tpu.memref_squeeze %dma_start3A_76 : memref<1x1x16x128xi32, #tpu.memory_space<hbm>> -> memref<16x128xi32, #tpu.memory_space<hbm>>
      tpu.enqueue_dma source(%dma_start3A_77 : memref<16x128xi32, #tpu.memory_space<hbm>>) target(%arg6 : memref<16x128xi32, #tpu.memory_space<vmem>>) target_semaphore(%run_scoped3A : memref<!tpu.dma_semaphore, #tpu.memory_space<semaphore_mem>>)
      %dma_wait3A = arith.constant 0 : i32
      %dma_wait3A_78 = arith.constant 0 : i32
      %dma_wait3A_79 = tpu.memref_slice %arg3[%add3A_5, %arg1, %dma_wait3A, %dma_wait3A_78] : memref<4x16x80x128xi32, #tpu.memory_space<hbm>> -> memref<1x1x16x128xi32, #tpu.memory_space<hbm>>
      %dma_wait3A_80 = tpu.memref_squeeze %dma_wait3A_79 : memref<1x1x16x128xi32, #tpu.memory_space<hbm>> -> memref<16x128xi32, #tpu.memory_space<hbm>>
      %dma_wait3A_81 = arith.constant 0 : i32
      %dma_wait3A_82 = arith.constant 0 : i32
      %dma_wait3A_83 = tpu.memref_slice %arg3[%add3A_5, %arg1, %dma_wait3A_81, %dma_wait3A_82] : memref<4x16x80x128xi32, #tpu.memory_space<hbm>> -> memref<1x1x16x128xi32, #tpu.memory_space<hbm>>
      %dma_wait3A_84 = tpu.memref_squeeze %dma_wait3A_83 : memref<1x1x16x128xi32, #tpu.memory_space<hbm>> -> memref<16x128xi32, #tpu.memory_space<hbm>>
      tpu.wait_dma2 semaphore(%run_scoped3A : memref<!tpu.dma_semaphore, #tpu.memory_space<semaphore_mem>>) src(%dma_wait3A_84 : memref<16x128xi32, #tpu.memory_space<hbm>>) dst(%arg6 : memref<16x128xi32, #tpu.memory_space<vmem>>)
      tpu.yield
    }) : () -> ()
    "tpu.region"() ({
      %run_scoped3A = tpu.sem_alloc : memref<!tpu.dma_semaphore, #tpu.memory_space<semaphore_mem>>
      %dma_start3A_70 = arith.constant 0 : i32
      %dma_start3A_71 = arith.constant 0 : i32
      %dma_start3A_72 = tpu.memref_slice %arg4[%arg1, %dma_start3A_70, %dma_start3A_71] : memref<16x80x128xi32, #tpu.memory_space<hbm>> -> memref<1x16x128xi32, #tpu.memory_space<hbm>>
      %dma_start3A_73 = tpu.memref_squeeze %dma_start3A_72 : memref<1x16x128xi32, #tpu.memory_space<hbm>> -> memref<16x128xi32, #tpu.memory_space<hbm>>
      %dma_start3A_74 = arith.constant 0 : i32
      %dma_start3A_75 = arith.constant 0 : i32
      %dma_start3A_76 = tpu.memref_slice %arg4[%arg1, %dma_start3A_74, %dma_start3A_75] : memref<16x80x128xi32, #tpu.memory_space<hbm>> -> memref<1x16x128xi32, #tpu.memory_space<hbm>>
      %dma_start3A_77 = tpu.memref_squeeze %dma_start3A_76 : memref<1x16x128xi32, #tpu.memory_space<hbm>> -> memref<16x128xi32, #tpu.memory_space<hbm>>
      tpu.enqueue_dma source(%dma_start3A_77 : memref<16x128xi32, #tpu.memory_space<hbm>>) target(%arg7 : memref<16x128xi32, #tpu.memory_space<vmem>>) target_semaphore(%run_scoped3A : memref<!tpu.dma_semaphore, #tpu.memory_space<semaphore_mem>>)
      %dma_wait3A = arith.constant 0 : i32
      %dma_wait3A_78 = arith.constant 0 : i32
      %dma_wait3A_79 = tpu.memref_slice %arg4[%arg1, %dma_wait3A, %dma_wait3A_78] : memref<16x80x128xi32, #tpu.memory_space<hbm>> -> memref<1x16x128xi32, #tpu.memory_space<hbm>>
      %dma_wait3A_80 = tpu.memref_squeeze %dma_wait3A_79 : memref<1x16x128xi32, #tpu.memory_space<hbm>> -> memref<16x128xi32, #tpu.memory_space<hbm>>
      %dma_wait3A_81 = arith.constant 0 : i32
      %dma_wait3A_82 = arith.constant 0 : i32
      %dma_wait3A_83 = tpu.memref_slice %arg4[%arg1, %dma_wait3A_81, %dma_wait3A_82] : memref<16x80x128xi32, #tpu.memory_space<hbm>> -> memref<1x16x128xi32, #tpu.memory_space<hbm>>
      %dma_wait3A_84 = tpu.memref_squeeze %dma_wait3A_83 : memref<1x16x128xi32, #tpu.memory_space<hbm>> -> memref<16x128xi32, #tpu.memory_space<hbm>>
      tpu.wait_dma2 semaphore(%run_scoped3A : memref<!tpu.dma_semaphore, #tpu.memory_space<semaphore_mem>>) src(%dma_wait3A_84 : memref<16x128xi32, #tpu.memory_space<hbm>>) dst(%arg7 : memref<16x128xi32, #tpu.memory_space<vmem>>)
      tpu.yield
    }) : () -> ()
    %dma_start3A = arith.constant 0 : i32
    %dma_start3A_6 = arith.constant 0 : i32
    %dma_start3A_7 = tpu.memref_slice %arg6[%dma_start3A, %dma_start3A_6] : memref<16x128xi32, #tpu.memory_space<vmem>> -> memref<1x128xi32, #tpu.memory_space<vmem>>
    %dma_start3A_8 = tpu.memref_squeeze %dma_start3A_7 : memref<1x128xi32, #tpu.memory_space<vmem>> -> memref<128xi32, #tpu.memory_space<vmem>>
    %dma_start3A_9 = arith.constant 0 : i32
    %dma_start3A_10 = arith.constant 0 : i32
    %dma_start3A_11 = tpu.memref_slice %arg2[%dma_start3A_9, %dma_start3A_10] : memref<40960x128xf32, #tpu.memory_space<hbm>> -> memref<40960x128xf32, #tpu.memory_space<hbm>>
    tpu.enqueue_indirect_dma source(%dma_start3A_11 : memref<40960x128xf32, #tpu.memory_space<hbm>>) target(%arg8 : memref<128x128xf32, #tpu.memory_space<vmem>>) offsets(%dma_start3A_8 : memref<128xi32, #tpu.memory_space<vmem>>) semaphore(%arg12 : memref<!tpu.dma_semaphore, #tpu.memory_space<semaphore_mem>>)
    %dma_start3A_12 = arith.constant 1 : i32
    %dma_start3A_13 = arith.constant 0 : i32
    %dma_start3A_14 = tpu.memref_slice %arg6[%dma_start3A_12, %dma_start3A_13] : memref<16x128xi32, #tpu.memory_space<vmem>> -> memref<1x128xi32, #tpu.memory_space<vmem>>
    %dma_start3A_15 = tpu.memref_squeeze %dma_start3A_14 : memref<1x128xi32, #tpu.memory_space<vmem>> -> memref<128xi32, #tpu.memory_space<vmem>>
    %dma_start3A_16 = arith.constant 0 : i32
    %dma_start3A_17 = arith.constant 0 : i32
    %dma_start3A_18 = tpu.memref_slice %arg2[%dma_start3A_16, %dma_start3A_17] : memref<40960x128xf32, #tpu.memory_space<hbm>> -> memref<40960x128xf32, #tpu.memory_space<hbm>>
    tpu.enqueue_indirect_dma source(%dma_start3A_18 : memref<40960x128xf32, #tpu.memory_space<hbm>>) target(%arg9 : memref<128x128xf32, #tpu.memory_space<vmem>>) offsets(%dma_start3A_15 : memref<128xi32, #tpu.memory_space<vmem>>) semaphore(%arg13 : memref<!tpu.dma_semaphore, #tpu.memory_space<semaphore_mem>>)
    %scan3A_19 = arith.constant 0 : i32
    %scan3A_20 = arith.constant 10 : i32
    %scan3A_21 = arith.addi %scan3A_19, %scan3A_20 : i32
    %scan3A_22 = arith.constant 1 : i32
    scf.for %scan3A_70 = %scan3A_19 to %scan3A_21 step %scan3A_22  : i32 {
      %mul3A_71 = arith.constant 64 : i32
      %mul3A_72 = arith.muli %scan3A_70, %mul3A_71 : i32
      %add3A_73 = arith.constant 0 : i32
      %add3A_74 = arith.addi %add3A_73, %mul3A_72 : i32
      %mul3A_75 = arith.constant 640 : i32
      %mul3A_76 = arith.muli %arg1, %mul3A_75 : i32
      %add3A_77 = arith.addi %mul3A_76, %add3A_74 : i32
      "tpu.region"() ({
        %run_scoped3A = tpu.sem_alloc : memref<!tpu.dma_semaphore, #tpu.memory_space<semaphore_mem>>
        %dma_start3A_78 = arith.constant 0 : i32
        %dma_start3A_79 = tpu.memref_slice %arg11[%add3A_77, %dma_start3A_78] : memref<10240x128xf32, #tpu.memory_space<vmem_shared>> -> memref<64x128xf32, #tpu.memory_space<vmem_shared>>
        %dma_start3A_80 = arith.constant 0 : i32
        %dma_start3A_81 = tpu.memref_slice %arg11[%add3A_77, %dma_start3A_80] : memref<10240x128xf32, #tpu.memory_space<vmem_shared>> -> memref<64x128xf32, #tpu.memory_space<vmem_shared>>
        tpu.enqueue_dma source(%arg10 : memref<64x128xf32, #tpu.memory_space<vmem>>) target(%dma_start3A_81 : memref<64x128xf32, #tpu.memory_space<vmem_shared>>) target_semaphore(%run_scoped3A : memref<!tpu.dma_semaphore, #tpu.memory_space<semaphore_mem>>)
        %dma_wait3A = arith.constant 0 : i32
        %dma_wait3A_82 = tpu.memref_slice %arg11[%add3A_77, %dma_wait3A] : memref<10240x128xf32, #tpu.memory_space<vmem_shared>> -> memref<64x128xf32, #tpu.memory_space<vmem_shared>>
        %dma_wait3A_83 = arith.constant 0 : i32
        %dma_wait3A_84 = tpu.memref_slice %arg11[%add3A_77, %dma_wait3A_83] : memref<10240x128xf32, #tpu.memory_space<vmem_shared>> -> memref<64x128xf32, #tpu.memory_space<vmem_shared>>
        tpu.wait_dma2 semaphore(%run_scoped3A : memref<!tpu.dma_semaphore, #tpu.memory_space<semaphore_mem>>) src(%arg10 : memref<64x128xf32, #tpu.memory_space<vmem>>) dst(%dma_wait3A_84 : memref<64x128xf32, #tpu.memory_space<vmem_shared>>)
        tpu.yield
      }) : () -> ()
    }
    %scan3A_23 = arith.constant 10 : i32
    %barrier3A = arith.constant 0 : index
    tpu.barrier barrier_id(%barrier3A)
    %scan3A_24 = arith.constant 0 : i32
    %scan3A_25 = arith.constant 5 : i32
    %scan3A_26 = arith.addi %scan3A_24, %scan3A_25 : i32
    %scan3A_27 = arith.constant 1 : i32
    scf.for %scan3A_70 = %scan3A_24 to %scan3A_26 step %scan3A_27  : i32 {
      %mul3A_71 = arith.constant 1 : i32
      %mul3A_72 = arith.muli %scan3A_70, %mul3A_71 : i32
      %add3A_73 = arith.constant 0 : i32
      %add3A_74 = arith.addi %add3A_73, %mul3A_72 : i32
      %gt3A = arith.constant 0 : i32
      %gt3A_75 = arith.cmpi sgt, %add3A_74, %gt3A : i32
      %convert_element_type3A = arith.extui %gt3A_75 : i1 to i32
      %cond3A = arith.constant 0 : i32
      %cond3A_76 = arith.cmpi ne, %convert_element_type3A, %cond3A : i32
      scf.if %cond3A_76 {
        %mul3A_82 = arith.constant 16 : i32
        %mul3A_83 = arith.muli %add3A_74, %mul3A_82 : i32
        "tpu.region"() ({
          %run_scoped3A = tpu.sem_alloc : memref<!tpu.dma_semaphore, #tpu.memory_space<semaphore_mem>>
          %dma_start3A_100 = arith.constant 0 : i32
          %dma_start3A_101 = tpu.memref_slice %arg3[%add3A_5, %arg1, %mul3A_83, %dma_start3A_100] : memref<4x16x80x128xi32, #tpu.memory_space<hbm>> -> memref<1x1x16x128xi32, #tpu.memory_space<hbm>>
          %dma_start3A_102 = tpu.memref_squeeze %dma_start3A_101 : memref<1x1x16x128xi32, #tpu.memory_space<hbm>> -> memref<16x128xi32, #tpu.memory_space<hbm>>
          %dma_start3A_103 = arith.constant 0 : i32
          %dma_start3A_104 = tpu.memref_slice %arg3[%add3A_5, %arg1, %mul3A_83, %dma_start3A_103] : memref<4x16x80x128xi32, #tpu.memory_space<hbm>> -> memref<1x1x16x128xi32, #tpu.memory_space<hbm>>
          %dma_start3A_105 = tpu.memref_squeeze %dma_start3A_104 : memref<1x1x16x128xi32, #tpu.memory_space<hbm>> -> memref<16x128xi32, #tpu.memory_space<hbm>>
          tpu.enqueue_dma source(%dma_start3A_105 : memref<16x128xi32, #tpu.memory_space<hbm>>) target(%arg6 : memref<16x128xi32, #tpu.memory_space<vmem>>) target_semaphore(%run_scoped3A : memref<!tpu.dma_semaphore, #tpu.memory_space<semaphore_mem>>)
          %dma_wait3A = arith.constant 0 : i32
          %dma_wait3A_106 = tpu.memref_slice %arg3[%add3A_5, %arg1, %mul3A_83, %dma_wait3A] : memref<4x16x80x128xi32, #tpu.memory_space<hbm>> -> memref<1x1x16x128xi32, #tpu.memory_space<hbm>>
          %dma_wait3A_107 = tpu.memref_squeeze %dma_wait3A_106 : memref<1x1x16x128xi32, #tpu.memory_space<hbm>> -> memref<16x128xi32, #tpu.memory_space<hbm>>
          %dma_wait3A_108 = arith.constant 0 : i32
          %dma_wait3A_109 = tpu.memref_slice %arg3[%add3A_5, %arg1, %mul3A_83, %dma_wait3A_108] : memref<4x16x80x128xi32, #tpu.memory_space<hbm>> -> memref<1x1x16x128xi32, #tpu.memory_space<hbm>>
          %dma_wait3A_110 = tpu.memref_squeeze %dma_wait3A_109 : memref<1x1x16x128xi32, #tpu.memory_space<hbm>> -> memref<16x128xi32, #tpu.memory_space<hbm>>
          tpu.wait_dma2 semaphore(%run_scoped3A : memref<!tpu.dma_semaphore, #tpu.memory_space<semaphore_mem>>) src(%dma_wait3A_110 : memref<16x128xi32, #tpu.memory_space<hbm>>) dst(%arg6 : memref<16x128xi32, #tpu.memory_space<vmem>>)
          tpu.yield
        }) : () -> ()
        %mul3A_84 = arith.constant 16 : i32
        %mul3A_85 = arith.muli %add3A_74, %mul3A_84 : i32
        "tpu.region"() ({
          %run_scoped3A = tpu.sem_alloc : memref<!tpu.dma_semaphore, #tpu.memory_space<semaphore_mem>>
          %dma_start3A_100 = arith.constant 0 : i32
          %dma_start3A_101 = tpu.memref_slice %arg4[%arg1, %mul3A_85, %dma_start3A_100] : memref<16x80x128xi32, #tpu.memory_space<hbm>> -> memref<1x16x128xi32, #tpu.memory_space<hbm>>
          %dma_start3A_102 = tpu.memref_squeeze %dma_start3A_101 : memref<1x16x128xi32, #tpu.memory_space<hbm>> -> memref<16x128xi32, #tpu.memory_space<hbm>>
          %dma_start3A_103 = arith.constant 0 : i32
          %dma_start3A_104 = tpu.memref_slice %arg4[%arg1, %mul3A_85, %dma_start3A_103] : memref<16x80x128xi32, #tpu.memory_space<hbm>> -> memref<1x16x128xi32, #tpu.memory_space<hbm>>
          %dma_start3A_105 = tpu.memref_squeeze %dma_start3A_104 : memref<1x16x128xi32, #tpu.memory_space<hbm>> -> memref<16x128xi32, #tpu.memory_space<hbm>>
          tpu.enqueue_dma source(%dma_start3A_105 : memref<16x128xi32, #tpu.memory_space<hbm>>) target(%arg7 : memref<16x128xi32, #tpu.memory_space<vmem>>) target_semaphore(%run_scoped3A : memref<!tpu.dma_semaphore, #tpu.memory_space<semaphore_mem>>)
          %dma_wait3A = arith.constant 0 : i32
          %dma_wait3A_106 = tpu.memref_slice %arg4[%arg1, %mul3A_85, %dma_wait3A] : memref<16x80x128xi32, #tpu.memory_space<hbm>> -> memref<1x16x128xi32, #tpu.memory_space<hbm>>
          %dma_wait3A_107 = tpu.memref_squeeze %dma_wait3A_106 : memref<1x16x128xi32, #tpu.memory_space<hbm>> -> memref<16x128xi32, #tpu.memory_space<hbm>>
          %dma_wait3A_108 = arith.constant 0 : i32
          %dma_wait3A_109 = tpu.memref_slice %arg4[%arg1, %mul3A_85, %dma_wait3A_108] : memref<16x80x128xi32, #tpu.memory_space<hbm>> -> memref<1x16x128xi32, #tpu.memory_space<hbm>>
          %dma_wait3A_110 = tpu.memref_squeeze %dma_wait3A_109 : memref<1x16x128xi32, #tpu.memory_space<hbm>> -> memref<16x128xi32, #tpu.memory_space<hbm>>
          tpu.wait_dma2 semaphore(%run_scoped3A : memref<!tpu.dma_semaphore, #tpu.memory_space<semaphore_mem>>) src(%dma_wait3A_110 : memref<16x128xi32, #tpu.memory_space<hbm>>) dst(%arg7 : memref<16x128xi32, #tpu.memory_space<vmem>>)
          tpu.yield
        }) : () -> ()
        %dma_start3A_86 = arith.constant 0 : i32
        %dma_start3A_87 = arith.constant 0 : i32
        %dma_start3A_88 = tpu.memref_slice %arg6[%dma_start3A_86, %dma_start3A_87] : memref<16x128xi32, #tpu.memory_space<vmem>> -> memref<1x128xi32, #tpu.memory_space<vmem>>
        %dma_start3A_89 = tpu.memref_squeeze %dma_start3A_88 : memref<1x128xi32, #tpu.memory_space<vmem>> -> memref<128xi32, #tpu.memory_space<vmem>>
        %dma_start3A_90 = arith.constant 0 : i32
        %dma_start3A_91 = arith.constant 0 : i32
        %dma_start3A_92 = tpu.memref_slice %arg2[%dma_start3A_90, %dma_start3A_91] : memref<40960x128xf32, #tpu.memory_space<hbm>> -> memref<40960x128xf32, #tpu.memory_space<hbm>>
        tpu.enqueue_indirect_dma source(%dma_start3A_92 : memref<40960x128xf32, #tpu.memory_space<hbm>>) target(%arg8 : memref<128x128xf32, #tpu.memory_space<vmem>>) offsets(%dma_start3A_89 : memref<128xi32, #tpu.memory_space<vmem>>) semaphore(%arg12 : memref<!tpu.dma_semaphore, #tpu.memory_space<semaphore_mem>>)
        %dma_start3A_93 = arith.constant 1 : i32
        %dma_start3A_94 = arith.constant 0 : i32
        %dma_start3A_95 = tpu.memref_slice %arg6[%dma_start3A_93, %dma_start3A_94] : memref<16x128xi32, #tpu.memory_space<vmem>> -> memref<1x128xi32, #tpu.memory_space<vmem>>
        %dma_start3A_96 = tpu.memref_squeeze %dma_start3A_95 : memref<1x128xi32, #tpu.memory_space<vmem>> -> memref<128xi32, #tpu.memory_space<vmem>>
        %dma_start3A_97 = arith.constant 0 : i32
        %dma_start3A_98 = arith.constant 0 : i32
        %dma_start3A_99 = tpu.memref_slice %arg2[%dma_start3A_97, %dma_start3A_98] : memref<40960x128xf32, #tpu.memory_space<hbm>> -> memref<40960x128xf32, #tpu.memory_space<hbm>>
        tpu.enqueue_indirect_dma source(%dma_start3A_99 : memref<40960x128xf32, #tpu.memory_space<hbm>>) target(%arg9 : memref<128x128xf32, #tpu.memory_space<vmem>>) offsets(%dma_start3A_96 : memref<128xi32, #tpu.memory_space<vmem>>) semaphore(%arg13 : memref<!tpu.dma_semaphore, #tpu.memory_space<semaphore_mem>>)
      } else {
      }
      %scan3A_77 = arith.constant 0 : i32
      %scan3A_78 = arith.constant 8 : i32
      %scan3A_79 = arith.addi %scan3A_77, %scan3A_78 : i32
      %scan3A_80 = arith.constant 1 : i32
      scf.for %scan3A_82 = %scan3A_77 to %scan3A_79 step %scan3A_80  : i32 {
        %mul3A_83 = arith.constant 2 : i32
        %mul3A_84 = arith.muli %scan3A_82, %mul3A_83 : i32
        %add3A_85 = arith.constant 0 : i32
        %add3A_86 = arith.addi %add3A_85, %mul3A_84 : i32
        %dma_wait3A = arith.constant 0 : i32
        %dma_wait3A_87 = tpu.memref_slice %arg6[%add3A_86, %dma_wait3A] : memref<16x128xi32, #tpu.memory_space<vmem>> -> memref<1x128xi32, #tpu.memory_space<vmem>>
        %dma_wait3A_88 = tpu.memref_squeeze %dma_wait3A_87 : memref<1x128xi32, #tpu.memory_space<vmem>> -> memref<128xi32, #tpu.memory_space<vmem>>
        %dma_wait3A_89 = arith.constant 0 : i32
        %dma_wait3A_90 = arith.constant 0 : i32
        %dma_wait3A_91 = tpu.memref_slice %arg2[%dma_wait3A_89, %dma_wait3A_90] : memref<40960x128xf32, #tpu.memory_space<hbm>> -> memref<40960x128xf32, #tpu.memory_space<hbm>>
        tpu.wait_indirect_dma semaphore(%arg12 : memref<!tpu.dma_semaphore, #tpu.memory_space<semaphore_mem>>) src(%dma_wait3A_91 : memref<40960x128xf32, #tpu.memory_space<hbm>>) dst(%arg8 : memref<128x128xf32, #tpu.memory_space<vmem>>)
        "tpu.region"() ({
          %run_scoped3A = tpu.sem_alloc : memref<!tpu.dma_semaphore, #tpu.memory_space<semaphore_mem>>
          %dma_start3A_115 = arith.constant 0 : i32
          %dma_start3A_116 = tpu.memref_slice %arg7[%add3A_86, %dma_start3A_115] : memref<16x128xi32, #tpu.memory_space<vmem>> -> memref<1x128xi32, #tpu.memory_space<vmem>>
          %dma_start3A_117 = tpu.memref_squeeze %dma_start3A_116 : memref<1x128xi32, #tpu.memory_space<vmem>> -> memref<128xi32, #tpu.memory_space<vmem>>
          %dma_start3A_118 = arith.constant 0 : i32
          %dma_start3A_119 = arith.constant 0 : i32
          %dma_start3A_120 = tpu.memref_slice %arg11[%dma_start3A_118, %dma_start3A_119] : memref<10240x128xf32, #tpu.memory_space<vmem_shared>> -> memref<10240x128xf32, #tpu.memory_space<vmem_shared>>
          tpu.enqueue_indirect_dma source(%arg8 : memref<128x128xf32, #tpu.memory_space<vmem>>) target(%dma_start3A_120 : memref<10240x128xf32, #tpu.memory_space<vmem_shared>>) offsets(%dma_start3A_117 : memref<128xi32, #tpu.memory_space<vmem>>) semaphore(%run_scoped3A : memref<!tpu.dma_semaphore, #tpu.memory_space<semaphore_mem>>) {add = true}
          %dma_wait3A_121 = arith.constant 0 : i32
          %dma_wait3A_122 = tpu.memref_slice %arg7[%add3A_86, %dma_wait3A_121] : memref<16x128xi32, #tpu.memory_space<vmem>> -> memref<1x128xi32, #tpu.memory_space<vmem>>
          %dma_wait3A_123 = tpu.memref_squeeze %dma_wait3A_122 : memref<1x128xi32, #tpu.memory_space<vmem>> -> memref<128xi32, #tpu.memory_space<vmem>>
          %dma_wait3A_124 = arith.constant 0 : i32
          %dma_wait3A_125 = arith.constant 0 : i32
          %dma_wait3A_126 = tpu.memref_slice %arg11[%dma_wait3A_124, %dma_wait3A_125] : memref<10240x128xf32, #tpu.memory_space<vmem_shared>> -> memref<10240x128xf32, #tpu.memory_space<vmem_shared>>
          tpu.wait_indirect_dma semaphore(%run_scoped3A : memref<!tpu.dma_semaphore, #tpu.memory_space<semaphore_mem>>) src(%arg8 : memref<128x128xf32, #tpu.memory_space<vmem>>) dst(%dma_wait3A_126 : memref<10240x128xf32, #tpu.memory_space<vmem_shared>>)
          tpu.yield
        }) : () -> ()
        %add3A_92 = arith.constant 2 : i32
        %add3A_93 = arith.addi %add3A_86, %add3A_92 : i32
        %lt3A = arith.constant 16 : i32
        %lt3A_94 = arith.cmpi slt, %add3A_93, %lt3A : i32
        %convert_element_type3A_95 = arith.extui %lt3A_94 : i1 to i32
        %cond3A_96 = arith.constant 0 : i32
        %cond3A_97 = arith.cmpi ne, %convert_element_type3A_95, %cond3A_96 : i32
        scf.if %cond3A_97 {
          %add3A_115 = arith.constant 2 : i32
          %add3A_116 = arith.addi %add3A_86, %add3A_115 : i32
          %dma_start3A_117 = arith.constant 0 : i32
          %dma_start3A_118 = tpu.memref_slice %arg6[%add3A_116, %dma_start3A_117] : memref<16x128xi32, #tpu.memory_space<vmem>> -> memref<1x128xi32, #tpu.memory_space<vmem>>
          %dma_start3A_119 = tpu.memref_squeeze %dma_start3A_118 : memref<1x128xi32, #tpu.memory_space<vmem>> -> memref<128xi32, #tpu.memory_space<vmem>>
          %dma_start3A_120 = arith.constant 0 : i32
          %dma_start3A_121 = arith.constant 0 : i32
          %dma_start3A_122 = tpu.memref_slice %arg2[%dma_start3A_120, %dma_start3A_121] : memref<40960x128xf32, #tpu.memory_space<hbm>> -> memref<40960x128xf32, #tpu.memory_space<hbm>>
          tpu.enqueue_indirect_dma source(%dma_start3A_122 : memref<40960x128xf32, #tpu.memory_space<hbm>>) target(%arg8 : memref<128x128xf32, #tpu.memory_space<vmem>>) offsets(%dma_start3A_119 : memref<128xi32, #tpu.memory_space<vmem>>) semaphore(%arg12 : memref<!tpu.dma_semaphore, #tpu.memory_space<semaphore_mem>>)
        } else {
        }
        %add3A_98 = arith.constant 1 : i32
        %add3A_99 = arith.addi %add3A_86, %add3A_98 : i32
        %dma_wait3A_100 = arith.constant 0 : i32
        %dma_wait3A_101 = tpu.memref_slice %arg6[%add3A_99, %dma_wait3A_100] : memref<16x128xi32, #tpu.memory_space<vmem>> -> memref<1x128xi32, #tpu.memory_space<vmem>>
        %dma_wait3A_102 = tpu.memref_squeeze %dma_wait3A_101 : memref<1x128xi32, #tpu.memory_space<vmem>> -> memref<128xi32, #tpu.memory_space<vmem>>
        %dma_wait3A_103 = arith.constant 0 : i32
        %dma_wait3A_104 = arith.constant 0 : i32
        %dma_wait3A_105 = tpu.memref_slice %arg2[%dma_wait3A_103, %dma_wait3A_104] : memref<40960x128xf32, #tpu.memory_space<hbm>> -> memref<40960x128xf32, #tpu.memory_space<hbm>>
        tpu.wait_indirect_dma semaphore(%arg13 : memref<!tpu.dma_semaphore, #tpu.memory_space<semaphore_mem>>) src(%dma_wait3A_105 : memref<40960x128xf32, #tpu.memory_space<hbm>>) dst(%arg9 : memref<128x128xf32, #tpu.memory_space<vmem>>)
        %add3A_106 = arith.constant 1 : i32
        %add3A_107 = arith.addi %add3A_86, %add3A_106 : i32
        "tpu.region"() ({
          %run_scoped3A = tpu.sem_alloc : memref<!tpu.dma_semaphore, #tpu.memory_space<semaphore_mem>>
          %dma_start3A_115 = arith.constant 0 : i32
          %dma_start3A_116 = tpu.memref_slice %arg7[%add3A_107, %dma_start3A_115] : memref<16x128xi32, #tpu.memory_space<vmem>> -> memref<1x128xi32, #tpu.memory_space<vmem>>
          %dma_start3A_117 = tpu.memref_squeeze %dma_start3A_116 : memref<1x128xi32, #tpu.memory_space<vmem>> -> memref<128xi32, #tpu.memory_space<vmem>>
          %dma_start3A_118 = arith.constant 0 : i32
          %dma_start3A_119 = arith.constant 0 : i32
          %dma_start3A_120 = tpu.memref_slice %arg11[%dma_start3A_118, %dma_start3A_119] : memref<10240x128xf32, #tpu.memory_space<vmem_shared>> -> memref<10240x128xf32, #tpu.memory_space<vmem_shared>>
          tpu.enqueue_indirect_dma source(%arg9 : memref<128x128xf32, #tpu.memory_space<vmem>>) target(%dma_start3A_120 : memref<10240x128xf32, #tpu.memory_space<vmem_shared>>) offsets(%dma_start3A_117 : memref<128xi32, #tpu.memory_space<vmem>>) semaphore(%run_scoped3A : memref<!tpu.dma_semaphore, #tpu.memory_space<semaphore_mem>>) {add = true}
          %dma_wait3A_121 = arith.constant 0 : i32
          %dma_wait3A_122 = tpu.memref_slice %arg7[%add3A_107, %dma_wait3A_121] : memref<16x128xi32, #tpu.memory_space<vmem>> -> memref<1x128xi32, #tpu.memory_space<vmem>>
          %dma_wait3A_123 = tpu.memref_squeeze %dma_wait3A_122 : memref<1x128xi32, #tpu.memory_space<vmem>> -> memref<128xi32, #tpu.memory_space<vmem>>
          %dma_wait3A_124 = arith.constant 0 : i32
          %dma_wait3A_125 = arith.constant 0 : i32
          %dma_wait3A_126 = tpu.memref_slice %arg11[%dma_wait3A_124, %dma_wait3A_125] : memref<10240x128xf32, #tpu.memory_space<vmem_shared>> -> memref<10240x128xf32, #tpu.memory_space<vmem_shared>>
          tpu.wait_indirect_dma semaphore(%run_scoped3A : memref<!tpu.dma_semaphore, #tpu.memory_space<semaphore_mem>>) src(%arg9 : memref<128x128xf32, #tpu.memory_space<vmem>>) dst(%dma_wait3A_126 : memref<10240x128xf32, #tpu.memory_space<vmem_shared>>)
          tpu.yield
        }) : () -> ()
        %add3A_108 = arith.constant 3 : i32
        %add3A_109 = arith.addi %add3A_86, %add3A_108 : i32
        %lt3A_110 = arith.constant 16 : i32
        %lt3A_111 = arith.cmpi slt, %add3A_109, %lt3A_110 : i32
        %convert_element_type3A_112 = arith.extui %lt3A_111 : i1 to i32
        %cond3A_113 = arith.constant 0 : i32
        %cond3A_114 = arith.cmpi ne, %convert_element_type3A_112, %cond3A_113 : i32
        scf.if %cond3A_114 {
          %add3A_115 = arith.constant 3 : i32
          %add3A_116 = arith.addi %add3A_86, %add3A_115 : i32
          %dma_start3A_117 = arith.constant 0 : i32
          %dma_start3A_118 = tpu.memref_slice %arg6[%add3A_116, %dma_start3A_117] : memref<16x128xi32, #tpu.memory_space<vmem>> -> memref<1x128xi32, #tpu.memory_space<vmem>>
          %dma_start3A_119 = tpu.memref_squeeze %dma_start3A_118 : memref<1x128xi32, #tpu.memory_space<vmem>> -> memref<128xi32, #tpu.memory_space<vmem>>
          %dma_start3A_120 = arith.constant 0 : i32
          %dma_start3A_121 = arith.constant 0 : i32
          %dma_start3A_122 = tpu.memref_slice %arg2[%dma_start3A_120, %dma_start3A_121] : memref<40960x128xf32, #tpu.memory_space<hbm>> -> memref<40960x128xf32, #tpu.memory_space<hbm>>
          tpu.enqueue_indirect_dma source(%dma_start3A_122 : memref<40960x128xf32, #tpu.memory_space<hbm>>) target(%arg9 : memref<128x128xf32, #tpu.memory_space<vmem>>) offsets(%dma_start3A_119 : memref<128xi32, #tpu.memory_space<vmem>>) semaphore(%arg13 : memref<!tpu.dma_semaphore, #tpu.memory_space<semaphore_mem>>)
        } else {
        }
      }
      %scan3A_81 = arith.constant 8 : i32
    }
    %scan3A_28 = arith.constant 5 : i32
    %barrier3A_29 = arith.constant 0 : index
    tpu.barrier barrier_id(%barrier3A_29)
    %scan3A_30 = arith.constant 0 : i32
    %scan3A_31 = arith.constant 10 : i32
    %scan3A_32 = arith.addi %scan3A_30, %scan3A_31 : i32
    %scan3A_33 = arith.constant 1 : i32
    scf.for %scan3A_70 = %scan3A_30 to %scan3A_32 step %scan3A_33  : i32 {
      %mul3A_71 = arith.constant 64 : i32
      %mul3A_72 = arith.muli %scan3A_70, %mul3A_71 : i32
      %add3A_73 = arith.constant 0 : i32
      %add3A_74 = arith.addi %add3A_73, %mul3A_72 : i32
      %mul3A_75 = arith.constant 640 : i32
      %mul3A_76 = arith.muli %arg1, %mul3A_75 : i32
      %add3A_77 = arith.addi %mul3A_76, %add3A_74 : i32
      "tpu.region"() ({
        %run_scoped3A = tpu.sem_alloc : memref<!tpu.dma_semaphore, #tpu.memory_space<semaphore_mem>>
        %dma_start3A_78 = arith.constant 0 : i32
        %dma_start3A_79 = tpu.memref_slice %arg5[%add3A_5, %add3A_77, %dma_start3A_78] : memref<4x10240x128xf32, #tpu.memory_space<hbm>> -> memref<1x64x128xf32, #tpu.memory_space<hbm>>
        %dma_start3A_80 = tpu.memref_squeeze %dma_start3A_79 : memref<1x64x128xf32, #tpu.memory_space<hbm>> -> memref<64x128xf32, #tpu.memory_space<hbm>>
        %dma_start3A_81 = arith.constant 0 : i32
        %dma_start3A_82 = tpu.memref_slice %arg11[%add3A_77, %dma_start3A_81] : memref<10240x128xf32, #tpu.memory_space<vmem_shared>> -> memref<64x128xf32, #tpu.memory_space<vmem_shared>>
        tpu.enqueue_dma source(%dma_start3A_82 : memref<64x128xf32, #tpu.memory_space<vmem_shared>>) target(%dma_start3A_80 : memref<64x128xf32, #tpu.memory_space<hbm>>) target_semaphore(%run_scoped3A : memref<!tpu.dma_semaphore, #tpu.memory_space<semaphore_mem>>)
        %dma_wait3A = arith.constant 0 : i32
        %dma_wait3A_83 = tpu.memref_slice %arg5[%add3A_5, %add3A_77, %dma_wait3A] : memref<4x10240x128xf32, #tpu.memory_space<hbm>> -> memref<1x64x128xf32, #tpu.memory_space<hbm>>
        %dma_wait3A_84 = tpu.memref_squeeze %dma_wait3A_83 : memref<1x64x128xf32, #tpu.memory_space<hbm>> -> memref<64x128xf32, #tpu.memory_space<hbm>>
        %dma_wait3A_85 = arith.constant 0 : i32
        %dma_wait3A_86 = tpu.memref_slice %arg11[%add3A_77, %dma_wait3A_85] : memref<10240x128xf32, #tpu.memory_space<vmem_shared>> -> memref<64x128xf32, #tpu.memory_space<vmem_shared>>
        tpu.wait_dma2 semaphore(%run_scoped3A : memref<!tpu.dma_semaphore, #tpu.memory_space<semaphore_mem>>) src(%dma_wait3A_86 : memref<64x128xf32, #tpu.memory_space<vmem_shared>>) dst(%dma_wait3A_84 : memref<64x128xf32, #tpu.memory_space<hbm>>)
        tpu.yield
      }) : () -> ()
    }
    %scan3A_34 = arith.constant 10 : i32
    %mul3A_35 = arith.constant 2 : i32
    %mul3A_36 = arith.muli %mul3A_35, %arg0 : i32
    %add3A_37 = arith.constant 1 : i32
    %add3A_38 = arith.addi %mul3A_36, %add3A_37 : i32
    "tpu.region"() ({
      %run_scoped3A = tpu.sem_alloc : memref<!tpu.dma_semaphore, #tpu.memory_space<semaphore_mem>>
      %dma_start3A_70 = arith.constant 0 : i32
      %dma_start3A_71 = arith.constant 0 : i32
      %dma_start3A_72 = tpu.memref_slice %arg3[%add3A_38, %arg1, %dma_start3A_70, %dma_start3A_71] : memref<4x16x80x128xi32, #tpu.memory_space<hbm>> -> memref<1x1x16x128xi32, #tpu.memory_space<hbm>>
      %dma_start3A_73 = tpu.memref_squeeze %dma_start3A_72 : memref<1x1x16x128xi32, #tpu.memory_space<hbm>> -> memref<16x128xi32, #tpu.memory_space<hbm>>
      %dma_start3A_74 = arith.constant 0 : i32
      %dma_start3A_75 = arith.constant 0 : i32
      %dma_start3A_76 = tpu.memref_slice %arg3[%add3A_38, %arg1, %dma_start3A_74, %dma_start3A_75] : memref<4x16x80x128xi32, #tpu.memory_space<hbm>> -> memref<1x1x16x128xi32, #tpu.memory_space<hbm>>
      %dma_start3A_77 = tpu.memref_squeeze %dma_start3A_76 : memref<1x1x16x128xi32, #tpu.memory_space<hbm>> -> memref<16x128xi32, #tpu.memory_space<hbm>>
      tpu.enqueue_dma source(%dma_start3A_77 : memref<16x128xi32, #tpu.memory_space<hbm>>) target(%arg6 : memref<16x128xi32, #tpu.memory_space<vmem>>) target_semaphore(%run_scoped3A : memref<!tpu.dma_semaphore, #tpu.memory_space<semaphore_mem>>)
      %dma_wait3A = arith.constant 0 : i32
      %dma_wait3A_78 = arith.constant 0 : i32
      %dma_wait3A_79 = tpu.memref_slice %arg3[%add3A_38, %arg1, %dma_wait3A, %dma_wait3A_78] : memref<4x16x80x128xi32, #tpu.memory_space<hbm>> -> memref<1x1x16x128xi32, #tpu.memory_space<hbm>>
      %dma_wait3A_80 = tpu.memref_squeeze %dma_wait3A_79 : memref<1x1x16x128xi32, #tpu.memory_space<hbm>> -> memref<16x128xi32, #tpu.memory_space<hbm>>
      %dma_wait3A_81 = arith.constant 0 : i32
      %dma_wait3A_82 = arith.constant 0 : i32
      %dma_wait3A_83 = tpu.memref_slice %arg3[%add3A_38, %arg1, %dma_wait3A_81, %dma_wait3A_82] : memref<4x16x80x128xi32, #tpu.memory_space<hbm>> -> memref<1x1x16x128xi32, #tpu.memory_space<hbm>>
      %dma_wait3A_84 = tpu.memref_squeeze %dma_wait3A_83 : memref<1x1x16x128xi32, #tpu.memory_space<hbm>> -> memref<16x128xi32, #tpu.memory_space<hbm>>
      tpu.wait_dma2 semaphore(%run_scoped3A : memref<!tpu.dma_semaphore, #tpu.memory_space<semaphore_mem>>) src(%dma_wait3A_84 : memref<16x128xi32, #tpu.memory_space<hbm>>) dst(%arg6 : memref<16x128xi32, #tpu.memory_space<vmem>>)
      tpu.yield
    }) : () -> ()
    "tpu.region"() ({
      %run_scoped3A = tpu.sem_alloc : memref<!tpu.dma_semaphore, #tpu.memory_space<semaphore_mem>>
      %dma_start3A_70 = arith.constant 0 : i32
      %dma_start3A_71 = arith.constant 0 : i32
      %dma_start3A_72 = tpu.memref_slice %arg4[%arg1, %dma_start3A_70, %dma_start3A_71] : memref<16x80x128xi32, #tpu.memory_space<hbm>> -> memref<1x16x128xi32, #tpu.memory_space<hbm>>
      %dma_start3A_73 = tpu.memref_squeeze %dma_start3A_72 : memref<1x16x128xi32, #tpu.memory_space<hbm>> -> memref<16x128xi32, #tpu.memory_space<hbm>>
      %dma_start3A_74 = arith.constant 0 : i32
      %dma_start3A_75 = arith.constant 0 : i32
      %dma_start3A_76 = tpu.memref_slice %arg4[%arg1, %dma_start3A_74, %dma_start3A_75] : memref<16x80x128xi32, #tpu.memory_space<hbm>> -> memref<1x16x128xi32, #tpu.memory_space<hbm>>
      %dma_start3A_77 = tpu.memref_squeeze %dma_start3A_76 : memref<1x16x128xi32, #tpu.memory_space<hbm>> -> memref<16x128xi32, #tpu.memory_space<hbm>>
      tpu.enqueue_dma source(%dma_start3A_77 : memref<16x128xi32, #tpu.memory_space<hbm>>) target(%arg7 : memref<16x128xi32, #tpu.memory_space<vmem>>) target_semaphore(%run_scoped3A : memref<!tpu.dma_semaphore, #tpu.memory_space<semaphore_mem>>)
      %dma_wait3A = arith.constant 0 : i32
      %dma_wait3A_78 = arith.constant 0 : i32
      %dma_wait3A_79 = tpu.memref_slice %arg4[%arg1, %dma_wait3A, %dma_wait3A_78] : memref<16x80x128xi32, #tpu.memory_space<hbm>> -> memref<1x16x128xi32, #tpu.memory_space<hbm>>
      %dma_wait3A_80 = tpu.memref_squeeze %dma_wait3A_79 : memref<1x16x128xi32, #tpu.memory_space<hbm>> -> memref<16x128xi32, #tpu.memory_space<hbm>>
      %dma_wait3A_81 = arith.constant 0 : i32
      %dma_wait3A_82 = arith.constant 0 : i32
      %dma_wait3A_83 = tpu.memref_slice %arg4[%arg1, %dma_wait3A_81, %dma_wait3A_82] : memref<16x80x128xi32, #tpu.memory_space<hbm>> -> memref<1x16x128xi32, #tpu.memory_space<hbm>>
      %dma_wait3A_84 = tpu.memref_squeeze %dma_wait3A_83 : memref<1x16x128xi32, #tpu.memory_space<hbm>> -> memref<16x128xi32, #tpu.memory_space<hbm>>
      tpu.wait_dma2 semaphore(%run_scoped3A : memref<!tpu.dma_semaphore, #tpu.memory_space<semaphore_mem>>) src(%dma_wait3A_84 : memref<16x128xi32, #tpu.memory_space<hbm>>) dst(%arg7 : memref<16x128xi32, #tpu.memory_space<vmem>>)
      tpu.yield
    }) : () -> ()
    %dma_start3A_39 = arith.constant 0 : i32
    %dma_start3A_40 = arith.constant 0 : i32
    %dma_start3A_41 = tpu.memref_slice %arg6[%dma_start3A_39, %dma_start3A_40] : memref<16x128xi32, #tpu.memory_space<vmem>> -> memref<1x128xi32, #tpu.memory_space<vmem>>
    %dma_start3A_42 = tpu.memref_squeeze %dma_start3A_41 : memref<1x128xi32, #tpu.memory_space<vmem>> -> memref<128xi32, #tpu.memory_space<vmem>>
    %dma_start3A_43 = arith.constant 0 : i32
    %dma_start3A_44 = arith.constant 0 : i32
    %dma_start3A_45 = tpu.memref_slice %arg2[%dma_start3A_43, %dma_start3A_44] : memref<40960x128xf32, #tpu.memory_space<hbm>> -> memref<40960x128xf32, #tpu.memory_space<hbm>>
    tpu.enqueue_indirect_dma source(%dma_start3A_45 : memref<40960x128xf32, #tpu.memory_space<hbm>>) target(%arg8 : memref<128x128xf32, #tpu.memory_space<vmem>>) offsets(%dma_start3A_42 : memref<128xi32, #tpu.memory_space<vmem>>) semaphore(%arg12 : memref<!tpu.dma_semaphore, #tpu.memory_space<semaphore_mem>>)
    %dma_start3A_46 = arith.constant 1 : i32
    %dma_start3A_47 = arith.constant 0 : i32
    %dma_start3A_48 = tpu.memref_slice %arg6[%dma_start3A_46, %dma_start3A_47] : memref<16x128xi32, #tpu.memory_space<vmem>> -> memref<1x128xi32, #tpu.memory_space<vmem>>
    %dma_start3A_49 = tpu.memref_squeeze %dma_start3A_48 : memref<1x128xi32, #tpu.memory_space<vmem>> -> memref<128xi32, #tpu.memory_space<vmem>>
    %dma_start3A_50 = arith.constant 0 : i32
    %dma_start3A_51 = arith.constant 0 : i32
    %dma_start3A_52 = tpu.memref_slice %arg2[%dma_start3A_50, %dma_start3A_51] : memref<40960x128xf32, #tpu.memory_space<hbm>> -> memref<40960x128xf32, #tpu.memory_space<hbm>>
    tpu.enqueue_indirect_dma source(%dma_start3A_52 : memref<40960x128xf32, #tpu.memory_space<hbm>>) target(%arg9 : memref<128x128xf32, #tpu.memory_space<vmem>>) offsets(%dma_start3A_49 : memref<128xi32, #tpu.memory_space<vmem>>) semaphore(%arg13 : memref<!tpu.dma_semaphore, #tpu.memory_space<semaphore_mem>>)
    %scan3A_53 = arith.constant 0 : i32
    %scan3A_54 = arith.constant 10 : i32
    %scan3A_55 = arith.addi %scan3A_53, %scan3A_54 : i32
    %scan3A_56 = arith.constant 1 : i32
    scf.for %scan3A_70 = %scan3A_53 to %scan3A_55 step %scan3A_56  : i32 {
      %mul3A_71 = arith.constant 64 : i32
      %mul3A_72 = arith.muli %scan3A_70, %mul3A_71 : i32
      %add3A_73 = arith.constant 0 : i32
      %add3A_74 = arith.addi %add3A_73, %mul3A_72 : i32
      %mul3A_75 = arith.constant 640 : i32
      %mul3A_76 = arith.muli %arg1, %mul3A_75 : i32
      %add3A_77 = arith.addi %mul3A_76, %add3A_74 : i32
      "tpu.region"() ({
        %run_scoped3A = tpu.sem_alloc : memref<!tpu.dma_semaphore, #tpu.memory_space<semaphore_mem>>
        %dma_start3A_78 = arith.constant 0 : i32
        %dma_start3A_79 = tpu.memref_slice %arg11[%add3A_77, %dma_start3A_78] : memref<10240x128xf32, #tpu.memory_space<vmem_shared>> -> memref<64x128xf32, #tpu.memory_space<vmem_shared>>
        %dma_start3A_80 = arith.constant 0 : i32
        %dma_start3A_81 = tpu.memref_slice %arg11[%add3A_77, %dma_start3A_80] : memref<10240x128xf32, #tpu.memory_space<vmem_shared>> -> memref<64x128xf32, #tpu.memory_space<vmem_shared>>
        tpu.enqueue_dma source(%arg10 : memref<64x128xf32, #tpu.memory_space<vmem>>) target(%dma_start3A_81 : memref<64x128xf32, #tpu.memory_space<vmem_shared>>) target_semaphore(%run_scoped3A : memref<!tpu.dma_semaphore, #tpu.memory_space<semaphore_mem>>)
        %dma_wait3A = arith.constant 0 : i32
        %dma_wait3A_82 = tpu.memref_slice %arg11[%add3A_77, %dma_wait3A] : memref<10240x128xf32, #tpu.memory_space<vmem_shared>> -> memref<64x128xf32, #tpu.memory_space<vmem_shared>>
        %dma_wait3A_83 = arith.constant 0 : i32
        %dma_wait3A_84 = tpu.memref_slice %arg11[%add3A_77, %dma_wait3A_83] : memref<10240x128xf32, #tpu.memory_space<vmem_shared>> -> memref<64x128xf32, #tpu.memory_space<vmem_shared>>
        tpu.wait_dma2 semaphore(%run_scoped3A : memref<!tpu.dma_semaphore, #tpu.memory_space<semaphore_mem>>) src(%arg10 : memref<64x128xf32, #tpu.memory_space<vmem>>) dst(%dma_wait3A_84 : memref<64x128xf32, #tpu.memory_space<vmem_shared>>)
        tpu.yield
      }) : () -> ()
    }
    %scan3A_57 = arith.constant 10 : i32
    %barrier3A_58 = arith.constant 0 : index
    tpu.barrier barrier_id(%barrier3A_58)
    %scan3A_59 = arith.constant 0 : i32
    %scan3A_60 = arith.constant 5 : i32
    %scan3A_61 = arith.addi %scan3A_59, %scan3A_60 : i32
    %scan3A_62 = arith.constant 1 : i32
    scf.for %scan3A_70 = %scan3A_59 to %scan3A_61 step %scan3A_62  : i32 {
      %mul3A_71 = arith.constant 1 : i32
      %mul3A_72 = arith.muli %scan3A_70, %mul3A_71 : i32
      %add3A_73 = arith.constant 0 : i32
      %add3A_74 = arith.addi %add3A_73, %mul3A_72 : i32
      %gt3A = arith.constant 0 : i32
      %gt3A_75 = arith.cmpi sgt, %add3A_74, %gt3A : i32
      %convert_element_type3A = arith.extui %gt3A_75 : i1 to i32
      %cond3A = arith.constant 0 : i32
      %cond3A_76 = arith.cmpi ne, %convert_element_type3A, %cond3A : i32
      scf.if %cond3A_76 {
        %mul3A_82 = arith.constant 16 : i32
        %mul3A_83 = arith.muli %add3A_74, %mul3A_82 : i32
        "tpu.region"() ({
          %run_scoped3A = tpu.sem_alloc : memref<!tpu.dma_semaphore, #tpu.memory_space<semaphore_mem>>
          %dma_start3A_100 = arith.constant 0 : i32
          %dma_start3A_101 = tpu.memref_slice %arg3[%add3A_38, %arg1, %mul3A_83, %dma_start3A_100] : memref<4x16x80x128xi32, #tpu.memory_space<hbm>> -> memref<1x1x16x128xi32, #tpu.memory_space<hbm>>
          %dma_start3A_102 = tpu.memref_squeeze %dma_start3A_101 : memref<1x1x16x128xi32, #tpu.memory_space<hbm>> -> memref<16x128xi32, #tpu.memory_space<hbm>>
          %dma_start3A_103 = arith.constant 0 : i32
          %dma_start3A_104 = tpu.memref_slice %arg3[%add3A_38, %arg1, %mul3A_83, %dma_start3A_103] : memref<4x16x80x128xi32, #tpu.memory_space<hbm>> -> memref<1x1x16x128xi32, #tpu.memory_space<hbm>>
          %dma_start3A_105 = tpu.memref_squeeze %dma_start3A_104 : memref<1x1x16x128xi32, #tpu.memory_space<hbm>> -> memref<16x128xi32, #tpu.memory_space<hbm>>
          tpu.enqueue_dma source(%dma_start3A_105 : memref<16x128xi32, #tpu.memory_space<hbm>>) target(%arg6 : memref<16x128xi32, #tpu.memory_space<vmem>>) target_semaphore(%run_scoped3A : memref<!tpu.dma_semaphore, #tpu.memory_space<semaphore_mem>>)
          %dma_wait3A = arith.constant 0 : i32
          %dma_wait3A_106 = tpu.memref_slice %arg3[%add3A_38, %arg1, %mul3A_83, %dma_wait3A] : memref<4x16x80x128xi32, #tpu.memory_space<hbm>> -> memref<1x1x16x128xi32, #tpu.memory_space<hbm>>
          %dma_wait3A_107 = tpu.memref_squeeze %dma_wait3A_106 : memref<1x1x16x128xi32, #tpu.memory_space<hbm>> -> memref<16x128xi32, #tpu.memory_space<hbm>>
          %dma_wait3A_108 = arith.constant 0 : i32
          %dma_wait3A_109 = tpu.memref_slice %arg3[%add3A_38, %arg1, %mul3A_83, %dma_wait3A_108] : memref<4x16x80x128xi32, #tpu.memory_space<hbm>> -> memref<1x1x16x128xi32, #tpu.memory_space<hbm>>
          %dma_wait3A_110 = tpu.memref_squeeze %dma_wait3A_109 : memref<1x1x16x128xi32, #tpu.memory_space<hbm>> -> memref<16x128xi32, #tpu.memory_space<hbm>>
          tpu.wait_dma2 semaphore(%run_scoped3A : memref<!tpu.dma_semaphore, #tpu.memory_space<semaphore_mem>>) src(%dma_wait3A_110 : memref<16x128xi32, #tpu.memory_space<hbm>>) dst(%arg6 : memref<16x128xi32, #tpu.memory_space<vmem>>)
          tpu.yield
        }) : () -> ()
        %mul3A_84 = arith.constant 16 : i32
        %mul3A_85 = arith.muli %add3A_74, %mul3A_84 : i32
        "tpu.region"() ({
          %run_scoped3A = tpu.sem_alloc : memref<!tpu.dma_semaphore, #tpu.memory_space<semaphore_mem>>
          %dma_start3A_100 = arith.constant 0 : i32
          %dma_start3A_101 = tpu.memref_slice %arg4[%arg1, %mul3A_85, %dma_start3A_100] : memref<16x80x128xi32, #tpu.memory_space<hbm>> -> memref<1x16x128xi32, #tpu.memory_space<hbm>>
          %dma_start3A_102 = tpu.memref_squeeze %dma_start3A_101 : memref<1x16x128xi32, #tpu.memory_space<hbm>> -> memref<16x128xi32, #tpu.memory_space<hbm>>
          %dma_start3A_103 = arith.constant 0 : i32
          %dma_start3A_104 = tpu.memref_slice %arg4[%arg1, %mul3A_85, %dma_start3A_103] : memref<16x80x128xi32, #tpu.memory_space<hbm>> -> memref<1x16x128xi32, #tpu.memory_space<hbm>>
          %dma_start3A_105 = tpu.memref_squeeze %dma_start3A_104 : memref<1x16x128xi32, #tpu.memory_space<hbm>> -> memref<16x128xi32, #tpu.memory_space<hbm>>
          tpu.enqueue_dma source(%dma_start3A_105 : memref<16x128xi32, #tpu.memory_space<hbm>>) target(%arg7 : memref<16x128xi32, #tpu.memory_space<vmem>>) target_semaphore(%run_scoped3A : memref<!tpu.dma_semaphore, #tpu.memory_space<semaphore_mem>>)
          %dma_wait3A = arith.constant 0 : i32
          %dma_wait3A_106 = tpu.memref_slice %arg4[%arg1, %mul3A_85, %dma_wait3A] : memref<16x80x128xi32, #tpu.memory_space<hbm>> -> memref<1x16x128xi32, #tpu.memory_space<hbm>>
          %dma_wait3A_107 = tpu.memref_squeeze %dma_wait3A_106 : memref<1x16x128xi32, #tpu.memory_space<hbm>> -> memref<16x128xi32, #tpu.memory_space<hbm>>
          %dma_wait3A_108 = arith.constant 0 : i32
          %dma_wait3A_109 = tpu.memref_slice %arg4[%arg1, %mul3A_85, %dma_wait3A_108] : memref<16x80x128xi32, #tpu.memory_space<hbm>> -> memref<1x16x128xi32, #tpu.memory_space<hbm>>
          %dma_wait3A_110 = tpu.memref_squeeze %dma_wait3A_109 : memref<1x16x128xi32, #tpu.memory_space<hbm>> -> memref<16x128xi32, #tpu.memory_space<hbm>>
          tpu.wait_dma2 semaphore(%run_scoped3A : memref<!tpu.dma_semaphore, #tpu.memory_space<semaphore_mem>>) src(%dma_wait3A_110 : memref<16x128xi32, #tpu.memory_space<hbm>>) dst(%arg7 : memref<16x128xi32, #tpu.memory_space<vmem>>)
          tpu.yield
        }) : () -> ()
        %dma_start3A_86 = arith.constant 0 : i32
        %dma_start3A_87 = arith.constant 0 : i32
        %dma_start3A_88 = tpu.memref_slice %arg6[%dma_start3A_86, %dma_start3A_87] : memref<16x128xi32, #tpu.memory_space<vmem>> -> memref<1x128xi32, #tpu.memory_space<vmem>>
        %dma_start3A_89 = tpu.memref_squeeze %dma_start3A_88 : memref<1x128xi32, #tpu.memory_space<vmem>> -> memref<128xi32, #tpu.memory_space<vmem>>
        %dma_start3A_90 = arith.constant 0 : i32
        %dma_start3A_91 = arith.constant 0 : i32
        %dma_start3A_92 = tpu.memref_slice %arg2[%dma_start3A_90, %dma_start3A_91] : memref<40960x128xf32, #tpu.memory_space<hbm>> -> memref<40960x128xf32, #tpu.memory_space<hbm>>
        tpu.enqueue_indirect_dma source(%dma_start3A_92 : memref<40960x128xf32, #tpu.memory_space<hbm>>) target(%arg8 : memref<128x128xf32, #tpu.memory_space<vmem>>) offsets(%dma_start3A_89 : memref<128xi32, #tpu.memory_space<vmem>>) semaphore(%arg12 : memref<!tpu.dma_semaphore, #tpu.memory_space<semaphore_mem>>)
        %dma_start3A_93 = arith.constant 1 : i32
        %dma_start3A_94 = arith.constant 0 : i32
        %dma_start3A_95 = tpu.memref_slice %arg6[%dma_start3A_93, %dma_start3A_94] : memref<16x128xi32, #tpu.memory_space<vmem>> -> memref<1x128xi32, #tpu.memory_space<vmem>>
        %dma_start3A_96 = tpu.memref_squeeze %dma_start3A_95 : memref<1x128xi32, #tpu.memory_space<vmem>> -> memref<128xi32, #tpu.memory_space<vmem>>
        %dma_start3A_97 = arith.constant 0 : i32
        %dma_start3A_98 = arith.constant 0 : i32
        %dma_start3A_99 = tpu.memref_slice %arg2[%dma_start3A_97, %dma_start3A_98] : memref<40960x128xf32, #tpu.memory_space<hbm>> -> memref<40960x128xf32, #tpu.memory_space<hbm>>
        tpu.enqueue_indirect_dma source(%dma_start3A_99 : memref<40960x128xf32, #tpu.memory_space<hbm>>) target(%arg9 : memref<128x128xf32, #tpu.memory_space<vmem>>) offsets(%dma_start3A_96 : memref<128xi32, #tpu.memory_space<vmem>>) semaphore(%arg13 : memref<!tpu.dma_semaphore, #tpu.memory_space<semaphore_mem>>)
      } else {
      }
      %scan3A_77 = arith.constant 0 : i32
      %scan3A_78 = arith.constant 8 : i32
      %scan3A_79 = arith.addi %scan3A_77, %scan3A_78 : i32
      %scan3A_80 = arith.constant 1 : i32
      scf.for %scan3A_82 = %scan3A_77 to %scan3A_79 step %scan3A_80  : i32 {
        %mul3A_83 = arith.constant 2 : i32
        %mul3A_84 = arith.muli %scan3A_82, %mul3A_83 : i32
        %add3A_85 = arith.constant 0 : i32
        %add3A_86 = arith.addi %add3A_85, %mul3A_84 : i32
        %dma_wait3A = arith.constant 0 : i32
        %dma_wait3A_87 = tpu.memref_slice %arg6[%add3A_86, %dma_wait3A] : memref<16x128xi32, #tpu.memory_space<vmem>> -> memref<1x128xi32, #tpu.memory_space<vmem>>
        %dma_wait3A_88 = tpu.memref_squeeze %dma_wait3A_87 : memref<1x128xi32, #tpu.memory_space<vmem>> -> memref<128xi32, #tpu.memory_space<vmem>>
        %dma_wait3A_89 = arith.constant 0 : i32
        %dma_wait3A_90 = arith.constant 0 : i32
        %dma_wait3A_91 = tpu.memref_slice %arg2[%dma_wait3A_89, %dma_wait3A_90] : memref<40960x128xf32, #tpu.memory_space<hbm>> -> memref<40960x128xf32, #tpu.memory_space<hbm>>
        tpu.wait_indirect_dma semaphore(%arg12 : memref<!tpu.dma_semaphore, #tpu.memory_space<semaphore_mem>>) src(%dma_wait3A_91 : memref<40960x128xf32, #tpu.memory_space<hbm>>) dst(%arg8 : memref<128x128xf32, #tpu.memory_space<vmem>>)
        "tpu.region"() ({
          %run_scoped3A = tpu.sem_alloc : memref<!tpu.dma_semaphore, #tpu.memory_space<semaphore_mem>>
          %dma_start3A_115 = arith.constant 0 : i32
          %dma_start3A_116 = tpu.memref_slice %arg7[%add3A_86, %dma_start3A_115] : memref<16x128xi32, #tpu.memory_space<vmem>> -> memref<1x128xi32, #tpu.memory_space<vmem>>
          %dma_start3A_117 = tpu.memref_squeeze %dma_start3A_116 : memref<1x128xi32, #tpu.memory_space<vmem>> -> memref<128xi32, #tpu.memory_space<vmem>>
          %dma_start3A_118 = arith.constant 0 : i32
          %dma_start3A_119 = arith.constant 0 : i32
          %dma_start3A_120 = tpu.memref_slice %arg11[%dma_start3A_118, %dma_start3A_119] : memref<10240x128xf32, #tpu.memory_space<vmem_shared>> -> memref<10240x128xf32, #tpu.memory_space<vmem_shared>>
          tpu.enqueue_indirect_dma source(%arg8 : memref<128x128xf32, #tpu.memory_space<vmem>>) target(%dma_start3A_120 : memref<10240x128xf32, #tpu.memory_space<vmem_shared>>) offsets(%dma_start3A_117 : memref<128xi32, #tpu.memory_space<vmem>>) semaphore(%run_scoped3A : memref<!tpu.dma_semaphore, #tpu.memory_space<semaphore_mem>>) {add = true}
          %dma_wait3A_121 = arith.constant 0 : i32
          %dma_wait3A_122 = tpu.memref_slice %arg7[%add3A_86, %dma_wait3A_121] : memref<16x128xi32, #tpu.memory_space<vmem>> -> memref<1x128xi32, #tpu.memory_space<vmem>>
          %dma_wait3A_123 = tpu.memref_squeeze %dma_wait3A_122 : memref<1x128xi32, #tpu.memory_space<vmem>> -> memref<128xi32, #tpu.memory_space<vmem>>
          %dma_wait3A_124 = arith.constant 0 : i32
          %dma_wait3A_125 = arith.constant 0 : i32
          %dma_wait3A_126 = tpu.memref_slice %arg11[%dma_wait3A_124, %dma_wait3A_125] : memref<10240x128xf32, #tpu.memory_space<vmem_shared>> -> memref<10240x128xf32, #tpu.memory_space<vmem_shared>>
          tpu.wait_indirect_dma semaphore(%run_scoped3A : memref<!tpu.dma_semaphore, #tpu.memory_space<semaphore_mem>>) src(%arg8 : memref<128x128xf32, #tpu.memory_space<vmem>>) dst(%dma_wait3A_126 : memref<10240x128xf32, #tpu.memory_space<vmem_shared>>)
          tpu.yield
        }) : () -> ()
        %add3A_92 = arith.constant 2 : i32
        %add3A_93 = arith.addi %add3A_86, %add3A_92 : i32
        %lt3A = arith.constant 16 : i32
        %lt3A_94 = arith.cmpi slt, %add3A_93, %lt3A : i32
        %convert_element_type3A_95 = arith.extui %lt3A_94 : i1 to i32
        %cond3A_96 = arith.constant 0 : i32
        %cond3A_97 = arith.cmpi ne, %convert_element_type3A_95, %cond3A_96 : i32
        scf.if %cond3A_97 {
          %add3A_115 = arith.constant 2 : i32
          %add3A_116 = arith.addi %add3A_86, %add3A_115 : i32
          %dma_start3A_117 = arith.constant 0 : i32
          %dma_start3A_118 = tpu.memref_slice %arg6[%add3A_116, %dma_start3A_117] : memref<16x128xi32, #tpu.memory_space<vmem>> -> memref<1x128xi32, #tpu.memory_space<vmem>>
          %dma_start3A_119 = tpu.memref_squeeze %dma_start3A_118 : memref<1x128xi32, #tpu.memory_space<vmem>> -> memref<128xi32, #tpu.memory_space<vmem>>
          %dma_start3A_120 = arith.constant 0 : i32
          %dma_start3A_121 = arith.constant 0 : i32
          %dma_start3A_122 = tpu.memref_slice %arg2[%dma_start3A_120, %dma_start3A_121] : memref<40960x128xf32, #tpu.memory_space<hbm>> -> memref<40960x128xf32, #tpu.memory_space<hbm>>
          tpu.enqueue_indirect_dma source(%dma_start3A_122 : memref<40960x128xf32, #tpu.memory_space<hbm>>) target(%arg8 : memref<128x128xf32, #tpu.memory_space<vmem>>) offsets(%dma_start3A_119 : memref<128xi32, #tpu.memory_space<vmem>>) semaphore(%arg12 : memref<!tpu.dma_semaphore, #tpu.memory_space<semaphore_mem>>)
        } else {
        }
        %add3A_98 = arith.constant 1 : i32
        %add3A_99 = arith.addi %add3A_86, %add3A_98 : i32
        %dma_wait3A_100 = arith.constant 0 : i32
        %dma_wait3A_101 = tpu.memref_slice %arg6[%add3A_99, %dma_wait3A_100] : memref<16x128xi32, #tpu.memory_space<vmem>> -> memref<1x128xi32, #tpu.memory_space<vmem>>
        %dma_wait3A_102 = tpu.memref_squeeze %dma_wait3A_101 : memref<1x128xi32, #tpu.memory_space<vmem>> -> memref<128xi32, #tpu.memory_space<vmem>>
        %dma_wait3A_103 = arith.constant 0 : i32
        %dma_wait3A_104 = arith.constant 0 : i32
        %dma_wait3A_105 = tpu.memref_slice %arg2[%dma_wait3A_103, %dma_wait3A_104] : memref<40960x128xf32, #tpu.memory_space<hbm>> -> memref<40960x128xf32, #tpu.memory_space<hbm>>
        tpu.wait_indirect_dma semaphore(%arg13 : memref<!tpu.dma_semaphore, #tpu.memory_space<semaphore_mem>>) src(%dma_wait3A_105 : memref<40960x128xf32, #tpu.memory_space<hbm>>) dst(%arg9 : memref<128x128xf32, #tpu.memory_space<vmem>>)
        %add3A_106 = arith.constant 1 : i32
        %add3A_107 = arith.addi %add3A_86, %add3A_106 : i32
        "tpu.region"() ({
          %run_scoped3A = tpu.sem_alloc : memref<!tpu.dma_semaphore, #tpu.memory_space<semaphore_mem>>
          %dma_start3A_115 = arith.constant 0 : i32
          %dma_start3A_116 = tpu.memref_slice %arg7[%add3A_107, %dma_start3A_115] : memref<16x128xi32, #tpu.memory_space<vmem>> -> memref<1x128xi32, #tpu.memory_space<vmem>>
          %dma_start3A_117 = tpu.memref_squeeze %dma_start3A_116 : memref<1x128xi32, #tpu.memory_space<vmem>> -> memref<128xi32, #tpu.memory_space<vmem>>
          %dma_start3A_118 = arith.constant 0 : i32
          %dma_start3A_119 = arith.constant 0 : i32
          %dma_start3A_120 = tpu.memref_slice %arg11[%dma_start3A_118, %dma_start3A_119] : memref<10240x128xf32, #tpu.memory_space<vmem_shared>> -> memref<10240x128xf32, #tpu.memory_space<vmem_shared>>
          tpu.enqueue_indirect_dma source(%arg9 : memref<128x128xf32, #tpu.memory_space<vmem>>) target(%dma_start3A_120 : memref<10240x128xf32, #tpu.memory_space<vmem_shared>>) offsets(%dma_start3A_117 : memref<128xi32, #tpu.memory_space<vmem>>) semaphore(%run_scoped3A : memref<!tpu.dma_semaphore, #tpu.memory_space<semaphore_mem>>) {add = true}
          %dma_wait3A_121 = arith.constant 0 : i32
          %dma_wait3A_122 = tpu.memref_slice %arg7[%add3A_107, %dma_wait3A_121] : memref<16x128xi32, #tpu.memory_space<vmem>> -> memref<1x128xi32, #tpu.memory_space<vmem>>
          %dma_wait3A_123 = tpu.memref_squeeze %dma_wait3A_122 : memref<1x128xi32, #tpu.memory_space<vmem>> -> memref<128xi32, #tpu.memory_space<vmem>>
          %dma_wait3A_124 = arith.constant 0 : i32
          %dma_wait3A_125 = arith.constant 0 : i32
          %dma_wait3A_126 = tpu.memref_slice %arg11[%dma_wait3A_124, %dma_wait3A_125] : memref<10240x128xf32, #tpu.memory_space<vmem_shared>> -> memref<10240x128xf32, #tpu.memory_space<vmem_shared>>
          tpu.wait_indirect_dma semaphore(%run_scoped3A : memref<!tpu.dma_semaphore, #tpu.memory_space<semaphore_mem>>) src(%arg9 : memref<128x128xf32, #tpu.memory_space<vmem>>) dst(%dma_wait3A_126 : memref<10240x128xf32, #tpu.memory_space<vmem_shared>>)
          tpu.yield
        }) : () -> ()
        %add3A_108 = arith.constant 3 : i32
        %add3A_109 = arith.addi %add3A_86, %add3A_108 : i32
        %lt3A_110 = arith.constant 16 : i32
        %lt3A_111 = arith.cmpi slt, %add3A_109, %lt3A_110 : i32
        %convert_element_type3A_112 = arith.extui %lt3A_111 : i1 to i32
        %cond3A_113 = arith.constant 0 : i32
        %cond3A_114 = arith.cmpi ne, %convert_element_type3A_112, %cond3A_113 : i32
        scf.if %cond3A_114 {
          %add3A_115 = arith.constant 3 : i32
          %add3A_116 = arith.addi %add3A_86, %add3A_115 : i32
          %dma_start3A_117 = arith.constant 0 : i32
          %dma_start3A_118 = tpu.memref_slice %arg6[%add3A_116, %dma_start3A_117] : memref<16x128xi32, #tpu.memory_space<vmem>> -> memref<1x128xi32, #tpu.memory_space<vmem>>
          %dma_start3A_119 = tpu.memref_squeeze %dma_start3A_118 : memref<1x128xi32, #tpu.memory_space<vmem>> -> memref<128xi32, #tpu.memory_space<vmem>>
          %dma_start3A_120 = arith.constant 0 : i32
          %dma_start3A_121 = arith.constant 0 : i32
          %dma_start3A_122 = tpu.memref_slice %arg2[%dma_start3A_120, %dma_start3A_121] : memref<40960x128xf32, #tpu.memory_space<hbm>> -> memref<40960x128xf32, #tpu.memory_space<hbm>>
          tpu.enqueue_indirect_dma source(%dma_start3A_122 : memref<40960x128xf32, #tpu.memory_space<hbm>>) target(%arg9 : memref<128x128xf32, #tpu.memory_space<vmem>>) offsets(%dma_start3A_119 : memref<128xi32, #tpu.memory_space<vmem>>) semaphore(%arg13 : memref<!tpu.dma_semaphore, #tpu.memory_space<semaphore_mem>>)
        } else {
        }
      }
      %scan3A_81 = arith.constant 8 : i32
    }
    %scan3A_63 = arith.constant 5 : i32
    %barrier3A_64 = arith.constant 0 : index
    tpu.barrier barrier_id(%barrier3A_64)
    %scan3A_65 = arith.constant 0 : i32
    %scan3A_66 = arith.constant 10 : i32
    %scan3A_67 = arith.addi %scan3A_65, %scan3A_66 : i32
    %scan3A_68 = arith.constant 1 : i32
    scf.for %scan3A_70 = %scan3A_65 to %scan3A_67 step %scan3A_68  : i32 {
      %mul3A_71 = arith.constant 64 : i32
      %mul3A_72 = arith.muli %scan3A_70, %mul3A_71 : i32
      %add3A_73 = arith.constant 0 : i32
      %add3A_74 = arith.addi %add3A_73, %mul3A_72 : i32
      %mul3A_75 = arith.constant 640 : i32
      %mul3A_76 = arith.muli %arg1, %mul3A_75 : i32
      %add3A_77 = arith.addi %mul3A_76, %add3A_74 : i32
      "tpu.region"() ({
        %run_scoped3A = tpu.sem_alloc : memref<!tpu.dma_semaphore, #tpu.memory_space<semaphore_mem>>
        %dma_start3A_78 = arith.constant 0 : i32
        %dma_start3A_79 = tpu.memref_slice %arg5[%add3A_38, %add3A_77, %dma_start3A_78] : memref<4x10240x128xf32, #tpu.memory_space<hbm>> -> memref<1x64x128xf32, #tpu.memory_space<hbm>>
        %dma_start3A_80 = tpu.memref_squeeze %dma_start3A_79 : memref<1x64x128xf32, #tpu.memory_space<hbm>> -> memref<64x128xf32, #tpu.memory_space<hbm>>
        %dma_start3A_81 = arith.constant 0 : i32
        %dma_start3A_82 = tpu.memref_slice %arg11[%add3A_77, %dma_start3A_81] : memref<10240x128xf32, #tpu.memory_space<vmem_shared>> -> memref<64x128xf32, #tpu.memory_space<vmem_shared>>
        tpu.enqueue_dma source(%dma_start3A_82 : memref<64x128xf32, #tpu.memory_space<vmem_shared>>) target(%dma_start3A_80 : memref<64x128xf32, #tpu.memory_space<hbm>>) target_semaphore(%run_scoped3A : memref<!tpu.dma_semaphore, #tpu.memory_space<semaphore_mem>>)
        %dma_wait3A = arith.constant 0 : i32
        %dma_wait3A_83 = tpu.memref_slice %arg5[%add3A_38, %add3A_77, %dma_wait3A] : memref<4x10240x128xf32, #tpu.memory_space<hbm>> -> memref<1x64x128xf32, #tpu.memory_space<hbm>>
        %dma_wait3A_84 = tpu.memref_squeeze %dma_wait3A_83 : memref<1x64x128xf32, #tpu.memory_space<hbm>> -> memref<64x128xf32, #tpu.memory_space<hbm>>
        %dma_wait3A_85 = arith.constant 0 : i32
        %dma_wait3A_86 = tpu.memref_slice %arg11[%add3A_77, %dma_wait3A_85] : memref<10240x128xf32, #tpu.memory_space<vmem_shared>> -> memref<64x128xf32, #tpu.memory_space<vmem_shared>>
        tpu.wait_dma2 semaphore(%run_scoped3A : memref<!tpu.dma_semaphore, #tpu.memory_space<semaphore_mem>>) src(%dma_wait3A_86 : memref<64x128xf32, #tpu.memory_space<vmem_shared>>) dst(%dma_wait3A_84 : memref<64x128xf32, #tpu.memory_space<hbm>>)
        tpu.yield
      }) : () -> ()
    }
    %scan3A_69 = arith.constant 10 : i32
    return
  }
}

#map = affine_map<(d0, d1) -> (0, 0)>
#map1 = affine_map<(d0, d1) -> (0, 0, 0, 0)>
#map2 = affine_map<(d0, d1) -> (0, 0, 0)>
module attributes {stable_mosaic.version = 14 : i64} {
  func.func @agg(%arg0: i32, %arg1: i32, %arg2: memref<20480x128xf32, #tpu.memory_space<hbm>>, %arg3: memref<2x16x80x128xi32, #tpu.memory_space<hbm>>, %arg4: memref<16x80x128xi32, #tpu.memory_space<hbm>>, %arg5: memref<2x10240x128xf32, #tpu.memory_space<hbm>>, %arg6: memref<16x128xi32, #tpu.memory_space<vmem>>, %arg7: memref<16x128xi32, #tpu.memory_space<vmem>>, %arg8: memref<128x128xf32, #tpu.memory_space<vmem>>, %arg9: memref<128x128xf32, #tpu.memory_space<vmem>>, %arg10: memref<64x128xf32, #tpu.memory_space<vmem>>, %arg11: memref<10240x128xf32, #tpu.memory_space<vmem_shared>>, %arg12: memref<!tpu.dma_semaphore, #tpu.memory_space<semaphore_mem>>, %arg13: memref<!tpu.dma_semaphore, #tpu.memory_space<semaphore_mem>>) attributes {dimension_semantics = [#tpu.dimension_semantics<core_parallel>, #tpu.dimension_semantics<subcore_parallel>], iteration_bounds = array<i64: 2, 16>, scalar_prefetch = 0 : i64, scratch_operands = 8 : i64, tpu.core_type = #tpu.core_type<sc_vector_subcore>, window_params = [{transform_indices = #map}, {transform_indices = #map1}, {transform_indices = #map2}, {transform_indices = #map2}]} {
    %scan3A = arith.constant 0 : i32
    %scan3A_0 = arith.constant 64 : i32
    %scan3A_1 = arith.addi %scan3A, %scan3A_0 : i32
    %scan3A_2 = arith.constant 1 : i32
    scf.for %scan3A_35 = %scan3A to %scan3A_1 step %scan3A_2  : i32 {
      %mul3A_36 = arith.constant 1 : i32
      %mul3A_37 = arith.muli %scan3A_35, %mul3A_36 : i32
      %add3A_38 = arith.constant 0 : i32
      %add3A_39 = arith.addi %add3A_38, %mul3A_37 : i32
      %scan3A_40 = arith.constant 0 : i32
      %scan3A_41 = arith.constant 8 : i32
      %scan3A_42 = arith.addi %scan3A_40, %scan3A_41 : i32
      %scan3A_43 = arith.constant 1 : i32
      scf.for %scan3A_45 = %scan3A_40 to %scan3A_42 step %scan3A_43  : i32 {
        %mul3A_46 = arith.constant 16 : i32
        %mul3A_47 = arith.muli %scan3A_45, %mul3A_46 : i32
        %add3A_48 = arith.constant 0 : i32
        %add3A_49 = arith.addi %add3A_48, %mul3A_47 : i32
        %broadcast_in_dim3A = arith.constant 0.000000e+00 : f32
        %broadcast_in_dim3A_50 = vector.broadcast %broadcast_in_dim3A : f32 to vector<16xf32>
        %swap3A = arith.index_cast %add3A_39 : i32 to index
        %swap3A_51 = arith.index_cast %add3A_49 : i32 to index
        %swap3A_52 = tpu.vector_load %arg10[%swap3A, %swap3A_51] {strides = array<i32>} : memref<64x128xf32, #tpu.memory_space<vmem>>, vector<1x16xf32>,
        %swap3A_53 = vector.shape_cast %swap3A_52 : vector<1x16xf32> to vector<16xf32>
        %swap3A_54 = vector.shape_cast %broadcast_in_dim3A_50 : vector<16xf32> to vector<1x16xf32>
        tpu.vector_store %arg10[%swap3A, %swap3A_51], %swap3A_54 {strides = array<i32>} : memref<64x128xf32, #tpu.memory_space<vmem>>, vector<1x16xf32>,
      }
      %scan3A_44 = arith.constant 8 : i32
    }
    %scan3A_3 = arith.constant 64 : i32
    %mul3A = arith.constant 1 : i32
    %mul3A_4 = arith.muli %mul3A, %arg0 : i32
    %add3A = arith.constant 0 : i32
    %add3A_5 = arith.addi %mul3A_4, %add3A : i32
    "tpu.region"() ({
      %run_scoped3A = tpu.sem_alloc : memref<!tpu.dma_semaphore, #tpu.memory_space<semaphore_mem>>
      %dma_start3A_35 = arith.constant 0 : i32
      %dma_start3A_36 = arith.constant 0 : i32
      %dma_start3A_37 = tpu.memref_slice %arg3[%add3A_5, %arg1, %dma_start3A_35, %dma_start3A_36] : memref<2x16x80x128xi32, #tpu.memory_space<hbm>> -> memref<1x1x16x128xi32, #tpu.memory_space<hbm>>
      %dma_start3A_38 = tpu.memref_squeeze %dma_start3A_37 : memref<1x1x16x128xi32, #tpu.memory_space<hbm>> -> memref<16x128xi32, #tpu.memory_space<hbm>>
      %dma_start3A_39 = arith.constant 0 : i32
      %dma_start3A_40 = arith.constant 0 : i32
      %dma_start3A_41 = tpu.memref_slice %arg3[%add3A_5, %arg1, %dma_start3A_39, %dma_start3A_40] : memref<2x16x80x128xi32, #tpu.memory_space<hbm>> -> memref<1x1x16x128xi32, #tpu.memory_space<hbm>>
      %dma_start3A_42 = tpu.memref_squeeze %dma_start3A_41 : memref<1x1x16x128xi32, #tpu.memory_space<hbm>> -> memref<16x128xi32, #tpu.memory_space<hbm>>
      tpu.enqueue_dma source(%dma_start3A_42 : memref<16x128xi32, #tpu.memory_space<hbm>>) target(%arg6 : memref<16x128xi32, #tpu.memory_space<vmem>>) target_semaphore(%run_scoped3A : memref<!tpu.dma_semaphore, #tpu.memory_space<semaphore_mem>>)
      %dma_wait3A = arith.constant 0 : i32
      %dma_wait3A_43 = arith.constant 0 : i32
      %dma_wait3A_44 = tpu.memref_slice %arg3[%add3A_5, %arg1, %dma_wait3A, %dma_wait3A_43] : memref<2x16x80x128xi32, #tpu.memory_space<hbm>> -> memref<1x1x16x128xi32, #tpu.memory_space<hbm>>
      %dma_wait3A_45 = tpu.memref_squeeze %dma_wait3A_44 : memref<1x1x16x128xi32, #tpu.memory_space<hbm>> -> memref<16x128xi32, #tpu.memory_space<hbm>>
      %dma_wait3A_46 = arith.constant 0 : i32
      %dma_wait3A_47 = arith.constant 0 : i32
      %dma_wait3A_48 = tpu.memref_slice %arg3[%add3A_5, %arg1, %dma_wait3A_46, %dma_wait3A_47] : memref<2x16x80x128xi32, #tpu.memory_space<hbm>> -> memref<1x1x16x128xi32, #tpu.memory_space<hbm>>
      %dma_wait3A_49 = tpu.memref_squeeze %dma_wait3A_48 : memref<1x1x16x128xi32, #tpu.memory_space<hbm>> -> memref<16x128xi32, #tpu.memory_space<hbm>>
      tpu.wait_dma2 semaphore(%run_scoped3A : memref<!tpu.dma_semaphore, #tpu.memory_space<semaphore_mem>>) src(%dma_wait3A_49 : memref<16x128xi32, #tpu.memory_space<hbm>>) dst(%arg6 : memref<16x128xi32, #tpu.memory_space<vmem>>)
      tpu.yield
    }) : () -> ()
    "tpu.region"() ({
      %run_scoped3A = tpu.sem_alloc : memref<!tpu.dma_semaphore, #tpu.memory_space<semaphore_mem>>
      %dma_start3A_35 = arith.constant 0 : i32
      %dma_start3A_36 = arith.constant 0 : i32
      %dma_start3A_37 = tpu.memref_slice %arg4[%arg1, %dma_start3A_35, %dma_start3A_36] : memref<16x80x128xi32, #tpu.memory_space<hbm>> -> memref<1x16x128xi32, #tpu.memory_space<hbm>>
      %dma_start3A_38 = tpu.memref_squeeze %dma_start3A_37 : memref<1x16x128xi32, #tpu.memory_space<hbm>> -> memref<16x128xi32, #tpu.memory_space<hbm>>
      %dma_start3A_39 = arith.constant 0 : i32
      %dma_start3A_40 = arith.constant 0 : i32
      %dma_start3A_41 = tpu.memref_slice %arg4[%arg1, %dma_start3A_39, %dma_start3A_40] : memref<16x80x128xi32, #tpu.memory_space<hbm>> -> memref<1x16x128xi32, #tpu.memory_space<hbm>>
      %dma_start3A_42 = tpu.memref_squeeze %dma_start3A_41 : memref<1x16x128xi32, #tpu.memory_space<hbm>> -> memref<16x128xi32, #tpu.memory_space<hbm>>
      tpu.enqueue_dma source(%dma_start3A_42 : memref<16x128xi32, #tpu.memory_space<hbm>>) target(%arg7 : memref<16x128xi32, #tpu.memory_space<vmem>>) target_semaphore(%run_scoped3A : memref<!tpu.dma_semaphore, #tpu.memory_space<semaphore_mem>>)
      %dma_wait3A = arith.constant 0 : i32
      %dma_wait3A_43 = arith.constant 0 : i32
      %dma_wait3A_44 = tpu.memref_slice %arg4[%arg1, %dma_wait3A, %dma_wait3A_43] : memref<16x80x128xi32, #tpu.memory_space<hbm>> -> memref<1x16x128xi32, #tpu.memory_space<hbm>>
      %dma_wait3A_45 = tpu.memref_squeeze %dma_wait3A_44 : memref<1x16x128xi32, #tpu.memory_space<hbm>> -> memref<16x128xi32, #tpu.memory_space<hbm>>
      %dma_wait3A_46 = arith.constant 0 : i32
      %dma_wait3A_47 = arith.constant 0 : i32
      %dma_wait3A_48 = tpu.memref_slice %arg4[%arg1, %dma_wait3A_46, %dma_wait3A_47] : memref<16x80x128xi32, #tpu.memory_space<hbm>> -> memref<1x16x128xi32, #tpu.memory_space<hbm>>
      %dma_wait3A_49 = tpu.memref_squeeze %dma_wait3A_48 : memref<1x16x128xi32, #tpu.memory_space<hbm>> -> memref<16x128xi32, #tpu.memory_space<hbm>>
      tpu.wait_dma2 semaphore(%run_scoped3A : memref<!tpu.dma_semaphore, #tpu.memory_space<semaphore_mem>>) src(%dma_wait3A_49 : memref<16x128xi32, #tpu.memory_space<hbm>>) dst(%arg7 : memref<16x128xi32, #tpu.memory_space<vmem>>)
      tpu.yield
    }) : () -> ()
    %dma_start3A = arith.constant 0 : i32
    %dma_start3A_6 = arith.constant 0 : i32
    %dma_start3A_7 = tpu.memref_slice %arg6[%dma_start3A, %dma_start3A_6] : memref<16x128xi32, #tpu.memory_space<vmem>> -> memref<1x128xi32, #tpu.memory_space<vmem>>
    %dma_start3A_8 = tpu.memref_squeeze %dma_start3A_7 : memref<1x128xi32, #tpu.memory_space<vmem>> -> memref<128xi32, #tpu.memory_space<vmem>>
    %dma_start3A_9 = arith.constant 0 : i32
    %dma_start3A_10 = arith.constant 0 : i32
    %dma_start3A_11 = tpu.memref_slice %arg2[%dma_start3A_9, %dma_start3A_10] : memref<20480x128xf32, #tpu.memory_space<hbm>> -> memref<20480x128xf32, #tpu.memory_space<hbm>>
    tpu.enqueue_indirect_dma source(%dma_start3A_11 : memref<20480x128xf32, #tpu.memory_space<hbm>>) target(%arg8 : memref<128x128xf32, #tpu.memory_space<vmem>>) offsets(%dma_start3A_8 : memref<128xi32, #tpu.memory_space<vmem>>) semaphore(%arg12 : memref<!tpu.dma_semaphore, #tpu.memory_space<semaphore_mem>>)
    %dma_start3A_12 = arith.constant 1 : i32
    %dma_start3A_13 = arith.constant 0 : i32
    %dma_start3A_14 = tpu.memref_slice %arg6[%dma_start3A_12, %dma_start3A_13] : memref<16x128xi32, #tpu.memory_space<vmem>> -> memref<1x128xi32, #tpu.memory_space<vmem>>
    %dma_start3A_15 = tpu.memref_squeeze %dma_start3A_14 : memref<1x128xi32, #tpu.memory_space<vmem>> -> memref<128xi32, #tpu.memory_space<vmem>>
    %dma_start3A_16 = arith.constant 0 : i32
    %dma_start3A_17 = arith.constant 0 : i32
    %dma_start3A_18 = tpu.memref_slice %arg2[%dma_start3A_16, %dma_start3A_17] : memref<20480x128xf32, #tpu.memory_space<hbm>> -> memref<20480x128xf32, #tpu.memory_space<hbm>>
    tpu.enqueue_indirect_dma source(%dma_start3A_18 : memref<20480x128xf32, #tpu.memory_space<hbm>>) target(%arg9 : memref<128x128xf32, #tpu.memory_space<vmem>>) offsets(%dma_start3A_15 : memref<128xi32, #tpu.memory_space<vmem>>) semaphore(%arg13 : memref<!tpu.dma_semaphore, #tpu.memory_space<semaphore_mem>>)
    %scan3A_19 = arith.constant 0 : i32
    %scan3A_20 = arith.constant 10 : i32
    %scan3A_21 = arith.addi %scan3A_19, %scan3A_20 : i32
    %scan3A_22 = arith.constant 1 : i32
    scf.for %scan3A_35 = %scan3A_19 to %scan3A_21 step %scan3A_22  : i32 {
      %mul3A_36 = arith.constant 64 : i32
      %mul3A_37 = arith.muli %scan3A_35, %mul3A_36 : i32
      %add3A_38 = arith.constant 0 : i32
      %add3A_39 = arith.addi %add3A_38, %mul3A_37 : i32
      %mul3A_40 = arith.constant 640 : i32
      %mul3A_41 = arith.muli %arg1, %mul3A_40 : i32
      %add3A_42 = arith.addi %mul3A_41, %add3A_39 : i32
      "tpu.region"() ({
        %run_scoped3A = tpu.sem_alloc : memref<!tpu.dma_semaphore, #tpu.memory_space<semaphore_mem>>
        %dma_start3A_43 = arith.constant 0 : i32
        %dma_start3A_44 = tpu.memref_slice %arg11[%add3A_42, %dma_start3A_43] : memref<10240x128xf32, #tpu.memory_space<vmem_shared>> -> memref<64x128xf32, #tpu.memory_space<vmem_shared>>
        %dma_start3A_45 = arith.constant 0 : i32
        %dma_start3A_46 = tpu.memref_slice %arg11[%add3A_42, %dma_start3A_45] : memref<10240x128xf32, #tpu.memory_space<vmem_shared>> -> memref<64x128xf32, #tpu.memory_space<vmem_shared>>
        tpu.enqueue_dma source(%arg10 : memref<64x128xf32, #tpu.memory_space<vmem>>) target(%dma_start3A_46 : memref<64x128xf32, #tpu.memory_space<vmem_shared>>) target_semaphore(%run_scoped3A : memref<!tpu.dma_semaphore, #tpu.memory_space<semaphore_mem>>)
        %dma_wait3A = arith.constant 0 : i32
        %dma_wait3A_47 = tpu.memref_slice %arg11[%add3A_42, %dma_wait3A] : memref<10240x128xf32, #tpu.memory_space<vmem_shared>> -> memref<64x128xf32, #tpu.memory_space<vmem_shared>>
        %dma_wait3A_48 = arith.constant 0 : i32
        %dma_wait3A_49 = tpu.memref_slice %arg11[%add3A_42, %dma_wait3A_48] : memref<10240x128xf32, #tpu.memory_space<vmem_shared>> -> memref<64x128xf32, #tpu.memory_space<vmem_shared>>
        tpu.wait_dma2 semaphore(%run_scoped3A : memref<!tpu.dma_semaphore, #tpu.memory_space<semaphore_mem>>) src(%arg10 : memref<64x128xf32, #tpu.memory_space<vmem>>) dst(%dma_wait3A_49 : memref<64x128xf32, #tpu.memory_space<vmem_shared>>)
        tpu.yield
      }) : () -> ()
    }
    %scan3A_23 = arith.constant 10 : i32
    %barrier3A = arith.constant 0 : index
    tpu.barrier barrier_id(%barrier3A)
    %scan3A_24 = arith.constant 0 : i32
    %scan3A_25 = arith.constant 5 : i32
    %scan3A_26 = arith.addi %scan3A_24, %scan3A_25 : i32
    %scan3A_27 = arith.constant 1 : i32
    scf.for %scan3A_35 = %scan3A_24 to %scan3A_26 step %scan3A_27  : i32 {
      %mul3A_36 = arith.constant 1 : i32
      %mul3A_37 = arith.muli %scan3A_35, %mul3A_36 : i32
      %add3A_38 = arith.constant 0 : i32
      %add3A_39 = arith.addi %add3A_38, %mul3A_37 : i32
      %gt3A = arith.constant 0 : i32
      %gt3A_40 = arith.cmpi sgt, %add3A_39, %gt3A : i32
      %convert_element_type3A = arith.extui %gt3A_40 : i1 to i32
      %cond3A = arith.constant 0 : i32
      %cond3A_41 = arith.cmpi ne, %convert_element_type3A, %cond3A : i32
      scf.if %cond3A_41 {
        %mul3A_47 = arith.constant 16 : i32
        %mul3A_48 = arith.muli %add3A_39, %mul3A_47 : i32
        "tpu.region"() ({
          %run_scoped3A = tpu.sem_alloc : memref<!tpu.dma_semaphore, #tpu.memory_space<semaphore_mem>>
          %dma_start3A_65 = arith.constant 0 : i32
          %dma_start3A_66 = tpu.memref_slice %arg3[%add3A_5, %arg1, %mul3A_48, %dma_start3A_65] : memref<2x16x80x128xi32, #tpu.memory_space<hbm>> -> memref<1x1x16x128xi32, #tpu.memory_space<hbm>>
          %dma_start3A_67 = tpu.memref_squeeze %dma_start3A_66 : memref<1x1x16x128xi32, #tpu.memory_space<hbm>> -> memref<16x128xi32, #tpu.memory_space<hbm>>
          %dma_start3A_68 = arith.constant 0 : i32
          %dma_start3A_69 = tpu.memref_slice %arg3[%add3A_5, %arg1, %mul3A_48, %dma_start3A_68] : memref<2x16x80x128xi32, #tpu.memory_space<hbm>> -> memref<1x1x16x128xi32, #tpu.memory_space<hbm>>
          %dma_start3A_70 = tpu.memref_squeeze %dma_start3A_69 : memref<1x1x16x128xi32, #tpu.memory_space<hbm>> -> memref<16x128xi32, #tpu.memory_space<hbm>>
          tpu.enqueue_dma source(%dma_start3A_70 : memref<16x128xi32, #tpu.memory_space<hbm>>) target(%arg6 : memref<16x128xi32, #tpu.memory_space<vmem>>) target_semaphore(%run_scoped3A : memref<!tpu.dma_semaphore, #tpu.memory_space<semaphore_mem>>)
          %dma_wait3A = arith.constant 0 : i32
          %dma_wait3A_71 = tpu.memref_slice %arg3[%add3A_5, %arg1, %mul3A_48, %dma_wait3A] : memref<2x16x80x128xi32, #tpu.memory_space<hbm>> -> memref<1x1x16x128xi32, #tpu.memory_space<hbm>>
          %dma_wait3A_72 = tpu.memref_squeeze %dma_wait3A_71 : memref<1x1x16x128xi32, #tpu.memory_space<hbm>> -> memref<16x128xi32, #tpu.memory_space<hbm>>
          %dma_wait3A_73 = arith.constant 0 : i32
          %dma_wait3A_74 = tpu.memref_slice %arg3[%add3A_5, %arg1, %mul3A_48, %dma_wait3A_73] : memref<2x16x80x128xi32, #tpu.memory_space<hbm>> -> memref<1x1x16x128xi32, #tpu.memory_space<hbm>>
          %dma_wait3A_75 = tpu.memref_squeeze %dma_wait3A_74 : memref<1x1x16x128xi32, #tpu.memory_space<hbm>> -> memref<16x128xi32, #tpu.memory_space<hbm>>
          tpu.wait_dma2 semaphore(%run_scoped3A : memref<!tpu.dma_semaphore, #tpu.memory_space<semaphore_mem>>) src(%dma_wait3A_75 : memref<16x128xi32, #tpu.memory_space<hbm>>) dst(%arg6 : memref<16x128xi32, #tpu.memory_space<vmem>>)
          tpu.yield
        }) : () -> ()
        %mul3A_49 = arith.constant 16 : i32
        %mul3A_50 = arith.muli %add3A_39, %mul3A_49 : i32
        "tpu.region"() ({
          %run_scoped3A = tpu.sem_alloc : memref<!tpu.dma_semaphore, #tpu.memory_space<semaphore_mem>>
          %dma_start3A_65 = arith.constant 0 : i32
          %dma_start3A_66 = tpu.memref_slice %arg4[%arg1, %mul3A_50, %dma_start3A_65] : memref<16x80x128xi32, #tpu.memory_space<hbm>> -> memref<1x16x128xi32, #tpu.memory_space<hbm>>
          %dma_start3A_67 = tpu.memref_squeeze %dma_start3A_66 : memref<1x16x128xi32, #tpu.memory_space<hbm>> -> memref<16x128xi32, #tpu.memory_space<hbm>>
          %dma_start3A_68 = arith.constant 0 : i32
          %dma_start3A_69 = tpu.memref_slice %arg4[%arg1, %mul3A_50, %dma_start3A_68] : memref<16x80x128xi32, #tpu.memory_space<hbm>> -> memref<1x16x128xi32, #tpu.memory_space<hbm>>
          %dma_start3A_70 = tpu.memref_squeeze %dma_start3A_69 : memref<1x16x128xi32, #tpu.memory_space<hbm>> -> memref<16x128xi32, #tpu.memory_space<hbm>>
          tpu.enqueue_dma source(%dma_start3A_70 : memref<16x128xi32, #tpu.memory_space<hbm>>) target(%arg7 : memref<16x128xi32, #tpu.memory_space<vmem>>) target_semaphore(%run_scoped3A : memref<!tpu.dma_semaphore, #tpu.memory_space<semaphore_mem>>)
          %dma_wait3A = arith.constant 0 : i32
          %dma_wait3A_71 = tpu.memref_slice %arg4[%arg1, %mul3A_50, %dma_wait3A] : memref<16x80x128xi32, #tpu.memory_space<hbm>> -> memref<1x16x128xi32, #tpu.memory_space<hbm>>
          %dma_wait3A_72 = tpu.memref_squeeze %dma_wait3A_71 : memref<1x16x128xi32, #tpu.memory_space<hbm>> -> memref<16x128xi32, #tpu.memory_space<hbm>>
          %dma_wait3A_73 = arith.constant 0 : i32
          %dma_wait3A_74 = tpu.memref_slice %arg4[%arg1, %mul3A_50, %dma_wait3A_73] : memref<16x80x128xi32, #tpu.memory_space<hbm>> -> memref<1x16x128xi32, #tpu.memory_space<hbm>>
          %dma_wait3A_75 = tpu.memref_squeeze %dma_wait3A_74 : memref<1x16x128xi32, #tpu.memory_space<hbm>> -> memref<16x128xi32, #tpu.memory_space<hbm>>
          tpu.wait_dma2 semaphore(%run_scoped3A : memref<!tpu.dma_semaphore, #tpu.memory_space<semaphore_mem>>) src(%dma_wait3A_75 : memref<16x128xi32, #tpu.memory_space<hbm>>) dst(%arg7 : memref<16x128xi32, #tpu.memory_space<vmem>>)
          tpu.yield
        }) : () -> ()
        %dma_start3A_51 = arith.constant 0 : i32
        %dma_start3A_52 = arith.constant 0 : i32
        %dma_start3A_53 = tpu.memref_slice %arg6[%dma_start3A_51, %dma_start3A_52] : memref<16x128xi32, #tpu.memory_space<vmem>> -> memref<1x128xi32, #tpu.memory_space<vmem>>
        %dma_start3A_54 = tpu.memref_squeeze %dma_start3A_53 : memref<1x128xi32, #tpu.memory_space<vmem>> -> memref<128xi32, #tpu.memory_space<vmem>>
        %dma_start3A_55 = arith.constant 0 : i32
        %dma_start3A_56 = arith.constant 0 : i32
        %dma_start3A_57 = tpu.memref_slice %arg2[%dma_start3A_55, %dma_start3A_56] : memref<20480x128xf32, #tpu.memory_space<hbm>> -> memref<20480x128xf32, #tpu.memory_space<hbm>>
        tpu.enqueue_indirect_dma source(%dma_start3A_57 : memref<20480x128xf32, #tpu.memory_space<hbm>>) target(%arg8 : memref<128x128xf32, #tpu.memory_space<vmem>>) offsets(%dma_start3A_54 : memref<128xi32, #tpu.memory_space<vmem>>) semaphore(%arg12 : memref<!tpu.dma_semaphore, #tpu.memory_space<semaphore_mem>>)
        %dma_start3A_58 = arith.constant 1 : i32
        %dma_start3A_59 = arith.constant 0 : i32
        %dma_start3A_60 = tpu.memref_slice %arg6[%dma_start3A_58, %dma_start3A_59] : memref<16x128xi32, #tpu.memory_space<vmem>> -> memref<1x128xi32, #tpu.memory_space<vmem>>
        %dma_start3A_61 = tpu.memref_squeeze %dma_start3A_60 : memref<1x128xi32, #tpu.memory_space<vmem>> -> memref<128xi32, #tpu.memory_space<vmem>>
        %dma_start3A_62 = arith.constant 0 : i32
        %dma_start3A_63 = arith.constant 0 : i32
        %dma_start3A_64 = tpu.memref_slice %arg2[%dma_start3A_62, %dma_start3A_63] : memref<20480x128xf32, #tpu.memory_space<hbm>> -> memref<20480x128xf32, #tpu.memory_space<hbm>>
        tpu.enqueue_indirect_dma source(%dma_start3A_64 : memref<20480x128xf32, #tpu.memory_space<hbm>>) target(%arg9 : memref<128x128xf32, #tpu.memory_space<vmem>>) offsets(%dma_start3A_61 : memref<128xi32, #tpu.memory_space<vmem>>) semaphore(%arg13 : memref<!tpu.dma_semaphore, #tpu.memory_space<semaphore_mem>>)
      } else {
      }
      %scan3A_42 = arith.constant 0 : i32
      %scan3A_43 = arith.constant 8 : i32
      %scan3A_44 = arith.addi %scan3A_42, %scan3A_43 : i32
      %scan3A_45 = arith.constant 1 : i32
      scf.for %scan3A_47 = %scan3A_42 to %scan3A_44 step %scan3A_45  : i32 {
        %mul3A_48 = arith.constant 2 : i32
        %mul3A_49 = arith.muli %scan3A_47, %mul3A_48 : i32
        %add3A_50 = arith.constant 0 : i32
        %add3A_51 = arith.addi %add3A_50, %mul3A_49 : i32
        %dma_wait3A = arith.constant 0 : i32
        %dma_wait3A_52 = tpu.memref_slice %arg6[%add3A_51, %dma_wait3A] : memref<16x128xi32, #tpu.memory_space<vmem>> -> memref<1x128xi32, #tpu.memory_space<vmem>>
        %dma_wait3A_53 = tpu.memref_squeeze %dma_wait3A_52 : memref<1x128xi32, #tpu.memory_space<vmem>> -> memref<128xi32, #tpu.memory_space<vmem>>
        %dma_wait3A_54 = arith.constant 0 : i32
        %dma_wait3A_55 = arith.constant 0 : i32
        %dma_wait3A_56 = tpu.memref_slice %arg2[%dma_wait3A_54, %dma_wait3A_55] : memref<20480x128xf32, #tpu.memory_space<hbm>> -> memref<20480x128xf32, #tpu.memory_space<hbm>>
        tpu.wait_indirect_dma semaphore(%arg12 : memref<!tpu.dma_semaphore, #tpu.memory_space<semaphore_mem>>) src(%dma_wait3A_56 : memref<20480x128xf32, #tpu.memory_space<hbm>>) dst(%arg8 : memref<128x128xf32, #tpu.memory_space<vmem>>)
        "tpu.region"() ({
          %run_scoped3A = tpu.sem_alloc : memref<!tpu.dma_semaphore, #tpu.memory_space<semaphore_mem>>
          %dma_start3A_80 = arith.constant 0 : i32
          %dma_start3A_81 = tpu.memref_slice %arg7[%add3A_51, %dma_start3A_80] : memref<16x128xi32, #tpu.memory_space<vmem>> -> memref<1x128xi32, #tpu.memory_space<vmem>>
          %dma_start3A_82 = tpu.memref_squeeze %dma_start3A_81 : memref<1x128xi32, #tpu.memory_space<vmem>> -> memref<128xi32, #tpu.memory_space<vmem>>
          %dma_start3A_83 = arith.constant 0 : i32
          %dma_start3A_84 = arith.constant 0 : i32
          %dma_start3A_85 = tpu.memref_slice %arg11[%dma_start3A_83, %dma_start3A_84] : memref<10240x128xf32, #tpu.memory_space<vmem_shared>> -> memref<10240x128xf32, #tpu.memory_space<vmem_shared>>
          tpu.enqueue_indirect_dma source(%arg8 : memref<128x128xf32, #tpu.memory_space<vmem>>) target(%dma_start3A_85 : memref<10240x128xf32, #tpu.memory_space<vmem_shared>>) offsets(%dma_start3A_82 : memref<128xi32, #tpu.memory_space<vmem>>) semaphore(%run_scoped3A : memref<!tpu.dma_semaphore, #tpu.memory_space<semaphore_mem>>) {add = true}
          %dma_wait3A_86 = arith.constant 0 : i32
          %dma_wait3A_87 = tpu.memref_slice %arg7[%add3A_51, %dma_wait3A_86] : memref<16x128xi32, #tpu.memory_space<vmem>> -> memref<1x128xi32, #tpu.memory_space<vmem>>
          %dma_wait3A_88 = tpu.memref_squeeze %dma_wait3A_87 : memref<1x128xi32, #tpu.memory_space<vmem>> -> memref<128xi32, #tpu.memory_space<vmem>>
          %dma_wait3A_89 = arith.constant 0 : i32
          %dma_wait3A_90 = arith.constant 0 : i32
          %dma_wait3A_91 = tpu.memref_slice %arg11[%dma_wait3A_89, %dma_wait3A_90] : memref<10240x128xf32, #tpu.memory_space<vmem_shared>> -> memref<10240x128xf32, #tpu.memory_space<vmem_shared>>
          tpu.wait_indirect_dma semaphore(%run_scoped3A : memref<!tpu.dma_semaphore, #tpu.memory_space<semaphore_mem>>) src(%arg8 : memref<128x128xf32, #tpu.memory_space<vmem>>) dst(%dma_wait3A_91 : memref<10240x128xf32, #tpu.memory_space<vmem_shared>>)
          tpu.yield
        }) : () -> ()
        %add3A_57 = arith.constant 2 : i32
        %add3A_58 = arith.addi %add3A_51, %add3A_57 : i32
        %lt3A = arith.constant 16 : i32
        %lt3A_59 = arith.cmpi slt, %add3A_58, %lt3A : i32
        %convert_element_type3A_60 = arith.extui %lt3A_59 : i1 to i32
        %cond3A_61 = arith.constant 0 : i32
        %cond3A_62 = arith.cmpi ne, %convert_element_type3A_60, %cond3A_61 : i32
        scf.if %cond3A_62 {
          %add3A_80 = arith.constant 2 : i32
          %add3A_81 = arith.addi %add3A_51, %add3A_80 : i32
          %dma_start3A_82 = arith.constant 0 : i32
          %dma_start3A_83 = tpu.memref_slice %arg6[%add3A_81, %dma_start3A_82] : memref<16x128xi32, #tpu.memory_space<vmem>> -> memref<1x128xi32, #tpu.memory_space<vmem>>
          %dma_start3A_84 = tpu.memref_squeeze %dma_start3A_83 : memref<1x128xi32, #tpu.memory_space<vmem>> -> memref<128xi32, #tpu.memory_space<vmem>>
          %dma_start3A_85 = arith.constant 0 : i32
          %dma_start3A_86 = arith.constant 0 : i32
          %dma_start3A_87 = tpu.memref_slice %arg2[%dma_start3A_85, %dma_start3A_86] : memref<20480x128xf32, #tpu.memory_space<hbm>> -> memref<20480x128xf32, #tpu.memory_space<hbm>>
          tpu.enqueue_indirect_dma source(%dma_start3A_87 : memref<20480x128xf32, #tpu.memory_space<hbm>>) target(%arg8 : memref<128x128xf32, #tpu.memory_space<vmem>>) offsets(%dma_start3A_84 : memref<128xi32, #tpu.memory_space<vmem>>) semaphore(%arg12 : memref<!tpu.dma_semaphore, #tpu.memory_space<semaphore_mem>>)
        } else {
        }
        %add3A_63 = arith.constant 1 : i32
        %add3A_64 = arith.addi %add3A_51, %add3A_63 : i32
        %dma_wait3A_65 = arith.constant 0 : i32
        %dma_wait3A_66 = tpu.memref_slice %arg6[%add3A_64, %dma_wait3A_65] : memref<16x128xi32, #tpu.memory_space<vmem>> -> memref<1x128xi32, #tpu.memory_space<vmem>>
        %dma_wait3A_67 = tpu.memref_squeeze %dma_wait3A_66 : memref<1x128xi32, #tpu.memory_space<vmem>> -> memref<128xi32, #tpu.memory_space<vmem>>
        %dma_wait3A_68 = arith.constant 0 : i32
        %dma_wait3A_69 = arith.constant 0 : i32
        %dma_wait3A_70 = tpu.memref_slice %arg2[%dma_wait3A_68, %dma_wait3A_69] : memref<20480x128xf32, #tpu.memory_space<hbm>> -> memref<20480x128xf32, #tpu.memory_space<hbm>>
        tpu.wait_indirect_dma semaphore(%arg13 : memref<!tpu.dma_semaphore, #tpu.memory_space<semaphore_mem>>) src(%dma_wait3A_70 : memref<20480x128xf32, #tpu.memory_space<hbm>>) dst(%arg9 : memref<128x128xf32, #tpu.memory_space<vmem>>)
        %add3A_71 = arith.constant 1 : i32
        %add3A_72 = arith.addi %add3A_51, %add3A_71 : i32
        "tpu.region"() ({
          %run_scoped3A = tpu.sem_alloc : memref<!tpu.dma_semaphore, #tpu.memory_space<semaphore_mem>>
          %dma_start3A_80 = arith.constant 0 : i32
          %dma_start3A_81 = tpu.memref_slice %arg7[%add3A_72, %dma_start3A_80] : memref<16x128xi32, #tpu.memory_space<vmem>> -> memref<1x128xi32, #tpu.memory_space<vmem>>
          %dma_start3A_82 = tpu.memref_squeeze %dma_start3A_81 : memref<1x128xi32, #tpu.memory_space<vmem>> -> memref<128xi32, #tpu.memory_space<vmem>>
          %dma_start3A_83 = arith.constant 0 : i32
          %dma_start3A_84 = arith.constant 0 : i32
          %dma_start3A_85 = tpu.memref_slice %arg11[%dma_start3A_83, %dma_start3A_84] : memref<10240x128xf32, #tpu.memory_space<vmem_shared>> -> memref<10240x128xf32, #tpu.memory_space<vmem_shared>>
          tpu.enqueue_indirect_dma source(%arg9 : memref<128x128xf32, #tpu.memory_space<vmem>>) target(%dma_start3A_85 : memref<10240x128xf32, #tpu.memory_space<vmem_shared>>) offsets(%dma_start3A_82 : memref<128xi32, #tpu.memory_space<vmem>>) semaphore(%run_scoped3A : memref<!tpu.dma_semaphore, #tpu.memory_space<semaphore_mem>>) {add = true}
          %dma_wait3A_86 = arith.constant 0 : i32
          %dma_wait3A_87 = tpu.memref_slice %arg7[%add3A_72, %dma_wait3A_86] : memref<16x128xi32, #tpu.memory_space<vmem>> -> memref<1x128xi32, #tpu.memory_space<vmem>>
          %dma_wait3A_88 = tpu.memref_squeeze %dma_wait3A_87 : memref<1x128xi32, #tpu.memory_space<vmem>> -> memref<128xi32, #tpu.memory_space<vmem>>
          %dma_wait3A_89 = arith.constant 0 : i32
          %dma_wait3A_90 = arith.constant 0 : i32
          %dma_wait3A_91 = tpu.memref_slice %arg11[%dma_wait3A_89, %dma_wait3A_90] : memref<10240x128xf32, #tpu.memory_space<vmem_shared>> -> memref<10240x128xf32, #tpu.memory_space<vmem_shared>>
          tpu.wait_indirect_dma semaphore(%run_scoped3A : memref<!tpu.dma_semaphore, #tpu.memory_space<semaphore_mem>>) src(%arg9 : memref<128x128xf32, #tpu.memory_space<vmem>>) dst(%dma_wait3A_91 : memref<10240x128xf32, #tpu.memory_space<vmem_shared>>)
          tpu.yield
        }) : () -> ()
        %add3A_73 = arith.constant 3 : i32
        %add3A_74 = arith.addi %add3A_51, %add3A_73 : i32
        %lt3A_75 = arith.constant 16 : i32
        %lt3A_76 = arith.cmpi slt, %add3A_74, %lt3A_75 : i32
        %convert_element_type3A_77 = arith.extui %lt3A_76 : i1 to i32
        %cond3A_78 = arith.constant 0 : i32
        %cond3A_79 = arith.cmpi ne, %convert_element_type3A_77, %cond3A_78 : i32
        scf.if %cond3A_79 {
          %add3A_80 = arith.constant 3 : i32
          %add3A_81 = arith.addi %add3A_51, %add3A_80 : i32
          %dma_start3A_82 = arith.constant 0 : i32
          %dma_start3A_83 = tpu.memref_slice %arg6[%add3A_81, %dma_start3A_82] : memref<16x128xi32, #tpu.memory_space<vmem>> -> memref<1x128xi32, #tpu.memory_space<vmem>>
          %dma_start3A_84 = tpu.memref_squeeze %dma_start3A_83 : memref<1x128xi32, #tpu.memory_space<vmem>> -> memref<128xi32, #tpu.memory_space<vmem>>
          %dma_start3A_85 = arith.constant 0 : i32
          %dma_start3A_86 = arith.constant 0 : i32
          %dma_start3A_87 = tpu.memref_slice %arg2[%dma_start3A_85, %dma_start3A_86] : memref<20480x128xf32, #tpu.memory_space<hbm>> -> memref<20480x128xf32, #tpu.memory_space<hbm>>
          tpu.enqueue_indirect_dma source(%dma_start3A_87 : memref<20480x128xf32, #tpu.memory_space<hbm>>) target(%arg9 : memref<128x128xf32, #tpu.memory_space<vmem>>) offsets(%dma_start3A_84 : memref<128xi32, #tpu.memory_space<vmem>>) semaphore(%arg13 : memref<!tpu.dma_semaphore, #tpu.memory_space<semaphore_mem>>)
        } else {
        }
      }
      %scan3A_46 = arith.constant 8 : i32
    }
    %scan3A_28 = arith.constant 5 : i32
    %barrier3A_29 = arith.constant 0 : index
    tpu.barrier barrier_id(%barrier3A_29)
    %scan3A_30 = arith.constant 0 : i32
    %scan3A_31 = arith.constant 10 : i32
    %scan3A_32 = arith.addi %scan3A_30, %scan3A_31 : i32
    %scan3A_33 = arith.constant 1 : i32
    scf.for %scan3A_35 = %scan3A_30 to %scan3A_32 step %scan3A_33  : i32 {
      %mul3A_36 = arith.constant 64 : i32
      %mul3A_37 = arith.muli %scan3A_35, %mul3A_36 : i32
      %add3A_38 = arith.constant 0 : i32
      %add3A_39 = arith.addi %add3A_38, %mul3A_37 : i32
      %mul3A_40 = arith.constant 640 : i32
      %mul3A_41 = arith.muli %arg1, %mul3A_40 : i32
      %add3A_42 = arith.addi %mul3A_41, %add3A_39 : i32
      "tpu.region"() ({
        %run_scoped3A = tpu.sem_alloc : memref<!tpu.dma_semaphore, #tpu.memory_space<semaphore_mem>>
        %dma_start3A_43 = arith.constant 0 : i32
        %dma_start3A_44 = tpu.memref_slice %arg5[%add3A_5, %add3A_42, %dma_start3A_43] : memref<2x10240x128xf32, #tpu.memory_space<hbm>> -> memref<1x64x128xf32, #tpu.memory_space<hbm>>
        %dma_start3A_45 = tpu.memref_squeeze %dma_start3A_44 : memref<1x64x128xf32, #tpu.memory_space<hbm>> -> memref<64x128xf32, #tpu.memory_space<hbm>>
        %dma_start3A_46 = arith.constant 0 : i32
        %dma_start3A_47 = tpu.memref_slice %arg11[%add3A_42, %dma_start3A_46] : memref<10240x128xf32, #tpu.memory_space<vmem_shared>> -> memref<64x128xf32, #tpu.memory_space<vmem_shared>>
        tpu.enqueue_dma source(%dma_start3A_47 : memref<64x128xf32, #tpu.memory_space<vmem_shared>>) target(%dma_start3A_45 : memref<64x128xf32, #tpu.memory_space<hbm>>) target_semaphore(%run_scoped3A : memref<!tpu.dma_semaphore, #tpu.memory_space<semaphore_mem>>)
        %dma_wait3A = arith.constant 0 : i32
        %dma_wait3A_48 = tpu.memref_slice %arg5[%add3A_5, %add3A_42, %dma_wait3A] : memref<2x10240x128xf32, #tpu.memory_space<hbm>> -> memref<1x64x128xf32, #tpu.memory_space<hbm>>
        %dma_wait3A_49 = tpu.memref_squeeze %dma_wait3A_48 : memref<1x64x128xf32, #tpu.memory_space<hbm>> -> memref<64x128xf32, #tpu.memory_space<hbm>>
        %dma_wait3A_50 = arith.constant 0 : i32
        %dma_wait3A_51 = tpu.memref_slice %arg11[%add3A_42, %dma_wait3A_50] : memref<10240x128xf32, #tpu.memory_space<vmem_shared>> -> memref<64x128xf32, #tpu.memory_space<vmem_shared>>
        tpu.wait_dma2 semaphore(%run_scoped3A : memref<!tpu.dma_semaphore, #tpu.memory_space<semaphore_mem>>) src(%dma_wait3A_51 : memref<64x128xf32, #tpu.memory_space<vmem_shared>>) dst(%dma_wait3A_49 : memref<64x128xf32, #tpu.memory_space<hbm>>)
        tpu.yield
      }) : () -> ()
    }
    %scan3A_34 = arith.constant 10 : i32
    return
  }
}

module attributes {stable_mosaic.version = 14 : i64} {
  func.func @_scale1_body(%arg0: i32, %arg1: memref<1024x256xf32, #tpu.memory_space<vmem>>, %arg2: memref<2x1024x128xf32, #tpu.memory_space<vmem>>, %arg3: memref<2x1024x128xf32, #tpu.memory_space<vmem>>) attributes {dimension_semantics = [#tpu.dimension_semantics<arbitrary>], iteration_bounds = array<i64: 10>, scalar_prefetch = 0 : i64, scratch_operands = 0 : i64, tpu.core_type = #tpu.core_type<tc>, window_params = [{transform_indices = @transform_0, window_bounds = array<i64: 1024, 256>}, {transform_indices = @transform_1, window_bounds = array<i64: 2, 1024, 128>}, {transform_indices = @transform_2, window_bounds = array<i64: 2, 1024, 128>}]} {
    %get3A = arith.constant 0 : index
    %get3A_0 = arith.constant 0 : index
    %get3A_1 = arith.constant 0 : index
    %get3A_2 = vector.load %arg2[%get3A, %get3A_0, %get3A_1] : memref<2x1024x128xf32, #tpu.memory_space<vmem>>, vector<1x1024x1xf32>
    %get3A_3 = vector.shape_cast %get3A_2 : vector<1x1024x1xf32> to vector<1024x1xf32>
    %get3A_4 = arith.constant 1 : index
    %get3A_5 = arith.constant 0 : index
    %get3A_6 = arith.constant 0 : index
    %get3A_7 = vector.load %arg2[%get3A_4, %get3A_5, %get3A_6] : memref<2x1024x128xf32, #tpu.memory_space<vmem>>, vector<1x1024x1xf32>
    %get3A_8 = vector.shape_cast %get3A_7 : vector<1x1024x1xf32> to vector<1024x1xf32>
    %add3A = arith.addf %get3A_3, %get3A_8 : vector<1024x1xf32>
    %add3A_9 = arith.constant 1.000000e+00 : f32
    %add3A_10 = vector.broadcast %add3A_9 : f32 to vector<1024x1xf32>
    %add3A_11 = arith.addf %add3A, %add3A_10 : vector<1024x1xf32>
    %rsqrt3A = math.rsqrt %add3A_11 : vector<1024x1xf32>
    %get3A_12 = arith.constant 0 : index
    %get3A_13 = arith.constant 0 : index
    %get3A_14 = vector.load %arg1[%get3A_12, %get3A_13] : memref<1024x256xf32, #tpu.memory_space<vmem>>, vector<1024x128xf32>
    %mul3A = vector.broadcast %rsqrt3A : vector<1024x1xf32> to vector<1024x128xf32>
    %mul3A_15 = arith.mulf %get3A_14, %mul3A : vector<1024x128xf32>
    %swap3A = arith.constant 0 : index
    %swap3A_16 = arith.constant 0 : index
    %swap3A_17 = arith.constant 0 : index
    %swap3A_18 = vector.load %arg3[%swap3A, %swap3A_16, %swap3A_17] : memref<2x1024x128xf32, #tpu.memory_space<vmem>>, vector<1x1024x128xf32>
    %swap3A_19 = vector.shape_cast %swap3A_18 : vector<1x1024x128xf32> to vector<1024x128xf32>
    %swap3A_20 = vector.shape_cast %mul3A_15 : vector<1024x128xf32> to vector<1x1024x128xf32>
    tpu.vector_store %arg3[%swap3A, %swap3A_16, %swap3A_17], %swap3A_20 {strides = array<i32>} : memref<2x1024x128xf32, #tpu.memory_space<vmem>>, vector<1x1024x128xf32>,
    %get3A_21 = arith.constant 0 : index
    %get3A_22 = arith.constant 128 : index
    %get3A_23 = vector.load %arg1[%get3A_21, %get3A_22] : memref<1024x256xf32, #tpu.memory_space<vmem>>, vector<1024x128xf32>
    %mul3A_24 = vector.broadcast %rsqrt3A : vector<1024x1xf32> to vector<1024x128xf32>
    %mul3A_25 = arith.mulf %get3A_23, %mul3A_24 : vector<1024x128xf32>
    %swap3A_26 = arith.constant 1 : index
    %swap3A_27 = arith.constant 0 : index
    %swap3A_28 = arith.constant 0 : index
    %swap3A_29 = vector.load %arg3[%swap3A_26, %swap3A_27, %swap3A_28] : memref<2x1024x128xf32, #tpu.memory_space<vmem>>, vector<1x1024x128xf32>
    %swap3A_30 = vector.shape_cast %swap3A_29 : vector<1x1024x128xf32> to vector<1024x128xf32>
    %swap3A_31 = vector.shape_cast %mul3A_25 : vector<1024x128xf32> to vector<1x1024x128xf32>
    tpu.vector_store %arg3[%swap3A_26, %swap3A_27, %swap3A_28], %swap3A_31 {strides = array<i32>} : memref<2x1024x128xf32, #tpu.memory_space<vmem>>, vector<1x1024x128xf32>,
    return
  }
  func.func @transform_0(%arg0: i32) -> (i32, i32) {
    %c0_i32 = arith.constant 0 : i32
    %c0_i32_0 = arith.constant 0 : i32
    return %arg0, %c0_i32 : i32, i32
  }
  func.func @transform_1(%arg0: i32) -> (i32, i32, i32) {
    %c0_i32 = arith.constant 0 : i32
    %c0_i32_0 = arith.constant 0 : i32
    %c0_i32_1 = arith.constant 0 : i32
    return %c0_i32, %arg0, %c0_i32_0 : i32, i32, i32
  }
  func.func @transform_2(%arg0: i32) -> (i32, i32, i32) {
    %c0_i32 = arith.constant 0 : i32
    %c0_i32_0 = arith.constant 0 : i32
    %c0_i32_1 = arith.constant 0 : i32
    return %c0_i32, %arg0, %c0_i32_0 : i32, i32, i32
  }
}

module attributes {stable_mosaic.version = 14 : i64} {
  func.func @body(%arg0: i32, %arg1: i32, %arg2: memref<2x1024x128xf32, #tpu.memory_space<vmem>>, %arg3: memref<2x1024x128xf32, #tpu.memory_space<vmem>>, %arg4: memref<2x1024x128xf32, #tpu.memory_space<vmem>>, %arg5: memref<1x1x128xf32, #tpu.memory_space<vmem>>, %arg6: memref<256x128xf32, #tpu.memory_space<vmem>>, %arg7: memref<1x1024x128xf32, #tpu.memory_space<vmem>>) attributes {dimension_semantics = [#tpu.dimension_semantics<arbitrary>, #tpu.dimension_semantics<arbitrary>], iteration_bounds = array<i64: 10, 4>, scalar_prefetch = 0 : i64, scratch_operands = 0 : i64, tpu.core_type = #tpu.core_type<tc>, window_params = [{transform_indices = @transform_0, window_bounds = array<i64: 2, 1024, 128>}, {transform_indices = @transform_1, window_bounds = array<i64: 2, 1024, 128>}, {transform_indices = @transform_2, window_bounds = array<i64: 2, 1024, 128>}, {transform_indices = @transform_3, window_bounds = array<i64: 1, 1, 128>}, {transform_indices = @transform_4, window_bounds = array<i64: 256, 128>}, {transform_indices = @transform_5, window_bounds = array<i64: 1, 1024, 128>}]} {
    %get3A = arith.constant 0 : index
    %get3A_0 = arith.constant 0 : index
    %get3A_1 = arith.constant 0 : index
    %get3A_2 = vector.load %arg4[%get3A, %get3A_0, %get3A_1] : memref<2x1024x128xf32, #tpu.memory_space<vmem>>, vector<1x1024x1xf32>
    %get3A_3 = vector.shape_cast %get3A_2 : vector<1x1024x1xf32> to vector<1024x1xf32>
    %get3A_4 = arith.constant 1 : index
    %get3A_5 = arith.constant 0 : index
    %get3A_6 = arith.constant 0 : index
    %get3A_7 = vector.load %arg4[%get3A_4, %get3A_5, %get3A_6] : memref<2x1024x128xf32, #tpu.memory_space<vmem>>, vector<1x1024x1xf32>
    %get3A_8 = vector.shape_cast %get3A_7 : vector<1x1024x1xf32> to vector<1024x1xf32>
    %add3A = arith.addf %get3A_3, %get3A_8 : vector<1024x1xf32>
    %add3A_9 = arith.constant 1.000000e+00 : f32
    %add3A_10 = vector.broadcast %add3A_9 : f32 to vector<1024x1xf32>
    %add3A_11 = arith.addf %add3A, %add3A_10 : vector<1024x1xf32>
    %rsqrt3A = math.rsqrt %add3A_11 : vector<1024x1xf32>
    %broadcast_in_dim3A = arith.constant 0.000000e+00 : f32
    %broadcast_in_dim3A_12 = vector.broadcast %broadcast_in_dim3A : f32 to vector<1024x128xf32>
    %get3A_13 = arith.constant 0 : index
    %get3A_14 = arith.constant 0 : index
    %get3A_15 = arith.constant 0 : index
    %get3A_16 = vector.load %arg2[%get3A_13, %get3A_14, %get3A_15] : memref<2x1024x128xf32, #tpu.memory_space<vmem>>, vector<1x1024x128xf32>
    %get3A_17 = vector.shape_cast %get3A_16 : vector<1x1024x128xf32> to vector<1024x128xf32>
    %get3A_18 = arith.constant 0 : index
    %get3A_19 = arith.constant 0 : index
    %get3A_20 = arith.constant 0 : index
    %get3A_21 = vector.load %arg3[%get3A_18, %get3A_19, %get3A_20] : memref<2x1024x128xf32, #tpu.memory_space<vmem>>, vector<1x1024x128xf32>
    %get3A_22 = vector.shape_cast %get3A_21 : vector<1x1024x128xf32> to vector<1024x128xf32>
    %add3A_23 = arith.addf %get3A_17, %get3A_22 : vector<1024x128xf32>
    %mul3A = vector.broadcast %rsqrt3A : vector<1024x1xf32> to vector<1024x128xf32>
    %mul3A_24 = arith.mulf %mul3A, %add3A_23 : vector<1024x128xf32>
    %convert_element_type3A = arith.truncf %mul3A_24 : vector<1024x128xf32> to vector<1024x128xbf16>
    %get3A_25 = arith.constant 0 : index
    %get3A_26 = arith.constant 0 : index
    %get3A_27 = vector.load %arg6[%get3A_25, %get3A_26] : memref<256x128xf32, #tpu.memory_space<vmem>>, vector<128x128xf32>
    %convert_element_type3A_28 = arith.truncf %get3A_27 : vector<128x128xf32> to vector<128x128xbf16>
    %dot_general3A = arith.constant dense<0.000000e+00> : vector<1024x128xf32>
    %dot_general3A_29 = tpu.matmul %convert_element_type3A, %convert_element_type3A_28, %dot_general3A {dimension_numbers = #tpu.dot_dimension_numbers<[1], [0], [0], [1], [0, 0, 1, 1], [], []>, transpose_lhs_hint = false} : vector<1024x128xbf16>, vector<128x128xbf16>, vector<1024x128xf32> -> vector<1024x128xf32>
    %add3A_30 = arith.addf %broadcast_in_dim3A_12, %dot_general3A_29 : vector<1024x128xf32>
    %get3A_31 = arith.constant 1 : index
    %get3A_32 = arith.constant 0 : index
    %get3A_33 = arith.constant 0 : index
    %get3A_34 = vector.load %arg2[%get3A_31, %get3A_32, %get3A_33] : memref<2x1024x128xf32, #tpu.memory_space<vmem>>, vector<1x1024x128xf32>
    %get3A_35 = vector.shape_cast %get3A_34 : vector<1x1024x128xf32> to vector<1024x128xf32>
    %get3A_36 = arith.constant 1 : index
    %get3A_37 = arith.constant 0 : index
    %get3A_38 = arith.constant 0 : index
    %get3A_39 = vector.load %arg3[%get3A_36, %get3A_37, %get3A_38] : memref<2x1024x128xf32, #tpu.memory_space<vmem>>, vector<1x1024x128xf32>
    %get3A_40 = vector.shape_cast %get3A_39 : vector<1x1024x128xf32> to vector<1024x128xf32>
    %add3A_41 = arith.addf %get3A_35, %get3A_40 : vector<1024x128xf32>
    %mul3A_42 = vector.broadcast %rsqrt3A : vector<1024x1xf32> to vector<1024x128xf32>
    %mul3A_43 = arith.mulf %mul3A_42, %add3A_41 : vector<1024x128xf32>
    %convert_element_type3A_44 = arith.truncf %mul3A_43 : vector<1024x128xf32> to vector<1024x128xbf16>
    %get3A_45 = arith.constant 128 : index
    %get3A_46 = arith.constant 0 : index
    %get3A_47 = vector.load %arg6[%get3A_45, %get3A_46] : memref<256x128xf32, #tpu.memory_space<vmem>>, vector<128x128xf32>
    %convert_element_type3A_48 = arith.truncf %get3A_47 : vector<128x128xf32> to vector<128x128xbf16>
    %dot_general3A_49 = arith.constant dense<0.000000e+00> : vector<1024x128xf32>
    %dot_general3A_50 = tpu.matmul %convert_element_type3A_44, %convert_element_type3A_48, %dot_general3A_49 {dimension_numbers = #tpu.dot_dimension_numbers<[1], [0], [0], [1], [0, 0, 1, 1], [], []>, transpose_lhs_hint = false} : vector<1024x128xbf16>, vector<128x128xbf16>, vector<1024x128xf32> -> vector<1024x128xf32>
    %add3A_51 = arith.addf %add3A_30, %dot_general3A_50 : vector<1024x128xf32>
    %get3A_52 = arith.constant 0 : index
    %get3A_53 = arith.constant 0 : index
    %get3A_54 = arith.constant 0 : index
    %get3A_55 = vector.load %arg5[%get3A_52, %get3A_53, %get3A_54] : memref<1x1x128xf32, #tpu.memory_space<vmem>>, vector<1x1x128xf32>
    %get3A_56 = vector.shape_cast %get3A_55 : vector<1x1x128xf32> to vector<128xf32>
    %broadcast_in_dim3A_57 = vector.shape_cast %get3A_56 : vector<128xf32> to vector<1x128xf32>
    %add3A_58 = vector.broadcast %broadcast_in_dim3A_57 : vector<1x128xf32> to vector<1024x128xf32>
    %add3A_59 = arith.addf %add3A_51, %add3A_58 : vector<1024x128xf32>
    %max3A = arith.constant 0.000000e+00 : f32
    %max3A_60 = vector.broadcast %max3A : f32 to vector<1024x128xf32>
    %max3A_61 = arith.maximumf %add3A_59, %max3A_60 : vector<1024x128xf32>
    %mul3A_62 = vector.broadcast %rsqrt3A : vector<1024x1xf32> to vector<1024x128xf32>
    %mul3A_63 = arith.mulf %mul3A_62, %max3A_61 : vector<1024x128xf32>
    %swap3A = arith.constant 0 : index
    %swap3A_64 = arith.constant 0 : index
    %swap3A_65 = arith.constant 0 : index
    %swap3A_66 = vector.load %arg7[%swap3A, %swap3A_64, %swap3A_65] : memref<1x1024x128xf32, #tpu.memory_space<vmem>>, vector<1x1024x128xf32>
    %swap3A_67 = vector.shape_cast %swap3A_66 : vector<1x1024x128xf32> to vector<1024x128xf32>
    %swap3A_68 = vector.shape_cast %mul3A_63 : vector<1024x128xf32> to vector<1x1024x128xf32>
    tpu.vector_store %arg7[%swap3A, %swap3A_64, %swap3A_65], %swap3A_68 {strides = array<i32>} : memref<1x1024x128xf32, #tpu.memory_space<vmem>>, vector<1x1024x128xf32>,
    return
  }
  func.func @transform_0(%arg0: i32, %arg1: i32) -> (i32, i32, i32) {
    %c0_i32 = arith.constant 0 : i32
    %c0_i32_0 = arith.constant 0 : i32
    %c0_i32_1 = arith.constant 0 : i32
    return %c0_i32, %arg0, %c0_i32_0 : i32, i32, i32
  }
  func.func @transform_1(%arg0: i32, %arg1: i32) -> (i32, i32, i32) {
    %c0_i32 = arith.constant 0 : i32
    %c0_i32_0 = arith.constant 0 : i32
    %c0_i32_1 = arith.constant 0 : i32
    return %c0_i32, %arg0, %c0_i32_0 : i32, i32, i32
  }
  func.func @transform_2(%arg0: i32, %arg1: i32) -> (i32, i32, i32) {
    %c0_i32 = arith.constant 0 : i32
    %c0_i32_0 = arith.constant 0 : i32
    %c0_i32_1 = arith.constant 0 : i32
    return %c0_i32, %arg0, %c0_i32_0 : i32, i32, i32
  }
  func.func @transform_3(%arg0: i32, %arg1: i32) -> (i32, i32, i32) {
    %c0_i32 = arith.constant 0 : i32
    %c0_i32_0 = arith.constant 0 : i32
    %c0_i32_1 = arith.constant 0 : i32
    return %arg1, %c0_i32, %c0_i32_0 : i32, i32, i32
  }
  func.func @transform_4(%arg0: i32, %arg1: i32) -> (i32, i32) {
    %c0_i32 = arith.constant 0 : i32
    %c0_i32_0 = arith.constant 0 : i32
    return %c0_i32, %arg1 : i32, i32
  }
  func.func @transform_5(%arg0: i32, %arg1: i32) -> (i32, i32, i32) {
    %c0_i32 = arith.constant 0 : i32
    %c0_i32_0 = arith.constant 0 : i32
    return %arg1, %arg0, %c0_i32 : i32, i32, i32
  }
}

module attributes {stable_mosaic.version = 14 : i64} {
  func.func @body(%arg0: i32, %arg1: i32, %arg2: memref<4x1024x128xf32, #tpu.memory_space<vmem>>, %arg3: memref<4x1024x128xf32, #tpu.memory_space<vmem>>, %arg4: memref<2x1024x128xf32, #tpu.memory_space<vmem>>, %arg5: memref<1x1x128xf32, #tpu.memory_space<vmem>>, %arg6: memref<512x128xf32, #tpu.memory_space<vmem>>, %arg7: memref<1x1024x128xf32, #tpu.memory_space<vmem>>) attributes {dimension_semantics = [#tpu.dimension_semantics<arbitrary>, #tpu.dimension_semantics<arbitrary>], iteration_bounds = array<i64: 10, 4>, scalar_prefetch = 0 : i64, scratch_operands = 0 : i64, tpu.core_type = #tpu.core_type<tc>, window_params = [{transform_indices = @transform_0, window_bounds = array<i64: 4, 1024, 128>}, {transform_indices = @transform_1, window_bounds = array<i64: 4, 1024, 128>}, {transform_indices = @transform_2, window_bounds = array<i64: 2, 1024, 128>}, {transform_indices = @transform_3, window_bounds = array<i64: 1, 1, 128>}, {transform_indices = @transform_4, window_bounds = array<i64: 512, 128>}, {transform_indices = @transform_5, window_bounds = array<i64: 1, 1024, 128>}]} {
    %get3A = arith.constant 0 : index
    %get3A_0 = arith.constant 0 : index
    %get3A_1 = arith.constant 0 : index
    %get3A_2 = vector.load %arg4[%get3A, %get3A_0, %get3A_1] : memref<2x1024x128xf32, #tpu.memory_space<vmem>>, vector<1x1024x1xf32>
    %get3A_3 = vector.shape_cast %get3A_2 : vector<1x1024x1xf32> to vector<1024x1xf32>
    %get3A_4 = arith.constant 1 : index
    %get3A_5 = arith.constant 0 : index
    %get3A_6 = arith.constant 0 : index
    %get3A_7 = vector.load %arg4[%get3A_4, %get3A_5, %get3A_6] : memref<2x1024x128xf32, #tpu.memory_space<vmem>>, vector<1x1024x1xf32>
    %get3A_8 = vector.shape_cast %get3A_7 : vector<1x1024x1xf32> to vector<1024x1xf32>
    %add3A = arith.addf %get3A_3, %get3A_8 : vector<1024x1xf32>
    %add3A_9 = arith.constant 1.000000e+00 : f32
    %add3A_10 = vector.broadcast %add3A_9 : f32 to vector<1024x1xf32>
    %add3A_11 = arith.addf %add3A, %add3A_10 : vector<1024x1xf32>
    %rsqrt3A = math.rsqrt %add3A_11 : vector<1024x1xf32>
    %broadcast_in_dim3A = arith.constant 0.000000e+00 : f32
    %broadcast_in_dim3A_12 = vector.broadcast %broadcast_in_dim3A : f32 to vector<1024x128xf32>
    %get3A_13 = arith.constant 0 : index
    %get3A_14 = arith.constant 0 : index
    %get3A_15 = arith.constant 0 : index
    %get3A_16 = vector.load %arg2[%get3A_13, %get3A_14, %get3A_15] : memref<4x1024x128xf32, #tpu.memory_space<vmem>>, vector<1x1024x128xf32>
    %get3A_17 = vector.shape_cast %get3A_16 : vector<1x1024x128xf32> to vector<1024x128xf32>
    %get3A_18 = arith.constant 0 : index
    %get3A_19 = arith.constant 0 : index
    %get3A_20 = arith.constant 0 : index
    %get3A_21 = vector.load %arg3[%get3A_18, %get3A_19, %get3A_20] : memref<4x1024x128xf32, #tpu.memory_space<vmem>>, vector<1x1024x128xf32>
    %get3A_22 = vector.shape_cast %get3A_21 : vector<1x1024x128xf32> to vector<1024x128xf32>
    %add3A_23 = arith.addf %get3A_17, %get3A_22 : vector<1024x128xf32>
    %mul3A = vector.broadcast %rsqrt3A : vector<1024x1xf32> to vector<1024x128xf32>
    %mul3A_24 = arith.mulf %mul3A, %add3A_23 : vector<1024x128xf32>
    %convert_element_type3A = arith.truncf %mul3A_24 : vector<1024x128xf32> to vector<1024x128xbf16>
    %get3A_25 = arith.constant 0 : index
    %get3A_26 = arith.constant 0 : index
    %get3A_27 = vector.load %arg6[%get3A_25, %get3A_26] : memref<512x128xf32, #tpu.memory_space<vmem>>, vector<128x128xf32>
    %convert_element_type3A_28 = arith.truncf %get3A_27 : vector<128x128xf32> to vector<128x128xbf16>
    %dot_general3A = arith.constant dense<0.000000e+00> : vector<1024x128xf32>
    %dot_general3A_29 = tpu.matmul %convert_element_type3A, %convert_element_type3A_28, %dot_general3A {dimension_numbers = #tpu.dot_dimension_numbers<[1], [0], [0], [1], [0, 0, 1, 1], [], []>, transpose_lhs_hint = false} : vector<1024x128xbf16>, vector<128x128xbf16>, vector<1024x128xf32> -> vector<1024x128xf32>
    %add3A_30 = arith.addf %broadcast_in_dim3A_12, %dot_general3A_29 : vector<1024x128xf32>
    %get3A_31 = arith.constant 1 : index
    %get3A_32 = arith.constant 0 : index
    %get3A_33 = arith.constant 0 : index
    %get3A_34 = vector.load %arg2[%get3A_31, %get3A_32, %get3A_33] : memref<4x1024x128xf32, #tpu.memory_space<vmem>>, vector<1x1024x128xf32>
    %get3A_35 = vector.shape_cast %get3A_34 : vector<1x1024x128xf32> to vector<1024x128xf32>
    %get3A_36 = arith.constant 1 : index
    %get3A_37 = arith.constant 0 : index
    %get3A_38 = arith.constant 0 : index
    %get3A_39 = vector.load %arg3[%get3A_36, %get3A_37, %get3A_38] : memref<4x1024x128xf32, #tpu.memory_space<vmem>>, vector<1x1024x128xf32>
    %get3A_40 = vector.shape_cast %get3A_39 : vector<1x1024x128xf32> to vector<1024x128xf32>
    %add3A_41 = arith.addf %get3A_35, %get3A_40 : vector<1024x128xf32>
    %mul3A_42 = vector.broadcast %rsqrt3A : vector<1024x1xf32> to vector<1024x128xf32>
    %mul3A_43 = arith.mulf %mul3A_42, %add3A_41 : vector<1024x128xf32>
    %convert_element_type3A_44 = arith.truncf %mul3A_43 : vector<1024x128xf32> to vector<1024x128xbf16>
    %get3A_45 = arith.constant 128 : index
    %get3A_46 = arith.constant 0 : index
    %get3A_47 = vector.load %arg6[%get3A_45, %get3A_46] : memref<512x128xf32, #tpu.memory_space<vmem>>, vector<128x128xf32>
    %convert_element_type3A_48 = arith.truncf %get3A_47 : vector<128x128xf32> to vector<128x128xbf16>
    %dot_general3A_49 = arith.constant dense<0.000000e+00> : vector<1024x128xf32>
    %dot_general3A_50 = tpu.matmul %convert_element_type3A_44, %convert_element_type3A_48, %dot_general3A_49 {dimension_numbers = #tpu.dot_dimension_numbers<[1], [0], [0], [1], [0, 0, 1, 1], [], []>, transpose_lhs_hint = false} : vector<1024x128xbf16>, vector<128x128xbf16>, vector<1024x128xf32> -> vector<1024x128xf32>
    %add3A_51 = arith.addf %add3A_30, %dot_general3A_50 : vector<1024x128xf32>
    %get3A_52 = arith.constant 2 : index
    %get3A_53 = arith.constant 0 : index
    %get3A_54 = arith.constant 0 : index
    %get3A_55 = vector.load %arg2[%get3A_52, %get3A_53, %get3A_54] : memref<4x1024x128xf32, #tpu.memory_space<vmem>>, vector<1x1024x128xf32>
    %get3A_56 = vector.shape_cast %get3A_55 : vector<1x1024x128xf32> to vector<1024x128xf32>
    %get3A_57 = arith.constant 2 : index
    %get3A_58 = arith.constant 0 : index
    %get3A_59 = arith.constant 0 : index
    %get3A_60 = vector.load %arg3[%get3A_57, %get3A_58, %get3A_59] : memref<4x1024x128xf32, #tpu.memory_space<vmem>>, vector<1x1024x128xf32>
    %get3A_61 = vector.shape_cast %get3A_60 : vector<1x1024x128xf32> to vector<1024x128xf32>
    %add3A_62 = arith.addf %get3A_56, %get3A_61 : vector<1024x128xf32>
    %mul3A_63 = vector.broadcast %rsqrt3A : vector<1024x1xf32> to vector<1024x128xf32>
    %mul3A_64 = arith.mulf %mul3A_63, %add3A_62 : vector<1024x128xf32>
    %convert_element_type3A_65 = arith.truncf %mul3A_64 : vector<1024x128xf32> to vector<1024x128xbf16>
    %get3A_66 = arith.constant 256 : index
    %get3A_67 = arith.constant 0 : index
    %get3A_68 = vector.load %arg6[%get3A_66, %get3A_67] : memref<512x128xf32, #tpu.memory_space<vmem>>, vector<128x128xf32>
    %convert_element_type3A_69 = arith.truncf %get3A_68 : vector<128x128xf32> to vector<128x128xbf16>
    %dot_general3A_70 = arith.constant dense<0.000000e+00> : vector<1024x128xf32>
    %dot_general3A_71 = tpu.matmul %convert_element_type3A_65, %convert_element_type3A_69, %dot_general3A_70 {dimension_numbers = #tpu.dot_dimension_numbers<[1], [0], [0], [1], [0, 0, 1, 1], [], []>, transpose_lhs_hint = false} : vector<1024x128xbf16>, vector<128x128xbf16>, vector<1024x128xf32> -> vector<1024x128xf32>
    %add3A_72 = arith.addf %add3A_51, %dot_general3A_71 : vector<1024x128xf32>
    %get3A_73 = arith.constant 3 : index
    %get3A_74 = arith.constant 0 : index
    %get3A_75 = arith.constant 0 : index
    %get3A_76 = vector.load %arg2[%get3A_73, %get3A_74, %get3A_75] : memref<4x1024x128xf32, #tpu.memory_space<vmem>>, vector<1x1024x128xf32>
    %get3A_77 = vector.shape_cast %get3A_76 : vector<1x1024x128xf32> to vector<1024x128xf32>
    %get3A_78 = arith.constant 3 : index
    %get3A_79 = arith.constant 0 : index
    %get3A_80 = arith.constant 0 : index
    %get3A_81 = vector.load %arg3[%get3A_78, %get3A_79, %get3A_80] : memref<4x1024x128xf32, #tpu.memory_space<vmem>>, vector<1x1024x128xf32>
    %get3A_82 = vector.shape_cast %get3A_81 : vector<1x1024x128xf32> to vector<1024x128xf32>
    %add3A_83 = arith.addf %get3A_77, %get3A_82 : vector<1024x128xf32>
    %mul3A_84 = vector.broadcast %rsqrt3A : vector<1024x1xf32> to vector<1024x128xf32>
    %mul3A_85 = arith.mulf %mul3A_84, %add3A_83 : vector<1024x128xf32>
    %convert_element_type3A_86 = arith.truncf %mul3A_85 : vector<1024x128xf32> to vector<1024x128xbf16>
    %get3A_87 = arith.constant 384 : index
    %get3A_88 = arith.constant 0 : index
    %get3A_89 = vector.load %arg6[%get3A_87, %get3A_88] : memref<512x128xf32, #tpu.memory_space<vmem>>, vector<128x128xf32>
    %convert_element_type3A_90 = arith.truncf %get3A_89 : vector<128x128xf32> to vector<128x128xbf16>
    %dot_general3A_91 = arith.constant dense<0.000000e+00> : vector<1024x128xf32>
    %dot_general3A_92 = tpu.matmul %convert_element_type3A_86, %convert_element_type3A_90, %dot_general3A_91 {dimension_numbers = #tpu.dot_dimension_numbers<[1], [0], [0], [1], [0, 0, 1, 1], [], []>, transpose_lhs_hint = false} : vector<1024x128xbf16>, vector<128x128xbf16>, vector<1024x128xf32> -> vector<1024x128xf32>
    %add3A_93 = arith.addf %add3A_72, %dot_general3A_92 : vector<1024x128xf32>
    %get3A_94 = arith.constant 0 : index
    %get3A_95 = arith.constant 0 : index
    %get3A_96 = arith.constant 0 : index
    %get3A_97 = vector.load %arg5[%get3A_94, %get3A_95, %get3A_96] : memref<1x1x128xf32, #tpu.memory_space<vmem>>, vector<1x1x128xf32>
    %get3A_98 = vector.shape_cast %get3A_97 : vector<1x1x128xf32> to vector<128xf32>
    %broadcast_in_dim3A_99 = vector.shape_cast %get3A_98 : vector<128xf32> to vector<1x128xf32>
    %add3A_100 = vector.broadcast %broadcast_in_dim3A_99 : vector<1x128xf32> to vector<1024x128xf32>
    %add3A_101 = arith.addf %add3A_93, %add3A_100 : vector<1024x128xf32>
    %max3A = arith.constant 0.000000e+00 : f32
    %max3A_102 = vector.broadcast %max3A : f32 to vector<1024x128xf32>
    %max3A_103 = arith.maximumf %add3A_101, %max3A_102 : vector<1024x128xf32>
    %mul3A_104 = vector.broadcast %rsqrt3A : vector<1024x1xf32> to vector<1024x128xf32>
    %mul3A_105 = arith.mulf %mul3A_104, %max3A_103 : vector<1024x128xf32>
    %swap3A = arith.constant 0 : index
    %swap3A_106 = arith.constant 0 : index
    %swap3A_107 = arith.constant 0 : index
    %swap3A_108 = vector.load %arg7[%swap3A, %swap3A_106, %swap3A_107] : memref<1x1024x128xf32, #tpu.memory_space<vmem>>, vector<1x1024x128xf32>
    %swap3A_109 = vector.shape_cast %swap3A_108 : vector<1x1024x128xf32> to vector<1024x128xf32>
    %swap3A_110 = vector.shape_cast %mul3A_105 : vector<1024x128xf32> to vector<1x1024x128xf32>
    tpu.vector_store %arg7[%swap3A, %swap3A_106, %swap3A_107], %swap3A_110 {strides = array<i32>} : memref<1x1024x128xf32, #tpu.memory_space<vmem>>, vector<1x1024x128xf32>,
    return
  }
  func.func @transform_0(%arg0: i32, %arg1: i32) -> (i32, i32, i32) {
    %c0_i32 = arith.constant 0 : i32
    %c0_i32_0 = arith.constant 0 : i32
    %c0_i32_1 = arith.constant 0 : i32
    return %c0_i32, %arg0, %c0_i32_0 : i32, i32, i32
  }
  func.func @transform_1(%arg0: i32, %arg1: i32) -> (i32, i32, i32) {
    %c0_i32 = arith.constant 0 : i32
    %c0_i32_0 = arith.constant 0 : i32
    %c0_i32_1 = arith.constant 0 : i32
    return %c0_i32, %arg0, %c0_i32_0 : i32, i32, i32
  }
  func.func @transform_2(%arg0: i32, %arg1: i32) -> (i32, i32, i32) {
    %c0_i32 = arith.constant 0 : i32
    %c0_i32_0 = arith.constant 0 : i32
    %c0_i32_1 = arith.constant 0 : i32
    return %c0_i32, %arg0, %c0_i32_0 : i32, i32, i32
  }
  func.func @transform_3(%arg0: i32, %arg1: i32) -> (i32, i32, i32) {
    %c0_i32 = arith.constant 0 : i32
    %c0_i32_0 = arith.constant 0 : i32
    %c0_i32_1 = arith.constant 0 : i32
    return %arg1, %c0_i32, %c0_i32_0 : i32, i32, i32
  }
  func.func @transform_4(%arg0: i32, %arg1: i32) -> (i32, i32) {
    %c0_i32 = arith.constant 0 : i32
    %c0_i32_0 = arith.constant 0 : i32
    return %c0_i32, %arg1 : i32, i32
  }
  func.func @transform_5(%arg0: i32, %arg1: i32) -> (i32, i32, i32) {
    %c0_i32 = arith.constant 0 : i32
    %c0_i32_0 = arith.constant 0 : i32
    return %arg1, %arg0, %c0_i32 : i32, i32, i32
  }
}

module attributes {stable_mosaic.version = 14 : i64} {
  func.func @_fin_body(%arg0: i32, %arg1: memref<4x1024x128xf32, #tpu.memory_space<vmem>>, %arg2: memref<4x1024x128xf32, #tpu.memory_space<vmem>>, %arg3: memref<2x1024x128xf32, #tpu.memory_space<vmem>>, %arg4: memref<1x512xf32, #tpu.memory_space<vmem>>, %arg5: memref<512x512xf32, #tpu.memory_space<vmem>>, %arg6: memref<1024x1xi32, #tpu.memory_space<vmem>>, %arg7: memref<512x16xf32, #tpu.memory_space<vmem>>, %arg8: memref<1x16xf32, #tpu.memory_space<vmem>>, %arg9: memref<64x16xf32, #tpu.memory_space<vmem>>, %arg10: memref<64x16xf32, #tpu.memory_space<vmem>>, %arg11: memref<64x16xf32, #tpu.memory_space<vmem>>) attributes {dimension_semantics = [#tpu.dimension_semantics<arbitrary>], iteration_bounds = array<i64: 10>, scalar_prefetch = 0 : i64, scratch_operands = 2 : i64, tpu.core_type = #tpu.core_type<tc>, window_params = [{transform_indices = @transform_0, window_bounds = array<i64: 4, 1024, 128>}, {transform_indices = @transform_1, window_bounds = array<i64: 4, 1024, 128>}, {transform_indices = @transform_2, window_bounds = array<i64: 2, 1024, 128>}, {pipeline_mode = #tpu.pipeline_mode<synchronous>, transform_indices = @transform_3, window_bounds = array<i64: 1, 512>}, {pipeline_mode = #tpu.pipeline_mode<synchronous>, transform_indices = @transform_4, window_bounds = array<i64: 512, 512>}, {transform_indices = @transform_5, window_bounds = array<i64: 1024, 1>}, {pipeline_mode = #tpu.pipeline_mode<synchronous>, transform_indices = @transform_6, window_bounds = array<i64: 512, 16>}, {pipeline_mode = #tpu.pipeline_mode<synchronous>, transform_indices = @transform_7, window_bounds = array<i64: 1, 16>}, {pipeline_mode = #tpu.pipeline_mode<synchronous>, transform_indices = @transform_8, window_bounds = array<i64: 64, 16>}]} {
    %eq3A = arith.constant 0 : i32
    %eq3A_0 = arith.cmpi eq, %arg0, %eq3A : i32
    %convert_element_type3A = arith.extui %eq3A_0 : i1 to i32
    %cond3A = arith.constant 0 : i32
    %cond3A_1 = arith.cmpi ne, %convert_element_type3A, %cond3A : i32
    scf.if %cond3A_1 {
      %broadcast_in_dim3A_140 = arith.constant 0.000000e+00 : f32
      %broadcast_in_dim3A_141 = vector.broadcast %broadcast_in_dim3A_140 : f32 to vector<64x16xf32>
      %swap3A_142 = arith.constant 0 : index
      %swap3A_143 = arith.constant 0 : index
      %swap3A_144 = vector.load %arg10[%swap3A_142, %swap3A_143] : memref<64x16xf32, #tpu.memory_space<vmem>>, vector<64x16xf32>
      tpu.vector_store %arg10[%swap3A_142, %swap3A_143], %broadcast_in_dim3A_141 {strides = array<i32>} : memref<64x16xf32, #tpu.memory_space<vmem>>, vector<64x16xf32>,
      %broadcast_in_dim3A_145 = arith.constant 0.000000e+00 : f32
      %broadcast_in_dim3A_146 = vector.broadcast %broadcast_in_dim3A_145 : f32 to vector<64x16xf32>
      %swap3A_147 = arith.constant 0 : index
      %swap3A_148 = arith.constant 0 : index
      %swap3A_149 = vector.load %arg11[%swap3A_147, %swap3A_148] : memref<64x16xf32, #tpu.memory_space<vmem>>, vector<64x16xf32>
      tpu.vector_store %arg11[%swap3A_147, %swap3A_148], %broadcast_in_dim3A_146 {strides = array<i32>} : memref<64x16xf32, #tpu.memory_space<vmem>>, vector<64x16xf32>,
    } else {
    }
    %get3A = arith.constant 0 : index
    %get3A_2 = arith.constant 0 : index
    %get3A_3 = arith.constant 0 : index
    %get3A_4 = vector.load %arg3[%get3A, %get3A_2, %get3A_3] : memref<2x1024x128xf32, #tpu.memory_space<vmem>>, vector<1x1024x1xf32>
    %get3A_5 = vector.shape_cast %get3A_4 : vector<1x1024x1xf32> to vector<1024x1xf32>
    %get3A_6 = arith.constant 1 : index
    %get3A_7 = arith.constant 0 : index
    %get3A_8 = arith.constant 0 : index
    %get3A_9 = vector.load %arg3[%get3A_6, %get3A_7, %get3A_8] : memref<2x1024x128xf32, #tpu.memory_space<vmem>>, vector<1x1024x1xf32>
    %get3A_10 = vector.shape_cast %get3A_9 : vector<1x1024x1xf32> to vector<1024x1xf32>
    %add3A = arith.addf %get3A_5, %get3A_10 : vector<1024x1xf32>
    %add3A_11 = arith.constant 1.000000e+00 : f32
    %add3A_12 = vector.broadcast %add3A_11 : f32 to vector<1024x1xf32>
    %add3A_13 = arith.addf %add3A, %add3A_12 : vector<1024x1xf32>
    %rsqrt3A = math.rsqrt %add3A_13 : vector<1024x1xf32>
    %broadcast_in_dim3A = arith.constant 0.000000e+00 : f32
    %broadcast_in_dim3A_14 = vector.broadcast %broadcast_in_dim3A : f32 to vector<1024x512xf32>
    %get3A_15 = arith.constant 0 : index
    %get3A_16 = arith.constant 0 : index
    %get3A_17 = arith.constant 0 : index
    %get3A_18 = vector.load %arg1[%get3A_15, %get3A_16, %get3A_17] : memref<4x1024x128xf32, #tpu.memory_space<vmem>>, vector<1x1024x128xf32>
    %get3A_19 = vector.shape_cast %get3A_18 : vector<1x1024x128xf32> to vector<1024x128xf32>
    %get3A_20 = arith.constant 0 : index
    %get3A_21 = arith.constant 0 : index
    %get3A_22 = arith.constant 0 : index
    %get3A_23 = vector.load %arg2[%get3A_20, %get3A_21, %get3A_22] : memref<4x1024x128xf32, #tpu.memory_space<vmem>>, vector<1x1024x128xf32>
    %get3A_24 = vector.shape_cast %get3A_23 : vector<1x1024x128xf32> to vector<1024x128xf32>
    %add3A_25 = arith.addf %get3A_19, %get3A_24 : vector<1024x128xf32>
    %mul3A = vector.broadcast %rsqrt3A : vector<1024x1xf32> to vector<1024x128xf32>
    %mul3A_26 = arith.mulf %mul3A, %add3A_25 : vector<1024x128xf32>
    %convert_element_type3A_27 = arith.truncf %mul3A_26 : vector<1024x128xf32> to vector<1024x128xbf16>
    %get3A_28 = arith.constant 0 : index
    %get3A_29 = arith.constant 0 : index
    %get3A_30 = vector.load %arg5[%get3A_28, %get3A_29] : memref<512x512xf32, #tpu.memory_space<vmem>>, vector<128x512xf32>
    %convert_element_type3A_31 = arith.truncf %get3A_30 : vector<128x512xf32> to vector<128x512xbf16>
    %dot_general3A = arith.constant dense<0.000000e+00> : vector<1024x512xf32>
    %dot_general3A_32 = tpu.matmul %convert_element_type3A_27, %convert_element_type3A_31, %dot_general3A {dimension_numbers = #tpu.dot_dimension_numbers<[1], [0], [0], [1], [0, 0, 1, 1], [], []>, transpose_lhs_hint = false} : vector<1024x128xbf16>, vector<128x512xbf16>, vector<1024x512xf32> -> vector<1024x512xf32>
    %add3A_33 = arith.addf %broadcast_in_dim3A_14, %dot_general3A_32 : vector<1024x512xf32>
    %get3A_34 = arith.constant 1 : index
    %get3A_35 = arith.constant 0 : index
    %get3A_36 = arith.constant 0 : index
    %get3A_37 = vector.load %arg1[%get3A_34, %get3A_35, %get3A_36] : memref<4x1024x128xf32, #tpu.memory_space<vmem>>, vector<1x1024x128xf32>
    %get3A_38 = vector.shape_cast %get3A_37 : vector<1x1024x128xf32> to vector<1024x128xf32>
    %get3A_39 = arith.constant 1 : index
    %get3A_40 = arith.constant 0 : index
    %get3A_41 = arith.constant 0 : index
    %get3A_42 = vector.load %arg2[%get3A_39, %get3A_40, %get3A_41] : memref<4x1024x128xf32, #tpu.memory_space<vmem>>, vector<1x1024x128xf32>
    %get3A_43 = vector.shape_cast %get3A_42 : vector<1x1024x128xf32> to vector<1024x128xf32>
    %add3A_44 = arith.addf %get3A_38, %get3A_43 : vector<1024x128xf32>
    %mul3A_45 = vector.broadcast %rsqrt3A : vector<1024x1xf32> to vector<1024x128xf32>
    %mul3A_46 = arith.mulf %mul3A_45, %add3A_44 : vector<1024x128xf32>
    %convert_element_type3A_47 = arith.truncf %mul3A_46 : vector<1024x128xf32> to vector<1024x128xbf16>
    %get3A_48 = arith.constant 128 : index
    %get3A_49 = arith.constant 0 : index
    %get3A_50 = vector.load %arg5[%get3A_48, %get3A_49] : memref<512x512xf32, #tpu.memory_space<vmem>>, vector<128x512xf32>
    %convert_element_type3A_51 = arith.truncf %get3A_50 : vector<128x512xf32> to vector<128x512xbf16>
    %dot_general3A_52 = arith.constant dense<0.000000e+00> : vector<1024x512xf32>
    %dot_general3A_53 = tpu.matmul %convert_element_type3A_47, %convert_element_type3A_51, %dot_general3A_52 {dimension_numbers = #tpu.dot_dimension_numbers<[1], [0], [0], [1], [0, 0, 1, 1], [], []>, transpose_lhs_hint = false} : vector<1024x128xbf16>, vector<128x512xbf16>, vector<1024x512xf32> -> vector<1024x512xf32>
    %add3A_54 = arith.addf %add3A_33, %dot_general3A_53 : vector<1024x512xf32>
    %get3A_55 = arith.constant 2 : index
    %get3A_56 = arith.constant 0 : index
    %get3A_57 = arith.constant 0 : index
    %get3A_58 = vector.load %arg1[%get3A_55, %get3A_56, %get3A_57] : memref<4x1024x128xf32, #tpu.memory_space<vmem>>, vector<1x1024x128xf32>
    %get3A_59 = vector.shape_cast %get3A_58 : vector<1x1024x128xf32> to vector<1024x128xf32>
    %get3A_60 = arith.constant 2 : index
    %get3A_61 = arith.constant 0 : index
    %get3A_62 = arith.constant 0 : index
    %get3A_63 = vector.load %arg2[%get3A_60, %get3A_61, %get3A_62] : memref<4x1024x128xf32, #tpu.memory_space<vmem>>, vector<1x1024x128xf32>
    %get3A_64 = vector.shape_cast %get3A_63 : vector<1x1024x128xf32> to vector<1024x128xf32>
    %add3A_65 = arith.addf %get3A_59, %get3A_64 : vector<1024x128xf32>
    %mul3A_66 = vector.broadcast %rsqrt3A : vector<1024x1xf32> to vector<1024x128xf32>
    %mul3A_67 = arith.mulf %mul3A_66, %add3A_65 : vector<1024x128xf32>
    %convert_element_type3A_68 = arith.truncf %mul3A_67 : vector<1024x128xf32> to vector<1024x128xbf16>
    %get3A_69 = arith.constant 256 : index
    %get3A_70 = arith.constant 0 : index
    %get3A_71 = vector.load %arg5[%get3A_69, %get3A_70] : memref<512x512xf32, #tpu.memory_space<vmem>>, vector<128x512xf32>
    %convert_element_type3A_72 = arith.truncf %get3A_71 : vector<128x512xf32> to vector<128x512xbf16>
    %dot_general3A_73 = arith.constant dense<0.000000e+00> : vector<1024x512xf32>
    %dot_general3A_74 = tpu.matmul %convert_element_type3A_68, %convert_element_type3A_72, %dot_general3A_73 {dimension_numbers = #tpu.dot_dimension_numbers<[1], [0], [0], [1], [0, 0, 1, 1], [], []>, transpose_lhs_hint = false} : vector<1024x128xbf16>, vector<128x512xbf16>, vector<1024x512xf32> -> vector<1024x512xf32>
    %add3A_75 = arith.addf %add3A_54, %dot_general3A_74 : vector<1024x512xf32>
    %get3A_76 = arith.constant 3 : index
    %get3A_77 = arith.constant 0 : index
    %get3A_78 = arith.constant 0 : index
    %get3A_79 = vector.load %arg1[%get3A_76, %get3A_77, %get3A_78] : memref<4x1024x128xf32, #tpu.memory_space<vmem>>, vector<1x1024x128xf32>
    %get3A_80 = vector.shape_cast %get3A_79 : vector<1x1024x128xf32> to vector<1024x128xf32>
    %get3A_81 = arith.constant 3 : index
    %get3A_82 = arith.constant 0 : index
    %get3A_83 = arith.constant 0 : index
    %get3A_84 = vector.load %arg2[%get3A_81, %get3A_82, %get3A_83] : memref<4x1024x128xf32, #tpu.memory_space<vmem>>, vector<1x1024x128xf32>
    %get3A_85 = vector.shape_cast %get3A_84 : vector<1x1024x128xf32> to vector<1024x128xf32>
    %add3A_86 = arith.addf %get3A_80, %get3A_85 : vector<1024x128xf32>
    %mul3A_87 = vector.broadcast %rsqrt3A : vector<1024x1xf32> to vector<1024x128xf32>
    %mul3A_88 = arith.mulf %mul3A_87, %add3A_86 : vector<1024x128xf32>
    %convert_element_type3A_89 = arith.truncf %mul3A_88 : vector<1024x128xf32> to vector<1024x128xbf16>
    %get3A_90 = arith.constant 384 : index
    %get3A_91 = arith.constant 0 : index
    %get3A_92 = vector.load %arg5[%get3A_90, %get3A_91] : memref<512x512xf32, #tpu.memory_space<vmem>>, vector<128x512xf32>
    %convert_element_type3A_93 = arith.truncf %get3A_92 : vector<128x512xf32> to vector<128x512xbf16>
    %dot_general3A_94 = arith.constant dense<0.000000e+00> : vector<1024x512xf32>
    %dot_general3A_95 = tpu.matmul %convert_element_type3A_89, %convert_element_type3A_93, %dot_general3A_94 {dimension_numbers = #tpu.dot_dimension_numbers<[1], [0], [0], [1], [0, 0, 1, 1], [], []>, transpose_lhs_hint = false} : vector<1024x128xbf16>, vector<128x512xbf16>, vector<1024x512xf32> -> vector<1024x512xf32>
    %add3A_96 = arith.addf %add3A_75, %dot_general3A_95 : vector<1024x512xf32>
    %get3A_97 = arith.constant 0 : index
    %get3A_98 = arith.constant 0 : index
    %get3A_99 = vector.load %arg4[%get3A_97, %get3A_98] : memref<1x512xf32, #tpu.memory_space<vmem>>, vector<1x512xf32>
    %add3A_100 = vector.broadcast %get3A_99 : vector<1x512xf32> to vector<1024x512xf32>
    %add3A_101 = arith.addf %add3A_96, %add3A_100 : vector<1024x512xf32>
    %convert_element_type3A_102 = arith.truncf %add3A_101 : vector<1024x512xf32> to vector<1024x512xbf16>
    %get3A_103 = arith.constant 0 : index
    %get3A_104 = arith.constant 0 : index
    %get3A_105 = vector.load %arg7[%get3A_103, %get3A_104] : memref<512x16xf32, #tpu.memory_space<vmem>>, vector<512x16xf32>
    %convert_element_type3A_106 = arith.truncf %get3A_105 : vector<512x16xf32> to vector<512x16xbf16>
    %dot_general3A_107 = arith.constant dense<0.000000e+00> : vector<1024x16xf32>
    %dot_general3A_108 = tpu.matmul %convert_element_type3A_102, %convert_element_type3A_106, %dot_general3A_107 {dimension_numbers = #tpu.dot_dimension_numbers<[1], [0], [0], [1], [0, 0, 1, 1], [], []>, transpose_lhs_hint = false} : vector<1024x512xbf16>, vector<512x16xbf16>, vector<1024x16xf32> -> vector<1024x16xf32>
    %get3A_109 = arith.constant 0 : index
    %get3A_110 = arith.constant 0 : index
    %get3A_111 = vector.load %arg6[%get3A_109, %get3A_110] : memref<1024x1xi32, #tpu.memory_space<vmem>>, vector<1024x1xi32>
    %iota3A = tpu.iota {dimensions = array<i32: 1>} : vector<1024x64xi32>
    %eq3A_112 = vector.broadcast %get3A_111 : vector<1024x1xi32> to vector<1024x64xi32>
    %eq3A_113 = arith.cmpi eq, %eq3A_112, %iota3A : vector<1024x64xi32>
    %convert_element_type3A_114 = arith.extui %eq3A_113 : vector<1024x64xi1> to vector<1024x64xi32>
    %convert_element_type3A_115 = arith.sitofp %convert_element_type3A_114 : vector<1024x64xi32> to vector<1024x64xf32>
    %get3A_116 = arith.constant 0 : index
    %get3A_117 = arith.constant 0 : index
    %get3A_118 = vector.load %arg10[%get3A_116, %get3A_117] : memref<64x16xf32, #tpu.memory_space<vmem>>, vector<64x16xf32>
    %dot_general3A_119 = arith.constant dense<0.000000e+00> : vector<64x16xf32>
    %dot_general3A_120 = tpu.matmul %convert_element_type3A_115, %dot_general3A_108, %dot_general3A_119 {dimension_numbers = #tpu.dot_dimension_numbers<[0], [0], [1], [1], [0, 1, 1, 1], [], []>, transpose_lhs_hint = false} : vector<1024x64xf32>, vector<1024x16xf32>, vector<64x16xf32> -> vector<64x16xf32>
    %add3A_121 = arith.addf %get3A_118, %dot_general3A_120 : vector<64x16xf32>
    %swap3A = arith.constant 0 : index
    %swap3A_122 = arith.constant 0 : index
    %swap3A_123 = vector.load %arg10[%swap3A, %swap3A_122] : memref<64x16xf32, #tpu.memory_space<vmem>>, vector<64x16xf32>
    tpu.vector_store %arg10[%swap3A, %swap3A_122], %add3A_121 {strides = array<i32>} : memref<64x16xf32, #tpu.memory_space<vmem>>, vector<64x16xf32>,
    %get3A_124 = arith.constant 0 : index
    %get3A_125 = arith.constant 0 : index
    %get3A_126 = vector.load %arg11[%get3A_124, %get3A_125] : memref<64x16xf32, #tpu.memory_space<vmem>>, vector<64x16xf32>
    %broadcast_in_dim3A_127 = arith.constant 1.000000e+00 : f32
    %broadcast_in_dim3A_128 = vector.broadcast %broadcast_in_dim3A_127 : f32 to vector<1024x16xf32>
    %dot_general3A_129 = arith.constant dense<0.000000e+00> : vector<64x16xf32>
    %dot_general3A_130 = tpu.matmul %convert_element_type3A_115, %broadcast_in_dim3A_128, %dot_general3A_129 {dimension_numbers = #tpu.dot_dimension_numbers<[0], [0], [1], [1], [0, 1, 1, 1], [], []>, transpose_lhs_hint = false} : vector<1024x64xf32>, vector<1024x16xf32>, vector<64x16xf32> -> vector<64x16xf32>
    %add3A_131 = arith.addf %get3A_126, %dot_general3A_130 : vector<64x16xf32>
    %swap3A_132 = arith.constant 0 : index
    %swap3A_133 = arith.constant 0 : index
    %swap3A_134 = vector.load %arg11[%swap3A_132, %swap3A_133] : memref<64x16xf32, #tpu.memory_space<vmem>>, vector<64x16xf32>
    tpu.vector_store %arg11[%swap3A_132, %swap3A_133], %add3A_131 {strides = array<i32>} : memref<64x16xf32, #tpu.memory_space<vmem>>, vector<64x16xf32>,
    %eq3A_135 = arith.constant 9 : i32
    %eq3A_136 = arith.cmpi eq, %arg0, %eq3A_135 : i32
    %convert_element_type3A_137 = arith.extui %eq3A_136 : i1 to i32
    %cond3A_138 = arith.constant 0 : i32
    %cond3A_139 = arith.cmpi ne, %convert_element_type3A_137, %cond3A_138 : i32
    scf.if %cond3A_139 {
      %get3A_140 = arith.constant 0 : index
      %get3A_141 = arith.constant 0 : index
      %get3A_142 = vector.load %arg10[%get3A_140, %get3A_141] : memref<64x16xf32, #tpu.memory_space<vmem>>, vector<64x16xf32>
      %get3A_143 = arith.constant 0 : index
      %get3A_144 = arith.constant 0 : index
      %get3A_145 = vector.load %arg11[%get3A_143, %get3A_144] : memref<64x16xf32, #tpu.memory_space<vmem>>, vector<64x16xf32>
      %max3A = arith.constant 1.000000e+00 : f32
      %max3A_146 = vector.broadcast %max3A : f32 to vector<64x16xf32>
      %max3A_147 = arith.maximumf %get3A_145, %max3A_146 : vector<64x16xf32>
      %div3A = arith.divf %get3A_142, %max3A_147 : vector<64x16xf32>
      %get3A_148 = arith.constant 0 : index
      %get3A_149 = arith.constant 0 : index
      %get3A_150 = vector.load %arg8[%get3A_148, %get3A_149] : memref<1x16xf32, #tpu.memory_space<vmem>>, vector<1x16xf32>
      %add3A_151 = vector.broadcast %get3A_150 : vector<1x16xf32> to vector<64x16xf32>
      %add3A_152 = arith.addf %div3A, %add3A_151 : vector<64x16xf32>
      %swap3A_153 = arith.constant 0 : index
      %swap3A_154 = arith.constant 0 : index
      %swap3A_155 = vector.load %arg9[%swap3A_153, %swap3A_154] : memref<64x16xf32, #tpu.memory_space<vmem>>, vector<64x16xf32>
      tpu.vector_store %arg9[%swap3A_153, %swap3A_154], %add3A_152 {strides = array<i32>} : memref<64x16xf32, #tpu.memory_space<vmem>>, vector<64x16xf32>,
    } else {
    }
    return
  }
  func.func @transform_0(%arg0: i32) -> (i32, i32, i32) {
    %c0_i32 = arith.constant 0 : i32
    %c0_i32_0 = arith.constant 0 : i32
    %c0_i32_1 = arith.constant 0 : i32
    return %c0_i32, %arg0, %c0_i32_0 : i32, i32, i32
  }
  func.func @transform_1(%arg0: i32) -> (i32, i32, i32) {
    %c0_i32 = arith.constant 0 : i32
    %c0_i32_0 = arith.constant 0 : i32
    %c0_i32_1 = arith.constant 0 : i32
    return %c0_i32, %arg0, %c0_i32_0 : i32, i32, i32
  }
  func.func @transform_2(%arg0: i32) -> (i32, i32, i32) {
    %c0_i32 = arith.constant 0 : i32
    %c0_i32_0 = arith.constant 0 : i32
    %c0_i32_1 = arith.constant 0 : i32
    return %c0_i32, %arg0, %c0_i32_0 : i32, i32, i32
  }
  func.func @transform_3(%arg0: i32) -> (i32, i32) {
    %c0_i32 = arith.constant 0 : i32
    %c0_i32_0 = arith.constant 0 : i32
    %c0_i32_1 = arith.constant 0 : i32
    return %c0_i32, %c0_i32_0 : i32, i32
  }
  func.func @transform_4(%arg0: i32) -> (i32, i32) {
    %c0_i32 = arith.constant 0 : i32
    %c0_i32_0 = arith.constant 0 : i32
    %c0_i32_1 = arith.constant 0 : i32
    return %c0_i32, %c0_i32_0 : i32, i32
  }
  func.func @transform_5(%arg0: i32) -> (i32, i32) {
    %c0_i32 = arith.constant 0 : i32
    %c0_i32_0 = arith.constant 0 : i32
    return %arg0, %c0_i32 : i32, i32
  }
  func.func @transform_6(%arg0: i32) -> (i32, i32) {
    %c0_i32 = arith.constant 0 : i32
    %c0_i32_0 = arith.constant 0 : i32
    %c0_i32_1 = arith.constant 0 : i32
    return %c0_i32, %c0_i32_0 : i32, i32
  }
  func.func @transform_7(%arg0: i32) -> (i32, i32) {
    %c0_i32 = arith.constant 0 : i32
    %c0_i32_0 = arith.constant 0 : i32
    %c0_i32_1 = arith.constant 0 : i32
    return %c0_i32, %c0_i32_0 : i32, i32
  }
  func.func @transform_8(%arg0: i32) -> (i32, i32) {
    %c0_i32 = arith.constant 0 : i32
    %c0_i32_0 = arith.constant 0 : i32
    %c0_i32_1 = arith.constant 0 : i32
    return %c0_i32, %c0_i32_0 : i32, i32
  }
}

</mosaic_0001>

<sc_bundles>
// kernel: kernel.10.cloned.1.call-start
scs
__scs_entry_jumppad:
0x0: {  	(pc) =	sbr.rel $0x88, $3  }
0x1: {  	(tag) =	ssettag $0x0;
	lr =	simm.s32 $0x1  }
0x2: {  	[smem:$0x3F96] =	sst lr;
	_ =	strace $0xD0000000  }
0x3: {  	_ = 	snop  }
0x4: {  	_ = 	snop  }
0x5: {  	_ = 	snop  }
0x6: {  	_ = 	snop  }
0x7: {  	_ = 	snop  }
__scs_overlays_trampoline_lowered:
0x8: {  	[smem:$0x3FA5] =	sst s0  }
0x9: {  	[smem:$0x3FA6] =	sst s1  }
0xa: {  	[smem:$0x3FA7] =	sst s2  }
0xb: {  	[smem:$0x3FA8] =	sst s3  }
0xc: {  	[smem:$0x3FA9] =	sst s4  }
0xd: {  	[smem:$0x3FAA] =	sst s5  }
0xe: {  	[smem:$0x3FAB] =	sst s6  }
0xf: {  	[smem:$0x3FAC] =	sst s7  }
0x10: {  	[smem:$0x3FAD] =	sst s8  }
0x11: {  	[smem:$0x3FAE] =	sst s9;
	s0 =	simm.s32 @!p0 $0x0  }
0x12: {  	s1 =	sld [smem:$0x3F94];
	s0 =	simm.s32 @p0 $0x1  }
0x13: {  	[smem:$0x3FAF] =	sst s0;
	s0 =	simm.s32 @!p1 $0x0  }
0x14: {  	s2 =	sld [smem:$0x3F93];
	s0 =	simm.s32 @p1 $0x1  }
0x15: {  	[smem:$0x3FB0] =	sst s0;
	s0 =	simm.s32 @!p2 $0x0  }
0x16: {  	s3 =	sld [smem:$0x3FDB];
	s0 =	simm.s32 @p2 $0x1  }
0x17: {  	s4 =	simm.s32 $0x1BF5;
	[smem:$0x3FB2] =	sst s0  }
0x18: {  	s0 =	sld [smem:$0x3F95];
	_ =	swait.ge [sflag:s4], $0x0  }
0x19: {  	s7 =	sld [smem:$0x3F96]  }
0x1a: {  	s8 =	sadd.s32 $0xFFFFE003, lr  }
0x1b: {  	s9 =	sadd.s32 $0xFFFFFEF7, lr;
	s5 =	simm.s32 $0xFFFFFFFF;
	p2 =	slt.u32 s8, $0xFFFFF086  }
0x1c: {  	p1 =	slt.u32 s9, $0xF7A;
	s5 =	simm.s32 @!p2 $0x0  }
0x1d: {  	s5 =	simm.s32 @p1 $0x1;
	p0 =	seq.s32 s7, s2  }
0x1e: {  	s7 =	smul.u32 @!p0 $0xF7A, s2;
	p2 =	seq.s32 @!p0 s5, $0x0  }
0x1f: {  	s9 =	smul.u32 $0xF7A, s1;
	s8 =	simm.s32 @!p0 $0x1BF5;
	p2 =	por !p2, p0  }
0x20: {  	[sflag:s8] =	ssyncset.s32 @!p0 $0xFFFFF086;
	s6 =	sadd.s32 @!p0 s3, s7;
	s7 =	simm.s32 @!p0 $0x108  }
0x21: {  	s3 =	sadd.s32 s3, s9;
	s6 =	sadd.s32 @!p0 $0x88, s6;
	s7 =	simm.s32 @p2 $0x1082  }
0x22: {  	[simem:s7], [sflag:s8] =	dma.local @!p0 [hbm:s6], $0xF7A  }
0x23: {  	s9 =	sor.u32 $0xD0000000, s2;
	s6 =	simm.s32 $0x108;
	_ =	swait.ge @!p0 [sflag:s8], $0x0  }
0x24: {  	s3 =	sadd.s32 $0x88, s3;
	s6 =	simm.s32 @!p1 $0x1082;
	[sflag:s4] =	ssyncset.s32 $0xFFFFF086  }
0x25: {  	[simem:s6], [sflag:s4] =	dma.local [hbm:s3], $0xF7A  }
0x26: {  	[smem:$0x3F96] =	sst s1;
	(tag) =	ssettag s2;
	_ =	strace s9  }
0x27: {  	s1 =	sld [smem:$0x3FA6]  }
0x28: {  	s2 =	sld [smem:$0x3FA7]  }
0x29: {  	s4 =	sld [smem:$0x3FA9]  }
0x2a: {  	p0 =	seq.s32 s5, $0x0;
	s5 =	sld [smem:$0x3FAA]  }
0x2b: {  	s6 =	sld [smem:$0x3FAB]  }
0x2c: {  	s7 =	sld [smem:$0x3FAC]  }
0x2d: {  	s3 =	simm.s32 $0x108;
	s8 =	sld [smem:$0x3FAD]  }
0x2e: {  	s3 =	simm.s32 @!p0 $0x1082;
	s9 =	sld [smem:$0x3FAE]  }
0x2f: {  	lr =	sadd.s32 s0, s3;
	s0 =	sld [smem:$0x3FA5]  }
0x30: {  	s3 =	sld [smem:$0x3FA8]  }
0x31: {  	[smem:$0x3FB1] =	sst s10  }
0x32: {  	s10 =	sld [smem:$0x3FAF];
	_ =	sdelay $0x3  }
0x33: {  	p0 =	seq.s32 s10, $0x1;
	s10 =	sld [smem:$0x3FB1];
	_ =	sdelay $0x3  }
0x34: {  	[smem:$0x3FB1] =	sst s10  }
0x35: {  	s10 =	sld [smem:$0x3FB0];
	_ =	sdelay $0x3  }
0x36: {  	p1 =	seq.s32 s10, $0x1;
	s10 =	sld [smem:$0x3FB1];
	_ =	sdelay $0x3  }
0x37: {  	[smem:$0x3FB1] =	sst s10  }
0x38: {  	s10 =	sld [smem:$0x3FB2]  }
0x39: {  	_ = 	snop;
	(pc) =	sbr.ind lr, $3  }
0x3a: {  	_ = 	snop  }
0x3b: {  	_ = 	snop  }
0x3c: {  	p2 =	seq.s32 s10, $0x1;
	s10 =	sld [smem:$0x3FB1]  }
0x3d: {  	_ =	shalt  }
0x3e: {  	_ =	shalt  }
0x3f: {  	_ =	shalt  }
0x40: {  	_ =	shalt  }
0x41: {  	_ =	shalt  }
0x42: {  	_ =	shalt  }
0x43: {  	_ =	shalt  }
0x44: {  	_ =	shalt  }
0x45: {  	_ =	shalt  }
0x46: {  	_ =	shalt  }
0x47: {  	_ =	shalt  }
0x48: {  	_ =	shalt  }
0x49: {  	_ =	shalt  }
0x4a: {  	_ =	shalt  }
0x4b: {  	_ =	shalt  }
0x4c: {  	_ =	shalt  }
0x4d: {  	_ =	shalt  }
0x4e: {  	_ =	shalt  }
0x4f: {  	_ =	shalt  }
0x50: {  	_ =	shalt  }
0x51: {  	_ =	shalt  }
0x52: {  	_ =	shalt  }
0x53: {  	_ =	shalt  }
0x54: {  	_ =	shalt  }
0x55: {  	_ =	shalt  }
0x56: {  	_ =	shalt  }
0x57: {  	_ =	shalt  }
0x58: {  	_ =	shalt  }
0x59: {  	_ =	shalt  }
0x5a: {  	_ =	shalt  }
0x5b: {  	_ =	shalt  }
0x5c: {  	_ =	shalt  }
0x5d: {  	_ =	shalt  }
0x5e: {  	_ =	shalt  }
0x5f: {  	_ =	shalt  }
0x60: {  	_ =	shalt  }
0x61: {  	_ =	shalt  }
0x62: {  	_ =	shalt  }
0x63: {  	_ =	shalt  }
0x64: {  	_ =	shalt  }
0x65: {  	_ =	shalt  }
0x66: {  	_ =	shalt  }
0x67: {  	_ =	shalt  }
0x68: {  	_ =	shalt  }
0x69: {  	_ =	shalt  }
0x6a: {  	_ =	shalt  }
0x6b: {  	_ =	shalt  }
0x6c: {  	_ =	shalt  }
0x6d: {  	_ =	shalt  }
0x6e: {  	_ =	shalt  }
0x6f: {  	_ =	shalt  }
0x70: {  	_ =	shalt  }
0x71: {  	_ =	shalt  }
0x72: {  	_ =	shalt  }
0x73: {  	_ =	shalt  }
0x74: {  	_ =	shalt  }
0x75: {  	_ =	shalt  }
0x76: {  	_ =	shalt  }
0x77: {  	_ =	shalt  }
0x78: {  	_ =	shalt  }
0x79: {  	_ =	shalt  }
0x7a: {  	_ =	shalt  }
0x7b: {  	_ =	shalt  }
0x7c: {  	_ =	shalt  }
0x7d: {  	_ =	shalt  }
0x7e: {  	_ =	shalt  }
0x7f: {  	_ =	shalt  }
0x80: {  	_ =	shalt  }
0x81: {  	_ =	shalt  }
0x82: {  	_ =	shalt  }
0x83: {  	_ =	shalt  }
0x84: {  	_ =	shalt  }
0x85: {  	_ =	shalt  }
0x86: {  	_ =	shalt  }
0x87: {  	_ =	shalt  }
.Lfunc_end0:
.L_simem_size_0:
called_computation_lowered:
.L_overlay_start_0:
0x88: {  	s2 =	sld [smem:$0x3FD9]  }
0x89: {  	s3 =	sld [smem:$0x3FFE];
	_ =	sdelay $0x1  }
0x8a: {  	s1 =	srdreg.scid  }
0x8b: {  	s0 =	sand.u32 $0x1, s1  }
0x8c: {  	s16 =	sshll.u32 s0, $0xA;
	s2 =	sadd.s32 s3, s2  }
0x8d: {  	s2 =	sadd.s32 s2, s16  }
0x8e: {  	[smem:$0x3FBD] =	sst s2  }
0x8f: {  	_ = 	snop  }
0x90: {  	(tm) =	ssettm $0x1  }
0x91: {  	s17 =	sld [smem:$0x3FFB];
	_ =	sdelay $0x3  }
0x92: {  	_ =	strace s17  }
0x93: {  	s2 =	sld [smem:$0x3FFC];
	_ =	sdelay $0x3  }
0x94: {  	_ =	strace s2  }
0x95: {  	s2 =	sld [smem:$0x3FFD];
	_ =	sdelay $0x3  }
0x96: {  	_ =	strace s2  }
0x97: {  	_ =	strace $0x8FFFFFFF  }
0x98: {  	s18 =	sld [smem:$0x3FDB];
	_ =	sdelay $0x1  }
0x99: {  	s19 =	simm.s32 $_scs_section_size  }
0x9a: {  	s4 =	simm.s32 $_size__tile_overlayer_lowered;
	s5 =	simm.s32 $_tile_overlayer_lowered  }
0x9b: {  	s22 =	simm.s32 $0x1BFF;
	s21 =	sshll.u32 s5, $0x1;
	s2 =	sadd.s32 s19, s18  }
0x9c: {  	s6 =	simm.s32 $0x0;
	s20 =	sshll.u32 s4, $0x1;
	s4 =	sadd.s32 s21, s2  }
0x9d: {  	[timem:s6], [sflag:s22] =	dma.local [hbm:s4], s20  }
0x9e: {  	_ =	swait.ge [sflag:s22], s20  }
0x9f: {  	s3 =	ssub.s32 $0x0, s20;
	[sflag:s22] =	ssyncset.done $0x0  }
0xa0: {  	[sflag:s22] =	ssyncadd.s32 s3;
	_ =	sdelay $0x1  }
0xa1: {  	s23 =	simm.s32 $0x1B8B  }
0xa2: {  	_ =	swait.ge [sflag:s23], $0x1  }
0xa3: {  	[sflag:s23] =	ssyncset.done $0x0  }
0xa4: {  	s25 =	simm.s32 $0x1B8E;
	s24 =	sld [smem:$0x3FFE];
	[sflag:s23] =	ssyncadd.s32 $0xFFFFFFFF  }
0xa5: {  	s26 =	simm.s32 $execute0_lowered;
	[smem:$0x3FD2] =	sst s25  }
0xa6: {  	s4 =	sshll.u32 s26, $0x1;
	_ =	strace $0x80000046;
	[dreg:$0x1] =	wrdreg $0xFFFFFFFF  }
0xa7: {  	s28 =	simm.s32 $_size_execute0_lowered;
	s2 =	sadd.s32 s2, s4;
	[dreg:$0x0] =	wrdreg $0x0  }
0xa8: {  	s4 =	sshll.u32 s28, $0x1;
	[dreg:$0x2] =	wrdreg s2  }
0xa9: {  	[dreg:$0x3] =	wrdreg s4  }
0xaa: {  	[dreg:$0x4] =	wrdreg $0xC0  }
0xab: {  	_ =	task [dreg:s6], $0x5FFFF  }
0xac: {  	[dreg:$0x1] =	wrdreg $0xFFFFFFFF  }
0xad: {  	[dreg:$0x0] =	wrdreg $0x60  }
0xae: {  	[dreg:$0x2] =	wrdreg s24  }
0xaf: {  	[dreg:$0x3] =	wrdreg $0x60800  }
0xb0: {  	[dreg:$0x4] =	wrdreg $0x9  }
0xb1: {  	_ =	task.clear_ibuf [dreg:s6], $0x5FFFF;
	_ =	strace $0x90000046  }
0xb2: {  	s29 =	simm.s32 $0x9;
	_ =	strace $0x80000048  }
0xb3: {  	_ =	swait.ge [sflag:s29], $0x1  }
0xb4: {  	[sflag:s29] =	ssyncadd.s32 $0xFFFFFFFF  }
0xb5: {  	_ =	strace $0x90000048  }
0xb6: {  	_ =	sfence  }
0xb7: {  	s30 =	sld [smem:$0x0];
	_ =	sdelay $0x2  }
0xb8: {  	s31 =	sshll.u32 s1, $0xD;
	s1 =	sshrl.u32 s1, $0x2  }
0xb9: {  	s3 =	sand.u32 $0x4000, s31;
	s1 =	sadd.s32 s1, s30  }
0xba: {  	s0 =	sor.u32 s3, s0;
	s1 =	sshll.u32 s1, $0x11  }
0xbb: {  	s0 =	sor.u32 s1, s0  }
0xbc: {  	s0 =	sadd.s32 $0x8F2B, s0  }
0xbd: {  	[sflag:s0] =	ssyncadd.remote.s32 $0x1  }
0xbe: {  	_ =	sfence.sel $0xFFFF  }
0xbf: {  	[dreg:$0x0] =	wrdreg $0xFFFFFFFF;
	(pc) =	sbr.abs _section_cstart, $3  }
0xc0: {  	[dreg:$0x1] =	wrdreg $0xFFFFFFFF  }
0xc1: {  	_ =	task.clear_ibuf [dreg:s6], $0x2FFFF;
	_ =	strace $0x9FFFFFFF  }
0xc2: {  	(tm) =	ssettm $0x7FFFFFFF  }
0xc3: {  	_ =	shalt  }
tec
execute0_lowered:
.L_overlay_start_1:
0x0: {  	(tag) =	ssettag $0x1  }
0x1: {  	s8 =	stileid.u32  }
0x2: {  	s2 =	smul.u32 $0x500, s8  }
0x3: {  	s0 =	srdreg.scid;
	s6 =	smul.u32 $0x14000, s8  }
0x4: {  	s3 =	rddreg [dreg:$0x0];
	s0 =	sand.u32 $0x1, s0;
	s15 =	smul.u32 $0x50000, s8  }
0x5: {  	s1 =	simm.s32 $0x0;
	s12 =	rddreg [dreg:$0x1];
	s4 =	smul.u32 $0x140000, s0  }
0x6: {  	[smem:$0x7FF] =	sst s1;
	s5 =	ssub.s32 $0x2, s0;
	s0 =	smul.u32 $0x280, s0  }
0x7: {  	s2 =	sadd.s32 s2, s3;
	s3 =	sadd.s32 $0x9200, s3;
	s7 =	sshrl.u32 s5, $0x1  }
0x8: {  	s9 =	sor.u32 $0x2000, s6;
	s11 =	sadd.s32 $0x4000, s6;
	s5 =	ssub.s32 s5, s7  }
0x9: {  	s16 =	sadd.s32 s4, s6;
	s17 =	sadd.s32 s4, s9;
	s10 =	sadd.s32 s4, s11  }
0xa: {  	s0 =	sadd.s32 s0, s2;
	s11 =	sadd.s32 s11, s12;
	s7 =	simm.s32 $0x0  }
0xb: {  	s8 =	sshrl.u32 s16, $0x3;
	s10 =	sshrl.u32 s10, $0x3;
	s16 =	sadd.s32 $0x6000, s6  }
0xc: {  	s8 =	sadd.s32 s3, s8;
	s18 =	sadd.s32 s3, s10;
	s19 =	sadd.s32 s4, s16  }
0xd: {  	s13 =	sadd.s32 s16, s12;
	s16 =	sadd.s32 $0x4200, s0;
	[dreg:$0x3] =	wrdreg s8  }
0xe: {  	s8 =	sshrl.u32 s17, $0x3;
	[dreg:$0x5] =	wrdreg s18;
	s17 =	sadd.s32 $0x8000, s6  }
0xf: {  	s18 =	sadd.s32 $0xA000, s6;
	s8 =	sadd.s32 s3, s8;
	s20 =	sadd.s32 s4, s17  }
0x10: {  	s21 =	sadd.s32 s4, s18;
	[dreg:$0x4] =	wrdreg s8;
	s8 =	sshrl.u32 s19, $0x3  }
0x11: {  	s10 =	sshrl.u32 s21, $0x3;
	s19 =	sadd.s32 $0xC000, s6;
	s21 =	sadd.s32 $0x10000, s6  }
0x12: {  	s8 =	sadd.s32 s3, s8;
	s22 =	sadd.s32 s3, s10;
	s23 =	sadd.s32 s4, s19  }
0x13: {  	s25 =	sadd.s32 s4, s21;
	[dreg:$0x6] =	wrdreg s8;
	s8 =	sshrl.u32 s20, $0x3  }
0x14: {  	[dreg:$0x8] =	wrdreg s22;
	s20 =	sadd.s32 $0xE000, s6;
	s10 =	sshrl.u32 s25, $0x3  }
0x15: {  	s6 =	sadd.s32 $0x12000, s6;
	s22 =	sadd.s32 s17, s12;
	s8 =	sadd.s32 s3, s8  }
0x16: {  	s24 =	sadd.s32 s4, s20;
	s26 =	sadd.s32 s3, s10;
	s4 =	sadd.s32 s4, s6  }
0x17: {  	s10 =	sadd.s32 s9, s12;
	s25 =	sadd.s32 s20, s12;
	s6 =	sadd.s32 s6, s12  }
0x18: {  	s20 =	sshrl.u32 s22, $0x3;
	[dreg:$0x7] =	wrdreg s8;
	s8 =	sshrl.u32 s23, $0x3  }
0x19: {  	[dreg:$0xb] =	wrdreg s26;
	s4 =	sshrl.u32 s4, $0x3;
	s23 =	sadd.s32 s18, s12  }
0x1a: {  	s26 =	sadd.s32 s21, s12;
	s17 =	sshrl.u32 s10, $0x3;
	s18 =	sshrl.u32 s11, $0x3  }
0x1b: {  	s8 =	sadd.s32 s3, s8;
	s21 =	sshrl.u32 s23, $0x3;
	s23 =	sshrl.u32 s25, $0x3  }
0x1c: {  	s25 =	sshrl.u32 s6, $0x3;
	s6 =	simm.s32 $0x80;
	[dreg:$0x9] =	wrdreg s8  }
0x1d: {  	s8 =	sshrl.u32 s24, $0x3;
	s24 =	sadd.s32 s19, s12;
	s19 =	sshrl.u32 s13, $0x3  }
0x1e: {  	s8 =	sadd.s32 s3, s8;
	s3 =	sadd.s32 s3, s4;
	s22 =	sshrl.u32 s24, $0x3  }
0x1f: {  	s24 =	sshrl.u32 s26, $0x3;
	s4 =	simm.s32 $0x4080;
	[dreg:$0xa] =	wrdreg s8  }
0x20: {  	[dreg:$0xc] =	wrdreg s3;
	s8 =	sshrl.u32 s15, $0x2;
	s15 =	smax.u32 s5, $0x1  }
0x21: {  	s5 =	simm.s32 $0x1;
	_ =	strace $0x80000047;
	s14 =	sadd.s32 s8, s12  }
0x22: {  	s26 =	sadd.s32 $0x2000, s14;
	s28 =	sadd.s32 $0x4000, s14;
	s29 =	sadd.s32 $0x6000, s14  }
0x23: {  	s30 =	sadd.s32 $0x8000, s14;
	s31 =	sadd.s32 $0xA000, s14;
	s11 =	sadd.s32 $0xC000, s14  }
0x24: {  	v0 =	vimm.f32 $1.000000000e+00;
	v1 =	vimm.f32 $0.0e+00;
	s0 =	sadd.s32 $0xE000, s14;
	s2 =	sadd.s32 $0x10000, s14;
	s3 =	sadd.s32 $0x12000, s14  }
.LBB2_1:
0x25: {  	s8 =	simm.s32 $0x0;
	s9 =	simm.s32 $0x200  }
.LBB2_2:
0x26: {  	p0 =	sne.s32 s9, $0xFE00;
	[tilespmem:s8+$0xF0] =	vst v0  }
0x27: {  	[tilespmem:s8+$0x80] =	vst v0  }
0x28: {  	[tilespmem:s8+$0x90] =	vst v0  }
.Ltmp0:
0x29: {  	[tilespmem:s8+$0xA0] =	vst v0;
	(pc) =	sbr.rel @p0 .LBB2_2-.Ltmp0, $4  }
0x2a: {  	[tilespmem:s8+$0xB0] =	vst v0  }
0x2b: {  	[tilespmem:s8+$0xC0] =	vst v0  }
0x2c: {  	[tilespmem:s8+$0xD0] =	vst v0  }
0x2d: {  	[tilespmem:s8+$0xE0] =	vst v0;
	s8 =	sshra.s32 s9, $0x2;
	s9 =	sadd.s32 $0x200, s9  }
0x2e: {  	[tilespmem:s8+$0xF0] =	vst v0  }
0x2f: {  	[tilespmem:s8+$0x80] =	vst v0  }
0x30: {  	[tilespmem:s8+$0x90] =	vst v0  }
0x31: {  	[tilespmem:s8+$0xA0] =	vst v0  }
0x32: {  	[tilespmem:s8+$0xB0] =	vst v0  }
0x33: {  	[tilespmem:s8+$0xC0] =	vst v0  }
0x34: {  	[tilespmem:s8+$0xD0] =	vst v0  }
0x35: {  	[tilespmem:s8+$0xE0] =	vst v0;
	s8 =	simm.s32 $0x0;
	s9 =	simm.s32 $0x200  }
.LBB2_4:
0x36: {  	p0 =	sne.s32 s9, $0x7E00;
	[tilespmem:s8+$0x40F0] =	vst v1  }
0x37: {  	[tilespmem:s8+$0x4080] =	vst v1  }
0x38: {  	[tilespmem:s8+$0x4090] =	vst v1  }
.Ltmp1:
0x39: {  	[tilespmem:s8+$0x40A0] =	vst v1;
	(pc) =	sbr.rel @p0 .LBB2_4-.Ltmp1, $4  }
0x3a: {  	[tilespmem:s8+$0x40B0] =	vst v1  }
0x3b: {  	[tilespmem:s8+$0x40C0] =	vst v1  }
0x3c: {  	[tilespmem:s8+$0x40D0] =	vst v1  }
0x3d: {  	[tilespmem:s8+$0x40E0] =	vst v1;
	s8 =	sshra.s32 s9, $0x2;
	s9 =	sadd.s32 $0x200, s9  }
0x3e: {  	[tilespmem:s8+$0x40F0] =	vst v1  }
0x3f: {  	[tilespmem:s8+$0x4080] =	vst v1  }
0x40: {  	[tilespmem:s8+$0x4090] =	vst v1  }
0x41: {  	[tilespmem:s8+$0x40A0] =	vst v1  }
0x42: {  	[tilespmem:s8+$0x40B0] =	vst v1  }
0x43: {  	[tilespmem:s8+$0x40C0] =	vst v1  }
0x44: {  	[tilespmem:s8+$0x40D0] =	vst v1  }
0x45: {  	[tilespmem:s8+$0x40E0] =	vst v1  }
0x46: {  	[spmem:s14] =	stream.linear.scatter [tilespmem:s4], [sflag:$0x1], $0x2000, $0x38;
	[tilespmem:$0x1A080] =	vst v63  }
0x47: {  	_ =	swait.ge [sflag:s5], $0x2000  }
0x48: {  	[sflag:s5] =	ssyncset.done $0x0  }
0x49: {  	[sflag:s5] =	ssyncadd.s32 $0xFFFFE000  }
0x4a: {  	[spmem:s26] =	stream.linear.scatter [tilespmem:s4], [sflag:$0x1], $0x2000, $0x38;
	[tilespmem:$0x1A080] =	vst v63  }
0x4b: {  	_ =	swait.ge [sflag:s5], $0x2000  }
0x4c: {  	[sflag:s5] =	ssyncset.done $0x0  }
0x4d: {  	[sflag:s5] =	ssyncadd.s32 $0xFFFFE000  }
0x4e: {  	[spmem:s28] =	stream.linear.scatter [tilespmem:s4], [sflag:$0x1], $0x2000, $0x38;
	[tilespmem:$0x1A080] =	vst v63  }
0x4f: {  	_ =	swait.ge [sflag:s5], $0x2000  }
0x50: {  	[sflag:s5] =	ssyncset.done $0x0  }
0x51: {  	[sflag:s5] =	ssyncadd.s32 $0xFFFFE000  }
0x52: {  	[spmem:s29] =	stream.linear.scatter [tilespmem:s4], [sflag:$0x1], $0x2000, $0x38;
	[tilespmem:$0x1A080] =	vst v63  }
0x53: {  	_ =	swait.ge [sflag:s5], $0x2000  }
0x54: {  	[sflag:s5] =	ssyncset.done $0x0  }
0x55: {  	[sflag:s5] =	ssyncadd.s32 $0xFFFFE000  }
0x56: {  	[spmem:s30] =	stream.linear.scatter [tilespmem:s4], [sflag:$0x1], $0x2000, $0x38;
	[tilespmem:$0x1A080] =	vst v63  }
0x57: {  	_ =	swait.ge [sflag:s5], $0x2000  }
0x58: {  	[sflag:s5] =	ssyncset.done $0x0  }
0x59: {  	[sflag:s5] =	ssyncadd.s32 $0xFFFFE000  }
0x5a: {  	[spmem:s31] =	stream.linear.scatter [tilespmem:s4], [sflag:$0x1], $0x2000, $0x38;
	[tilespmem:$0x1A080] =	vst v63  }
0x5b: {  	_ =	swait.ge [sflag:s5], $0x2000  }
0x5c: {  	[sflag:s5] =	ssyncset.done $0x0  }
0x5d: {  	[sflag:s5] =	ssyncadd.s32 $0xFFFFE000  }
0x5e: {  	[spmem:s11] =	stream.linear.scatter [tilespmem:s4], [sflag:$0x1], $0x2000, $0x38;
	[tilespmem:$0x1A080] =	vst v63  }
0x5f: {  	_ =	swait.ge [sflag:s5], $0x2000  }
0x60: {  	[sflag:s5] =	ssyncset.done $0x0  }
0x61: {  	[sflag:s5] =	ssyncadd.s32 $0xFFFFE000  }
0x62: {  	[spmem:s0] =	stream.linear.scatter [tilespmem:s4], [sflag:$0x1], $0x2000, $0x38;
	[tilespmem:$0x1A080] =	vst v63  }
0x63: {  	_ =	swait.ge [sflag:s5], $0x2000  }
0x64: {  	[sflag:s5] =	ssyncset.done $0x0  }
0x65: {  	[sflag:s5] =	ssyncadd.s32 $0xFFFFE000  }
0x66: {  	[spmem:s2] =	stream.linear.scatter [tilespmem:s4], [sflag:$0x1], $0x2000, $0x38;
	[tilespmem:$0x1A080] =	vst v63  }
0x67: {  	_ =	swait.ge [sflag:s5], $0x2000  }
0x68: {  	[sflag:s5] =	ssyncset.done $0x0  }
0x69: {  	[sflag:s5] =	ssyncadd.s32 $0xFFFFE000  }
0x6a: {  	[spmem:s3] =	stream.linear.scatter [tilespmem:s4], [sflag:$0x1], $0x2000, $0x38;
	[tilespmem:$0x1A080] =	vst v63  }
0x6b: {  	_ =	swait.ge [sflag:s5], $0x2000  }
0x6c: {  	[sflag:s5] =	ssyncset.done $0x0  }
0x6d: {  	[sflag:s5] =	ssyncadd.s32 $0xFFFFE000  }
0x6e: {  	s13 =	sadd.s32 $0x0, s16;
	[bflag:$0x0] =	sbarrier.arrive $0xFFFF  }
0x6f: {  	[tilespmem:s1], [sflag:$0x1] =	stream.linear.gather [hbm4b:s13+s1], $0x80, $0x38;
	[tilespmem:$0x1A080] =	vst v63  }
0x70: {  	_ =	swait.ge [sflag:s5], $0x80  }
0x71: {  	[sflag:s5] =	ssyncset.done $0x0  }
0x72: {  	[sflag:s5] =	ssyncadd.s32 $0xFFFFFF80  }
0x73: {  	[spmem:s12] =	stream.indirect.scatter.add.f32 [tilespmem:s6], [sflag:$0x1], $0x80, s1, s6, $0xb8;
	[tilespmem:$0x1A080] =	vst v63  }
0x74: {  	_ =	swait.ge [sflag:s5], $0x4000  }
0x75: {  	s8 =	simm.s32 $0x10;
	s9 =	simm.s32 $0x20;
	[sflag:s5] =	ssyncset.done $0x0  }
.LBB2_6:
0x76: {  	s10 =	sadd.s32 s8, s16  }
0x77: {  	[sflag:s5] =	ssyncadd.s32 $0xFFFFC000;
	s8 =	smov.u32 s9;
	s13 =	sadd.s32 $0x10, s9  }
0x78: {  	[tilespmem:s1], [sflag:$0x1] =	stream.linear.gather [hbm4b:s10+s1], $0x80, $0x38;
	[tilespmem:$0x1A080] =	vst v63  }
0x79: {  	p0 =	sne.s32 s9, $0x270;
	_ =	swait.ge [sflag:s5], $0x80  }
.Ltmp2:
0x7a: {  	[sflag:s5] =	ssyncset.done $0x0;
	(pc) =	sbr.rel @p0 .LBB2_6-.Ltmp2, $4  }
0x7b: {  	[sflag:s5] =	ssyncadd.s32 $0xFFFFFF80  }
0x7c: {  	[spmem:s12] =	stream.indirect.scatter.add.f32 [tilespmem:s6], [sflag:$0x1], $0x80, s1, s6, $0xb8;
	[tilespmem:$0x1A080] =	vst v63  }
0x7d: {  	_ =	swait.ge [sflag:s5], $0x4000  }
0x7e: {  	s9 =	smov.u32 s13;
	[sflag:s5] =	ssyncset.done $0x0  }
0x7f: {  	s8 =	sadd.s32 s8, s16;
	[sflag:s5] =	ssyncadd.s32 $0xFFFFC000  }
0x80: {  	[tilespmem:s1], [sflag:$0x1] =	stream.linear.gather [hbm4b:s8+s1], $0x80, $0x38;
	[tilespmem:$0x1A080] =	vst v63  }
0x81: {  	_ =	swait.ge [sflag:s5], $0x80  }
0x82: {  	[sflag:s5] =	ssyncset.done $0x0  }
0x83: {  	[sflag:s5] =	ssyncadd.s32 $0xFFFFFF80  }
0x84: {  	[spmem:s12] =	stream.indirect.scatter.add.f32 [tilespmem:s6], [sflag:$0x1], $0x80, s1, s6, $0xb8;
	[tilespmem:$0x1A080] =	vst v63  }
0x85: {  	_ =	swait.ge [sflag:s5], $0x4000  }
0x86: {  	[sflag:s5] =	ssyncset.done $0x0  }
0x87: {  	s10 =	stileid.u32;
	[sflag:s5] =	ssyncadd.s32 $0xFFFFC000  }
0x88: {  	s8 =	sshll.u32 s10, $0x6;
	[bflag:$0x0] =	sbarrier.arrive $0xFFFF  }
0x89: {  	s9 =	sshrl.u32 s14, $0x3;
	s8 =	sor.u32 $0x1C01, s8;
	s10 =	rddreg [dreg:$0x3]  }
0x8a: {  	[hbm:s10], [sflag:s8] =	dma.local [spmem:s9], $0x400  }
0x8b: {  	_ =	swait.ge [sflag:s5], $0x400  }
0x8c: {  	[sflag:s5] =	ssyncset.done $0x0  }
0x8d: {  	s13 =	rddreg [dreg:$0x4];
	[sflag:s5] =	ssyncadd.s32 $0xFFFFFC00  }
0x8e: {  	[hbm:s13], [sflag:s8] =	dma.local [spmem:s17], $0x400  }
0x8f: {  	_ =	swait.ge [sflag:s5], $0x400  }
0x90: {  	[sflag:s5] =	ssyncset.done $0x0  }
0x91: {  	s10 =	rddreg [dreg:$0x5];
	[sflag:s5] =	ssyncadd.s32 $0xFFFFFC00  }
0x92: {  	[hbm:s10], [sflag:s8] =	dma.local [spmem:s18], $0x400  }
0x93: {  	_ =	swait.ge [sflag:s5], $0x400  }
0x94: {  	[sflag:s5] =	ssyncset.done $0x0  }
0x95: {  	s13 =	rddreg [dreg:$0x6];
	[sflag:s5] =	ssyncadd.s32 $0xFFFFFC00  }
0x96: {  	[hbm:s13], [sflag:s8] =	dma.local [spmem:s19], $0x400  }
0x97: {  	_ =	swait.ge [sflag:s5], $0x400  }
0x98: {  	[sflag:s5] =	ssyncset.done $0x0  }
0x99: {  	s10 =	rddreg [dreg:$0x7];
	[sflag:s5] =	ssyncadd.s32 $0xFFFFFC00  }
0x9a: {  	[hbm:s10], [sflag:s8] =	dma.local [spmem:s20], $0x400  }
0x9b: {  	_ =	swait.ge [sflag:s5], $0x400  }
0x9c: {  	[sflag:s5] =	ssyncset.done $0x0  }
0x9d: {  	s13 =	rddreg [dreg:$0x8];
	[sflag:s5] =	ssyncadd.s32 $0xFFFFFC00  }
0x9e: {  	[hbm:s13], [sflag:s8] =	dma.local [spmem:s21], $0x400  }
0x9f: {  	_ =	swait.ge [sflag:s5], $0x400  }
0xa0: {  	[sflag:s5] =	ssyncset.done $0x0  }
0xa1: {  	s10 =	rddreg [dreg:$0x9];
	[sflag:s5] =	ssyncadd.s32 $0xFFFFFC00  }
0xa2: {  	[hbm:s10], [sflag:s8] =	dma.local [spmem:s22], $0x400  }
0xa3: {  	_ =	swait.ge [sflag:s5], $0x400  }
0xa4: {  	[sflag:s5] =	ssyncset.done $0x0  }
0xa5: {  	s13 =	rddreg [dreg:$0xa];
	[sflag:s5] =	ssyncadd.s32 $0xFFFFFC00  }
0xa6: {  	[hbm:s13], [sflag:s8] =	dma.local [spmem:s23], $0x400  }
0xa7: {  	_ =	swait.ge [sflag:s5], $0x400  }
0xa8: {  	[sflag:s5] =	ssyncset.done $0x0  }
0xa9: {  	s10 =	rddreg [dreg:$0xb];
	[sflag:s5] =	ssyncadd.s32 $0xFFFFFC00  }
0xaa: {  	[hbm:s10], [sflag:s8] =	dma.local [spmem:s24], $0x400  }
0xab: {  	s7 =	sadd.s32 $0x1, s7;
	_ =	swait.ge [sflag:s5], $0x400  }
0xac: {  	p0 =	sne.s32 s7, s15;
	[sflag:s5] =	ssyncset.done $0x0  }
.Ltmp3:
0xad: {  	s13 =	rddreg [dreg:$0xc];
	[sflag:s5] =	ssyncadd.s32 $0xFFFFFC00;
	(pc) =	sbr.rel @p0 .LBB2_1-.Ltmp3, $4  }
0xae: {  	[hbm:s13], [sflag:s8] =	dma.local [spmem:s25], $0x400  }
0xaf: {  	_ =	swait.ge [sflag:s5], $0x400  }
0xb0: {  	[sflag:s5] =	ssyncset.done $0x0  }
0xb1: {  	[sflag:s5] =	ssyncadd.s32 $0xFFFFFC00  }
0xb2: {  	_ =	sfence.sel $0x180000  }
0xb3: {  	[bflag:$0x0] =	sbarrier.arrive $0xFFFF  }
0xb4: {  	_ =	strace $0x90000047  }
0xb5: {  	s0 =	stileid.u32;
	[bflag:$0x2] =	sbarrier.arrive $0xFFFF  }
0xb6: {  	p0 =	sne.s32 s0, $0x0;
	s0 =	rddreg [dreg:$0x2]  }
0xb7: {  	s0 =	sadd.s32 @!p0 $0x100000, s0  }
0xb8: {  	[sflag:s0] =	ssyncadd.tile.s32 @!p0 $0x1;
	_ =	shalt  }
.Lfunc_end2:
_tile_overlayer_lowered:
.L_overlay_start_2:
0xb9: {  	(tag) =	ssettag $0x2  }
0xba: {  	s0 =	rddreg [dreg:$0x0];
	s2 =	stileid.u32  }
0xbb: {  	s1 =	rddreg [dreg:$0x1];
	p0 =	sne.s32 s2, $0x0  }
0xbc: {  	s3 =	rddreg [dreg:$0x2];
	[bflag:$0x3] =	sbarrier.arrive $0xFFFF;
	s2 =	simm.s32 @!p0 $0x1C01  }
0xbd: {  	[timem:s3], [sflag:s2] =	dma.local @!p0 [hbm:s0], s1  }
0xbe: {  	s0 =	simm.s32 @!p0 $0x1  }
0xbf: {  	_ =	swait.ge @!p0 [sflag:s0], s1  }
0xc0: {  	s1 =	ssub.s32 @!p0 $0x0, s1;
	[sflag:s0] =	ssyncset.done @!p0 $0x0  }
0xc1: {  	[sflag:s0] =	ssyncadd.s32 @!p0 s1  }
0xc2: {  	[bflag:$0x3] =	sbarrier.arrive $0xFFFF  }
0xc3: {  	_ =	shalt  }

// kernel: kernel.13.cloned.1.call-start
scs
__scs_entry_jumppad:
0x0: {  	(pc) =	sbr.rel $0x88, $3  }
0x1: {  	(tag) =	ssettag $0x0;
	lr =	simm.s32 $0x1  }
0x2: {  	[smem:$0x3F96] =	sst lr;
	_ =	strace $0xD0000000  }
0x3: {  	_ = 	snop  }
0x4: {  	_ = 	snop  }
0x5: {  	_ = 	snop  }
0x6: {  	_ = 	snop  }
0x7: {  	_ = 	snop  }
__scs_overlays_trampoline_lowered:
0x8: {  	[smem:$0x3FA5] =	sst s0  }
0x9: {  	[smem:$0x3FA6] =	sst s1  }
0xa: {  	[smem:$0x3FA7] =	sst s2  }
0xb: {  	[smem:$0x3FA8] =	sst s3  }
0xc: {  	[smem:$0x3FA9] =	sst s4  }
0xd: {  	[smem:$0x3FAA] =	sst s5  }
0xe: {  	[smem:$0x3FAB] =	sst s6  }
0xf: {  	[smem:$0x3FAC] =	sst s7  }
0x10: {  	[smem:$0x3FAD] =	sst s8  }
0x11: {  	[smem:$0x3FAE] =	sst s9;
	s0 =	simm.s32 @!p0 $0x0  }
0x12: {  	s1 =	sld [smem:$0x3F94];
	s0 =	simm.s32 @p0 $0x1  }
0x13: {  	[smem:$0x3FAF] =	sst s0;
	s0 =	simm.s32 @!p1 $0x0  }
0x14: {  	s2 =	sld [smem:$0x3F93];
	s0 =	simm.s32 @p1 $0x1  }
0x15: {  	[smem:$0x3FB0] =	sst s0;
	s0 =	simm.s32 @!p2 $0x0  }
0x16: {  	s3 =	sld [smem:$0x3FDB];
	s0 =	simm.s32 @p2 $0x1  }
0x17: {  	s4 =	simm.s32 $0x1BF5;
	[smem:$0x3FB2] =	sst s0  }
0x18: {  	s0 =	sld [smem:$0x3F95];
	_ =	swait.ge [sflag:s4], $0x0  }
0x19: {  	s7 =	sld [smem:$0x3F96]  }
0x1a: {  	s8 =	sadd.s32 $0xFFFFE003, lr  }
0x1b: {  	s9 =	sadd.s32 $0xFFFFFEF7, lr;
	s5 =	simm.s32 $0xFFFFFFFF;
	p2 =	slt.u32 s8, $0xFFFFF086  }
0x1c: {  	p1 =	slt.u32 s9, $0xF7A;
	s5 =	simm.s32 @!p2 $0x0  }
0x1d: {  	s5 =	simm.s32 @p1 $0x1;
	p0 =	seq.s32 s7, s2  }
0x1e: {  	s7 =	smul.u32 @!p0 $0xF7A, s2;
	p2 =	seq.s32 @!p0 s5, $0x0  }
0x1f: {  	s9 =	smul.u32 $0xF7A, s1;
	s8 =	simm.s32 @!p0 $0x1BF5;
	p2 =	por !p2, p0  }
0x20: {  	[sflag:s8] =	ssyncset.s32 @!p0 $0xFFFFF086;
	s6 =	sadd.s32 @!p0 s3, s7;
	s7 =	simm.s32 @!p0 $0x108  }
0x21: {  	s3 =	sadd.s32 s3, s9;
	s6 =	sadd.s32 @!p0 $0x88, s6;
	s7 =	simm.s32 @p2 $0x1082  }
0x22: {  	[simem:s7], [sflag:s8] =	dma.local @!p0 [hbm:s6], $0xF7A  }
0x23: {  	s9 =	sor.u32 $0xD0000000, s2;
	s6 =	simm.s32 $0x108;
	_ =	swait.ge @!p0 [sflag:s8], $0x0  }
0x24: {  	s3 =	sadd.s32 $0x88, s3;
	s6 =	simm.s32 @!p1 $0x1082;
	[sflag:s4] =	ssyncset.s32 $0xFFFFF086  }
0x25: {  	[simem:s6], [sflag:s4] =	dma.local [hbm:s3], $0xF7A  }
0x26: {  	[smem:$0x3F96] =	sst s1;
	(tag) =	ssettag s2;
	_ =	strace s9  }
0x27: {  	s1 =	sld [smem:$0x3FA6]  }
0x28: {  	s2 =	sld [smem:$0x3FA7]  }
0x29: {  	s4 =	sld [smem:$0x3FA9]  }
0x2a: {  	p0 =	seq.s32 s5, $0x0;
	s5 =	sld [smem:$0x3FAA]  }
0x2b: {  	s6 =	sld [smem:$0x3FAB]  }
0x2c: {  	s7 =	sld [smem:$0x3FAC]  }
0x2d: {  	s3 =	simm.s32 $0x108;
	s8 =	sld [smem:$0x3FAD]  }
0x2e: {  	s3 =	simm.s32 @!p0 $0x1082;
	s9 =	sld [smem:$0x3FAE]  }
0x2f: {  	lr =	sadd.s32 s0, s3;
	s0 =	sld [smem:$0x3FA5]  }
0x30: {  	s3 =	sld [smem:$0x3FA8]  }
0x31: {  	[smem:$0x3FB1] =	sst s10  }
0x32: {  	s10 =	sld [smem:$0x3FAF];
	_ =	sdelay $0x3  }
0x33: {  	p0 =	seq.s32 s10, $0x1;
	s10 =	sld [smem:$0x3FB1];
	_ =	sdelay $0x3  }
0x34: {  	[smem:$0x3FB1] =	sst s10  }
0x35: {  	s10 =	sld [smem:$0x3FB0];
	_ =	sdelay $0x3  }
0x36: {  	p1 =	seq.s32 s10, $0x1;
	s10 =	sld [smem:$0x3FB1];
	_ =	sdelay $0x3  }
0x37: {  	[smem:$0x3FB1] =	sst s10  }
0x38: {  	s10 =	sld [smem:$0x3FB2]  }
0x39: {  	_ = 	snop;
	(pc) =	sbr.ind lr, $3  }
0x3a: {  	_ = 	snop  }
0x3b: {  	_ = 	snop  }
0x3c: {  	p2 =	seq.s32 s10, $0x1;
	s10 =	sld [smem:$0x3FB1]  }
0x3d: {  	_ =	shalt  }
0x3e: {  	_ =	shalt  }
0x3f: {  	_ =	shalt  }
0x40: {  	_ =	shalt  }
0x41: {  	_ =	shalt  }
0x42: {  	_ =	shalt  }
0x43: {  	_ =	shalt  }
0x44: {  	_ =	shalt  }
0x45: {  	_ =	shalt  }
0x46: {  	_ =	shalt  }
0x47: {  	_ =	shalt  }
0x48: {  	_ =	shalt  }
0x49: {  	_ =	shalt  }
0x4a: {  	_ =	shalt  }
0x4b: {  	_ =	shalt  }
0x4c: {  	_ =	shalt  }
0x4d: {  	_ =	shalt  }
0x4e: {  	_ =	shalt  }
0x4f: {  	_ =	shalt  }
0x50: {  	_ =	shalt  }
0x51: {  	_ =	shalt  }
0x52: {  	_ =	shalt  }
0x53: {  	_ =	shalt  }
0x54: {  	_ =	shalt  }
0x55: {  	_ =	shalt  }
0x56: {  	_ =	shalt  }
0x57: {  	_ =	shalt  }
0x58: {  	_ =	shalt  }
0x59: {  	_ =	shalt  }
0x5a: {  	_ =	shalt  }
0x5b: {  	_ =	shalt  }
0x5c: {  	_ =	shalt  }
0x5d: {  	_ =	shalt  }
0x5e: {  	_ =	shalt  }
0x5f: {  	_ =	shalt  }
0x60: {  	_ =	shalt  }
0x61: {  	_ =	shalt  }
0x62: {  	_ =	shalt  }
0x63: {  	_ =	shalt  }
0x64: {  	_ =	shalt  }
0x65: {  	_ =	shalt  }
0x66: {  	_ =	shalt  }
0x67: {  	_ =	shalt  }
0x68: {  	_ =	shalt  }
0x69: {  	_ =	shalt  }
0x6a: {  	_ =	shalt  }
0x6b: {  	_ =	shalt  }
0x6c: {  	_ =	shalt  }
0x6d: {  	_ =	shalt  }
0x6e: {  	_ =	shalt  }
0x6f: {  	_ =	shalt  }
0x70: {  	_ =	shalt  }
0x71: {  	_ =	shalt  }
0x72: {  	_ =	shalt  }
0x73: {  	_ =	shalt  }
0x74: {  	_ =	shalt  }
0x75: {  	_ =	shalt  }
0x76: {  	_ =	shalt  }
0x77: {  	_ =	shalt  }
0x78: {  	_ =	shalt  }
0x79: {  	_ =	shalt  }
0x7a: {  	_ =	shalt  }
0x7b: {  	_ =	shalt  }
0x7c: {  	_ =	shalt  }
0x7d: {  	_ =	shalt  }
0x7e: {  	_ =	shalt  }
0x7f: {  	_ =	shalt  }
0x80: {  	_ =	shalt  }
0x81: {  	_ =	shalt  }
0x82: {  	_ =	shalt  }
0x83: {  	_ =	shalt  }
0x84: {  	_ =	shalt  }
0x85: {  	_ =	shalt  }
0x86: {  	_ =	shalt  }
0x87: {  	_ =	shalt  }
.Lfunc_end0:
.L_simem_size_0:
called_computation.1_lowered:
.L_overlay_start_0:
0x88: {  	s2 =	sld [smem:$0x3FD9]  }
0x89: {  	s3 =	sld [smem:$0x3FFE];
	_ =	sdelay $0x1  }
0x8a: {  	s1 =	srdreg.scid  }
0x8b: {  	s0 =	sand.u32 $0x1, s1  }
0x8c: {  	s16 =	sshll.u32 s0, $0xA;
	s2 =	sadd.s32 s3, s2  }
0x8d: {  	s2 =	sadd.s32 s2, s16  }
0x8e: {  	[smem:$0x3FBD] =	sst s2  }
0x8f: {  	_ = 	snop  }
0x90: {  	(tm) =	ssettm $0x1  }
0x91: {  	s17 =	sld [smem:$0x3FFB];
	_ =	sdelay $0x3  }
0x92: {  	_ =	strace s17  }
0x93: {  	s2 =	sld [smem:$0x3FFC];
	_ =	sdelay $0x3  }
0x94: {  	_ =	strace s2  }
0x95: {  	s2 =	sld [smem:$0x3FFD];
	_ =	sdelay $0x3  }
0x96: {  	_ =	strace s2  }
0x97: {  	_ =	strace $0x8FFFFFFF  }
0x98: {  	s18 =	sld [smem:$0x3FDB];
	_ =	sdelay $0x1  }
0x99: {  	s19 =	simm.s32 $_scs_section_size  }
0x9a: {  	s4 =	simm.s32 $_size__tile_overlayer_lowered;
	s5 =	simm.s32 $_tile_overlayer_lowered  }
0x9b: {  	s22 =	simm.s32 $0x1BFF;
	s21 =	sshll.u32 s5, $0x1;
	s2 =	sadd.s32 s19, s18  }
0x9c: {  	s6 =	simm.s32 $0x0;
	s20 =	sshll.u32 s4, $0x1;
	s4 =	sadd.s32 s21, s2  }
0x9d: {  	[timem:s6], [sflag:s22] =	dma.local [hbm:s4], s20  }
0x9e: {  	_ =	swait.ge [sflag:s22], s20  }
0x9f: {  	s3 =	ssub.s32 $0x0, s20;
	[sflag:s22] =	ssyncset.done $0x0  }
0xa0: {  	[sflag:s22] =	ssyncadd.s32 s3;
	_ =	sdelay $0x1  }
0xa1: {  	s23 =	simm.s32 $0x1B8B  }
0xa2: {  	_ =	swait.ge [sflag:s23], $0x1  }
0xa3: {  	[sflag:s23] =	ssyncset.done $0x0  }
0xa4: {  	s25 =	simm.s32 $0x1B8E;
	s24 =	sld [smem:$0x3FFE];
	[sflag:s23] =	ssyncadd.s32 $0xFFFFFFFF  }
0xa5: {  	s26 =	simm.s32 $execute0_lowered;
	[smem:$0x3FD2] =	sst s25  }
0xa6: {  	s4 =	sshll.u32 s26, $0x1;
	_ =	strace $0x80000049;
	[dreg:$0x1] =	wrdreg $0xFFFFFFFF  }
0xa7: {  	s28 =	simm.s32 $_size_execute0_lowered;
	s2 =	sadd.s32 s2, s4;
	[dreg:$0x0] =	wrdreg $0x0  }
0xa8: {  	s4 =	sshll.u32 s28, $0x1;
	[dreg:$0x2] =	wrdreg s2  }
0xa9: {  	[dreg:$0x3] =	wrdreg s4  }
0xaa: {  	[dreg:$0x4] =	wrdreg $0xC0  }
0xab: {  	_ =	task [dreg:s6], $0x5FFFF  }
0xac: {  	[dreg:$0x1] =	wrdreg $0xFFFFFFFF  }
0xad: {  	[dreg:$0x0] =	wrdreg $0x60  }
0xae: {  	[dreg:$0x2] =	wrdreg s24  }
0xaf: {  	[dreg:$0x3] =	wrdreg $0xB0000  }
0xb0: {  	[dreg:$0x4] =	wrdreg $0x9  }
0xb1: {  	_ =	task.clear_ibuf [dreg:s6], $0x5FFFF;
	_ =	strace $0x90000049  }
0xb2: {  	s29 =	simm.s32 $0x9;
	_ =	strace $0x8000004B  }
0xb3: {  	_ =	swait.ge [sflag:s29], $0x1  }
0xb4: {  	[sflag:s29] =	ssyncadd.s32 $0xFFFFFFFF  }
0xb5: {  	_ =	strace $0x9000004B  }
0xb6: {  	_ =	sfence  }
0xb7: {  	s30 =	sld [smem:$0x0];
	_ =	sdelay $0x2  }
0xb8: {  	s31 =	sshll.u32 s1, $0xD;
	s1 =	sshrl.u32 s1, $0x2  }
0xb9: {  	s3 =	sand.u32 $0x4000, s31;
	s1 =	sadd.s32 s1, s30  }
0xba: {  	s0 =	sor.u32 s3, s0;
	s1 =	sshll.u32 s1, $0x11  }
0xbb: {  	s0 =	sor.u32 s1, s0  }
0xbc: {  	s0 =	sadd.s32 $0x8F2B, s0  }
0xbd: {  	[sflag:s0] =	ssyncadd.remote.s32 $0x1  }
0xbe: {  	_ =	sfence.sel $0xFFFF  }
0xbf: {  	[dreg:$0x0] =	wrdreg $0xFFFFFFFF;
	(pc) =	sbr.abs _section_cstart, $3  }
0xc0: {  	[dreg:$0x1] =	wrdreg $0xFFFFFFFF  }
0xc1: {  	_ =	task.clear_ibuf [dreg:s6], $0x2FFFF;
	_ =	strace $0x9FFFFFFF  }
0xc2: {  	(tm) =	ssettm $0x7FFFFFFF  }
0xc3: {  	_ =	shalt  }
tec
execute0_lowered:
.L_overlay_start_1:
0x0: {  	(tag) =	ssettag $0x1  }
0x1: {  	s0 =	rddreg [dreg:$0x0]  }
0x2: {  	s1 =	srdreg.scid;
	s2 =	rddreg [dreg:$0x1]  }
0x3: {  	s16 =	stileid.u32;
	s3 =	simm.s32 $0x0;
	s24 =	simm.s32 $0x100  }
0x4: {  	s26 =	simm.s32 $0x880;
	s1 =	sand.u32 $0x1, s1;
	s6 =	smul.u32 $0x2800, s16  }
0x5: {  	[smem:$0x7FF] =	sst s3;
	s11 =	smul.u32 $0x14000, s16;
	s10 =	sadd.s32 $0x4200, s0  }
0x6: {  	s4 =	smul.u32 $0x28000, s1;
	_ =	strace $0x8000004A;
	[dreg:$0x4] =	wrdreg s24  }
0x7: {  	s8 =	smul.u32 $0x140000, s1;
	[dreg:$0x5] =	wrdreg s26;
	s24 =	simm.s32 $0xA80  }
0x8: {  	s1 =	ssub.s32 $0x2, s1;
	s26 =	simm.s32 $0xB00;
	[dreg:$0xd] =	wrdreg s24  }
0x9: {  	s9 =	sadd.s32 $0xB3200, s0;
	s15 =	sshrl.u32 s1, $0x1;
	[dreg:$0xf] =	wrdreg s26  }
0xa: {  	s24 =	smul.u32 $0x50000, s16;
	s26 =	simm.s32 $0x500;
	s5 =	sadd.s32 s6, s4  }
0xb: {  	s1 =	ssub.s32 s1, s15;
	s17 =	sadd.s32 s8, s11;
	s6 =	sshrl.u32 s6, $0x3  }
0xc: {  	s4 =	sor.u32 $0x2000, s11;
	s15 =	smul.u32 $0x500, s16;
	[dreg:$0x14] =	wrdreg s26  }
0xd: {  	s7 =	sshrl.u32 s17, $0x3;
	s6 =	sadd.s32 s10, s6;
	s19 =	sadd.s32 s8, s4  }
0xe: {  	s17 =	simm.s32 $0x200;
	s5 =	sshrl.u32 s5, $0x3;
	[dreg:$0x15] =	wrdreg s6  }
0xf: {  	s18 =	sadd.s32 s9, s7;
	s12 =	sshrl.u32 s19, $0x3;
	[dreg:$0x8] =	wrdreg s17  }
0x10: {  	s6 =	sadd.s32 $0x4000, s11;
	s23 =	sadd.s32 s15, s10;
	[dreg:$0x16] =	wrdreg s18  }
0x11: {  	s7 =	sadd.s32 $0x6000, s11;
	s15 =	simm.s32 $0x900;
	[dreg:$0x3] =	wrdreg s23  }
0x12: {  	s10 =	sadd.s32 $0x8000, s11;
	s19 =	simm.s32 $0x980;
	[dreg:$0x7] =	wrdreg s15  }
0x13: {  	s13 =	sadd.s32 s8, s6;
	s12 =	sadd.s32 s9, s12;
	[dreg:$0x9] =	wrdreg s19  }
0x14: {  	s14 =	sadd.s32 s8, s7;
	s25 =	sadd.s32 s8, s10;
	[dreg:$0x17] =	wrdreg s12  }
0x15: {  	s20 =	sshrl.u32 s13, $0x3;
	s21 =	sshrl.u32 s14, $0x3;
	s14 =	simm.s32 $0x180  }
0x16: {  	s13 =	sshrl.u32 s25, $0x3;
	s25 =	simm.s32 $0x380;
	[dreg:$0x6] =	wrdreg s14  }
0x17: {  	s5 =	sadd.s32 s5, s0;
	s12 =	sadd.s32 s9, s20;
	[dreg:$0xe] =	wrdreg s25  }
0x18: {  	s19 =	sadd.s32 $0x10000, s11;
	s22 =	sadd.s32 s9, s21;
	[dreg:$0x18] =	wrdreg s12  }
0x19: {  	s16 =	sadd.s32 $0x59200, s5;
	s13 =	sadd.s32 s9, s13;
	[dreg:$0x19] =	wrdreg s22  }
0x1a: {  	s20 =	simm.s32 $0x280;
	s21 =	simm.s32 $0xA00;
	[dreg:$0x1a] =	wrdreg s13  }
0x1b: {  	s25 =	simm.s32 $0xC00;
	s13 =	sadd.s32 $0xA000, s11;
	[dreg:$0xa] =	wrdreg s20  }
0x1c: {  	[dreg:$0xb] =	wrdreg s21;
	s22 =	simm.s32 $0x300;
	s20 =	sadd.s32 s8, s19  }
0x1d: {  	[dreg:$0x13] =	wrdreg s25;
	s25 =	sadd.s32 s19, s2;
	s18 =	sadd.s32 s8, s13  }
0x1e: {  	[dreg:$0xc] =	wrdreg s22;
	s21 =	sshrl.u32 s20, $0x3;
	s22 =	simm.s32 $0xB80  }
0x1f: {  	s20 =	sadd.s32 s7, s2;
	s14 =	sshrl.u32 s18, $0x3;
	s18 =	sadd.s32 $0xE000, s11  }
0x20: {  	[dreg:$0x11] =	wrdreg s22;
	s22 =	sadd.s32 s13, s2;
	s13 =	sshrl.u32 s25, $0x3  }
0x21: {  	s14 =	sadd.s32 s9, s14;
	s17 =	sadd.s32 s8, s18;
	[smem:$0x7F2] =	sst s13  }
0x22: {  	[dreg:$0x1b] =	wrdreg s14;
	s14 =	sadd.s32 $0xC000, s11;
	s12 =	sshrl.u32 s17, $0x3  }
0x23: {  	s11 =	sadd.s32 $0x12000, s11;
	s23 =	sadd.s32 s8, s14;
	s12 =	sadd.s32 s9, s12  }
0x24: {  	s8 =	sadd.s32 s8, s11;
	[dreg:$0x1d] =	wrdreg s12;
	s12 =	sadd.s32 s9, s21  }
0x25: {  	s15 =	sshrl.u32 s23, $0x3;
	s23 =	simm.s32 $0x480;
	[dreg:$0x1e] =	wrdreg s12  }
0x26: {  	s8 =	sshrl.u32 s8, $0x3;
	s15 =	sadd.s32 s9, s15;
	[dreg:$0x12] =	wrdreg s23  }
0x27: {  	s21 =	sadd.s32 s10, s2;
	s8 =	sadd.s32 s9, s8;
	[dreg:$0x1c] =	wrdreg s15  }
0x28: {  	s9 =	sadd.s32 s4, s2;
	s4 =	sshrl.u32 s20, $0x3;
	[dreg:$0x1f] =	wrdreg s8  }
0x29: {  	s26 =	sadd.s32 s11, s2;
	s5 =	sshrl.u32 s21, $0x3;
	[smem:$0x7ED] =	sst s4  }
0x2a: {  	s12 =	sadd.s32 s6, s2;
	s6 =	sshrl.u32 s22, $0x3;
	[smem:$0x7EE] =	sst s5  }
0x2b: {  	s23 =	sadd.s32 s14, s2;
	s14 =	sshrl.u32 s26, $0x3;
	[smem:$0x7EF] =	sst s6  }
0x2c: {  	s15 =	simm.s32 $0x400;
	[smem:$0x7F3] =	sst s14  }
0x2d: {  	s8 =	sshrl.u32 s24, $0x2;
	s11 =	sshrl.u32 s23, $0x3;
	[dreg:$0x10] =	wrdreg s15  }
0x2e: {  	s17 =	sadd.s32 s8, s2;
	s8 =	smax.u32 s1, $0x1;
	[smem:$0x7F0] =	sst s11  }
0x2f: {  	s15 =	sadd.s32 $0x63200, s0;
	s0 =	sshrl.u32 s9, $0x3;
	[smem:$0x7EA] =	sst s8  }
0x30: {  	s24 =	sadd.s32 s18, s2;
	s1 =	sshrl.u32 s12, $0x3;
	[smem:$0x7EB] =	sst s0  }
0x31: {  	s12 =	sshrl.u32 s24, $0x3;
	[smem:$0x7EC] =	sst s1  }
0x32: {  	[smem:$0x7F1] =	sst s12  }
0x33: {  	s28 =	simm.s32 $0xE80;
	s18 =	sadd.s32 $0x2000, s17;
	[smem:$0x7FD] =	sst s17  }
0x34: {  	s29 =	simm.s32 $0x780;
	s19 =	sadd.s32 $0x4000, s17;
	[smem:$0x7F4] =	sst s18  }
0x35: {  	s30 =	simm.s32 $0xF00;
	s20 =	sadd.s32 $0x6000, s17;
	[smem:$0x7F5] =	sst s19  }
0x36: {  	s31 =	simm.s32 $0xF80;
	s21 =	sadd.s32 $0x8000, s17;
	[smem:$0x7F6] =	sst s20  }
0x37: {  	s13 =	simm.s32 $0x9000;
	s22 =	sadd.s32 $0xA000, s17;
	[smem:$0x7F7] =	sst s21  }
0x38: {  	s10 =	simm.s32 $0x80;
	s23 =	sadd.s32 $0xC000, s17;
	[smem:$0x7F8] =	sst s22  }
0x39: {  	s14 =	simm.s32 $0x1;
	s24 =	sadd.s32 $0xE000, s17;
	[smem:$0x7F9] =	sst s23  }
0x3a: {  	s9 =	simm.s32 $0x800;
	s25 =	sadd.s32 $0x10000, s17;
	[smem:$0x7FA] =	sst s24  }
0x3b: {  	s11 =	simm.s32 $0x1000;
	s26 =	sadd.s32 $0x12000, s17;
	[smem:$0x7FB] =	sst s25  }
0x3c: {  	s8 =	simm.s32 $0x3;
	s12 =	simm.s32 $0x5000;
	[smem:$0x7FC] =	sst s26  }
0x3d: {  	s18 =	simm.s32 $0x2;
	s19 =	simm.s32 $0xC80;
	s20 =	simm.s32 $0x580  }
0x3e: {  	s21 =	simm.s32 $0xD00;
	s22 =	simm.s32 $0x600;
	s23 =	simm.s32 $0xD80  }
0x3f: {  	v0 =	vimm.f32 $0.0e+00;
	s24 =	simm.s32 $0x680;
	s25 =	simm.s32 $0xE00;
	s26 =	simm.s32 $0x700  }
.LBB2_1:
0x40: {  	s0 =	simm.s32 $0x0;
	s1 =	simm.s32 $0x200  }
.LBB2_2:
0x41: {  	p0 =	sne.s32 s1, $0x7E00;
	[tilespmem:s0+$0x9070] =	vst v0  }
0x42: {  	[tilespmem:s0+$0x9000] =	vst v0  }
0x43: {  	[tilespmem:s0+$0x9010] =	vst v0  }
.Ltmp0:
0x44: {  	[tilespmem:s0+$0x9020] =	vst v0;
	(pc) =	sbr.rel @p0 .LBB2_2-.Ltmp0, $4  }
0x45: {  	[tilespmem:s0+$0x9030] =	vst v0  }
0x46: {  	[tilespmem:s0+$0x9040] =	vst v0  }
0x47: {  	[tilespmem:s0+$0x9050] =	vst v0  }
0x48: {  	[tilespmem:s0+$0x9060] =	vst v0;
	s0 =	sshra.s32 s1, $0x2;
	s1 =	sadd.s32 $0x200, s1  }
0x49: {  	[tilespmem:s0+$0x9070] =	vst v0  }
0x4a: {  	[tilespmem:s0+$0x9000] =	vst v0  }
0x4b: {  	[tilespmem:s0+$0x9010] =	vst v0  }
0x4c: {  	[tilespmem:s0+$0x9020] =	vst v0  }
0x4d: {  	[tilespmem:s0+$0x9030] =	vst v0  }
0x4e: {  	[tilespmem:s0+$0x9040] =	vst v0  }
0x4f: {  	[tilespmem:s0+$0x9050] =	vst v0  }
0x50: {  	[tilespmem:s0+$0x9060] =	vst v0;
	s6 =	simm.s32 $0x0  }
0x51: {  	[tilespmem:s6], [sflag:$0x3] =	stream.linear.gather [hbm4b:s16+s6], $0x800, $0x38;
	[tilespmem:$0x1F000] =	vst v63  }
0x52: {  	_ =	swait.ge [sflag:s8], $0x800  }
0x53: {  	[sflag:s8] =	ssyncset.done $0x0  }
0x54: {  	s1 =	rddreg [dreg:$0x15];
	[sflag:s8] =	ssyncadd.s32 $0xFFFFF800  }
0x55: {  	[tilespmem:s9], [sflag:$0x3] =	stream.linear.gather [hbm4b:s1+s6], $0x800, $0x38;
	[tilespmem:$0x1F000] =	vst v63  }
0x56: {  	_ =	swait.ge [sflag:s8], $0x800  }
0x57: {  	[sflag:s8] =	ssyncset.done $0x0  }
0x58: {  	[sflag:s8] =	ssyncadd.s32 $0xFFFFF800  }
0x59: {  	[tilespmem:s11], [sflag:$0x1] =	stream.indirect.gather [hbm4b:s15+s10], $0x80, s6, s10, $0xb8;
	[tilespmem:$0x1F000] =	vst v63  }
0x5a: {  	_ = 	snop  }
0x5b: {  	[tilespmem:s12], [sflag:$0x2] =	stream.indirect.gather [hbm4b:s15+s10], $0x80, s10, s10, $0xb8;
	[tilespmem:$0x1F000] =	vst v63  }
0x5c: {  	_ = 	snop  }
0x5d: {  	[spmem:s17] =	stream.linear.scatter [tilespmem:s13], [sflag:$0x3], $0x2000, $0x38;
	[tilespmem:$0x1F000] =	vst v63  }
0x5e: {  	_ =	swait.ge [sflag:s8], $0x2000  }
0x5f: {  	s7 =	sld [smem:$0x7F4]  }
0x60: {  	[sflag:s8] =	ssyncset.done $0x0  }
0x61: {  	[sflag:s8] =	ssyncadd.s32 $0xFFFFE000  }
0x62: {  	[spmem:s7] =	stream.linear.scatter [tilespmem:s13], [sflag:$0x3], $0x2000, $0x38;
	[tilespmem:$0x1F000] =	vst v63  }
0x63: {  	_ =	swait.ge [sflag:s8], $0x2000  }
0x64: {  	s17 =	sld [smem:$0x7F5]  }
0x65: {  	[sflag:s8] =	ssyncset.done $0x0  }
0x66: {  	[sflag:s8] =	ssyncadd.s32 $0xFFFFE000  }
0x67: {  	[spmem:s17] =	stream.linear.scatter [tilespmem:s13], [sflag:$0x3], $0x2000, $0x38;
	[tilespmem:$0x1F000] =	vst v63  }
0x68: {  	_ =	swait.ge [sflag:s8], $0x2000  }
0x69: {  	s1 =	sld [smem:$0x7F6]  }
0x6a: {  	[sflag:s8] =	ssyncset.done $0x0  }
0x6b: {  	[sflag:s8] =	ssyncadd.s32 $0xFFFFE000  }
0x6c: {  	[spmem:s1] =	stream.linear.scatter [tilespmem:s13], [sflag:$0x3], $0x2000, $0x38;
	[tilespmem:$0x1F000] =	vst v63  }
0x6d: {  	_ =	swait.ge [sflag:s8], $0x2000  }
0x6e: {  	s4 =	sld [smem:$0x7F7]  }
0x6f: {  	[sflag:s8] =	ssyncset.done $0x0  }
0x70: {  	[sflag:s8] =	ssyncadd.s32 $0xFFFFE000  }
0x71: {  	[spmem:s4] =	stream.linear.scatter [tilespmem:s13], [sflag:$0x3], $0x2000, $0x38;
	[tilespmem:$0x1F000] =	vst v63  }
0x72: {  	_ =	swait.ge [sflag:s8], $0x2000  }
0x73: {  	s5 =	sld [smem:$0x7F8]  }
0x74: {  	[sflag:s8] =	ssyncset.done $0x0  }
0x75: {  	[sflag:s8] =	ssyncadd.s32 $0xFFFFE000  }
0x76: {  	[spmem:s5] =	stream.linear.scatter [tilespmem:s13], [sflag:$0x3], $0x2000, $0x38;
	[tilespmem:$0x1F000] =	vst v63  }
0x77: {  	_ =	swait.ge [sflag:s8], $0x2000  }
0x78: {  	s6 =	sld [smem:$0x7F9]  }
0x79: {  	[sflag:s8] =	ssyncset.done $0x0  }
0x7a: {  	[sflag:s8] =	ssyncadd.s32 $0xFFFFE000  }
0x7b: {  	[spmem:s6] =	stream.linear.scatter [tilespmem:s13], [sflag:$0x3], $0x2000, $0x38;
	[tilespmem:$0x1F000] =	vst v63  }
0x7c: {  	_ =	swait.ge [sflag:s8], $0x2000  }
0x7d: {  	s7 =	sld [smem:$0x7FA]  }
0x7e: {  	[sflag:s8] =	ssyncset.done $0x0  }
0x7f: {  	[sflag:s8] =	ssyncadd.s32 $0xFFFFE000  }
0x80: {  	[spmem:s7] =	stream.linear.scatter [tilespmem:s13], [sflag:$0x3], $0x2000, $0x38;
	[tilespmem:$0x1F000] =	vst v63  }
0x81: {  	_ =	swait.ge [sflag:s8], $0x2000  }
0x82: {  	s17 =	sld [smem:$0x7FB]  }
0x83: {  	[sflag:s8] =	ssyncset.done $0x0  }
0x84: {  	[sflag:s8] =	ssyncadd.s32 $0xFFFFE000  }
0x85: {  	[spmem:s17] =	stream.linear.scatter [tilespmem:s13], [sflag:$0x3], $0x2000, $0x38;
	[tilespmem:$0x1F000] =	vst v63  }
0x86: {  	_ =	swait.ge [sflag:s8], $0x2000  }
0x87: {  	s1 =	sld [smem:$0x7FC]  }
0x88: {  	[sflag:s8] =	ssyncset.done $0x0  }
0x89: {  	[sflag:s8] =	ssyncadd.s32 $0xFFFFE000  }
0x8a: {  	[spmem:s1] =	stream.linear.scatter [tilespmem:s13], [sflag:$0x3], $0x2000, $0x38;
	[tilespmem:$0x1F000] =	vst v63  }
0x8b: {  	_ =	swait.ge [sflag:s8], $0x2000  }
0x8c: {  	p0 =	por $0x1, $0x1;
	[sflag:s8] =	ssyncset.done $0x0  }
0x8d: {  	s0 =	sadd.s32 @!p0 $0x0, s16;
	[sflag:s8] =	ssyncadd.s32 $0xFFFFE000  }
0x8e: {  	s4 =	simm.s32 @!p0 $0x3;
	s1 =	simm.s32 @!p0 $0x0;
	[bflag:$0x0] =	sbarrier.arrive $0xFFFF  }
0x8f: {  	[tilespmem:s1], [sflag:$0x3] =	stream.linear.gather @!p0 [hbm4b:s0+s1], $0x800, $0x38;
	[tilespmem:$0x1F000] =	vst v63  }
0x90: {  	_ =	swait.ge @!p0 [sflag:s4], $0x800  }
0x91: {  	s0 =	rddreg [dreg:$0x3];
	[sflag:s4] =	ssyncset.done @!p0 $0x0  }
0x92: {  	s5 =	simm.s32 @!p0 $0x800;
	[sflag:s4] =	ssyncadd.s32 @!p0 $0xFFFFF800;
	s0 =	sadd.s32 @!p0 $0x0, s0  }
0x93: {  	[tilespmem:s5], [sflag:$0x3] =	stream.linear.gather @!p0 [hbm4b:s0+s1], $0x800, $0x38;
	[tilespmem:$0x1F000] =	vst v63  }
0x94: {  	_ =	swait.ge @!p0 [sflag:s4], $0x800  }
0x95: {  	[sflag:s4] =	ssyncset.done @!p0 $0x0  }
0x96: {  	s0 =	simm.s32 @!p0 $0x80;
	[sflag:s4] =	ssyncadd.s32 @!p0 $0xFFFFF800;
	s4 =	simm.s32 @!p0 $0x1000  }
0x97: {  	[tilespmem:s4], [sflag:$0x1] =	stream.indirect.gather @!p0 [hbm4b:s15+s0], $0x80, s1, s0, $0xb8;
	[tilespmem:$0x1F000] =	vst v63  }
0x98: {  	s1 =	simm.s32 @!p0 $0x5000  }
0x99: {  	[tilespmem:s1], [sflag:$0x2] =	stream.indirect.gather @!p0 [hbm4b:s15+s0], $0x80, s0, s0, $0xb8;
	[tilespmem:$0x1F000] =	vst v63  }
0x9a: {  	_ =	swait.ge [sflag:s14], $0x4000  }
0x9b: {  	[sflag:s14] =	ssyncset.done $0x0  }
0x9c: {  	[sflag:s14] =	ssyncadd.s32 $0xFFFFC000  }
0x9d: {  	[spmem:s2] =	stream.indirect.scatter.add.f32 [tilespmem:s11], [sflag:$0x3], $0x80, s9, s10, $0xb8;
	[tilespmem:$0x1F000] =	vst v63  }
0x9e: {  	_ =	swait.ge [sflag:s8], $0x4000  }
0x9f: {  	[sflag:s8] =	ssyncset.done $0x0  }
0xa0: {  	s4 =	rddreg [dreg:$0x4];
	[sflag:s8] =	ssyncadd.s32 $0xFFFFC000  }
0xa1: {  	[tilespmem:s11], [sflag:$0x1] =	stream.indirect.gather [hbm4b:s15+s10], $0x80, s4, s10, $0xb8;
	[tilespmem:$0x1F000] =	vst v63  }
0xa2: {  	_ =	swait.ge [sflag:s18], $0x4000  }
0xa3: {  	[sflag:s18] =	ssyncset.done $0x0  }
0xa4: {  	s5 =	rddreg [dreg:$0x5];
	[sflag:s18] =	ssyncadd.s32 $0xFFFFC000  }
0xa5: {  	[spmem:s2] =	stream.indirect.scatter.add.f32 [tilespmem:s12], [sflag:$0x3], $0x80, s5, s10, $0xb8;
	[tilespmem:$0x1F000] =	vst v63  }
0xa6: {  	_ =	swait.ge [sflag:s8], $0x4000  }
0xa7: {  	[sflag:s8] =	ssyncset.done $0x0  }
0xa8: {  	s6 =	rddreg [dreg:$0x6];
	[sflag:s8] =	ssyncadd.s32 $0xFFFFC000  }
0xa9: {  	[tilespmem:s12], [sflag:$0x2] =	stream.indirect.gather [hbm4b:s15+s10], $0x80, s6, s10, $0xb8;
	[tilespmem:$0x1F000] =	vst v63  }
0xaa: {  	_ =	swait.ge [sflag:s14], $0x4000  }
0xab: {  	[sflag:s14] =	ssyncset.done $0x0  }
0xac: {  	s7 =	rddreg [dreg:$0x7];
	[sflag:s14] =	ssyncadd.s32 $0xFFFFC000  }
0xad: {  	[spmem:s2] =	stream.indirect.scatter.add.f32 [tilespmem:s11], [sflag:$0x3], $0x80, s7, s10, $0xb8;
	[tilespmem:$0x1F000] =	vst v63  }
0xae: {  	_ =	swait.ge [sflag:s8], $0x4000  }
0xaf: {  	[sflag:s8] =	ssyncset.done $0x0  }
0xb0: {  	s17 =	rddreg [dreg:$0x8];
	[sflag:s8] =	ssyncadd.s32 $0xFFFFC000  }
0xb1: {  	[tilespmem:s11], [sflag:$0x1] =	stream.indirect.gather [hbm4b:s15+s10], $0x80, s17, s10, $0xb8;
	[tilespmem:$0x1F000] =	vst v63  }
0xb2: {  	_ =	swait.ge [sflag:s18], $0x4000  }
0xb3: {  	[sflag:s18] =	ssyncset.done $0x0  }
0xb4: {  	s1 =	rddreg [dreg:$0x9];
	[sflag:s18] =	ssyncadd.s32 $0xFFFFC000  }
0xb5: {  	[spmem:s2] =	stream.indirect.scatter.add.f32 [tilespmem:s12], [sflag:$0x3], $0x80, s1, s10, $0xb8;
	[tilespmem:$0x1F000] =	vst v63  }
0xb6: {  	_ =	swait.ge [sflag:s8], $0x4000  }
0xb7: {  	[sflag:s8] =	ssyncset.done $0x0  }
0xb8: {  	s4 =	rddreg [dreg:$0xa];
	[sflag:s8] =	ssyncadd.s32 $0xFFFFC000  }
0xb9: {  	[tilespmem:s12], [sflag:$0x2] =	stream.indirect.gather [hbm4b:s15+s10], $0x80, s4, s10, $0xb8;
	[tilespmem:$0x1F000] =	vst v63  }
0xba: {  	_ =	swait.ge [sflag:s14], $0x4000  }
0xbb: {  	[sflag:s14] =	ssyncset.done $0x0  }
0xbc: {  	s5 =	rddreg [dreg:$0xb];
	[sflag:s14] =	ssyncadd.s32 $0xFFFFC000  }
0xbd: {  	[spmem:s2] =	stream.indirect.scatter.add.f32 [tilespmem:s11], [sflag:$0x3], $0x80, s5, s10, $0xb8;
	[tilespmem:$0x1F000] =	vst v63  }
0xbe: {  	_ =	swait.ge [sflag:s8], $0x4000  }
0xbf: {  	[sflag:s8] =	ssyncset.done $0x0  }
0xc0: {  	s6 =	rddreg [dreg:$0xc];
	[sflag:s8] =	ssyncadd.s32 $0xFFFFC000  }
0xc1: {  	[tilespmem:s11], [sflag:$0x1] =	stream.indirect.gather [hbm4b:s15+s10], $0x80, s6, s10, $0xb8;
	[tilespmem:$0x1F000] =	vst v63  }
0xc2: {  	_ =	swait.ge [sflag:s18], $0x4000  }
0xc3: {  	[sflag:s18] =	ssyncset.done $0x0  }
0xc4: {  	s7 =	rddreg [dreg:$0xd];
	[sflag:s18] =	ssyncadd.s32 $0xFFFFC000  }
0xc5: {  	[spmem:s2] =	stream.indirect.scatter.add.f32 [tilespmem:s12], [sflag:$0x3], $0x80, s7, s10, $0xb8;
	[tilespmem:$0x1F000] =	vst v63  }
0xc6: {  	_ =	swait.ge [sflag:s8], $0x4000  }
0xc7: {  	[sflag:s8] =	ssyncset.done $0x0  }
0xc8: {  	s17 =	rddreg [dreg:$0xe];
	[sflag:s8] =	ssyncadd.s32 $0xFFFFC000  }
0xc9: {  	[tilespmem:s12], [sflag:$0x2] =	stream.indirect.gather [hbm4b:s15+s10], $0x80, s17, s10, $0xb8;
	[tilespmem:$0x1F000] =	vst v63  }
0xca: {  	_ =	swait.ge [sflag:s14], $0x4000  }
0xcb: {  	[sflag:s14] =	ssyncset.done $0x0  }
0xcc: {  	s1 =	rddreg [dreg:$0xf];
	[sflag:s14] =	ssyncadd.s32 $0xFFFFC000  }
0xcd: {  	[spmem:s2] =	stream.indirect.scatter.add.f32 [tilespmem:s11], [sflag:$0x3], $0x80, s1, s10, $0xb8;
	[tilespmem:$0x1F000] =	vst v63  }
0xce: {  	_ =	swait.ge [sflag:s8], $0x4000  }
0xcf: {  	[sflag:s8] =	ssyncset.done $0x0  }
0xd0: {  	s4 =	rddreg [dreg:$0x10];
	[sflag:s8] =	ssyncadd.s32 $0xFFFFC000  }
0xd1: {  	[tilespmem:s11], [sflag:$0x1] =	stream.indirect.gather [hbm4b:s15+s10], $0x80, s4, s10, $0xb8;
	[tilespmem:$0x1F000] =	vst v63  }
0xd2: {  	_ =	swait.ge [sflag:s18], $0x4000  }
0xd3: {  	[sflag:s18] =	ssyncset.done $0x0  }
0xd4: {  	s5 =	rddreg [dreg:$0x11];
	[sflag:s18] =	ssyncadd.s32 $0xFFFFC000  }
0xd5: {  	[spmem:s2] =	stream.indirect.scatter.add.f32 [tilespmem:s12], [sflag:$0x3], $0x80, s5, s10, $0xb8;
	[tilespmem:$0x1F000] =	vst v63  }
0xd6: {  	_ =	swait.ge [sflag:s8], $0x4000  }
0xd7: {  	[sflag:s8] =	ssyncset.done $0x0  }
0xd8: {  	s6 =	rddreg [dreg:$0x12];
	[sflag:s8] =	ssyncadd.s32 $0xFFFFC000  }
0xd9: {  	[tilespmem:s12], [sflag:$0x2] =	stream.indirect.gather [hbm4b:s15+s10], $0x80, s6, s10, $0xb8;
	[tilespmem:$0x1F000] =	vst v63  }
0xda: {  	_ =	swait.ge [sflag:s14], $0x4000  }
0xdb: {  	[sflag:s14] =	ssyncset.done $0x0  }
0xdc: {  	s7 =	rddreg [dreg:$0x13];
	[sflag:s14] =	ssyncadd.s32 $0xFFFFC000  }
0xdd: {  	[spmem:s2] =	stream.indirect.scatter.add.f32 [tilespmem:s11], [sflag:$0x3], $0x80, s7, s10, $0xb8;
	[tilespmem:$0x1F000] =	vst v63  }
0xde: {  	_ =	swait.ge [sflag:s8], $0x4000  }
0xdf: {  	[sflag:s8] =	ssyncset.done $0x0  }
0xe0: {  	s17 =	rddreg [dreg:$0x14];
	[sflag:s8] =	ssyncadd.s32 $0xFFFFC000  }
0xe1: {  	[tilespmem:s11], [sflag:$0x1] =	stream.indirect.gather [hbm4b:s15+s10], $0x80, s17, s10, $0xb8;
	[tilespmem:$0x1F000] =	vst v63  }
0xe2: {  	_ =	swait.ge [sflag:s18], $0x4000  }
0xe3: {  	[sflag:s18] =	ssyncset.done $0x0  }
0xe4: {  	[sflag:s18] =	ssyncadd.s32 $0xFFFFC000  }
0xe5: {  	[spmem:s2] =	stream.indirect.scatter.add.f32 [tilespmem:s12], [sflag:$0x3], $0x80, s19, s10, $0xb8;
	[tilespmem:$0x1F000] =	vst v63  }
0xe6: {  	_ =	swait.ge [sflag:s8], $0x4000  }
0xe7: {  	[sflag:s8] =	ssyncset.done $0x0  }
0xe8: {  	[sflag:s8] =	ssyncadd.s32 $0xFFFFC000  }
0xe9: {  	[tilespmem:s12], [sflag:$0x2] =	stream.indirect.gather [hbm4b:s15+s10], $0x80, s20, s10, $0xb8;
	[tilespmem:$0x1F000] =	vst v63  }
0xea: {  	_ =	swait.ge [sflag:s14], $0x4000  }
0xeb: {  	[sflag:s14] =	ssyncset.done $0x0  }
0xec: {  	[sflag:s14] =	ssyncadd.s32 $0xFFFFC000  }
0xed: {  	[spmem:s2] =	stream.indirect.scatter.add.f32 [tilespmem:s11], [sflag:$0x3], $0x80, s21, s10, $0xb8;
	[tilespmem:$0x1F000] =	vst v63  }
0xee: {  	_ =	swait.ge [sflag:s8], $0x4000  }
0xef: {  	[sflag:s8] =	ssyncset.done $0x0  }
0xf0: {  	[sflag:s8] =	ssyncadd.s32 $0xFFFFC000  }
0xf1: {  	[tilespmem:s11], [sflag:$0x1] =	stream.indirect.gather [hbm4b:s15+s10], $0x80, s22, s10, $0xb8;
	[tilespmem:$0x1F000] =	vst v63  }
0xf2: {  	_ =	swait.ge [sflag:s18], $0x4000  }
0xf3: {  	[sflag:s18] =	ssyncset.done $0x0  }
0xf4: {  	[sflag:s18] =	ssyncadd.s32 $0xFFFFC000  }
0xf5: {  	[spmem:s2] =	stream.indirect.scatter.add.f32 [tilespmem:s12], [sflag:$0x3], $0x80, s23, s10, $0xb8;
	[tilespmem:$0x1F000] =	vst v63  }
0xf6: {  	_ =	swait.ge [sflag:s8], $0x4000  }
0xf7: {  	[sflag:s8] =	ssyncset.done $0x0  }
0xf8: {  	[sflag:s8] =	ssyncadd.s32 $0xFFFFC000  }
0xf9: {  	[tilespmem:s12], [sflag:$0x2] =	stream.indirect.gather [hbm4b:s15+s10], $0x80, s24, s10, $0xb8;
	[tilespmem:$0x1F000] =	vst v63  }
0xfa: {  	_ =	swait.ge [sflag:s14], $0x4000  }
0xfb: {  	[sflag:s14] =	ssyncset.done $0x0  }
0xfc: {  	[sflag:s14] =	ssyncadd.s32 $0xFFFFC000  }
0xfd: {  	[spmem:s2] =	stream.indirect.scatter.add.f32 [tilespmem:s11], [sflag:$0x3], $0x80, s25, s10, $0xb8;
	[tilespmem:$0x1F000] =	vst v63  }
0xfe: {  	_ =	swait.ge [sflag:s8], $0x4000  }
0xff: {  	[sflag:s8] =	ssyncset.done $0x0  }
0x100: {  	[sflag:s8] =	ssyncadd.s32 $0xFFFFC000  }
0x101: {  	[tilespmem:s11], [sflag:$0x1] =	stream.indirect.gather [hbm4b:s15+s10], $0x80, s26, s10, $0xb8;
	[tilespmem:$0x1F000] =	vst v63  }
0x102: {  	_ =	swait.ge [sflag:s18], $0x4000  }
0x103: {  	[sflag:s18] =	ssyncset.done $0x0  }
0x104: {  	[sflag:s18] =	ssyncadd.s32 $0xFFFFC000  }
0x105: {  	[spmem:s2] =	stream.indirect.scatter.add.f32 [tilespmem:s12], [sflag:$0x3], $0x80, s28, s10, $0xb8;
	[tilespmem:$0x1F000] =	vst v63  }
0x106: {  	_ =	swait.ge [sflag:s8], $0x4000  }
0x107: {  	[sflag:s8] =	ssyncset.done $0x0  }
0x108: {  	[sflag:s8] =	ssyncadd.s32 $0xFFFFC000  }
0x109: {  	[tilespmem:s12], [sflag:$0x2] =	stream.indirect.gather [hbm4b:s15+s10], $0x80, s29, s10, $0xb8;
	[tilespmem:$0x1F000] =	vst v63  }
0x10a: {  	_ =	swait.ge [sflag:s14], $0x4000  }
0x10b: {  	[sflag:s14] =	ssyncset.done $0x0  }
0x10c: {  	[sflag:s14] =	ssyncadd.s32 $0xFFFFC000  }
0x10d: {  	[spmem:s2] =	stream.indirect.scatter.add.f32 [tilespmem:s11], [sflag:$0x3], $0x80, s30, s10, $0xb8;
	[tilespmem:$0x1F000] =	vst v63  }
0x10e: {  	_ =	swait.ge [sflag:s8], $0x4000  }
0x10f: {  	[sflag:s8] =	ssyncset.done $0x0  }
0x110: {  	[sflag:s8] =	ssyncadd.s32 $0xFFFFC000  }
0x111: {  	_ =	swait.ge [sflag:s18], $0x4000  }
0x112: {  	[sflag:s18] =	ssyncset.done $0x0  }
0x113: {  	p1 =	por $0x0, $0x0;
	[sflag:s18] =	ssyncadd.s32 $0xFFFFC000  }
0x114: {  	[spmem:s2] =	stream.indirect.scatter.add.f32 [tilespmem:s12], [sflag:$0x3], $0x80, s31, s10, $0xb8;
	[tilespmem:$0x1F000] =	vst v63  }
0x115: {  	s0 =	simm.s32 $0x100;
	s1 =	simm.s32 $0x200;
	_ =	swait.ge [sflag:s8], $0x4000  }
.LBB2_4:
0x116: {  	s4 =	sadd.s32 @!p1 s0, s16;
	[sflag:s8] =	ssyncset.done $0x0  }
0x117: {  	s5 =	simm.s32 @!p1 $0x0;
	s7 =	simm.s32 @!p1 $0x3;
	[sflag:s8] =	ssyncadd.s32 $0xFFFFC000  }
0x118: {  	[tilespmem:s5], [sflag:$0x3] =	stream.linear.gather @!p1 [hbm4b:s4+s5], $0x800, $0x38;
	[tilespmem:$0x1F000] =	vst v63  }
0x119: {  	_ =	swait.ge @!p1 [sflag:s7], $0x800  }
0x11a: {  	[sflag:s7] =	ssyncset.done @!p1 $0x0;
	s4 =	rddreg [dreg:$0x3]  }
0x11b: {  	s17 =	simm.s32 @!p1 $0x800;
	[sflag:s7] =	ssyncadd.s32 @!p1 $0xFFFFF800;
	s4 =	sadd.s32 @!p1 s0, s4  }
0x11c: {  	[tilespmem:s17], [sflag:$0x3] =	stream.linear.gather @!p1 [hbm4b:s4+s5], $0x800, $0x38;
	[tilespmem:$0x1F000] =	vst v63  }
0x11d: {  	s6 =	smov.u32 s1;
	_ =	swait.ge @!p1 [sflag:s7], $0x800  }
0x11e: {  	s0 =	smov.u32 s6;
	[sflag:s7] =	ssyncset.done @!p1 $0x0  }
0x11f: {  	s6 =	simm.s32 @!p1 $0x1000;
	s4 =	simm.s32 @!p1 $0x80;
	[sflag:s7] =	ssyncadd.s32 @!p1 $0xFFFFF800  }
0x120: {  	[tilespmem:s6], [sflag:$0x1] =	stream.indirect.gather @!p1 [hbm4b:s15+s4], $0x80, s5, s4, $0xb8;
	[tilespmem:$0x1F000] =	vst v63  }
0x121: {  	s7 =	simm.s32 @!p1 $0x5000  }
0x122: {  	[tilespmem:s7], [sflag:$0x2] =	stream.indirect.gather @!p1 [hbm4b:s15+s4], $0x80, s4, s4, $0xb8;
	[tilespmem:$0x1F000] =	vst v63  }
0x123: {  	_ =	swait.ge [sflag:s14], $0x4000  }
0x124: {  	[sflag:s14] =	ssyncset.done $0x0  }
0x125: {  	[sflag:s14] =	ssyncadd.s32 $0xFFFFC000  }
0x126: {  	[spmem:s2] =	stream.indirect.scatter.add.f32 [tilespmem:s11], [sflag:$0x3], $0x80, s9, s10, $0xb8;
	[tilespmem:$0x1F000] =	vst v63  }
0x127: {  	_ =	swait.ge [sflag:s8], $0x4000  }
0x128: {  	[sflag:s8] =	ssyncset.done $0x0  }
0x129: {  	s17 =	rddreg [dreg:$0x4];
	[sflag:s8] =	ssyncadd.s32 $0xFFFFC000  }
0x12a: {  	[tilespmem:s11], [sflag:$0x1] =	stream.indirect.gather [hbm4b:s15+s10], $0x80, s17, s10, $0xb8;
	[tilespmem:$0x1F000] =	vst v63  }
0x12b: {  	_ =	swait.ge [sflag:s18], $0x4000  }
0x12c: {  	[sflag:s18] =	ssyncset.done $0x0  }
0x12d: {  	s5 =	rddreg [dreg:$0x5];
	[sflag:s18] =	ssyncadd.s32 $0xFFFFC000  }
0x12e: {  	[spmem:s2] =	stream.indirect.scatter.add.f32 [tilespmem:s12], [sflag:$0x3], $0x80, s5, s10, $0xb8;
	[tilespmem:$0x1F000] =	vst v63  }
0x12f: {  	_ =	swait.ge [sflag:s8], $0x4000  }
0x130: {  	[sflag:s8] =	ssyncset.done $0x0  }
0x131: {  	s6 =	rddreg [dreg:$0x6];
	[sflag:s8] =	ssyncadd.s32 $0xFFFFC000  }
0x132: {  	[tilespmem:s12], [sflag:$0x2] =	stream.indirect.gather [hbm4b:s15+s10], $0x80, s6, s10, $0xb8;
	[tilespmem:$0x1F000] =	vst v63  }
0x133: {  	_ =	swait.ge [sflag:s14], $0x4000  }
0x134: {  	[sflag:s14] =	ssyncset.done $0x0  }
0x135: {  	s7 =	rddreg [dreg:$0x7];
	[sflag:s14] =	ssyncadd.s32 $0xFFFFC000  }
0x136: {  	[spmem:s2] =	stream.indirect.scatter.add.f32 [tilespmem:s11], [sflag:$0x3], $0x80, s7, s10, $0xb8;
	[tilespmem:$0x1F000] =	vst v63  }
0x137: {  	_ =	swait.ge [sflag:s8], $0x4000  }
0x138: {  	[sflag:s8] =	ssyncset.done $0x0  }
0x139: {  	s17 =	rddreg [dreg:$0x8];
	[sflag:s8] =	ssyncadd.s32 $0xFFFFC000  }
0x13a: {  	[tilespmem:s11], [sflag:$0x1] =	stream.indirect.gather [hbm4b:s15+s10], $0x80, s17, s10, $0xb8;
	[tilespmem:$0x1F000] =	vst v63  }
0x13b: {  	_ =	swait.ge [sflag:s18], $0x4000  }
0x13c: {  	[sflag:s18] =	ssyncset.done $0x0  }
0x13d: {  	s5 =	rddreg [dreg:$0x9];
	[sflag:s18] =	ssyncadd.s32 $0xFFFFC000  }
0x13e: {  	[spmem:s2] =	stream.indirect.scatter.add.f32 [tilespmem:s12], [sflag:$0x3], $0x80, s5, s10, $0xb8;
	[tilespmem:$0x1F000] =	vst v63  }
0x13f: {  	_ =	swait.ge [sflag:s8], $0x4000  }
0x140: {  	[sflag:s8] =	ssyncset.done $0x0  }
0x141: {  	s6 =	rddreg [dreg:$0xa];
	[sflag:s8] =	ssyncadd.s32 $0xFFFFC000  }
0x142: {  	[tilespmem:s12], [sflag:$0x2] =	stream.indirect.gather [hbm4b:s15+s10], $0x80, s6, s10, $0xb8;
	[tilespmem:$0x1F000] =	vst v63  }
0x143: {  	_ =	swait.ge [sflag:s14], $0x4000  }
0x144: {  	[sflag:s14] =	ssyncset.done $0x0  }
0x145: {  	s7 =	rddreg [dreg:$0xb];
	[sflag:s14] =	ssyncadd.s32 $0xFFFFC000  }
0x146: {  	[spmem:s2] =	stream.indirect.scatter.add.f32 [tilespmem:s11], [sflag:$0x3], $0x80, s7, s10, $0xb8;
	[tilespmem:$0x1F000] =	vst v63  }
0x147: {  	_ =	swait.ge [sflag:s8], $0x4000  }
0x148: {  	[sflag:s8] =	ssyncset.done $0x0  }
0x149: {  	s17 =	rddreg [dreg:$0xc];
	[sflag:s8] =	ssyncadd.s32 $0xFFFFC000  }
0x14a: {  	[tilespmem:s11], [sflag:$0x1] =	stream.indirect.gather [hbm4b:s15+s10], $0x80, s17, s10, $0xb8;
	[tilespmem:$0x1F000] =	vst v63  }
0x14b: {  	_ =	swait.ge [sflag:s18], $0x4000  }
0x14c: {  	[sflag:s18] =	ssyncset.done $0x0  }
0x14d: {  	s5 =	rddreg [dreg:$0xd];
	[sflag:s18] =	ssyncadd.s32 $0xFFFFC000  }
0x14e: {  	[spmem:s2] =	stream.indirect.scatter.add.f32 [tilespmem:s12], [sflag:$0x3], $0x80, s5, s10, $0xb8;
	[tilespmem:$0x1F000] =	vst v63  }
0x14f: {  	_ =	swait.ge [sflag:s8], $0x4000  }
0x150: {  	[sflag:s8] =	ssyncset.done $0x0  }
0x151: {  	s6 =	rddreg [dreg:$0xe];
	[sflag:s8] =	ssyncadd.s32 $0xFFFFC000  }
0x152: {  	[tilespmem:s12], [sflag:$0x2] =	stream.indirect.gather [hbm4b:s15+s10], $0x80, s6, s10, $0xb8;
	[tilespmem:$0x1F000] =	vst v63  }
0x153: {  	_ =	swait.ge [sflag:s14], $0x4000  }
0x154: {  	[sflag:s14] =	ssyncset.done $0x0  }
0x155: {  	s7 =	rddreg [dreg:$0xf];
	[sflag:s14] =	ssyncadd.s32 $0xFFFFC000  }
0x156: {  	[spmem:s2] =	stream.indirect.scatter.add.f32 [tilespmem:s11], [sflag:$0x3], $0x80, s7, s10, $0xb8;
	[tilespmem:$0x1F000] =	vst v63  }
0x157: {  	_ =	swait.ge [sflag:s8], $0x4000  }
0x158: {  	[sflag:s8] =	ssyncset.done $0x0  }
0x159: {  	s17 =	rddreg [dreg:$0x10];
	[sflag:s8] =	ssyncadd.s32 $0xFFFFC000  }
0x15a: {  	[tilespmem:s11], [sflag:$0x1] =	stream.indirect.gather [hbm4b:s15+s10], $0x80, s17, s10, $0xb8;
	[tilespmem:$0x1F000] =	vst v63  }
0x15b: {  	_ =	swait.ge [sflag:s18], $0x4000  }
0x15c: {  	[sflag:s18] =	ssyncset.done $0x0  }
0x15d: {  	s5 =	rddreg [dreg:$0x11];
	[sflag:s18] =	ssyncadd.s32 $0xFFFFC000  }
0x15e: {  	[spmem:s2] =	stream.indirect.scatter.add.f32 [tilespmem:s12], [sflag:$0x3], $0x80, s5, s10, $0xb8;
	[tilespmem:$0x1F000] =	vst v63  }
0x15f: {  	_ =	swait.ge [sflag:s8], $0x4000  }
0x160: {  	[sflag:s8] =	ssyncset.done $0x0  }
0x161: {  	s6 =	rddreg [dreg:$0x12];
	[sflag:s8] =	ssyncadd.s32 $0xFFFFC000  }
0x162: {  	[tilespmem:s12], [sflag:$0x2] =	stream.indirect.gather [hbm4b:s15+s10], $0x80, s6, s10, $0xb8;
	[tilespmem:$0x1F000] =	vst v63  }
0x163: {  	_ =	swait.ge [sflag:s14], $0x4000  }
0x164: {  	[sflag:s14] =	ssyncset.done $0x0  }
0x165: {  	s7 =	rddreg [dreg:$0x13];
	[sflag:s14] =	ssyncadd.s32 $0xFFFFC000  }
0x166: {  	[spmem:s2] =	stream.indirect.scatter.add.f32 [tilespmem:s11], [sflag:$0x3], $0x80, s7, s10, $0xb8;
	[tilespmem:$0x1F000] =	vst v63  }
0x167: {  	_ =	swait.ge [sflag:s8], $0x4000  }
0x168: {  	[sflag:s8] =	ssyncset.done $0x0  }
0x169: {  	s17 =	rddreg [dreg:$0x14];
	[sflag:s8] =	ssyncadd.s32 $0xFFFFC000  }
0x16a: {  	[tilespmem:s11], [sflag:$0x1] =	stream.indirect.gather [hbm4b:s15+s10], $0x80, s17, s10, $0xb8;
	[tilespmem:$0x1F000] =	vst v63  }
0x16b: {  	_ =	swait.ge [sflag:s18], $0x4000  }
0x16c: {  	[sflag:s18] =	ssyncset.done $0x0  }
0x16d: {  	[sflag:s18] =	ssyncadd.s32 $0xFFFFC000  }
0x16e: {  	[spmem:s2] =	stream.indirect.scatter.add.f32 [tilespmem:s12], [sflag:$0x3], $0x80, s19, s10, $0xb8;
	[tilespmem:$0x1F000] =	vst v63  }
0x16f: {  	_ =	swait.ge [sflag:s8], $0x4000  }
0x170: {  	[sflag:s8] =	ssyncset.done $0x0  }
0x171: {  	[sflag:s8] =	ssyncadd.s32 $0xFFFFC000  }
0x172: {  	[tilespmem:s12], [sflag:$0x2] =	stream.indirect.gather [hbm4b:s15+s10], $0x80, s20, s10, $0xb8;
	[tilespmem:$0x1F000] =	vst v63  }
0x173: {  	_ =	swait.ge [sflag:s14], $0x4000  }
0x174: {  	[sflag:s14] =	ssyncset.done $0x0  }
0x175: {  	[sflag:s14] =	ssyncadd.s32 $0xFFFFC000  }
0x176: {  	[spmem:s2] =	stream.indirect.scatter.add.f32 [tilespmem:s11], [sflag:$0x3], $0x80, s21, s10, $0xb8;
	[tilespmem:$0x1F000] =	vst v63  }
0x177: {  	_ =	swait.ge [sflag:s8], $0x4000  }
0x178: {  	[sflag:s8] =	ssyncset.done $0x0  }
0x179: {  	[sflag:s8] =	ssyncadd.s32 $0xFFFFC000  }
0x17a: {  	[tilespmem:s11], [sflag:$0x1] =	stream.indirect.gather [hbm4b:s15+s10], $0x80, s22, s10, $0xb8;
	[tilespmem:$0x1F000] =	vst v63  }
0x17b: {  	_ =	swait.ge [sflag:s18], $0x4000  }
0x17c: {  	[sflag:s18] =	ssyncset.done $0x0  }
0x17d: {  	[sflag:s18] =	ssyncadd.s32 $0xFFFFC000  }
0x17e: {  	[spmem:s2] =	stream.indirect.scatter.add.f32 [tilespmem:s12], [sflag:$0x3], $0x80, s23, s10, $0xb8;
	[tilespmem:$0x1F000] =	vst v63  }
0x17f: {  	_ =	swait.ge [sflag:s8], $0x4000  }
0x180: {  	[sflag:s8] =	ssyncset.done $0x0  }
0x181: {  	[sflag:s8] =	ssyncadd.s32 $0xFFFFC000  }
0x182: {  	[tilespmem:s12], [sflag:$0x2] =	stream.indirect.gather [hbm4b:s15+s10], $0x80, s24, s10, $0xb8;
	[tilespmem:$0x1F000] =	vst v63  }
0x183: {  	_ =	swait.ge [sflag:s14], $0x4000  }
0x184: {  	[sflag:s14] =	ssyncset.done $0x0  }
0x185: {  	[sflag:s14] =	ssyncadd.s32 $0xFFFFC000  }
0x186: {  	[spmem:s2] =	stream.indirect.scatter.add.f32 [tilespmem:s11], [sflag:$0x3], $0x80, s25, s10, $0xb8;
	[tilespmem:$0x1F000] =	vst v63  }
0x187: {  	_ =	swait.ge [sflag:s8], $0x4000  }
0x188: {  	[sflag:s8] =	ssyncset.done $0x0  }
0x189: {  	[sflag:s8] =	ssyncadd.s32 $0xFFFFC000  }
0x18a: {  	[tilespmem:s11], [sflag:$0x1] =	stream.indirect.gather [hbm4b:s15+s10], $0x80, s26, s10, $0xb8;
	[tilespmem:$0x1F000] =	vst v63  }
0x18b: {  	_ =	swait.ge [sflag:s18], $0x4000  }
0x18c: {  	[sflag:s18] =	ssyncset.done $0x0  }
0x18d: {  	[sflag:s18] =	ssyncadd.s32 $0xFFFFC000  }
0x18e: {  	[spmem:s2] =	stream.indirect.scatter.add.f32 [tilespmem:s12], [sflag:$0x3], $0x80, s28, s10, $0xb8;
	[tilespmem:$0x1F000] =	vst v63  }
0x18f: {  	_ =	swait.ge [sflag:s8], $0x4000  }
0x190: {  	[sflag:s8] =	ssyncset.done $0x0  }
0x191: {  	[sflag:s8] =	ssyncadd.s32 $0xFFFFC000  }
0x192: {  	[tilespmem:s12], [sflag:$0x2] =	stream.indirect.gather [hbm4b:s15+s10], $0x80, s29, s10, $0xb8;
	[tilespmem:$0x1F000] =	vst v63  }
0x193: {  	_ =	swait.ge [sflag:s14], $0x4000  }
0x194: {  	[sflag:s14] =	ssyncset.done $0x0  }
0x195: {  	[sflag:s14] =	ssyncadd.s32 $0xFFFFC000  }
0x196: {  	[spmem:s2] =	stream.indirect.scatter.add.f32 [tilespmem:s11], [sflag:$0x3], $0x80, s30, s10, $0xb8;
	[tilespmem:$0x1F000] =	vst v63  }
0x197: {  	_ =	swait.ge [sflag:s8], $0x4000  }
0x198: {  	s1 =	sadd.s32 $0x100, s1;
	[sflag:s8] =	ssyncset.done $0x0  }
0x199: {  	p0 =	sne.s32 s1, $0x500;
	[sflag:s8] =	ssyncadd.s32 $0xFFFFC000  }
.Ltmp1:
0x19a: {  	_ =	swait.ge [sflag:s18], $0x4000;
	(pc) =	sbr.rel @p0 .LBB2_4-.Ltmp1, $4  }
0x19b: {  	[sflag:s18] =	ssyncset.done $0x0  }
0x19c: {  	[sflag:s18] =	ssyncadd.s32 $0xFFFFC000  }
0x19d: {  	[spmem:s2] =	stream.indirect.scatter.add.f32 [tilespmem:s12], [sflag:$0x3], $0x80, s31, s10, $0xb8;
	[tilespmem:$0x1F000] =	vst v63  }
0x19e: {  	p1 =	seq.s32 s0, $0x0;
	_ =	swait.ge [sflag:s8], $0x4000  }
0x19f: {  	s1 =	sadd.s32 @!p1 s0, s16;
	[sflag:s8] =	ssyncset.done $0x0  }
0x1a0: {  	s4 =	simm.s32 @!p1 $0x0;
	s5 =	simm.s32 @!p1 $0x3;
	[sflag:s8] =	ssyncadd.s32 $0xFFFFC000  }
0x1a1: {  	[tilespmem:s4], [sflag:$0x3] =	stream.linear.gather @!p1 [hbm4b:s1+s4], $0x800, $0x38;
	[tilespmem:$0x1F000] =	vst v63  }
0x1a2: {  	_ =	swait.ge @!p1 [sflag:s5], $0x800  }
0x1a3: {  	s1 =	rddreg [dreg:$0x3];
	[sflag:s5] =	ssyncset.done @!p1 $0x0  }
0x1a4: {  	[sflag:s5] =	ssyncadd.s32 @!p1 $0xFFFFF800;
	s0 =	sadd.s32 @!p1 s0, s1;
	s1 =	simm.s32 @!p1 $0x800  }
0x1a5: {  	[tilespmem:s1], [sflag:$0x3] =	stream.linear.gather @!p1 [hbm4b:s0+s4], $0x800, $0x38;
	[tilespmem:$0x1F000] =	vst v63  }
0x1a6: {  	_ =	swait.ge @!p1 [sflag:s5], $0x800  }
0x1a7: {  	[sflag:s5] =	ssyncset.done @!p1 $0x0  }
0x1a8: {  	s0 =	simm.s32 @!p1 $0x80;
	s1 =	simm.s32 @!p1 $0x1000;
	[sflag:s5] =	ssyncadd.s32 @!p1 $0xFFFFF800  }
0x1a9: {  	[tilespmem:s1], [sflag:$0x1] =	stream.indirect.gather @!p1 [hbm4b:s15+s0], $0x80, s4, s0, $0xb8;
	[tilespmem:$0x1F000] =	vst v63  }
0x1aa: {  	s1 =	simm.s32 @!p1 $0x5000  }
0x1ab: {  	[tilespmem:s1], [sflag:$0x2] =	stream.indirect.gather @!p1 [hbm4b:s15+s0], $0x80, s0, s0, $0xb8;
	[tilespmem:$0x1F000] =	vst v63  }
0x1ac: {  	_ =	swait.ge [sflag:s14], $0x4000  }
0x1ad: {  	[sflag:s14] =	ssyncset.done $0x0  }
0x1ae: {  	[sflag:s14] =	ssyncadd.s32 $0xFFFFC000  }
0x1af: {  	[spmem:s2] =	stream.indirect.scatter.add.f32 [tilespmem:s11], [sflag:$0x3], $0x80, s9, s10, $0xb8;
	[tilespmem:$0x1F000] =	vst v63  }
0x1b0: {  	_ =	swait.ge [sflag:s8], $0x4000  }
0x1b1: {  	[sflag:s8] =	ssyncset.done $0x0  }
0x1b2: {  	s6 =	rddreg [dreg:$0x4];
	[sflag:s8] =	ssyncadd.s32 $0xFFFFC000  }
0x1b3: {  	[tilespmem:s11], [sflag:$0x1] =	stream.indirect.gather [hbm4b:s15+s10], $0x80, s6, s10, $0xb8;
	[tilespmem:$0x1F000] =	vst v63  }
0x1b4: {  	_ =	swait.ge [sflag:s18], $0x4000  }
0x1b5: {  	[sflag:s18] =	ssyncset.done $0x0  }
0x1b6: {  	s7 =	rddreg [dreg:$0x5];
	[sflag:s18] =	ssyncadd.s32 $0xFFFFC000  }
0x1b7: {  	[spmem:s2] =	stream.indirect.scatter.add.f32 [tilespmem:s12], [sflag:$0x3], $0x80, s7, s10, $0xb8;
	[tilespmem:$0x1F000] =	vst v63  }
0x1b8: {  	_ =	swait.ge [sflag:s8], $0x4000  }
0x1b9: {  	[sflag:s8] =	ssyncset.done $0x0  }
0x1ba: {  	s17 =	rddreg [dreg:$0x6];
	[sflag:s8] =	ssyncadd.s32 $0xFFFFC000  }
0x1bb: {  	[tilespmem:s12], [sflag:$0x2] =	stream.indirect.gather [hbm4b:s15+s10], $0x80, s17, s10, $0xb8;
	[tilespmem:$0x1F000] =	vst v63  }
0x1bc: {  	_ =	swait.ge [sflag:s14], $0x4000  }
0x1bd: {  	[sflag:s14] =	ssyncset.done $0x0  }
0x1be: {  	s1 =	rddreg [dreg:$0x7];
	[sflag:s14] =	ssyncadd.s32 $0xFFFFC000  }
0x1bf: {  	[spmem:s2] =	stream.indirect.scatter.add.f32 [tilespmem:s11], [sflag:$0x3], $0x80, s1, s10, $0xb8;
	[tilespmem:$0x1F000] =	vst v63  }
0x1c0: {  	_ =	swait.ge [sflag:s8], $0x4000  }
0x1c1: {  	[sflag:s8] =	ssyncset.done $0x0  }
0x1c2: {  	s4 =	rddreg [dreg:$0x8];
	[sflag:s8] =	ssyncadd.s32 $0xFFFFC000  }
0x1c3: {  	[tilespmem:s11], [sflag:$0x1] =	stream.indirect.gather [hbm4b:s15+s10], $0x80, s4, s10, $0xb8;
	[tilespmem:$0x1F000] =	vst v63  }
0x1c4: {  	_ =	swait.ge [sflag:s18], $0x4000  }
0x1c5: {  	[sflag:s18] =	ssyncset.done $0x0  }
0x1c6: {  	s5 =	rddreg [dreg:$0x9];
	[sflag:s18] =	ssyncadd.s32 $0xFFFFC000  }
0x1c7: {  	[spmem:s2] =	stream.indirect.scatter.add.f32 [tilespmem:s12], [sflag:$0x3], $0x80, s5, s10, $0xb8;
	[tilespmem:$0x1F000] =	vst v63  }
0x1c8: {  	_ =	swait.ge [sflag:s8], $0x4000  }
0x1c9: {  	[sflag:s8] =	ssyncset.done $0x0  }
0x1ca: {  	s6 =	rddreg [dreg:$0xa];
	[sflag:s8] =	ssyncadd.s32 $0xFFFFC000  }
0x1cb: {  	[tilespmem:s12], [sflag:$0x2] =	stream.indirect.gather [hbm4b:s15+s10], $0x80, s6, s10, $0xb8;
	[tilespmem:$0x1F000] =	vst v63  }
0x1cc: {  	_ =	swait.ge [sflag:s14], $0x4000  }
0x1cd: {  	[sflag:s14] =	ssyncset.done $0x0  }
0x1ce: {  	s7 =	rddreg [dreg:$0xb];
	[sflag:s14] =	ssyncadd.s32 $0xFFFFC000  }
0x1cf: {  	[spmem:s2] =	stream.indirect.scatter.add.f32 [tilespmem:s11], [sflag:$0x3], $0x80, s7, s10, $0xb8;
	[tilespmem:$0x1F000] =	vst v63  }
0x1d0: {  	_ =	swait.ge [sflag:s8], $0x4000  }
0x1d1: {  	[sflag:s8] =	ssyncset.done $0x0  }
0x1d2: {  	s17 =	rddreg [dreg:$0xc];
	[sflag:s8] =	ssyncadd.s32 $0xFFFFC000  }
0x1d3: {  	[tilespmem:s11], [sflag:$0x1] =	stream.indirect.gather [hbm4b:s15+s10], $0x80, s17, s10, $0xb8;
	[tilespmem:$0x1F000] =	vst v63  }
0x1d4: {  	_ =	swait.ge [sflag:s18], $0x4000  }
0x1d5: {  	[sflag:s18] =	ssyncset.done $0x0  }
0x1d6: {  	s1 =	rddreg [dreg:$0xd];
	[sflag:s18] =	ssyncadd.s32 $0xFFFFC000  }
0x1d7: {  	[spmem:s2] =	stream.indirect.scatter.add.f32 [tilespmem:s12], [sflag:$0x3], $0x80, s1, s10, $0xb8;
	[tilespmem:$0x1F000] =	vst v63  }
0x1d8: {  	_ =	swait.ge [sflag:s8], $0x4000  }
0x1d9: {  	[sflag:s8] =	ssyncset.done $0x0  }
0x1da: {  	s4 =	rddreg [dreg:$0xe];
	[sflag:s8] =	ssyncadd.s32 $0xFFFFC000  }
0x1db: {  	[tilespmem:s12], [sflag:$0x2] =	stream.indirect.gather [hbm4b:s15+s10], $0x80, s4, s10, $0xb8;
	[tilespmem:$0x1F000] =	vst v63  }
0x1dc: {  	_ =	swait.ge [sflag:s14], $0x4000  }
0x1dd: {  	[sflag:s14] =	ssyncset.done $0x0  }
0x1de: {  	s5 =	rddreg [dreg:$0xf];
	[sflag:s14] =	ssyncadd.s32 $0xFFFFC000  }
0x1df: {  	[spmem:s2] =	stream.indirect.scatter.add.f32 [tilespmem:s11], [sflag:$0x3], $0x80, s5, s10, $0xb8;
	[tilespmem:$0x1F000] =	vst v63  }
0x1e0: {  	_ =	swait.ge [sflag:s8], $0x4000  }
0x1e1: {  	[sflag:s8] =	ssyncset.done $0x0  }
0x1e2: {  	s6 =	rddreg [dreg:$0x10];
	[sflag:s8] =	ssyncadd.s32 $0xFFFFC000  }
0x1e3: {  	[tilespmem:s11], [sflag:$0x1] =	stream.indirect.gather [hbm4b:s15+s10], $0x80, s6, s10, $0xb8;
	[tilespmem:$0x1F000] =	vst v63  }
0x1e4: {  	_ =	swait.ge [sflag:s18], $0x4000  }
0x1e5: {  	[sflag:s18] =	ssyncset.done $0x0  }
0x1e6: {  	s7 =	rddreg [dreg:$0x11];
	[sflag:s18] =	ssyncadd.s32 $0xFFFFC000  }
0x1e7: {  	[spmem:s2] =	stream.indirect.scatter.add.f32 [tilespmem:s12], [sflag:$0x3], $0x80, s7, s10, $0xb8;
	[tilespmem:$0x1F000] =	vst v63  }
0x1e8: {  	_ =	swait.ge [sflag:s8], $0x4000  }
0x1e9: {  	[sflag:s8] =	ssyncset.done $0x0  }
0x1ea: {  	s17 =	rddreg [dreg:$0x12];
	[sflag:s8] =	ssyncadd.s32 $0xFFFFC000  }
0x1eb: {  	[tilespmem:s12], [sflag:$0x2] =	stream.indirect.gather [hbm4b:s15+s10], $0x80, s17, s10, $0xb8;
	[tilespmem:$0x1F000] =	vst v63  }
0x1ec: {  	_ =	swait.ge [sflag:s14], $0x4000  }
0x1ed: {  	[sflag:s14] =	ssyncset.done $0x0  }
0x1ee: {  	s1 =	rddreg [dreg:$0x13];
	[sflag:s14] =	ssyncadd.s32 $0xFFFFC000  }
0x1ef: {  	[spmem:s2] =	stream.indirect.scatter.add.f32 [tilespmem:s11], [sflag:$0x3], $0x80, s1, s10, $0xb8;
	[tilespmem:$0x1F000] =	vst v63  }
0x1f0: {  	_ =	swait.ge [sflag:s8], $0x4000  }
0x1f1: {  	[sflag:s8] =	ssyncset.done $0x0  }
0x1f2: {  	s4 =	rddreg [dreg:$0x14];
	[sflag:s8] =	ssyncadd.s32 $0xFFFFC000  }
0x1f3: {  	[tilespmem:s11], [sflag:$0x1] =	stream.indirect.gather [hbm4b:s15+s10], $0x80, s4, s10, $0xb8;
	[tilespmem:$0x1F000] =	vst v63  }
0x1f4: {  	_ =	swait.ge [sflag:s18], $0x4000  }
0x1f5: {  	[sflag:s18] =	ssyncset.done $0x0  }
0x1f6: {  	[sflag:s18] =	ssyncadd.s32 $0xFFFFC000  }
0x1f7: {  	[spmem:s2] =	stream.indirect.scatter.add.f32 [tilespmem:s12], [sflag:$0x3], $0x80, s19, s10, $0xb8;
	[tilespmem:$0x1F000] =	vst v63  }
0x1f8: {  	_ =	swait.ge [sflag:s8], $0x4000  }
0x1f9: {  	[sflag:s8] =	ssyncset.done $0x0  }
0x1fa: {  	[sflag:s8] =	ssyncadd.s32 $0xFFFFC000  }
0x1fb: {  	[tilespmem:s12], [sflag:$0x2] =	stream.indirect.gather [hbm4b:s15+s10], $0x80, s20, s10, $0xb8;
	[tilespmem:$0x1F000] =	vst v63  }
0x1fc: {  	_ =	swait.ge [sflag:s14], $0x4000  }
0x1fd: {  	[sflag:s14] =	ssyncset.done $0x0  }
0x1fe: {  	[sflag:s14] =	ssyncadd.s32 $0xFFFFC000  }
0x1ff: {  	[spmem:s2] =	stream.indirect.scatter.add.f32 [tilespmem:s11], [sflag:$0x3], $0x80, s21, s10, $0xb8;
	[tilespmem:$0x1F000] =	vst v63  }
0x200: {  	_ =	swait.ge [sflag:s8], $0x4000  }
0x201: {  	[sflag:s8] =	ssyncset.done $0x0  }
0x202: {  	[sflag:s8] =	ssyncadd.s32 $0xFFFFC000  }
0x203: {  	[tilespmem:s11], [sflag:$0x1] =	stream.indirect.gather [hbm4b:s15+s10], $0x80, s22, s10, $0xb8;
	[tilespmem:$0x1F000] =	vst v63  }
0x204: {  	_ =	swait.ge [sflag:s18], $0x4000  }
0x205: {  	[sflag:s18] =	ssyncset.done $0x0  }
0x206: {  	[sflag:s18] =	ssyncadd.s32 $0xFFFFC000  }
0x207: {  	[spmem:s2] =	stream.indirect.scatter.add.f32 [tilespmem:s12], [sflag:$0x3], $0x80, s23, s10, $0xb8;
	[tilespmem:$0x1F000] =	vst v63  }
0x208: {  	_ =	swait.ge [sflag:s8], $0x4000  }
0x209: {  	[sflag:s8] =	ssyncset.done $0x0  }
0x20a: {  	[sflag:s8] =	ssyncadd.s32 $0xFFFFC000  }
0x20b: {  	[tilespmem:s12], [sflag:$0x2] =	stream.indirect.gather [hbm4b:s15+s10], $0x80, s24, s10, $0xb8;
	[tilespmem:$0x1F000] =	vst v63  }
0x20c: {  	_ =	swait.ge [sflag:s14], $0x4000  }
0x20d: {  	[sflag:s14] =	ssyncset.done $0x0  }
0x20e: {  	[sflag:s14] =	ssyncadd.s32 $0xFFFFC000  }
0x20f: {  	[spmem:s2] =	stream.indirect.scatter.add.f32 [tilespmem:s11], [sflag:$0x3], $0x80, s25, s10, $0xb8;
	[tilespmem:$0x1F000] =	vst v63  }
0x210: {  	_ =	swait.ge [sflag:s8], $0x4000  }
0x211: {  	[sflag:s8] =	ssyncset.done $0x0  }
0x212: {  	[sflag:s8] =	ssyncadd.s32 $0xFFFFC000  }
0x213: {  	[tilespmem:s11], [sflag:$0x1] =	stream.indirect.gather [hbm4b:s15+s10], $0x80, s26, s10, $0xb8;
	[tilespmem:$0x1F000] =	vst v63  }
0x214: {  	_ =	swait.ge [sflag:s18], $0x4000  }
0x215: {  	[sflag:s18] =	ssyncset.done $0x0  }
0x216: {  	[sflag:s18] =	ssyncadd.s32 $0xFFFFC000  }
0x217: {  	[spmem:s2] =	stream.indirect.scatter.add.f32 [tilespmem:s12], [sflag:$0x3], $0x80, s28, s10, $0xb8;
	[tilespmem:$0x1F000] =	vst v63  }
0x218: {  	_ =	swait.ge [sflag:s8], $0x4000  }
0x219: {  	[sflag:s8] =	ssyncset.done $0x0  }
0x21a: {  	[sflag:s8] =	ssyncadd.s32 $0xFFFFC000  }
0x21b: {  	[tilespmem:s12], [sflag:$0x2] =	stream.indirect.gather [hbm4b:s15+s10], $0x80, s29, s10, $0xb8;
	[tilespmem:$0x1F000] =	vst v63  }
0x21c: {  	_ =	swait.ge [sflag:s14], $0x4000  }
0x21d: {  	[sflag:s14] =	ssyncset.done $0x0  }
0x21e: {  	[sflag:s14] =	ssyncadd.s32 $0xFFFFC000  }
0x21f: {  	[spmem:s2] =	stream.indirect.scatter.add.f32 [tilespmem:s11], [sflag:$0x3], $0x80, s30, s10, $0xb8;
	[tilespmem:$0x1F000] =	vst v63  }
0x220: {  	_ =	swait.ge [sflag:s8], $0x4000  }
0x221: {  	[sflag:s8] =	ssyncset.done $0x0  }
0x222: {  	[sflag:s8] =	ssyncadd.s32 $0xFFFFC000  }
0x223: {  	_ =	swait.ge [sflag:s18], $0x4000  }
0x224: {  	[sflag:s18] =	ssyncset.done $0x0  }
0x225: {  	[sflag:s18] =	ssyncadd.s32 $0xFFFFC000  }
0x226: {  	[spmem:s2] =	stream.indirect.scatter.add.f32 [tilespmem:s12], [sflag:$0x3], $0x80, s31, s10, $0xb8;
	[tilespmem:$0x1F000] =	vst v63  }
0x227: {  	_ =	swait.ge [sflag:s8], $0x4000  }
0x228: {  	[sflag:s8] =	ssyncset.done $0x0  }
0x229: {  	[sflag:s8] =	ssyncadd.s32 $0xFFFFC000  }
0x22a: {  	[bflag:$0x0] =	sbarrier.arrive $0xFFFF  }
0x22b: {  	s17 =	sld [smem:$0x7FD]  }
0x22c: {  	s5 =	stileid.u32  }
0x22d: {  	s0 =	sshll.u32 s5, $0x6  }
0x22e: {  	s0 =	sor.u32 $0x1C03, s0;
	s7 =	rddreg [dreg:$0x16];
	s6 =	sshrl.u32 s17, $0x3  }
0x22f: {  	[hbm:s7], [sflag:s0] =	dma.local [spmem:s6], $0x400  }
0x230: {  	_ =	swait.ge [sflag:s8], $0x400  }
0x231: {  	s5 =	sld [smem:$0x7EB]  }
0x232: {  	[sflag:s8] =	ssyncset.done $0x0  }
0x233: {  	s4 =	rddreg [dreg:$0x17];
	[sflag:s8] =	ssyncadd.s32 $0xFFFFFC00  }
0x234: {  	[hbm:s4], [sflag:s0] =	dma.local [spmem:s5], $0x400  }
0x235: {  	_ =	swait.ge [sflag:s8], $0x400  }
0x236: {  	s7 =	sld [smem:$0x7EC]  }
0x237: {  	[sflag:s8] =	ssyncset.done $0x0  }
0x238: {  	s6 =	rddreg [dreg:$0x18];
	[sflag:s8] =	ssyncadd.s32 $0xFFFFFC00  }
0x239: {  	[hbm:s6], [sflag:s0] =	dma.local [spmem:s7], $0x400  }
0x23a: {  	_ =	swait.ge [sflag:s8], $0x400  }
0x23b: {  	s5 =	sld [smem:$0x7ED]  }
0x23c: {  	[sflag:s8] =	ssyncset.done $0x0  }
0x23d: {  	s4 =	rddreg [dreg:$0x19];
	[sflag:s8] =	ssyncadd.s32 $0xFFFFFC00  }
0x23e: {  	[hbm:s4], [sflag:s0] =	dma.local [spmem:s5], $0x400  }
0x23f: {  	_ =	swait.ge [sflag:s8], $0x400  }
0x240: {  	s7 =	sld [smem:$0x7EE]  }
0x241: {  	[sflag:s8] =	ssyncset.done $0x0  }
0x242: {  	s6 =	rddreg [dreg:$0x1a];
	[sflag:s8] =	ssyncadd.s32 $0xFFFFFC00  }
0x243: {  	[hbm:s6], [sflag:s0] =	dma.local [spmem:s7], $0x400  }
0x244: {  	_ =	swait.ge [sflag:s8], $0x400  }
0x245: {  	s5 =	sld [smem:$0x7EF]  }
0x246: {  	[sflag:s8] =	ssyncset.done $0x0  }
0x247: {  	s4 =	rddreg [dreg:$0x1b];
	[sflag:s8] =	ssyncadd.s32 $0xFFFFFC00  }
0x248: {  	[hbm:s4], [sflag:s0] =	dma.local [spmem:s5], $0x400  }
0x249: {  	_ =	swait.ge [sflag:s8], $0x400  }
0x24a: {  	s7 =	sld [smem:$0x7F0]  }
0x24b: {  	[sflag:s8] =	ssyncset.done $0x0  }
0x24c: {  	s6 =	rddreg [dreg:$0x1c];
	[sflag:s8] =	ssyncadd.s32 $0xFFFFFC00  }
0x24d: {  	[hbm:s6], [sflag:s0] =	dma.local [spmem:s7], $0x400  }
0x24e: {  	_ =	swait.ge [sflag:s8], $0x400  }
0x24f: {  	s5 =	sld [smem:$0x7F1]  }
0x250: {  	[sflag:s8] =	ssyncset.done $0x0  }
0x251: {  	s4 =	rddreg [dreg:$0x1d];
	[sflag:s8] =	ssyncadd.s32 $0xFFFFFC00  }
0x252: {  	[hbm:s4], [sflag:s0] =	dma.local [spmem:s5], $0x400  }
0x253: {  	_ =	swait.ge [sflag:s8], $0x400  }
0x254: {  	s7 =	sld [smem:$0x7F2]  }
0x255: {  	[sflag:s8] =	ssyncset.done $0x0  }
0x256: {  	s6 =	rddreg [dreg:$0x1e];
	[sflag:s8] =	ssyncadd.s32 $0xFFFFFC00  }
0x257: {  	[hbm:s6], [sflag:s0] =	dma.local [spmem:s7], $0x400  }
0x258: {  	_ =	swait.ge [sflag:s8], $0x400  }
0x259: {  	s6 =	sld [smem:$0x7F3]  }
0x25a: {  	[sflag:s8] =	ssyncset.done $0x0  }
0x25b: {  	s5 =	rddreg [dreg:$0x1f];
	[sflag:s8] =	ssyncadd.s32 $0xFFFFFC00  }
0x25c: {  	[hbm:s5], [sflag:s0] =	dma.local [spmem:s6], $0x400  }
0x25d: {  	_ =	swait.ge [sflag:s8], $0x400  }
0x25e: {  	s7 =	sld [smem:$0x7EA];
	_ =	sdelay $0x1  }
0x25f: {  	s3 =	sadd.s32 $0x1, s3  }
0x260: {  	p0 =	sne.s32 s3, s7  }
.Ltmp2:
0x261: {  	_ = 	snop;
	(pc) =	sbr.rel @p0 .LBB2_1-.Ltmp2, $3  }
0x262: {  	_ =	sdelay $0x1  }
0x263: {  	[sflag:s8] =	ssyncset.done $0x0  }
0x264: {  	[sflag:s8] =	ssyncadd.s32 $0xFFFFFC00  }
0x265: {  	_ =	sfence.sel $0x180000  }
0x266: {  	[bflag:$0x0] =	sbarrier.arrive $0xFFFF  }
0x267: {  	_ =	strace $0x9000004A  }
0x268: {  	s0 =	stileid.u32;
	[bflag:$0x2] =	sbarrier.arrive $0xFFFF  }
0x269: {  	p0 =	sne.s32 s0, $0x0;
	s0 =	rddreg [dreg:$0x2]  }
0x26a: {  	s0 =	sadd.s32 @!p0 $0x100000, s0  }
0x26b: {  	[sflag:s0] =	ssyncadd.tile.s32 @!p0 $0x1;
	_ =	shalt  }
.Lfunc_end2:
_tile_overlayer_lowered:
.L_overlay_start_2:
0x26c: {  	(tag) =	ssettag $0x2  }
0x26d: {  	s0 =	rddreg [dreg:$0x0];
	s2 =	stileid.u32  }
0x26e: {  	s1 =	rddreg [dreg:$0x1];
	p0 =	sne.s32 s2, $0x0  }
0x26f: {  	s3 =	rddreg [dreg:$0x2];
	[bflag:$0x3] =	sbarrier.arrive $0xFFFF;
	s2 =	simm.s32 @!p0 $0x1C03  }
0x270: {  	[timem:s3], [sflag:s2] =	dma.local @!p0 [hbm:s0], s1  }
0x271: {  	s0 =	simm.s32 @!p0 $0x3  }
0x272: {  	_ =	swait.ge @!p0 [sflag:s0], s1  }
0x273: {  	s1 =	ssub.s32 @!p0 $0x0, s1;
	[sflag:s0] =	ssyncset.done @!p0 $0x0  }
0x274: {  	[sflag:s0] =	ssyncadd.s32 @!p0 s1  }
0x275: {  	[bflag:$0x3] =	sbarrier.arrive $0xFFFF  }
0x276: {  	_ =	shalt  }

// kernel: kernel.16.cloned.1.call-start
scs
__scs_entry_jumppad:
0x0: {  	(pc) =	sbr.rel $0x88, $3  }
0x1: {  	(tag) =	ssettag $0x0;
	lr =	simm.s32 $0x1  }
0x2: {  	[smem:$0x3F96] =	sst lr;
	_ =	strace $0xD0000000  }
0x3: {  	_ = 	snop  }
0x4: {  	_ = 	snop  }
0x5: {  	_ = 	snop  }
0x6: {  	_ = 	snop  }
0x7: {  	_ = 	snop  }
__scs_overlays_trampoline_lowered:
0x8: {  	[smem:$0x3FA5] =	sst s0  }
0x9: {  	[smem:$0x3FA6] =	sst s1  }
0xa: {  	[smem:$0x3FA7] =	sst s2  }
0xb: {  	[smem:$0x3FA8] =	sst s3  }
0xc: {  	[smem:$0x3FA9] =	sst s4  }
0xd: {  	[smem:$0x3FAA] =	sst s5  }
0xe: {  	[smem:$0x3FAB] =	sst s6  }
0xf: {  	[smem:$0x3FAC] =	sst s7  }
0x10: {  	[smem:$0x3FAD] =	sst s8  }
0x11: {  	[smem:$0x3FAE] =	sst s9;
	s0 =	simm.s32 @!p0 $0x0  }
0x12: {  	s1 =	sld [smem:$0x3F94];
	s0 =	simm.s32 @p0 $0x1  }
0x13: {  	[smem:$0x3FAF] =	sst s0;
	s0 =	simm.s32 @!p1 $0x0  }
0x14: {  	s2 =	sld [smem:$0x3F93];
	s0 =	simm.s32 @p1 $0x1  }
0x15: {  	[smem:$0x3FB0] =	sst s0;
	s0 =	simm.s32 @!p2 $0x0  }
0x16: {  	s3 =	sld [smem:$0x3FDB];
	s0 =	simm.s32 @p2 $0x1  }
0x17: {  	s4 =	simm.s32 $0x1BF5;
	[smem:$0x3FB2] =	sst s0  }
0x18: {  	s0 =	sld [smem:$0x3F95];
	_ =	swait.ge [sflag:s4], $0x0  }
0x19: {  	s7 =	sld [smem:$0x3F96]  }
0x1a: {  	s8 =	sadd.s32 $0xFFFFE003, lr  }
0x1b: {  	s9 =	sadd.s32 $0xFFFFFEF7, lr;
	s5 =	simm.s32 $0xFFFFFFFF;
	p2 =	slt.u32 s8, $0xFFFFF086  }
0x1c: {  	p1 =	slt.u32 s9, $0xF7A;
	s5 =	simm.s32 @!p2 $0x0  }
0x1d: {  	s5 =	simm.s32 @p1 $0x1;
	p0 =	seq.s32 s7, s2  }
0x1e: {  	s7 =	smul.u32 @!p0 $0xF7A, s2;
	p2 =	seq.s32 @!p0 s5, $0x0  }
0x1f: {  	s9 =	smul.u32 $0xF7A, s1;
	s8 =	simm.s32 @!p0 $0x1BF5;
	p2 =	por !p2, p0  }
0x20: {  	[sflag:s8] =	ssyncset.s32 @!p0 $0xFFFFF086;
	s6 =	sadd.s32 @!p0 s3, s7;
	s7 =	simm.s32 @!p0 $0x108  }
0x21: {  	s3 =	sadd.s32 s3, s9;
	s6 =	sadd.s32 @!p0 $0x88, s6;
	s7 =	simm.s32 @p2 $0x1082  }
0x22: {  	[simem:s7], [sflag:s8] =	dma.local @!p0 [hbm:s6], $0xF7A  }
0x23: {  	s9 =	sor.u32 $0xD0000000, s2;
	s6 =	simm.s32 $0x108;
	_ =	swait.ge @!p0 [sflag:s8], $0x0  }
0x24: {  	s3 =	sadd.s32 $0x88, s3;
	s6 =	simm.s32 @!p1 $0x1082;
	[sflag:s4] =	ssyncset.s32 $0xFFFFF086  }
0x25: {  	[simem:s6], [sflag:s4] =	dma.local [hbm:s3], $0xF7A  }
0x26: {  	[smem:$0x3F96] =	sst s1;
	(tag) =	ssettag s2;
	_ =	strace s9  }
0x27: {  	s1 =	sld [smem:$0x3FA6]  }
0x28: {  	s2 =	sld [smem:$0x3FA7]  }
0x29: {  	s4 =	sld [smem:$0x3FA9]  }
0x2a: {  	p0 =	seq.s32 s5, $0x0;
	s5 =	sld [smem:$0x3FAA]  }
0x2b: {  	s6 =	sld [smem:$0x3FAB]  }
0x2c: {  	s7 =	sld [smem:$0x3FAC]  }
0x2d: {  	s3 =	simm.s32 $0x108;
	s8 =	sld [smem:$0x3FAD]  }
0x2e: {  	s3 =	simm.s32 @!p0 $0x1082;
	s9 =	sld [smem:$0x3FAE]  }
0x2f: {  	lr =	sadd.s32 s0, s3;
	s0 =	sld [smem:$0x3FA5]  }
0x30: {  	s3 =	sld [smem:$0x3FA8]  }
0x31: {  	[smem:$0x3FB1] =	sst s10  }
0x32: {  	s10 =	sld [smem:$0x3FAF];
	_ =	sdelay $0x3  }
0x33: {  	p0 =	seq.s32 s10, $0x1;
	s10 =	sld [smem:$0x3FB1];
	_ =	sdelay $0x3  }
0x34: {  	[smem:$0x3FB1] =	sst s10  }
0x35: {  	s10 =	sld [smem:$0x3FB0];
	_ =	sdelay $0x3  }
0x36: {  	p1 =	seq.s32 s10, $0x1;
	s10 =	sld [smem:$0x3FB1];
	_ =	sdelay $0x3  }
0x37: {  	[smem:$0x3FB1] =	sst s10  }
0x38: {  	s10 =	sld [smem:$0x3FB2]  }
0x39: {  	_ = 	snop;
	(pc) =	sbr.ind lr, $3  }
0x3a: {  	_ = 	snop  }
0x3b: {  	_ = 	snop  }
0x3c: {  	p2 =	seq.s32 s10, $0x1;
	s10 =	sld [smem:$0x3FB1]  }
0x3d: {  	_ =	shalt  }
0x3e: {  	_ =	shalt  }
0x3f: {  	_ =	shalt  }
0x40: {  	_ =	shalt  }
0x41: {  	_ =	shalt  }
0x42: {  	_ =	shalt  }
0x43: {  	_ =	shalt  }
0x44: {  	_ =	shalt  }
0x45: {  	_ =	shalt  }
0x46: {  	_ =	shalt  }
0x47: {  	_ =	shalt  }
0x48: {  	_ =	shalt  }
0x49: {  	_ =	shalt  }
0x4a: {  	_ =	shalt  }
0x4b: {  	_ =	shalt  }
0x4c: {  	_ =	shalt  }
0x4d: {  	_ =	shalt  }
0x4e: {  	_ =	shalt  }
0x4f: {  	_ =	shalt  }
0x50: {  	_ =	shalt  }
0x51: {  	_ =	shalt  }
0x52: {  	_ =	shalt  }
0x53: {  	_ =	shalt  }
0x54: {  	_ =	shalt  }
0x55: {  	_ =	shalt  }
0x56: {  	_ =	shalt  }
0x57: {  	_ =	shalt  }
0x58: {  	_ =	shalt  }
0x59: {  	_ =	shalt  }
0x5a: {  	_ =	shalt  }
0x5b: {  	_ =	shalt  }
0x5c: {  	_ =	shalt  }
0x5d: {  	_ =	shalt  }
0x5e: {  	_ =	shalt  }
0x5f: {  	_ =	shalt  }
0x60: {  	_ =	shalt  }
0x61: {  	_ =	shalt  }
0x62: {  	_ =	shalt  }
0x63: {  	_ =	shalt  }
0x64: {  	_ =	shalt  }
0x65: {  	_ =	shalt  }
0x66: {  	_ =	shalt  }
0x67: {  	_ =	shalt  }
0x68: {  	_ =	shalt  }
0x69: {  	_ =	shalt  }
0x6a: {  	_ =	shalt  }
0x6b: {  	_ =	shalt  }
0x6c: {  	_ =	shalt  }
0x6d: {  	_ =	shalt  }
0x6e: {  	_ =	shalt  }
0x6f: {  	_ =	shalt  }
0x70: {  	_ =	shalt  }
0x71: {  	_ =	shalt  }
0x72: {  	_ =	shalt  }
0x73: {  	_ =	shalt  }
0x74: {  	_ =	shalt  }
0x75: {  	_ =	shalt  }
0x76: {  	_ =	shalt  }
0x77: {  	_ =	shalt  }
0x78: {  	_ =	shalt  }
0x79: {  	_ =	shalt  }
0x7a: {  	_ =	shalt  }
0x7b: {  	_ =	shalt  }
0x7c: {  	_ =	shalt  }
0x7d: {  	_ =	shalt  }
0x7e: {  	_ =	shalt  }
0x7f: {  	_ =	shalt  }
0x80: {  	_ =	shalt  }
0x81: {  	_ =	shalt  }
0x82: {  	_ =	shalt  }
0x83: {  	_ =	shalt  }
0x84: {  	_ =	shalt  }
0x85: {  	_ =	shalt  }
0x86: {  	_ =	shalt  }
0x87: {  	_ =	shalt  }
.Lfunc_end0:
.L_simem_size_0:
called_computation.2_lowered:
.L_overlay_start_0:
0x88: {  	s2 =	sld [smem:$0x3FD9]  }
0x89: {  	s3 =	sld [smem:$0x3FFE];
	_ =	sdelay $0x1  }
0x8a: {  	s1 =	srdreg.scid  }
0x8b: {  	s0 =	sand.u32 $0x1, s1  }
0x8c: {  	s16 =	sshll.u32 s0, $0xA;
	s2 =	sadd.s32 s3, s2  }
0x8d: {  	s2 =	sadd.s32 s2, s16  }
0x8e: {  	[smem:$0x3FBD] =	sst s2  }
0x8f: {  	_ = 	snop  }
0x90: {  	(tm) =	ssettm $0x1  }
0x91: {  	s17 =	sld [smem:$0x3FFB];
	_ =	sdelay $0x3  }
0x92: {  	_ =	strace s17  }
0x93: {  	s2 =	sld [smem:$0x3FFC];
	_ =	sdelay $0x3  }
0x94: {  	_ =	strace s2  }
0x95: {  	s2 =	sld [smem:$0x3FFD];
	_ =	sdelay $0x3  }
0x96: {  	_ =	strace s2  }
0x97: {  	_ =	strace $0x8FFFFFFF  }
0x98: {  	s18 =	sld [smem:$0x3FDB];
	_ =	sdelay $0x1  }
0x99: {  	s19 =	simm.s32 $_scs_section_size  }
0x9a: {  	s4 =	simm.s32 $_size__tile_overlayer_lowered;
	s5 =	simm.s32 $_tile_overlayer_lowered  }
0x9b: {  	s22 =	simm.s32 $0x1BFF;
	s21 =	sshll.u32 s5, $0x1;
	s2 =	sadd.s32 s19, s18  }
0x9c: {  	s6 =	simm.s32 $0x0;
	s20 =	sshll.u32 s4, $0x1;
	s4 =	sadd.s32 s21, s2  }
0x9d: {  	[timem:s6], [sflag:s22] =	dma.local [hbm:s4], s20  }
0x9e: {  	_ =	swait.ge [sflag:s22], s20  }
0x9f: {  	s3 =	ssub.s32 $0x0, s20;
	[sflag:s22] =	ssyncset.done $0x0  }
0xa0: {  	[sflag:s22] =	ssyncadd.s32 s3;
	_ =	sdelay $0x1  }
0xa1: {  	s23 =	simm.s32 $0x1B8B  }
0xa2: {  	_ =	swait.ge [sflag:s23], $0x1  }
0xa3: {  	[sflag:s23] =	ssyncset.done $0x0  }
0xa4: {  	s25 =	simm.s32 $0x1B8E;
	s24 =	sld [smem:$0x3FFE];
	[sflag:s23] =	ssyncadd.s32 $0xFFFFFFFF  }
0xa5: {  	s26 =	simm.s32 $execute0_lowered;
	[smem:$0x3FD2] =	sst s25  }
0xa6: {  	s4 =	sshll.u32 s26, $0x1;
	_ =	strace $0x8000004C;
	[dreg:$0x1] =	wrdreg $0xFFFFFFFF  }
0xa7: {  	s28 =	simm.s32 $_size_execute0_lowered;
	s2 =	sadd.s32 s2, s4;
	[dreg:$0x0] =	wrdreg $0x0  }
0xa8: {  	s4 =	sshll.u32 s28, $0x1;
	[dreg:$0x2] =	wrdreg s2  }
0xa9: {  	[dreg:$0x3] =	wrdreg s4  }
0xaa: {  	[dreg:$0x4] =	wrdreg $0xC0  }
0xab: {  	_ =	task [dreg:s6], $0x5FFFF  }
0xac: {  	[dreg:$0x1] =	wrdreg $0xFFFFFFFF  }
0xad: {  	[dreg:$0x0] =	wrdreg $0x60  }
0xae: {  	[dreg:$0x2] =	wrdreg s24  }
0xaf: {  	[dreg:$0x3] =	wrdreg $0xB0000  }
0xb0: {  	[dreg:$0x4] =	wrdreg $0x9  }
0xb1: {  	_ =	task.clear_ibuf [dreg:s6], $0x5FFFF;
	_ =	strace $0x9000004C  }
0xb2: {  	s29 =	simm.s32 $0x9;
	_ =	strace $0x8000004E  }
0xb3: {  	_ =	swait.ge [sflag:s29], $0x1  }
0xb4: {  	[sflag:s29] =	ssyncadd.s32 $0xFFFFFFFF  }
0xb5: {  	_ =	strace $0x9000004E  }
0xb6: {  	_ =	sfence  }
0xb7: {  	s30 =	sld [smem:$0x0];
	_ =	sdelay $0x2  }
0xb8: {  	s31 =	sshll.u32 s1, $0xD;
	s1 =	sshrl.u32 s1, $0x2  }
0xb9: {  	s3 =	sand.u32 $0x4000, s31;
	s1 =	sadd.s32 s1, s30  }
0xba: {  	s0 =	sor.u32 s3, s0;
	s1 =	sshll.u32 s1, $0x11  }
0xbb: {  	s0 =	sor.u32 s1, s0  }
0xbc: {  	s0 =	sadd.s32 $0x8F2B, s0  }
0xbd: {  	[sflag:s0] =	ssyncadd.remote.s32 $0x1  }
0xbe: {  	_ =	sfence.sel $0xFFFF  }
0xbf: {  	[dreg:$0x0] =	wrdreg $0xFFFFFFFF;
	(pc) =	sbr.abs _section_cstart, $3  }
0xc0: {  	[dreg:$0x1] =	wrdreg $0xFFFFFFFF  }
0xc1: {  	_ =	task.clear_ibuf [dreg:s6], $0x2FFFF;
	_ =	strace $0x9FFFFFFF  }
0xc2: {  	(tm) =	ssettm $0x7FFFFFFF  }
0xc3: {  	_ =	shalt  }
tec
execute0_lowered:
.L_overlay_start_1:
0x0: {  	(tag) =	ssettag $0x1  }
0x1: {  	s19 =	stileid.u32  }
0x2: {  	s0 =	srdreg.scid;
	s3 =	smul.u32 $0x2800, s19  }
0x3: {  	s0 =	sand.u32 $0x1, s0;
	s15 =	smul.u32 $0x14000, s19  }
0x4: {  	s2 =	smul.u32 $0x50000, s0  }
0x5: {  	s16 =	smul.u32 $0x280000, s0  }
0x6: {  	s4 =	sshllo.u32 s0, $0x1;
	s1 =	ssub.s32 $0x2, s0;
	s0 =	rddreg [dreg:$0x0]  }
0x7: {  	s10 =	smul.u32 $0x140000, s4;
	s5 =	sshrl.u32 s1, $0x1;
	s9 =	sadd.s32 $0x117200, s0  }
0x8: {  	s4 =	smul.u32 $0x28000, s4;
	s12 =	sshrl.u32 s3, $0x3;
	s1 =	ssub.s32 s1, s5  }
0x9: {  	s5 =	sadd.s32 s3, s2;
	s18 =	sadd.s32 s16, s15;
	s17 =	sadd.s32 s10, s15  }
0xa: {  	s6 =	sadd.s32 s3, s4;
	s3 =	sshrl.u32 s18, $0x3;
	s4 =	sadd.s32 $0x6000, s15  }
0xb: {  	s2 =	sshrl.u32 s17, $0x3;
	s3 =	sadd.s32 s9, s3;
	s22 =	sadd.s32 s16, s4  }
0xc: {  	s2 =	sadd.s32 s9, s2;
	[dreg:$0x5] =	wrdreg s3;
	s3 =	sadd.s32 $0x4000, s15  }
0xd: {  	[dreg:$0x4] =	wrdreg s2;
	s2 =	sor.u32 $0x2000, s15;
	s8 =	sadd.s32 s16, s3  }
0xe: {  	s20 =	sadd.s32 s16, s2;
	s21 =	sshrl.u32 s8, $0x3;
	s8 =	sshrl.u32 s22, $0x3  }
0xf: {  	s6 =	sshrl.u32 s6, $0x3;
	s7 =	sshrl.u32 s20, $0x3;
	s8 =	sadd.s32 s9, s8  }
0x10: {  	s26 =	sadd.s32 s10, s2;
	s7 =	sadd.s32 s9, s7;
	[dreg:$0x8] =	wrdreg s8  }
0x11: {  	s22 =	sadd.s32 s10, s4;
	[dreg:$0x6] =	wrdreg s7;
	s7 =	sadd.s32 s9, s21  }
0x12: {  	s8 =	sadd.s32 $0xA000, s15;
	[dreg:$0x7] =	wrdreg s7;
	s7 =	sadd.s32 $0x8000, s15  }
0x13: {  	s20 =	sadd.s32 s10, s3;
	s14 =	sadd.s32 s16, s8;
	s11 =	sadd.s32 s16, s7  }
0x14: {  	s21 =	sshrl.u32 s20, $0x3;
	s13 =	sshrl.u32 s11, $0x3;
	s11 =	sadd.s32 $0xC000, s15  }
0x15: {  	s23 =	sshrl.u32 s14, $0x3;
	s13 =	sadd.s32 s9, s13;
	s24 =	sadd.s32 s16, s11  }
0x16: {  	s20 =	sadd.s32 s10, s11;
	[dreg:$0x9] =	wrdreg s13;
	s13 =	sadd.s32 s9, s23  }
0x17: {  	s14 =	sshrl.u32 s24, $0x3;
	s23 =	sshrl.u32 s22, $0x3;
	s24 =	sadd.s32 s10, s7  }
0x18: {  	[dreg:$0xa] =	wrdreg s13;
	s13 =	sadd.s32 $0xE000, s15;
	s14 =	sadd.s32 s9, s14  }
0x19: {  	[dreg:$0xb] =	wrdreg s14;
	s17 =	sadd.s32 s16, s13;
	s14 =	sadd.s32 $0x10000, s15  }
0x1a: {  	s15 =	sadd.s32 $0x12000, s15;
	s22 =	sadd.s32 s10, s13;
	s17 =	sshrl.u32 s17, $0x3  }
0x1b: {  	s18 =	sadd.s32 s16, s14;
	s16 =	sadd.s32 s16, s15;
	s17 =	sadd.s32 s9, s17  }
0x1c: {  	s25 =	sshrl.u32 s18, $0x3;
	s16 =	sshrl.u32 s16, $0x3;
	s18 =	sshrl.u32 s26, $0x3  }
0x1d: {  	s26 =	sadd.s32 s10, s8;
	[dreg:$0xc] =	wrdreg s17;
	s17 =	sadd.s32 s9, s25  }
0x1e: {  	s16 =	sadd.s32 s9, s16;
	s25 =	sshrl.u32 s24, $0x3;
	[dreg:$0xd] =	wrdreg s17  }
0x1f: {  	[dreg:$0xe] =	wrdreg s16;
	s16 =	sadd.s32 s9, s18;
	s18 =	sshrl.u32 s26, $0x3  }
0x20: {  	s26 =	sadd.s32 $0x4200, s0;
	[dreg:$0xf] =	wrdreg s16;
	s16 =	sadd.s32 s9, s21  }
0x21: {  	s21 =	sshrl.u32 s20, $0x3;
	s17 =	sadd.s32 s26, s12;
	[dreg:$0x10] =	wrdreg s16  }
0x22: {  	s20 =	sadd.s32 $0x103200, s0;
	s16 =	sadd.s32 s9, s23;
	[dreg:$0x18] =	wrdreg s17  }
0x23: {  	s24 =	sadd.s32 s10, s14;
	s6 =	sadd.s32 s20, s6;
	[dreg:$0x11] =	wrdreg s16  }
0x24: {  	s10 =	sadd.s32 s10, s15;
	s16 =	sadd.s32 s9, s25;
	[dreg:$0x1a] =	wrdreg s6  }
0x25: {  	s10 =	sshrl.u32 s10, $0x3;
	[dreg:$0x12] =	wrdreg s16;
	s16 =	sadd.s32 s9, s18  }
0x26: {  	s23 =	sshrl.u32 s22, $0x3;
	[dreg:$0x13] =	wrdreg s16;
	s16 =	sadd.s32 s9, s21  }
0x27: {  	s18 =	smul.u32 $0x500, s19;
	s21 =	simm.s32 $0x0;
	[dreg:$0x14] =	wrdreg s16  }
0x28: {  	s22 =	sshrl.u32 s5, $0x3;
	s25 =	sshrl.u32 s24, $0x3;
	[smem:$0x7FF] =	sst s21  }
0x29: {  	s16 =	sadd.s32 s9, s23;
	s23 =	sadd.s32 s18, s26;
	s26 =	rddreg [dreg:$0x1]  }
0x2a: {  	s5 =	sadd.s32 $0x28000, s5;
	[dreg:$0x15] =	wrdreg s16;
	s16 =	sadd.s32 s9, s25  }
0x2b: {  	s5 =	sshrl.u32 s5, $0x3;
	s9 =	sadd.s32 s9, s10;
	[dreg:$0x16] =	wrdreg s16  }
0x2c: {  	s5 =	sadd.s32 s5, s20;
	[dreg:$0x17] =	wrdreg s9  }
0x2d: {  	s1 =	smax.u32 s1, $0x1;
	_ =	strace $0x8000004D;
	[dreg:$0x3] =	wrdreg s5  }
0x2e: {  	s2 =	sadd.s32 s2, s26;
	[dreg:$0x1c] =	wrdreg s1  }
0x2f: {  	s6 =	sadd.s32 s4, s26;
	[dreg:$0x1d] =	wrdreg s2  }
0x30: {  	s9 =	sadd.s32 s7, s26;
	[dreg:$0x1f] =	wrdreg s6  }
0x31: {  	s28 =	simm.s32 $0x5000;
	s10 =	sadd.s32 s8, s26;
	[smem:$0x7EF] =	sst s9  }
0x32: {  	s30 =	simm.s32 $0x980;
	s11 =	sadd.s32 s11, s26;
	[smem:$0x7F0] =	sst s10  }
0x33: {  	s24 =	smul.u32 $0x50000, s19;
	s13 =	sadd.s32 s13, s26;
	[smem:$0x7F1] =	sst s11  }
0x34: {  	s31 =	simm.s32 $0x480;
	s14 =	sadd.s32 s14, s26;
	[smem:$0x7F2] =	sst s13  }
0x35: {  	s25 =	sshrl.u32 s24, $0x2;
	s15 =	sadd.s32 s15, s26;
	[smem:$0x7F3] =	sst s14  }
0x36: {  	s29 =	sadd.s32 $0x59200, s0;
	s0 =	sadd.s32 s25, s26;
	[smem:$0x7F4] =	sst s15  }
0x37: {  	s12 =	sadd.s32 s20, s22;
	s5 =	sadd.s32 s3, s26;
	[dreg:$0x1b] =	wrdreg s0  }
0x38: {  	s4 =	simm.s32 $0xB00;
	s16 =	sadd.s32 $0x2000, s0;
	[dreg:$0x1e] =	wrdreg s5  }
0x39: {  	s7 =	simm.s32 $0x500;
	s17 =	sadd.s32 $0x4000, s0;
	[smem:$0x7F5] =	sst s16  }
0x3a: {  	s18 =	sadd.s32 $0x6000, s0;
	s19 =	sadd.s32 $0x8000, s0;
	[smem:$0x7F6] =	sst s17  }
0x3b: {  	s20 =	sadd.s32 $0xA000, s0;
	s22 =	sadd.s32 $0xC000, s0;
	[smem:$0x7F7] =	sst s18  }
0x3c: {  	s24 =	sadd.s32 $0xE000, s0;
	s25 =	sadd.s32 $0x10000, s0;
	[smem:$0x7F8] =	sst s19  }
0x3d: {  	s0 =	sadd.s32 $0x12000, s0;
	s10 =	simm.s32 $0x100;
	[smem:$0x7F9] =	sst s20  }
0x3e: {  	s1 =	simm.s32 $0x2;
	s14 =	simm.s32 $0x880;
	[smem:$0x7FA] =	sst s22  }
0x3f: {  	s15 =	simm.s32 $0x180;
	s2 =	simm.s32 $0xA80;
	[smem:$0x7FB] =	sst s24  }
0x40: {  	s3 =	simm.s32 $0x380;
	s6 =	simm.s32 $0xB80;
	[smem:$0x7FC] =	sst s25  }
0x41: {  	s11 =	simm.s32 $0xC00;
	[smem:$0x7FD] =	sst s0;
	s17 =	simm.s32 $0x3  }
0x42: {  	s19 =	simm.s32 $0x80;
	s20 =	simm.s32 $0x1000;
	s24 =	simm.s32 $0x1  }
0x43: {  	s16 =	simm.s32 $0x900;
	s22 =	simm.s32 $0x200;
	s25 =	simm.s32 $0x280  }
0x44: {  	v0 =	vimm.f32 $0.0e+00;
	s18 =	simm.s32 $0xA00;
	s0 =	simm.s32 $0x300;
	s5 =	simm.s32 $0x400  }
.LBB2_1:
0x45: {  	[dreg:$0x19] =	wrdreg s21;
	s8 =	simm.s32 $0x0;
	s21 =	simm.s32 $0x200  }
.LBB2_2:
0x46: {  	p0 =	sne.s32 s21, $0x7E00;
	[tilespmem:s8+$0x9070] =	vst v0  }
0x47: {  	[tilespmem:s8+$0x9000] =	vst v0  }
0x48: {  	[tilespmem:s8+$0x9010] =	vst v0  }
.Ltmp0:
0x49: {  	[tilespmem:s8+$0x9020] =	vst v0;
	(pc) =	sbr.rel @p0 .LBB2_2-.Ltmp0, $4  }
0x4a: {  	[tilespmem:s8+$0x9030] =	vst v0  }
0x4b: {  	[tilespmem:s8+$0x9040] =	vst v0  }
0x4c: {  	[tilespmem:s8+$0x9050] =	vst v0  }
0x4d: {  	[tilespmem:s8+$0x9060] =	vst v0;
	s8 =	sshra.s32 s21, $0x2;
	s21 =	sadd.s32 $0x200, s21  }
0x4e: {  	[tilespmem:s8+$0x9070] =	vst v0  }
0x4f: {  	[tilespmem:s8+$0x9000] =	vst v0  }
0x50: {  	[tilespmem:s8+$0x9010] =	vst v0  }
0x51: {  	[tilespmem:s8+$0x9020] =	vst v0  }
0x52: {  	[tilespmem:s8+$0x9030] =	vst v0  }
0x53: {  	[tilespmem:s8+$0x9040] =	vst v0  }
0x54: {  	[tilespmem:s8+$0x9050] =	vst v0  }
0x55: {  	[tilespmem:s8+$0x9060] =	vst v0;
	s13 =	simm.s32 $0x0  }
0x56: {  	[tilespmem:s13], [sflag:$0x3] =	stream.linear.gather [hbm4b:s12+s13], $0x800, $0x38;
	[tilespmem:$0x1F000] =	vst v63  }
0x57: {  	_ =	swait.ge [sflag:s17], $0x800  }
0x58: {  	[sflag:s17] =	ssyncset.done $0x0  }
0x59: {  	s21 =	simm.s32 $0x800;
	s9 =	rddreg [dreg:$0x18];
	[sflag:s17] =	ssyncadd.s32 $0xFFFFF800  }
0x5a: {  	[tilespmem:s21], [sflag:$0x3] =	stream.linear.gather [hbm4b:s9+s13], $0x800, $0x38;
	[tilespmem:$0x1F000] =	vst v63  }
0x5b: {  	_ =	swait.ge [sflag:s17], $0x800  }
0x5c: {  	[sflag:s17] =	ssyncset.done $0x0  }
0x5d: {  	[sflag:s17] =	ssyncadd.s32 $0xFFFFF800  }
0x5e: {  	[tilespmem:s20], [sflag:$0x1] =	stream.indirect.gather [hbm4b:s29+s19], $0x80, s13, s19, $0xb8;
	[tilespmem:$0x1F000] =	vst v63  }
0x5f: {  	_ = 	snop  }
0x60: {  	[tilespmem:s28], [sflag:$0x2] =	stream.indirect.gather [hbm4b:s29+s19], $0x80, s19, s19, $0xb8;
	[tilespmem:$0x1F000] =	vst v63  }
0x61: {  	s9 =	simm.s32 $0x9000;
	s21 =	rddreg [dreg:$0x1b]  }
0x62: {  	[spmem:s21] =	stream.linear.scatter [tilespmem:s9], [sflag:$0x3], $0x2000, $0x38;
	[tilespmem:$0x1F000] =	vst v63  }
0x63: {  	_ =	swait.ge [sflag:s17], $0x2000  }
0x64: {  	s13 =	sld [smem:$0x7F5]  }
0x65: {  	[sflag:s17] =	ssyncset.done $0x0  }
0x66: {  	[sflag:s17] =	ssyncadd.s32 $0xFFFFE000  }
0x67: {  	[spmem:s13] =	stream.linear.scatter [tilespmem:s9], [sflag:$0x3], $0x2000, $0x38;
	[tilespmem:$0x1F000] =	vst v63  }
0x68: {  	_ =	swait.ge [sflag:s17], $0x2000  }
0x69: {  	s21 =	sld [smem:$0x7F6]  }
0x6a: {  	[sflag:s17] =	ssyncset.done $0x0  }
0x6b: {  	[sflag:s17] =	ssyncadd.s32 $0xFFFFE000  }
0x6c: {  	[spmem:s21] =	stream.linear.scatter [tilespmem:s9], [sflag:$0x3], $0x2000, $0x38;
	[tilespmem:$0x1F000] =	vst v63  }
0x6d: {  	_ =	swait.ge [sflag:s17], $0x2000  }
0x6e: {  	s13 =	sld [smem:$0x7F7]  }
0x6f: {  	[sflag:s17] =	ssyncset.done $0x0  }
0x70: {  	[sflag:s17] =	ssyncadd.s32 $0xFFFFE000  }
0x71: {  	[spmem:s13] =	stream.linear.scatter [tilespmem:s9], [sflag:$0x3], $0x2000, $0x38;
	[tilespmem:$0x1F000] =	vst v63  }
0x72: {  	_ =	swait.ge [sflag:s17], $0x2000  }
0x73: {  	s21 =	sld [smem:$0x7F8]  }
0x74: {  	[sflag:s17] =	ssyncset.done $0x0  }
0x75: {  	[sflag:s17] =	ssyncadd.s32 $0xFFFFE000  }
0x76: {  	[spmem:s21] =	stream.linear.scatter [tilespmem:s9], [sflag:$0x3], $0x2000, $0x38;
	[tilespmem:$0x1F000] =	vst v63  }
0x77: {  	_ =	swait.ge [sflag:s17], $0x2000  }
0x78: {  	s13 =	sld [smem:$0x7F9]  }
0x79: {  	[sflag:s17] =	ssyncset.done $0x0  }
0x7a: {  	[sflag:s17] =	ssyncadd.s32 $0xFFFFE000  }
0x7b: {  	[spmem:s13] =	stream.linear.scatter [tilespmem:s9], [sflag:$0x3], $0x2000, $0x38;
	[tilespmem:$0x1F000] =	vst v63  }
0x7c: {  	_ =	swait.ge [sflag:s17], $0x2000  }
0x7d: {  	s21 =	sld [smem:$0x7FA]  }
0x7e: {  	[sflag:s17] =	ssyncset.done $0x0  }
0x7f: {  	[sflag:s17] =	ssyncadd.s32 $0xFFFFE000  }
0x80: {  	[spmem:s21] =	stream.linear.scatter [tilespmem:s9], [sflag:$0x3], $0x2000, $0x38;
	[tilespmem:$0x1F000] =	vst v63  }
0x81: {  	_ =	swait.ge [sflag:s17], $0x2000  }
0x82: {  	s13 =	sld [smem:$0x7FB]  }
0x83: {  	[sflag:s17] =	ssyncset.done $0x0  }
0x84: {  	[sflag:s17] =	ssyncadd.s32 $0xFFFFE000  }
0x85: {  	[spmem:s13] =	stream.linear.scatter [tilespmem:s9], [sflag:$0x3], $0x2000, $0x38;
	[tilespmem:$0x1F000] =	vst v63  }
0x86: {  	_ =	swait.ge [sflag:s17], $0x2000  }
0x87: {  	s21 =	sld [smem:$0x7FC]  }
0x88: {  	[sflag:s17] =	ssyncset.done $0x0  }
0x89: {  	[sflag:s17] =	ssyncadd.s32 $0xFFFFE000  }
0x8a: {  	[spmem:s21] =	stream.linear.scatter [tilespmem:s9], [sflag:$0x3], $0x2000, $0x38;
	[tilespmem:$0x1F000] =	vst v63  }
0x8b: {  	_ =	swait.ge [sflag:s17], $0x2000  }
0x8c: {  	s13 =	sld [smem:$0x7FD]  }
0x8d: {  	[sflag:s17] =	ssyncset.done $0x0  }
0x8e: {  	[sflag:s17] =	ssyncadd.s32 $0xFFFFE000  }
0x8f: {  	[spmem:s13] =	stream.linear.scatter [tilespmem:s9], [sflag:$0x3], $0x2000, $0x38;
	[tilespmem:$0x1F000] =	vst v63  }
0x90: {  	_ =	swait.ge [sflag:s17], $0x2000  }
0x91: {  	p0 =	por $0x1, $0x1;
	[sflag:s17] =	ssyncset.done $0x0  }
0x92: {  	s8 =	simm.s32 @!p0 $0x3;
	[sflag:s17] =	ssyncadd.s32 $0xFFFFE000  }
0x93: {  	s21 =	sadd.s32 @!p0 $0x0, s12;
	s9 =	simm.s32 @!p0 $0x0;
	[bflag:$0x0] =	sbarrier.arrive $0xFFFF  }
0x94: {  	[tilespmem:s9], [sflag:$0x3] =	stream.linear.gather @!p0 [hbm4b:s21+s9], $0x800, $0x38;
	[tilespmem:$0x1F000] =	vst v63  }
0x95: {  	s21 =	sadd.s32 @!p0 $0x0, s23;
	_ =	swait.ge @!p0 [sflag:s8], $0x800  }
0x96: {  	[smem:$0x7EE] =	sst s21  }
0x97: {  	s13 =	sld [smem:$0x7EE]  }
0x98: {  	[sflag:s8] =	ssyncset.done @!p0 $0x0  }
0x99: {  	s21 =	simm.s32 @!p0 $0x800;
	[sflag:s8] =	ssyncadd.s32 @!p0 $0xFFFFF800  }
0x9a: {  	[tilespmem:s21], [sflag:$0x3] =	stream.linear.gather @!p0 [hbm4b:s13+s9], $0x800, $0x38;
	[tilespmem:$0x1F000] =	vst v63  }
0x9b: {  	_ =	swait.ge @!p0 [sflag:s8], $0x800  }
0x9c: {  	[sflag:s8] =	ssyncset.done @!p0 $0x0  }
0x9d: {  	s21 =	simm.s32 @!p0 $0x1000;
	[sflag:s8] =	ssyncadd.s32 @!p0 $0xFFFFF800;
	s8 =	simm.s32 @!p0 $0x80  }
0x9e: {  	[tilespmem:s21], [sflag:$0x1] =	stream.indirect.gather @!p0 [hbm4b:s29+s8], $0x80, s9, s8, $0xb8;
	[tilespmem:$0x1F000] =	vst v63  }
0x9f: {  	s21 =	simm.s32 @!p0 $0x5000  }
0xa0: {  	[tilespmem:s21], [sflag:$0x2] =	stream.indirect.gather @!p0 [hbm4b:s29+s8], $0x80, s8, s8, $0xb8;
	[tilespmem:$0x1F000] =	vst v63  }
0xa1: {  	_ =	swait.ge [sflag:s24], $0x4000  }
0xa2: {  	[sflag:s24] =	ssyncset.done $0x0  }
0xa3: {  	s21 =	simm.s32 $0x800;
	[sflag:s24] =	ssyncadd.s32 $0xFFFFC000  }
0xa4: {  	[spmem:s26] =	stream.indirect.scatter.add.f32 [tilespmem:s20], [sflag:$0x3], $0x80, s21, s19, $0xb8;
	[tilespmem:$0x1F000] =	vst v63  }
0xa5: {  	_ =	swait.ge [sflag:s17], $0x4000  }
0xa6: {  	[sflag:s17] =	ssyncset.done $0x0  }
0xa7: {  	[sflag:s17] =	ssyncadd.s32 $0xFFFFC000  }
0xa8: {  	[tilespmem:s20], [sflag:$0x1] =	stream.indirect.gather [hbm4b:s29+s19], $0x80, s10, s19, $0xb8;
	[tilespmem:$0x1F000] =	vst v63  }
0xa9: {  	_ =	swait.ge [sflag:s1], $0x4000  }
0xaa: {  	[sflag:s1] =	ssyncset.done $0x0  }
0xab: {  	[sflag:s1] =	ssyncadd.s32 $0xFFFFC000  }
0xac: {  	[spmem:s26] =	stream.indirect.scatter.add.f32 [tilespmem:s28], [sflag:$0x3], $0x80, s14, s19, $0xb8;
	[tilespmem:$0x1F000] =	vst v63  }
0xad: {  	_ =	swait.ge [sflag:s17], $0x4000  }
0xae: {  	[sflag:s17] =	ssyncset.done $0x0  }
0xaf: {  	[sflag:s17] =	ssyncadd.s32 $0xFFFFC000  }
0xb0: {  	[tilespmem:s28], [sflag:$0x2] =	stream.indirect.gather [hbm4b:s29+s19], $0x80, s15, s19, $0xb8;
	[tilespmem:$0x1F000] =	vst v63  }
0xb1: {  	_ =	swait.ge [sflag:s24], $0x4000  }
0xb2: {  	[sflag:s24] =	ssyncset.done $0x0  }
0xb3: {  	[sflag:s24] =	ssyncadd.s32 $0xFFFFC000  }
0xb4: {  	[spmem:s26] =	stream.indirect.scatter.add.f32 [tilespmem:s20], [sflag:$0x3], $0x80, s16, s19, $0xb8;
	[tilespmem:$0x1F000] =	vst v63  }
0xb5: {  	_ =	swait.ge [sflag:s17], $0x4000  }
0xb6: {  	[sflag:s17] =	ssyncset.done $0x0  }
0xb7: {  	[sflag:s17] =	ssyncadd.s32 $0xFFFFC000  }
0xb8: {  	[tilespmem:s20], [sflag:$0x1] =	stream.indirect.gather [hbm4b:s29+s19], $0x80, s22, s19, $0xb8;
	[tilespmem:$0x1F000] =	vst v63  }
0xb9: {  	_ =	swait.ge [sflag:s1], $0x4000  }
0xba: {  	[sflag:s1] =	ssyncset.done $0x0  }
0xbb: {  	[sflag:s1] =	ssyncadd.s32 $0xFFFFC000  }
0xbc: {  	[spmem:s26] =	stream.indirect.scatter.add.f32 [tilespmem:s28], [sflag:$0x3], $0x80, s30, s19, $0xb8;
	[tilespmem:$0x1F000] =	vst v63  }
0xbd: {  	_ =	swait.ge [sflag:s17], $0x4000  }
0xbe: {  	[sflag:s17] =	ssyncset.done $0x0  }
0xbf: {  	[sflag:s17] =	ssyncadd.s32 $0xFFFFC000  }
0xc0: {  	[tilespmem:s28], [sflag:$0x2] =	stream.indirect.gather [hbm4b:s29+s19], $0x80, s25, s19, $0xb8;
	[tilespmem:$0x1F000] =	vst v63  }
0xc1: {  	_ =	swait.ge [sflag:s24], $0x4000  }
0xc2: {  	[sflag:s24] =	ssyncset.done $0x0  }
0xc3: {  	[sflag:s24] =	ssyncadd.s32 $0xFFFFC000  }
0xc4: {  	[spmem:s26] =	stream.indirect.scatter.add.f32 [tilespmem:s20], [sflag:$0x3], $0x80, s18, s19, $0xb8;
	[tilespmem:$0x1F000] =	vst v63  }
0xc5: {  	_ =	swait.ge [sflag:s17], $0x4000  }
0xc6: {  	[sflag:s17] =	ssyncset.done $0x0  }
0xc7: {  	[sflag:s17] =	ssyncadd.s32 $0xFFFFC000  }
0xc8: {  	[tilespmem:s20], [sflag:$0x1] =	stream.indirect.gather [hbm4b:s29+s19], $0x80, s0, s19, $0xb8;
	[tilespmem:$0x1F000] =	vst v63  }
0xc9: {  	_ =	swait.ge [sflag:s1], $0x4000  }
0xca: {  	[sflag:s1] =	ssyncset.done $0x0  }
0xcb: {  	[sflag:s1] =	ssyncadd.s32 $0xFFFFC000  }
0xcc: {  	[spmem:s26] =	stream.indirect.scatter.add.f32 [tilespmem:s28], [sflag:$0x3], $0x80, s2, s19, $0xb8;
	[tilespmem:$0x1F000] =	vst v63  }
0xcd: {  	_ =	swait.ge [sflag:s17], $0x4000  }
0xce: {  	[sflag:s17] =	ssyncset.done $0x0  }
0xcf: {  	[sflag:s17] =	ssyncadd.s32 $0xFFFFC000  }
0xd0: {  	[tilespmem:s28], [sflag:$0x2] =	stream.indirect.gather [hbm4b:s29+s19], $0x80, s3, s19, $0xb8;
	[tilespmem:$0x1F000] =	vst v63  }
0xd1: {  	_ =	swait.ge [sflag:s24], $0x4000  }
0xd2: {  	[sflag:s24] =	ssyncset.done $0x0  }
0xd3: {  	[sflag:s24] =	ssyncadd.s32 $0xFFFFC000  }
0xd4: {  	[spmem:s26] =	stream.indirect.scatter.add.f32 [tilespmem:s20], [sflag:$0x3], $0x80, s4, s19, $0xb8;
	[tilespmem:$0x1F000] =	vst v63  }
0xd5: {  	_ =	swait.ge [sflag:s17], $0x4000  }
0xd6: {  	[sflag:s17] =	ssyncset.done $0x0  }
0xd7: {  	[sflag:s17] =	ssyncadd.s32 $0xFFFFC000  }
0xd8: {  	[tilespmem:s20], [sflag:$0x1] =	stream.indirect.gather [hbm4b:s29+s19], $0x80, s5, s19, $0xb8;
	[tilespmem:$0x1F000] =	vst v63  }
0xd9: {  	_ =	swait.ge [sflag:s1], $0x4000  }
0xda: {  	[sflag:s1] =	ssyncset.done $0x0  }
0xdb: {  	[sflag:s1] =	ssyncadd.s32 $0xFFFFC000  }
0xdc: {  	[spmem:s26] =	stream.indirect.scatter.add.f32 [tilespmem:s28], [sflag:$0x3], $0x80, s6, s19, $0xb8;
	[tilespmem:$0x1F000] =	vst v63  }
0xdd: {  	_ =	swait.ge [sflag:s17], $0x4000  }
0xde: {  	[sflag:s17] =	ssyncset.done $0x0  }
0xdf: {  	[sflag:s17] =	ssyncadd.s32 $0xFFFFC000  }
0xe0: {  	[tilespmem:s28], [sflag:$0x2] =	stream.indirect.gather [hbm4b:s29+s19], $0x80, s31, s19, $0xb8;
	[tilespmem:$0x1F000] =	vst v63  }
0xe1: {  	_ =	swait.ge [sflag:s24], $0x4000  }
0xe2: {  	[sflag:s24] =	ssyncset.done $0x0  }
0xe3: {  	[sflag:s24] =	ssyncadd.s32 $0xFFFFC000  }
0xe4: {  	[spmem:s26] =	stream.indirect.scatter.add.f32 [tilespmem:s20], [sflag:$0x3], $0x80, s11, s19, $0xb8;
	[tilespmem:$0x1F000] =	vst v63  }
0xe5: {  	_ =	swait.ge [sflag:s17], $0x4000  }
0xe6: {  	[sflag:s17] =	ssyncset.done $0x0  }
0xe7: {  	[sflag:s17] =	ssyncadd.s32 $0xFFFFC000  }
0xe8: {  	[tilespmem:s20], [sflag:$0x1] =	stream.indirect.gather [hbm4b:s29+s19], $0x80, s7, s19, $0xb8;
	[tilespmem:$0x1F000] =	vst v63  }
0xe9: {  	_ =	swait.ge [sflag:s1], $0x4000  }
0xea: {  	[sflag:s1] =	ssyncset.done $0x0  }
0xeb: {  	s8 =	simm.s32 $0xC80;
	[sflag:s1] =	ssyncadd.s32 $0xFFFFC000  }
0xec: {  	[spmem:s26] =	stream.indirect.scatter.add.f32 [tilespmem:s28], [sflag:$0x3], $0x80, s8, s19, $0xb8;
	[tilespmem:$0x1F000] =	vst v63  }
0xed: {  	_ =	swait.ge [sflag:s17], $0x4000  }
0xee: {  	[sflag:s17] =	ssyncset.done $0x0  }
0xef: {  	s9 =	simm.s32 $0x580;
	[sflag:s17] =	ssyncadd.s32 $0xFFFFC000  }
0xf0: {  	[tilespmem:s28], [sflag:$0x2] =	stream.indirect.gather [hbm4b:s29+s19], $0x80, s9, s19, $0xb8;
	[tilespmem:$0x1F000] =	vst v63  }
0xf1: {  	_ =	swait.ge [sflag:s24], $0x4000  }
0xf2: {  	[sflag:s24] =	ssyncset.done $0x0  }
0xf3: {  	s10 =	simm.s32 $0xD00;
	[sflag:s24] =	ssyncadd.s32 $0xFFFFC000  }
0xf4: {  	[spmem:s26] =	stream.indirect.scatter.add.f32 [tilespmem:s20], [sflag:$0x3], $0x80, s10, s19, $0xb8;
	[tilespmem:$0x1F000] =	vst v63  }
0xf5: {  	_ =	swait.ge [sflag:s17], $0x4000  }
0xf6: {  	[sflag:s17] =	ssyncset.done $0x0  }
0xf7: {  	s11 =	simm.s32 $0x600;
	[sflag:s17] =	ssyncadd.s32 $0xFFFFC000  }
0xf8: {  	[tilespmem:s20], [sflag:$0x1] =	stream.indirect.gather [hbm4b:s29+s19], $0x80, s11, s19, $0xb8;
	[tilespmem:$0x1F000] =	vst v63  }
0xf9: {  	_ =	swait.ge [sflag:s1], $0x4000  }
0xfa: {  	[sflag:s1] =	ssyncset.done $0x0  }
0xfb: {  	s13 =	simm.s32 $0xD80;
	[sflag:s1] =	ssyncadd.s32 $0xFFFFC000  }
0xfc: {  	[spmem:s26] =	stream.indirect.scatter.add.f32 [tilespmem:s28], [sflag:$0x3], $0x80, s13, s19, $0xb8;
	[tilespmem:$0x1F000] =	vst v63  }
0xfd: {  	_ =	swait.ge [sflag:s17], $0x4000  }
0xfe: {  	[sflag:s17] =	ssyncset.done $0x0  }
0xff: {  	s14 =	simm.s32 $0x680;
	[sflag:s17] =	ssyncadd.s32 $0xFFFFC000  }
0x100: {  	[tilespmem:s28], [sflag:$0x2] =	stream.indirect.gather [hbm4b:s29+s19], $0x80, s14, s19, $0xb8;
	[tilespmem:$0x1F000] =	vst v63  }
0x101: {  	_ =	swait.ge [sflag:s24], $0x4000  }
0x102: {  	[sflag:s24] =	ssyncset.done $0x0  }
0x103: {  	s15 =	simm.s32 $0xE00;
	[sflag:s24] =	ssyncadd.s32 $0xFFFFC000  }
0x104: {  	[spmem:s26] =	stream.indirect.scatter.add.f32 [tilespmem:s20], [sflag:$0x3], $0x80, s15, s19, $0xb8;
	[tilespmem:$0x1F000] =	vst v63  }
0x105: {  	_ =	swait.ge [sflag:s17], $0x4000  }
0x106: {  	[sflag:s17] =	ssyncset.done $0x0  }
0x107: {  	s16 =	simm.s32 $0x700;
	[sflag:s17] =	ssyncadd.s32 $0xFFFFC000  }
0x108: {  	[tilespmem:s20], [sflag:$0x1] =	stream.indirect.gather [hbm4b:s29+s19], $0x80, s16, s19, $0xb8;
	[tilespmem:$0x1F000] =	vst v63  }
0x109: {  	_ =	swait.ge [sflag:s1], $0x4000  }
0x10a: {  	[sflag:s1] =	ssyncset.done $0x0  }
0x10b: {  	s18 =	simm.s32 $0xE80;
	[sflag:s1] =	ssyncadd.s32 $0xFFFFC000  }
0x10c: {  	[spmem:s26] =	stream.indirect.scatter.add.f32 [tilespmem:s28], [sflag:$0x3], $0x80, s18, s19, $0xb8;
	[tilespmem:$0x1F000] =	vst v63  }
0x10d: {  	_ =	swait.ge [sflag:s17], $0x4000  }
0x10e: {  	[sflag:s17] =	ssyncset.done $0x0  }
0x10f: {  	s21 =	simm.s32 $0x780;
	[sflag:s17] =	ssyncadd.s32 $0xFFFFC000  }
0x110: {  	[tilespmem:s28], [sflag:$0x2] =	stream.indirect.gather [hbm4b:s29+s19], $0x80, s21, s19, $0xb8;
	[tilespmem:$0x1F000] =	vst v63  }
0x111: {  	p1 =	por $0x0, $0x0;
	s22 =	simm.s32 $0xF00;
	_ =	swait.ge [sflag:s24], $0x4000  }
0x112: {  	s30 =	simm.s32 $0x980;
	s25 =	simm.s32 $0xF80;
	[sflag:s24] =	ssyncset.done $0x0  }
0x113: {  	s0 =	simm.s32 $0xA80;
	s2 =	simm.s32 $0x380;
	[sflag:s24] =	ssyncadd.s32 $0xFFFFC000  }
0x114: {  	[spmem:s26] =	stream.indirect.scatter.add.f32 [tilespmem:s20], [sflag:$0x3], $0x80, s22, s19, $0xb8;
	[tilespmem:$0x1F000] =	vst v63  }
0x115: {  	s3 =	simm.s32 $0xB00;
	s4 =	simm.s32 $0x400;
	_ =	swait.ge [sflag:s17], $0x4000  }
0x116: {  	s5 =	simm.s32 $0xB80;
	s6 =	simm.s32 $0xC80;
	[sflag:s17] =	ssyncset.done $0x0  }
0x117: {  	s31 =	simm.s32 $0x880;
	s7 =	simm.s32 $0x500;
	[sflag:s17] =	ssyncadd.s32 $0xFFFFC000  }
0x118: {  	s8 =	simm.s32 $0x200;
	s14 =	simm.s32 $0x480;
	_ =	swait.ge [sflag:s1], $0x4000  }
0x119: {  	s15 =	simm.s32 $0xC00;
	s16 =	simm.s32 $0x900;
	[sflag:s1] =	ssyncset.done $0x0  }
0x11a: {  	s18 =	simm.s32 $0x300;
	s21 =	simm.s32 $0x100;
	[sflag:s1] =	ssyncadd.s32 $0xFFFFC000  }
0x11b: {  	[spmem:s26] =	stream.indirect.scatter.add.f32 [tilespmem:s28], [sflag:$0x3], $0x80, s25, s19, $0xb8;
	[tilespmem:$0x1F000] =	vst v63  }
0x11c: {  	s22 =	simm.s32 $0x180;
	s25 =	simm.s32 $0x100;
	_ =	swait.ge [sflag:s17], $0x4000  }
.LBB2_4:
0x11d: {  	s9 =	sadd.s32 @!p1 s21, s12;
	s10 =	simm.s32 @!p1 $0x0  }
0x11e: {  	[sflag:s17] =	ssyncset.done $0x0;
	s11 =	smov.u32 s8;
	s8 =	sadd.s32 $0x100, s8  }
0x11f: {  	s13 =	smov.u32 s12;
	s12 =	simm.s32 @!p1 $0x3;
	[sflag:s17] =	ssyncadd.s32 $0xFFFFC000  }
0x120: {  	[tilespmem:s10], [sflag:$0x3] =	stream.linear.gather @!p1 [hbm4b:s9+s10], $0x800, $0x38;
	[tilespmem:$0x1F000] =	vst v63  }
0x121: {  	p0 =	sne.s32 s8, $0x500;
	_ =	swait.ge @!p1 [sflag:s12], $0x800  }
0x122: {  	[sflag:s12] =	ssyncset.done @!p1 $0x0  }
0x123: {  	s9 =	sadd.s32 @!p1 s21, s23;
	s21 =	simm.s32 @!p1 $0x800;
	[sflag:s12] =	ssyncadd.s32 @!p1 $0xFFFFF800  }
0x124: {  	[tilespmem:s21], [sflag:$0x3] =	stream.linear.gather @!p1 [hbm4b:s9+s10], $0x800, $0x38;
	[tilespmem:$0x1F000] =	vst v63  }
0x125: {  	s21 =	smov.u32 s11;
	_ =	swait.ge @!p1 [sflag:s12], $0x800  }
0x126: {  	s9 =	simm.s32 @!p1 $0x80;
	[sflag:s12] =	ssyncset.done @!p1 $0x0  }
0x127: {  	s11 =	simm.s32 @!p1 $0x1000;
	[sflag:s12] =	ssyncadd.s32 @!p1 $0xFFFFF800;
	s12 =	smov.u32 s13  }
0x128: {  	[tilespmem:s11], [sflag:$0x1] =	stream.indirect.gather @!p1 [hbm4b:s29+s9], $0x80, s10, s9, $0xb8;
	[tilespmem:$0x1F000] =	vst v63  }
0x129: {  	s10 =	simm.s32 @!p1 $0x5000  }
0x12a: {  	[tilespmem:s10], [sflag:$0x2] =	stream.indirect.gather @!p1 [hbm4b:s29+s9], $0x80, s9, s9, $0xb8;
	[tilespmem:$0x1F000] =	vst v63  }
0x12b: {  	_ =	swait.ge [sflag:s24], $0x4000  }
0x12c: {  	[sflag:s24] =	ssyncset.done $0x0  }
0x12d: {  	s9 =	simm.s32 $0x800;
	[sflag:s24] =	ssyncadd.s32 $0xFFFFC000  }
0x12e: {  	[spmem:s26] =	stream.indirect.scatter.add.f32 [tilespmem:s20], [sflag:$0x3], $0x80, s9, s19, $0xb8;
	[tilespmem:$0x1F000] =	vst v63  }
0x12f: {  	_ =	swait.ge [sflag:s17], $0x4000  }
0x130: {  	[sflag:s17] =	ssyncset.done $0x0  }
0x131: {  	[sflag:s17] =	ssyncadd.s32 $0xFFFFC000  }
0x132: {  	[tilespmem:s20], [sflag:$0x1] =	stream.indirect.gather [hbm4b:s29+s19], $0x80, s25, s19, $0xb8;
	[tilespmem:$0x1F000] =	vst v63  }
0x133: {  	_ =	swait.ge [sflag:s1], $0x4000  }
0x134: {  	[sflag:s1] =	ssyncset.done $0x0  }
0x135: {  	[sflag:s1] =	ssyncadd.s32 $0xFFFFC000  }
0x136: {  	[spmem:s26] =	stream.indirect.scatter.add.f32 [tilespmem:s28], [sflag:$0x3], $0x80, s31, s19, $0xb8;
	[tilespmem:$0x1F000] =	vst v63  }
0x137: {  	_ =	swait.ge [sflag:s17], $0x4000  }
0x138: {  	[sflag:s17] =	ssyncset.done $0x0  }
0x139: {  	[sflag:s17] =	ssyncadd.s32 $0xFFFFC000  }
0x13a: {  	[tilespmem:s28], [sflag:$0x2] =	stream.indirect.gather [hbm4b:s29+s19], $0x80, s22, s19, $0xb8;
	[tilespmem:$0x1F000] =	vst v63  }
0x13b: {  	_ =	swait.ge [sflag:s24], $0x4000  }
0x13c: {  	[sflag:s24] =	ssyncset.done $0x0  }
0x13d: {  	[sflag:s24] =	ssyncadd.s32 $0xFFFFC000  }
0x13e: {  	[spmem:s26] =	stream.indirect.scatter.add.f32 [tilespmem:s20], [sflag:$0x3], $0x80, s16, s19, $0xb8;
	[tilespmem:$0x1F000] =	vst v63  }
0x13f: {  	_ =	swait.ge [sflag:s17], $0x4000  }
0x140: {  	[sflag:s17] =	ssyncset.done $0x0  }
0x141: {  	s9 =	simm.s32 $0x200;
	[sflag:s17] =	ssyncadd.s32 $0xFFFFC000  }
0x142: {  	[tilespmem:s20], [sflag:$0x1] =	stream.indirect.gather [hbm4b:s29+s19], $0x80, s9, s19, $0xb8;
	[tilespmem:$0x1F000] =	vst v63  }
0x143: {  	_ =	swait.ge [sflag:s1], $0x4000  }
0x144: {  	[sflag:s1] =	ssyncset.done $0x0  }
0x145: {  	[sflag:s1] =	ssyncadd.s32 $0xFFFFC000  }
0x146: {  	[spmem:s26] =	stream.indirect.scatter.add.f32 [tilespmem:s28], [sflag:$0x3], $0x80, s30, s19, $0xb8;
	[tilespmem:$0x1F000] =	vst v63  }
0x147: {  	_ =	swait.ge [sflag:s17], $0x4000  }
0x148: {  	[sflag:s17] =	ssyncset.done $0x0  }
0x149: {  	s9 =	simm.s32 $0x280;
	[sflag:s17] =	ssyncadd.s32 $0xFFFFC000  }
0x14a: {  	[tilespmem:s28], [sflag:$0x2] =	stream.indirect.gather [hbm4b:s29+s19], $0x80, s9, s19, $0xb8;
	[tilespmem:$0x1F000] =	vst v63  }
0x14b: {  	_ =	swait.ge [sflag:s24], $0x4000  }
0x14c: {  	[sflag:s24] =	ssyncset.done $0x0  }
0x14d: {  	s9 =	simm.s32 $0xA00;
	[sflag:s24] =	ssyncadd.s32 $0xFFFFC000  }
0x14e: {  	[spmem:s26] =	stream.indirect.scatter.add.f32 [tilespmem:s20], [sflag:$0x3], $0x80, s9, s19, $0xb8;
	[tilespmem:$0x1F000] =	vst v63  }
0x14f: {  	_ =	swait.ge [sflag:s17], $0x4000  }
0x150: {  	[sflag:s17] =	ssyncset.done $0x0  }
0x151: {  	[sflag:s17] =	ssyncadd.s32 $0xFFFFC000  }
0x152: {  	[tilespmem:s20], [sflag:$0x1] =	stream.indirect.gather [hbm4b:s29+s19], $0x80, s18, s19, $0xb8;
	[tilespmem:$0x1F000] =	vst v63  }
0x153: {  	_ =	swait.ge [sflag:s1], $0x4000  }
0x154: {  	[sflag:s1] =	ssyncset.done $0x0  }
0x155: {  	[sflag:s1] =	ssyncadd.s32 $0xFFFFC000  }
0x156: {  	[spmem:s26] =	stream.indirect.scatter.add.f32 [tilespmem:s28], [sflag:$0x3], $0x80, s0, s19, $0xb8;
	[tilespmem:$0x1F000] =	vst v63  }
0x157: {  	_ =	swait.ge [sflag:s17], $0x4000  }
0x158: {  	[sflag:s17] =	ssyncset.done $0x0  }
0x159: {  	[sflag:s17] =	ssyncadd.s32 $0xFFFFC000  }
0x15a: {  	[tilespmem:s28], [sflag:$0x2] =	stream.indirect.gather [hbm4b:s29+s19], $0x80, s2, s19, $0xb8;
	[tilespmem:$0x1F000] =	vst v63  }
0x15b: {  	_ =	swait.ge [sflag:s24], $0x4000  }
0x15c: {  	[sflag:s24] =	ssyncset.done $0x0  }
0x15d: {  	[sflag:s24] =	ssyncadd.s32 $0xFFFFC000  }
0x15e: {  	[spmem:s26] =	stream.indirect.scatter.add.f32 [tilespmem:s20], [sflag:$0x3], $0x80, s3, s19, $0xb8;
	[tilespmem:$0x1F000] =	vst v63  }
0x15f: {  	_ =	swait.ge [sflag:s17], $0x4000  }
0x160: {  	[sflag:s17] =	ssyncset.done $0x0  }
0x161: {  	[sflag:s17] =	ssyncadd.s32 $0xFFFFC000  }
0x162: {  	[tilespmem:s20], [sflag:$0x1] =	stream.indirect.gather [hbm4b:s29+s19], $0x80, s4, s19, $0xb8;
	[tilespmem:$0x1F000] =	vst v63  }
0x163: {  	_ =	swait.ge [sflag:s1], $0x4000  }
0x164: {  	[sflag:s1] =	ssyncset.done $0x0  }
0x165: {  	[sflag:s1] =	ssyncadd.s32 $0xFFFFC000  }
0x166: {  	[spmem:s26] =	stream.indirect.scatter.add.f32 [tilespmem:s28], [sflag:$0x3], $0x80, s5, s19, $0xb8;
	[tilespmem:$0x1F000] =	vst v63  }
0x167: {  	_ =	swait.ge [sflag:s17], $0x4000  }
0x168: {  	[sflag:s17] =	ssyncset.done $0x0  }
0x169: {  	[sflag:s17] =	ssyncadd.s32 $0xFFFFC000  }
0x16a: {  	[tilespmem:s28], [sflag:$0x2] =	stream.indirect.gather [hbm4b:s29+s19], $0x80, s14, s19, $0xb8;
	[tilespmem:$0x1F000] =	vst v63  }
0x16b: {  	_ =	swait.ge [sflag:s24], $0x4000  }
0x16c: {  	[sflag:s24] =	ssyncset.done $0x0  }
0x16d: {  	[sflag:s24] =	ssyncadd.s32 $0xFFFFC000  }
0x16e: {  	[spmem:s26] =	stream.indirect.scatter.add.f32 [tilespmem:s20], [sflag:$0x3], $0x80, s15, s19, $0xb8;
	[tilespmem:$0x1F000] =	vst v63  }
0x16f: {  	_ =	swait.ge [sflag:s17], $0x4000  }
0x170: {  	[sflag:s17] =	ssyncset.done $0x0  }
0x171: {  	[sflag:s17] =	ssyncadd.s32 $0xFFFFC000  }
0x172: {  	[tilespmem:s20], [sflag:$0x1] =	stream.indirect.gather [hbm4b:s29+s19], $0x80, s7, s19, $0xb8;
	[tilespmem:$0x1F000] =	vst v63  }
0x173: {  	_ =	swait.ge [sflag:s1], $0x4000  }
0x174: {  	[sflag:s1] =	ssyncset.done $0x0  }
0x175: {  	[sflag:s1] =	ssyncadd.s32 $0xFFFFC000  }
0x176: {  	[spmem:s26] =	stream.indirect.scatter.add.f32 [tilespmem:s28], [sflag:$0x3], $0x80, s6, s19, $0xb8;
	[tilespmem:$0x1F000] =	vst v63  }
0x177: {  	_ =	swait.ge [sflag:s17], $0x4000  }
0x178: {  	[sflag:s17] =	ssyncset.done $0x0  }
0x179: {  	s9 =	simm.s32 $0x580;
	[sflag:s17] =	ssyncadd.s32 $0xFFFFC000  }
0x17a: {  	[tilespmem:s28], [sflag:$0x2] =	stream.indirect.gather [hbm4b:s29+s19], $0x80, s9, s19, $0xb8;
	[tilespmem:$0x1F000] =	vst v63  }
0x17b: {  	_ =	swait.ge [sflag:s24], $0x4000  }
0x17c: {  	[sflag:s24] =	ssyncset.done $0x0  }
0x17d: {  	s9 =	simm.s32 $0xD00;
	[sflag:s24] =	ssyncadd.s32 $0xFFFFC000  }
0x17e: {  	[spmem:s26] =	stream.indirect.scatter.add.f32 [tilespmem:s20], [sflag:$0x3], $0x80, s9, s19, $0xb8;
	[tilespmem:$0x1F000] =	vst v63  }
0x17f: {  	_ =	swait.ge [sflag:s17], $0x4000  }
0x180: {  	[sflag:s17] =	ssyncset.done $0x0  }
0x181: {  	s9 =	simm.s32 $0x600;
	[sflag:s17] =	ssyncadd.s32 $0xFFFFC000  }
0x182: {  	[tilespmem:s20], [sflag:$0x1] =	stream.indirect.gather [hbm4b:s29+s19], $0x80, s9, s19, $0xb8;
	[tilespmem:$0x1F000] =	vst v63  }
0x183: {  	_ =	swait.ge [sflag:s1], $0x4000  }
0x184: {  	[sflag:s1] =	ssyncset.done $0x0  }
0x185: {  	s9 =	simm.s32 $0xD80;
	[sflag:s1] =	ssyncadd.s32 $0xFFFFC000  }
0x186: {  	[spmem:s26] =	stream.indirect.scatter.add.f32 [tilespmem:s28], [sflag:$0x3], $0x80, s9, s19, $0xb8;
	[tilespmem:$0x1F000] =	vst v63  }
0x187: {  	_ =	swait.ge [sflag:s17], $0x4000  }
0x188: {  	[sflag:s17] =	ssyncset.done $0x0  }
0x189: {  	s9 =	simm.s32 $0x680;
	[sflag:s17] =	ssyncadd.s32 $0xFFFFC000  }
0x18a: {  	[tilespmem:s28], [sflag:$0x2] =	stream.indirect.gather [hbm4b:s29+s19], $0x80, s9, s19, $0xb8;
	[tilespmem:$0x1F000] =	vst v63  }
0x18b: {  	_ =	swait.ge [sflag:s24], $0x4000  }
0x18c: {  	[sflag:s24] =	ssyncset.done $0x0  }
0x18d: {  	s9 =	simm.s32 $0xE00;
	[sflag:s24] =	ssyncadd.s32 $0xFFFFC000  }
0x18e: {  	[spmem:s26] =	stream.indirect.scatter.add.f32 [tilespmem:s20], [sflag:$0x3], $0x80, s9, s19, $0xb8;
	[tilespmem:$0x1F000] =	vst v63  }
0x18f: {  	_ =	swait.ge [sflag:s17], $0x4000  }
0x190: {  	[sflag:s17] =	ssyncset.done $0x0  }
0x191: {  	s9 =	simm.s32 $0x700;
	[sflag:s17] =	ssyncadd.s32 $0xFFFFC000  }
0x192: {  	[tilespmem:s20], [sflag:$0x1] =	stream.indirect.gather [hbm4b:s29+s19], $0x80, s9, s19, $0xb8;
	[tilespmem:$0x1F000] =	vst v63  }
0x193: {  	_ =	swait.ge [sflag:s1], $0x4000  }
0x194: {  	[sflag:s1] =	ssyncset.done $0x0  }
0x195: {  	s9 =	simm.s32 $0xE80;
	[sflag:s1] =	ssyncadd.s32 $0xFFFFC000  }
0x196: {  	[spmem:s26] =	stream.indirect.scatter.add.f32 [tilespmem:s28], [sflag:$0x3], $0x80, s9, s19, $0xb8;
	[tilespmem:$0x1F000] =	vst v63  }
0x197: {  	_ =	swait.ge [sflag:s17], $0x4000  }
0x198: {  	[sflag:s17] =	ssyncset.done $0x0  }
0x199: {  	s9 =	simm.s32 $0x780;
	[sflag:s17] =	ssyncadd.s32 $0xFFFFC000  }
0x19a: {  	[tilespmem:s28], [sflag:$0x2] =	stream.indirect.gather [hbm4b:s29+s19], $0x80, s9, s19, $0xb8;
	[tilespmem:$0x1F000] =	vst v63  }
0x19b: {  	_ =	swait.ge [sflag:s24], $0x4000  }
0x19c: {  	[sflag:s24] =	ssyncset.done $0x0  }
0x19d: {  	s9 =	simm.s32 $0xF00;
	[sflag:s24] =	ssyncadd.s32 $0xFFFFC000  }
0x19e: {  	[spmem:s26] =	stream.indirect.scatter.add.f32 [tilespmem:s20], [sflag:$0x3], $0x80, s9, s19, $0xb8;
	[tilespmem:$0x1F000] =	vst v63  }
0x19f: {  	_ =	swait.ge [sflag:s17], $0x4000  }
0x1a0: {  	[sflag:s17] =	ssyncset.done $0x0  }
0x1a1: {  	[sflag:s17] =	ssyncadd.s32 $0xFFFFC000  }
.Ltmp1:
0x1a2: {  	_ =	swait.ge [sflag:s1], $0x4000;
	(pc) =	sbr.rel @p0 .LBB2_4-.Ltmp1, $4  }
0x1a3: {  	[sflag:s1] =	ssyncset.done $0x0  }
0x1a4: {  	s9 =	simm.s32 $0xF80;
	[sflag:s1] =	ssyncadd.s32 $0xFFFFC000  }
0x1a5: {  	[spmem:s26] =	stream.indirect.scatter.add.f32 [tilespmem:s28], [sflag:$0x3], $0x80, s9, s19, $0xb8;
	[tilespmem:$0x1F000] =	vst v63  }
0x1a6: {  	p1 =	seq.s32 s21, $0x0;
	_ =	swait.ge [sflag:s17], $0x4000  }
0x1a7: {  	s8 =	sadd.s32 @!p1 s21, s12;
	[sflag:s17] =	ssyncset.done $0x0  }
0x1a8: {  	s9 =	simm.s32 @!p1 $0x0;
	s10 =	simm.s32 @!p1 $0x3;
	[sflag:s17] =	ssyncadd.s32 $0xFFFFC000  }
0x1a9: {  	[tilespmem:s9], [sflag:$0x3] =	stream.linear.gather @!p1 [hbm4b:s8+s9], $0x800, $0x38;
	[tilespmem:$0x1F000] =	vst v63  }
0x1aa: {  	_ =	swait.ge @!p1 [sflag:s10], $0x800  }
0x1ab: {  	[sflag:s10] =	ssyncset.done @!p1 $0x0  }
0x1ac: {  	s11 =	simm.s32 @!p1 $0x800;
	s8 =	sadd.s32 @!p1 s21, s23;
	[sflag:s10] =	ssyncadd.s32 @!p1 $0xFFFFF800  }
0x1ad: {  	[tilespmem:s11], [sflag:$0x3] =	stream.linear.gather @!p1 [hbm4b:s8+s9], $0x800, $0x38;
	[tilespmem:$0x1F000] =	vst v63  }
0x1ae: {  	_ =	swait.ge @!p1 [sflag:s10], $0x800  }
0x1af: {  	[sflag:s10] =	ssyncset.done @!p1 $0x0  }
0x1b0: {  	s8 =	simm.s32 @!p1 $0x80;
	[sflag:s10] =	ssyncadd.s32 @!p1 $0xFFFFF800;
	s10 =	simm.s32 @!p1 $0x1000  }
0x1b1: {  	[tilespmem:s10], [sflag:$0x1] =	stream.indirect.gather @!p1 [hbm4b:s29+s8], $0x80, s9, s8, $0xb8;
	[tilespmem:$0x1F000] =	vst v63  }
0x1b2: {  	s9 =	simm.s32 @!p1 $0x5000  }
0x1b3: {  	[tilespmem:s9], [sflag:$0x2] =	stream.indirect.gather @!p1 [hbm4b:s29+s8], $0x80, s8, s8, $0xb8;
	[tilespmem:$0x1F000] =	vst v63  }
0x1b4: {  	_ =	swait.ge [sflag:s24], $0x4000  }
0x1b5: {  	[sflag:s24] =	ssyncset.done $0x0  }
0x1b6: {  	s7 =	simm.s32 $0x800;
	[sflag:s24] =	ssyncadd.s32 $0xFFFFC000  }
0x1b7: {  	[spmem:s26] =	stream.indirect.scatter.add.f32 [tilespmem:s20], [sflag:$0x3], $0x80, s7, s19, $0xb8;
	[tilespmem:$0x1F000] =	vst v63  }
0x1b8: {  	_ =	swait.ge [sflag:s17], $0x4000  }
0x1b9: {  	[sflag:s17] =	ssyncset.done $0x0  }
0x1ba: {  	s0 =	simm.s32 $0x100;
	[sflag:s17] =	ssyncadd.s32 $0xFFFFC000  }
0x1bb: {  	[tilespmem:s20], [sflag:$0x1] =	stream.indirect.gather [hbm4b:s29+s19], $0x80, s0, s19, $0xb8;
	[tilespmem:$0x1F000] =	vst v63  }
0x1bc: {  	_ =	swait.ge [sflag:s1], $0x4000  }
0x1bd: {  	[sflag:s1] =	ssyncset.done $0x0  }
0x1be: {  	s16 =	simm.s32 $0x880;
	[sflag:s1] =	ssyncadd.s32 $0xFFFFC000  }
0x1bf: {  	[spmem:s26] =	stream.indirect.scatter.add.f32 [tilespmem:s28], [sflag:$0x3], $0x80, s16, s19, $0xb8;
	[tilespmem:$0x1F000] =	vst v63  }
0x1c0: {  	_ =	swait.ge [sflag:s17], $0x4000  }
0x1c1: {  	[sflag:s17] =	ssyncset.done $0x0  }
0x1c2: {  	s18 =	simm.s32 $0x180;
	[sflag:s17] =	ssyncadd.s32 $0xFFFFC000  }
0x1c3: {  	[tilespmem:s28], [sflag:$0x2] =	stream.indirect.gather [hbm4b:s29+s19], $0x80, s18, s19, $0xb8;
	[tilespmem:$0x1F000] =	vst v63  }
0x1c4: {  	_ =	swait.ge [sflag:s24], $0x4000  }
0x1c5: {  	[sflag:s24] =	ssyncset.done $0x0  }
0x1c6: {  	s21 =	simm.s32 $0x900;
	[sflag:s24] =	ssyncadd.s32 $0xFFFFC000  }
0x1c7: {  	[spmem:s26] =	stream.indirect.scatter.add.f32 [tilespmem:s20], [sflag:$0x3], $0x80, s21, s19, $0xb8;
	[tilespmem:$0x1F000] =	vst v63  }
0x1c8: {  	_ =	swait.ge [sflag:s17], $0x4000  }
0x1c9: {  	[sflag:s17] =	ssyncset.done $0x0  }
0x1ca: {  	s22 =	simm.s32 $0x200;
	[sflag:s17] =	ssyncadd.s32 $0xFFFFC000  }
0x1cb: {  	[tilespmem:s20], [sflag:$0x1] =	stream.indirect.gather [hbm4b:s29+s19], $0x80, s22, s19, $0xb8;
	[tilespmem:$0x1F000] =	vst v63  }
0x1cc: {  	_ =	swait.ge [sflag:s1], $0x4000  }
0x1cd: {  	[sflag:s1] =	ssyncset.done $0x0  }
0x1ce: {  	s25 =	simm.s32 $0x980;
	[sflag:s1] =	ssyncadd.s32 $0xFFFFC000  }
0x1cf: {  	[spmem:s26] =	stream.indirect.scatter.add.f32 [tilespmem:s28], [sflag:$0x3], $0x80, s25, s19, $0xb8;
	[tilespmem:$0x1F000] =	vst v63  }
0x1d0: {  	_ =	swait.ge [sflag:s17], $0x4000  }
0x1d1: {  	[sflag:s17] =	ssyncset.done $0x0  }
0x1d2: {  	s2 =	simm.s32 $0x280;
	[sflag:s17] =	ssyncadd.s32 $0xFFFFC000  }
0x1d3: {  	[tilespmem:s28], [sflag:$0x2] =	stream.indirect.gather [hbm4b:s29+s19], $0x80, s2, s19, $0xb8;
	[tilespmem:$0x1F000] =	vst v63  }
0x1d4: {  	_ =	swait.ge [sflag:s24], $0x4000  }
0x1d5: {  	[sflag:s24] =	ssyncset.done $0x0  }
0x1d6: {  	s3 =	simm.s32 $0xA00;
	[sflag:s24] =	ssyncadd.s32 $0xFFFFC000  }
0x1d7: {  	[spmem:s26] =	stream.indirect.scatter.add.f32 [tilespmem:s20], [sflag:$0x3], $0x80, s3, s19, $0xb8;
	[tilespmem:$0x1F000] =	vst v63  }
0x1d8: {  	_ =	swait.ge [sflag:s17], $0x4000  }
0x1d9: {  	[sflag:s17] =	ssyncset.done $0x0  }
0x1da: {  	s4 =	simm.s32 $0x300;
	[sflag:s17] =	ssyncadd.s32 $0xFFFFC000  }
0x1db: {  	[tilespmem:s20], [sflag:$0x1] =	stream.indirect.gather [hbm4b:s29+s19], $0x80, s4, s19, $0xb8;
	[tilespmem:$0x1F000] =	vst v63  }
0x1dc: {  	_ =	swait.ge [sflag:s1], $0x4000  }
0x1dd: {  	[sflag:s1] =	ssyncset.done $0x0  }
0x1de: {  	s5 =	simm.s32 $0xA80;
	[sflag:s1] =	ssyncadd.s32 $0xFFFFC000  }
0x1df: {  	[spmem:s26] =	stream.indirect.scatter.add.f32 [tilespmem:s28], [sflag:$0x3], $0x80, s5, s19, $0xb8;
	[tilespmem:$0x1F000] =	vst v63  }
0x1e0: {  	_ =	swait.ge [sflag:s17], $0x4000  }
0x1e1: {  	[sflag:s17] =	ssyncset.done $0x0  }
0x1e2: {  	s6 =	simm.s32 $0x380;
	[sflag:s17] =	ssyncadd.s32 $0xFFFFC000  }
0x1e3: {  	[tilespmem:s28], [sflag:$0x2] =	stream.indirect.gather [hbm4b:s29+s19], $0x80, s6, s19, $0xb8;
	[tilespmem:$0x1F000] =	vst v63  }
0x1e4: {  	_ =	swait.ge [sflag:s24], $0x4000  }
0x1e5: {  	[sflag:s24] =	ssyncset.done $0x0  }
0x1e6: {  	s8 =	simm.s32 $0xB00;
	[sflag:s24] =	ssyncadd.s32 $0xFFFFC000  }
0x1e7: {  	[spmem:s26] =	stream.indirect.scatter.add.f32 [tilespmem:s20], [sflag:$0x3], $0x80, s8, s19, $0xb8;
	[tilespmem:$0x1F000] =	vst v63  }
0x1e8: {  	_ =	swait.ge [sflag:s17], $0x4000  }
0x1e9: {  	[sflag:s17] =	ssyncset.done $0x0  }
0x1ea: {  	s9 =	simm.s32 $0x400;
	[sflag:s17] =	ssyncadd.s32 $0xFFFFC000  }
0x1eb: {  	[tilespmem:s20], [sflag:$0x1] =	stream.indirect.gather [hbm4b:s29+s19], $0x80, s9, s19, $0xb8;
	[tilespmem:$0x1F000] =	vst v63  }
0x1ec: {  	_ =	swait.ge [sflag:s1], $0x4000  }
0x1ed: {  	[sflag:s1] =	ssyncset.done $0x0  }
0x1ee: {  	s31 =	simm.s32 $0xB80;
	[sflag:s1] =	ssyncadd.s32 $0xFFFFC000  }
0x1ef: {  	[spmem:s26] =	stream.indirect.scatter.add.f32 [tilespmem:s28], [sflag:$0x3], $0x80, s31, s19, $0xb8;
	[tilespmem:$0x1F000] =	vst v63  }
0x1f0: {  	_ =	swait.ge [sflag:s17], $0x4000  }
0x1f1: {  	[sflag:s17] =	ssyncset.done $0x0  }
0x1f2: {  	s14 =	simm.s32 $0x480;
	[sflag:s17] =	ssyncadd.s32 $0xFFFFC000  }
0x1f3: {  	[tilespmem:s28], [sflag:$0x2] =	stream.indirect.gather [hbm4b:s29+s19], $0x80, s14, s19, $0xb8;
	[tilespmem:$0x1F000] =	vst v63  }
0x1f4: {  	_ =	swait.ge [sflag:s24], $0x4000  }
0x1f5: {  	[sflag:s24] =	ssyncset.done $0x0  }
0x1f6: {  	s15 =	simm.s32 $0xC00;
	[sflag:s24] =	ssyncadd.s32 $0xFFFFC000  }
0x1f7: {  	[spmem:s26] =	stream.indirect.scatter.add.f32 [tilespmem:s20], [sflag:$0x3], $0x80, s15, s19, $0xb8;
	[tilespmem:$0x1F000] =	vst v63  }
0x1f8: {  	_ =	swait.ge [sflag:s17], $0x4000  }
0x1f9: {  	[sflag:s17] =	ssyncset.done $0x0  }
0x1fa: {  	s12 =	simm.s32 $0x500;
	[sflag:s17] =	ssyncadd.s32 $0xFFFFC000  }
0x1fb: {  	[tilespmem:s20], [sflag:$0x1] =	stream.indirect.gather [hbm4b:s29+s19], $0x80, s12, s19, $0xb8;
	[tilespmem:$0x1F000] =	vst v63  }
0x1fc: {  	_ =	swait.ge [sflag:s1], $0x4000  }
0x1fd: {  	[sflag:s1] =	ssyncset.done $0x0  }
0x1fe: {  	s6 =	simm.s32 $0xC80;
	[sflag:s1] =	ssyncadd.s32 $0xFFFFC000  }
0x1ff: {  	[spmem:s26] =	stream.indirect.scatter.add.f32 [tilespmem:s28], [sflag:$0x3], $0x80, s6, s19, $0xb8;
	[tilespmem:$0x1F000] =	vst v63  }
0x200: {  	_ =	swait.ge [sflag:s17], $0x4000  }
0x201: {  	[sflag:s17] =	ssyncset.done $0x0  }
0x202: {  	s5 =	simm.s32 $0x580;
	[sflag:s17] =	ssyncadd.s32 $0xFFFFC000  }
0x203: {  	[tilespmem:s28], [sflag:$0x2] =	stream.indirect.gather [hbm4b:s29+s19], $0x80, s5, s19, $0xb8;
	[tilespmem:$0x1F000] =	vst v63  }
0x204: {  	_ =	swait.ge [sflag:s24], $0x4000  }
0x205: {  	[sflag:s24] =	ssyncset.done $0x0  }
0x206: {  	s4 =	simm.s32 $0xD00;
	[sflag:s24] =	ssyncadd.s32 $0xFFFFC000  }
0x207: {  	[spmem:s26] =	stream.indirect.scatter.add.f32 [tilespmem:s20], [sflag:$0x3], $0x80, s4, s19, $0xb8;
	[tilespmem:$0x1F000] =	vst v63  }
0x208: {  	_ =	swait.ge [sflag:s17], $0x4000  }
0x209: {  	[sflag:s17] =	ssyncset.done $0x0  }
0x20a: {  	s3 =	simm.s32 $0x600;
	[sflag:s17] =	ssyncadd.s32 $0xFFFFC000  }
0x20b: {  	[tilespmem:s20], [sflag:$0x1] =	stream.indirect.gather [hbm4b:s29+s19], $0x80, s3, s19, $0xb8;
	[tilespmem:$0x1F000] =	vst v63  }
0x20c: {  	_ =	swait.ge [sflag:s1], $0x4000  }
0x20d: {  	[sflag:s1] =	ssyncset.done $0x0  }
0x20e: {  	s2 =	simm.s32 $0xD80;
	[sflag:s1] =	ssyncadd.s32 $0xFFFFC000  }
0x20f: {  	[spmem:s26] =	stream.indirect.scatter.add.f32 [tilespmem:s28], [sflag:$0x3], $0x80, s2, s19, $0xb8;
	[tilespmem:$0x1F000] =	vst v63  }
0x210: {  	_ =	swait.ge [sflag:s17], $0x4000  }
0x211: {  	[sflag:s17] =	ssyncset.done $0x0  }
0x212: {  	s0 =	simm.s32 $0x680;
	[sflag:s17] =	ssyncadd.s32 $0xFFFFC000  }
0x213: {  	[tilespmem:s28], [sflag:$0x2] =	stream.indirect.gather [hbm4b:s29+s19], $0x80, s0, s19, $0xb8;
	[tilespmem:$0x1F000] =	vst v63  }
0x214: {  	_ =	swait.ge [sflag:s24], $0x4000  }
0x215: {  	[sflag:s24] =	ssyncset.done $0x0  }
0x216: {  	s18 =	simm.s32 $0xE00;
	[sflag:s24] =	ssyncadd.s32 $0xFFFFC000  }
0x217: {  	[spmem:s26] =	stream.indirect.scatter.add.f32 [tilespmem:s20], [sflag:$0x3], $0x80, s18, s19, $0xb8;
	[tilespmem:$0x1F000] =	vst v63  }
0x218: {  	_ =	swait.ge [sflag:s17], $0x4000  }
0x219: {  	[sflag:s17] =	ssyncset.done $0x0  }
0x21a: {  	s21 =	simm.s32 $0x700;
	[sflag:s17] =	ssyncadd.s32 $0xFFFFC000  }
0x21b: {  	[tilespmem:s20], [sflag:$0x1] =	stream.indirect.gather [hbm4b:s29+s19], $0x80, s21, s19, $0xb8;
	[tilespmem:$0x1F000] =	vst v63  }
0x21c: {  	_ =	swait.ge [sflag:s1], $0x4000  }
0x21d: {  	[sflag:s1] =	ssyncset.done $0x0  }
0x21e: {  	s25 =	simm.s32 $0xE80;
	[sflag:s1] =	ssyncadd.s32 $0xFFFFC000  }
0x21f: {  	[spmem:s26] =	stream.indirect.scatter.add.f32 [tilespmem:s28], [sflag:$0x3], $0x80, s25, s19, $0xb8;
	[tilespmem:$0x1F000] =	vst v63  }
0x220: {  	_ =	swait.ge [sflag:s17], $0x4000  }
0x221: {  	[sflag:s17] =	ssyncset.done $0x0  }
0x222: {  	s22 =	simm.s32 $0x780;
	[sflag:s17] =	ssyncadd.s32 $0xFFFFC000  }
0x223: {  	[tilespmem:s28], [sflag:$0x2] =	stream.indirect.gather [hbm4b:s29+s19], $0x80, s22, s19, $0xb8;
	[tilespmem:$0x1F000] =	vst v63  }
0x224: {  	_ =	swait.ge [sflag:s24], $0x4000  }
0x225: {  	[sflag:s24] =	ssyncset.done $0x0  }
0x226: {  	s30 =	simm.s32 $0xF00;
	[sflag:s24] =	ssyncadd.s32 $0xFFFFC000  }
0x227: {  	[spmem:s26] =	stream.indirect.scatter.add.f32 [tilespmem:s20], [sflag:$0x3], $0x80, s30, s19, $0xb8;
	[tilespmem:$0x1F000] =	vst v63  }
0x228: {  	_ =	swait.ge [sflag:s17], $0x4000  }
0x229: {  	[sflag:s17] =	ssyncset.done $0x0  }
0x22a: {  	[sflag:s17] =	ssyncadd.s32 $0xFFFFC000  }
0x22b: {  	_ =	swait.ge [sflag:s1], $0x4000  }
0x22c: {  	[sflag:s1] =	ssyncset.done $0x0  }
0x22d: {  	s16 =	simm.s32 $0xF80;
	[sflag:s1] =	ssyncadd.s32 $0xFFFFC000  }
0x22e: {  	[spmem:s26] =	stream.indirect.scatter.add.f32 [tilespmem:s28], [sflag:$0x3], $0x80, s16, s19, $0xb8;
	[tilespmem:$0x1F000] =	vst v63  }
0x22f: {  	_ =	swait.ge [sflag:s17], $0x4000  }
0x230: {  	[sflag:s17] =	ssyncset.done $0x0  }
0x231: {  	[sflag:s17] =	ssyncadd.s32 $0xFFFFC000  }
0x232: {  	s10 =	stileid.u32;
	[bflag:$0x0] =	sbarrier.arrive $0xFFFF  }
0x233: {  	s8 =	sshll.u32 s10, $0x6;
	s10 =	rddreg [dreg:$0x1b]  }
0x234: {  	s9 =	sor.u32 $0x1C03, s8;
	s8 =	rddreg [dreg:$0x5];
	s11 =	sshrl.u32 s10, $0x3  }
0x235: {  	[smem:$0x7E3] =	sst s11  }
0x236: {  	[hbm:s8], [sflag:s9] =	dma.local [spmem:s11], $0x400  }
0x237: {  	_ =	swait.ge [sflag:s17], $0x400  }
0x238: {  	s11 =	rddreg [dreg:$0x1d]  }
0x239: {  	[sflag:s17] =	ssyncset.done $0x0;
	s8 =	rddreg [dreg:$0x6];
	s11 =	sshrl.u32 s11, $0x3  }
0x23a: {  	[sflag:s17] =	ssyncadd.s32 $0xFFFFFC00;
	[smem:$0x7E4] =	sst s11  }
0x23b: {  	[hbm:s8], [sflag:s9] =	dma.local [spmem:s11], $0x400  }
0x23c: {  	_ =	swait.ge [sflag:s17], $0x400  }
0x23d: {  	s11 =	rddreg [dreg:$0x1e]  }
0x23e: {  	[sflag:s17] =	ssyncset.done $0x0;
	s8 =	rddreg [dreg:$0x7];
	s11 =	sshrl.u32 s11, $0x3  }
0x23f: {  	[sflag:s17] =	ssyncadd.s32 $0xFFFFFC00;
	[smem:$0x7E5] =	sst s11  }
0x240: {  	[hbm:s8], [sflag:s9] =	dma.local [spmem:s11], $0x400  }
0x241: {  	_ =	swait.ge [sflag:s17], $0x400  }
0x242: {  	s11 =	rddreg [dreg:$0x1f]  }
0x243: {  	[sflag:s17] =	ssyncset.done $0x0;
	s8 =	rddreg [dreg:$0x8];
	s11 =	sshrl.u32 s11, $0x3  }
0x244: {  	[sflag:s17] =	ssyncadd.s32 $0xFFFFFC00;
	[smem:$0x7E6] =	sst s11  }
0x245: {  	[hbm:s8], [sflag:s9] =	dma.local [spmem:s11], $0x400  }
0x246: {  	_ =	swait.ge [sflag:s17], $0x400  }
0x247: {  	s11 =	sld [smem:$0x7EF];
	_ =	sdelay $0x2  }
0x248: {  	[sflag:s17] =	ssyncset.done $0x0;
	s8 =	rddreg [dreg:$0x9];
	s11 =	sshrl.u32 s11, $0x3  }
0x249: {  	[sflag:s17] =	ssyncadd.s32 $0xFFFFFC00;
	[smem:$0x7E7] =	sst s11  }
0x24a: {  	[hbm:s8], [sflag:s9] =	dma.local [spmem:s11], $0x400  }
0x24b: {  	_ =	swait.ge [sflag:s17], $0x400  }
0x24c: {  	s11 =	sld [smem:$0x7F0];
	_ =	sdelay $0x2  }
0x24d: {  	[sflag:s17] =	ssyncset.done $0x0;
	s8 =	rddreg [dreg:$0xa];
	s11 =	sshrl.u32 s11, $0x3  }
0x24e: {  	[sflag:s17] =	ssyncadd.s32 $0xFFFFFC00;
	[smem:$0x7E8] =	sst s11  }
0x24f: {  	[hbm:s8], [sflag:s9] =	dma.local [spmem:s11], $0x400  }
0x250: {  	_ =	swait.ge [sflag:s17], $0x400  }
0x251: {  	s11 =	sld [smem:$0x7F1];
	_ =	sdelay $0x2  }
0x252: {  	[sflag:s17] =	ssyncset.done $0x0;
	s8 =	rddreg [dreg:$0xb];
	s11 =	sshrl.u32 s11, $0x3  }
0x253: {  	[sflag:s17] =	ssyncadd.s32 $0xFFFFFC00;
	[smem:$0x7E9] =	sst s11  }
0x254: {  	[hbm:s8], [sflag:s9] =	dma.local [spmem:s11], $0x400  }
0x255: {  	_ =	swait.ge [sflag:s17], $0x400  }
0x256: {  	s11 =	sld [smem:$0x7F2];
	_ =	sdelay $0x2  }
0x257: {  	[sflag:s17] =	ssyncset.done $0x0;
	s8 =	rddreg [dreg:$0xc];
	s11 =	sshrl.u32 s11, $0x3  }
0x258: {  	[sflag:s17] =	ssyncadd.s32 $0xFFFFFC00;
	[smem:$0x7EA] =	sst s11  }
0x259: {  	[hbm:s8], [sflag:s9] =	dma.local [spmem:s11], $0x400  }
0x25a: {  	_ =	swait.ge [sflag:s17], $0x400  }
0x25b: {  	s11 =	sld [smem:$0x7F3];
	_ =	sdelay $0x2  }
0x25c: {  	[sflag:s17] =	ssyncset.done $0x0;
	s8 =	rddreg [dreg:$0xd];
	s11 =	sshrl.u32 s11, $0x3  }
0x25d: {  	[sflag:s17] =	ssyncadd.s32 $0xFFFFFC00;
	[smem:$0x7EB] =	sst s11  }
0x25e: {  	[hbm:s8], [sflag:s9] =	dma.local [spmem:s11], $0x400  }
0x25f: {  	_ =	swait.ge [sflag:s17], $0x400  }
0x260: {  	s11 =	sld [smem:$0x7F4];
	_ =	sdelay $0x1  }
0x261: {  	s8 =	rddreg [dreg:$0xe]  }
0x262: {  	[sflag:s17] =	ssyncset.done $0x0;
	[smem:$0x7EC] =	sst s9;
	s11 =	sshrl.u32 s11, $0x3  }
0x263: {  	[sflag:s17] =	ssyncadd.s32 $0xFFFFFC00;
	[smem:$0x7ED] =	sst s11  }
0x264: {  	[hbm:s8], [sflag:s9] =	dma.local [spmem:s11], $0x400  }
0x265: {  	_ =	swait.ge [sflag:s17], $0x400  }
0x266: {  	[sflag:s17] =	ssyncset.done $0x0  }
0x267: {  	s8 =	simm.s32 $0x0;
	s11 =	rddreg [dreg:$0x1a];
	[sflag:s17] =	ssyncadd.s32 $0xFFFFFC00  }
0x268: {  	[tilespmem:s8], [sflag:$0x3] =	stream.linear.gather [hbm4b:s11+s8], $0x800, $0x38;
	[tilespmem:$0x1F000] =	vst v63  }
0x269: {  	_ =	swait.ge [sflag:s17], $0x800  }
0x26a: {  	[sflag:s17] =	ssyncset.done $0x0  }
0x26b: {  	s11 =	rddreg [dreg:$0x18];
	[sflag:s17] =	ssyncadd.s32 $0xFFFFF800  }
0x26c: {  	[tilespmem:s7], [sflag:$0x3] =	stream.linear.gather [hbm4b:s11+s8], $0x800, $0x38;
	[tilespmem:$0x1F000] =	vst v63  }
0x26d: {  	_ =	swait.ge [sflag:s17], $0x800  }
0x26e: {  	[sflag:s17] =	ssyncset.done $0x0  }
0x26f: {  	[sflag:s17] =	ssyncadd.s32 $0xFFFFF800  }
0x270: {  	[tilespmem:s20], [sflag:$0x1] =	stream.indirect.gather [hbm4b:s29+s19], $0x80, s8, s19, $0xb8;
	[tilespmem:$0x1F000] =	vst v63  }
0x271: {  	_ = 	snop  }
0x272: {  	[tilespmem:s28], [sflag:$0x2] =	stream.indirect.gather [hbm4b:s29+s19], $0x80, s19, s19, $0xb8;
	[tilespmem:$0x1F000] =	vst v63  }
0x273: {  	s9 =	simm.s32 $0x9000  }
0x274: {  	[spmem:s10] =	stream.linear.scatter [tilespmem:s9], [sflag:$0x3], $0x2000, $0x38;
	[tilespmem:$0x1F000] =	vst v63  }
0x275: {  	_ =	swait.ge [sflag:s17], $0x2000  }
0x276: {  	s10 =	sld [smem:$0x7F5]  }
0x277: {  	[sflag:s17] =	ssyncset.done $0x0  }
0x278: {  	[sflag:s17] =	ssyncadd.s32 $0xFFFFE000  }
0x279: {  	[spmem:s10] =	stream.linear.scatter [tilespmem:s9], [sflag:$0x3], $0x2000, $0x38;
	[tilespmem:$0x1F000] =	vst v63  }
0x27a: {  	_ =	swait.ge [sflag:s17], $0x2000  }
0x27b: {  	s11 =	sld [smem:$0x7F6]  }
0x27c: {  	[sflag:s17] =	ssyncset.done $0x0  }
0x27d: {  	[sflag:s17] =	ssyncadd.s32 $0xFFFFE000  }
0x27e: {  	[spmem:s11] =	stream.linear.scatter [tilespmem:s9], [sflag:$0x3], $0x2000, $0x38;
	[tilespmem:$0x1F000] =	vst v63  }
0x27f: {  	_ =	swait.ge [sflag:s17], $0x2000  }
0x280: {  	s10 =	sld [smem:$0x7F7]  }
0x281: {  	[sflag:s17] =	ssyncset.done $0x0  }
0x282: {  	[sflag:s17] =	ssyncadd.s32 $0xFFFFE000  }
0x283: {  	[spmem:s10] =	stream.linear.scatter [tilespmem:s9], [sflag:$0x3], $0x2000, $0x38;
	[tilespmem:$0x1F000] =	vst v63  }
0x284: {  	_ =	swait.ge [sflag:s17], $0x2000  }
0x285: {  	s11 =	sld [smem:$0x7F8]  }
0x286: {  	[sflag:s17] =	ssyncset.done $0x0  }
0x287: {  	[sflag:s17] =	ssyncadd.s32 $0xFFFFE000  }
0x288: {  	[spmem:s11] =	stream.linear.scatter [tilespmem:s9], [sflag:$0x3], $0x2000, $0x38;
	[tilespmem:$0x1F000] =	vst v63  }
0x289: {  	_ =	swait.ge [sflag:s17], $0x2000  }
0x28a: {  	s10 =	sld [smem:$0x7F9]  }
0x28b: {  	[sflag:s17] =	ssyncset.done $0x0  }
0x28c: {  	[sflag:s17] =	ssyncadd.s32 $0xFFFFE000  }
0x28d: {  	[spmem:s10] =	stream.linear.scatter [tilespmem:s9], [sflag:$0x3], $0x2000, $0x38;
	[tilespmem:$0x1F000] =	vst v63  }
0x28e: {  	_ =	swait.ge [sflag:s17], $0x2000  }
0x28f: {  	s11 =	sld [smem:$0x7FA]  }
0x290: {  	[sflag:s17] =	ssyncset.done $0x0  }
0x291: {  	[sflag:s17] =	ssyncadd.s32 $0xFFFFE000  }
0x292: {  	[spmem:s11] =	stream.linear.scatter [tilespmem:s9], [sflag:$0x3], $0x2000, $0x38;
	[tilespmem:$0x1F000] =	vst v63  }
0x293: {  	_ =	swait.ge [sflag:s17], $0x2000  }
0x294: {  	s10 =	sld [smem:$0x7FB]  }
0x295: {  	[sflag:s17] =	ssyncset.done $0x0  }
0x296: {  	[sflag:s17] =	ssyncadd.s32 $0xFFFFE000  }
0x297: {  	[spmem:s10] =	stream.linear.scatter [tilespmem:s9], [sflag:$0x3], $0x2000, $0x38;
	[tilespmem:$0x1F000] =	vst v63  }
0x298: {  	_ =	swait.ge [sflag:s17], $0x2000  }
0x299: {  	s11 =	sld [smem:$0x7FC]  }
0x29a: {  	[sflag:s17] =	ssyncset.done $0x0  }
0x29b: {  	[sflag:s17] =	ssyncadd.s32 $0xFFFFE000  }
0x29c: {  	[spmem:s11] =	stream.linear.scatter [tilespmem:s9], [sflag:$0x3], $0x2000, $0x38;
	[tilespmem:$0x1F000] =	vst v63  }
0x29d: {  	_ =	swait.ge [sflag:s17], $0x2000  }
0x29e: {  	s10 =	sld [smem:$0x7FD]  }
0x29f: {  	[sflag:s17] =	ssyncset.done $0x0  }
0x2a0: {  	[sflag:s17] =	ssyncadd.s32 $0xFFFFE000  }
0x2a1: {  	[spmem:s10] =	stream.linear.scatter [tilespmem:s9], [sflag:$0x3], $0x2000, $0x38;
	[tilespmem:$0x1F000] =	vst v63  }
0x2a2: {  	_ =	swait.ge [sflag:s17], $0x2000  }
0x2a3: {  	[sflag:s17] =	ssyncset.done $0x0  }
0x2a4: {  	[sflag:s17] =	ssyncadd.s32 $0xFFFFE000  }
0x2a5: {  	[bflag:$0x0] =	sbarrier.arrive $0xFFFF  }
0x2a6: {  	p0 =	por $0x1, $0x1;
	s8 =	rddreg [dreg:$0x3]  }
0x2a7: {  	s9 =	simm.s32 @!p0 $0x0;
	s10 =	simm.s32 @!p0 $0x3;
	s8 =	sadd.s32 @!p0 $0x0, s8  }
0x2a8: {  	[tilespmem:s9], [sflag:$0x3] =	stream.linear.gather @!p0 [hbm4b:s8+s9], $0x800, $0x38;
	[tilespmem:$0x1F000] =	vst v63  }
0x2a9: {  	_ =	swait.ge @!p0 [sflag:s10], $0x800  }
0x2aa: {  	[sflag:s10] =	ssyncset.done @!p0 $0x0  }
0x2ab: {  	s11 =	simm.s32 @!p0 $0x800;
	s8 =	sadd.s32 @!p0 $0x0, s23;
	[sflag:s10] =	ssyncadd.s32 @!p0 $0xFFFFF800  }
0x2ac: {  	[tilespmem:s11], [sflag:$0x3] =	stream.linear.gather @!p0 [hbm4b:s8+s9], $0x800, $0x38;
	[tilespmem:$0x1F000] =	vst v63  }
0x2ad: {  	_ =	swait.ge @!p0 [sflag:s10], $0x800  }
0x2ae: {  	[sflag:s10] =	ssyncset.done @!p0 $0x0  }
0x2af: {  	s8 =	simm.s32 @!p0 $0x80;
	[sflag:s10] =	ssyncadd.s32 @!p0 $0xFFFFF800;
	s10 =	simm.s32 @!p0 $0x1000  }
0x2b0: {  	[tilespmem:s10], [sflag:$0x1] =	stream.indirect.gather @!p0 [hbm4b:s29+s8], $0x80, s9, s8, $0xb8;
	[tilespmem:$0x1F000] =	vst v63  }
0x2b1: {  	s9 =	simm.s32 @!p0 $0x5000  }
0x2b2: {  	[tilespmem:s9], [sflag:$0x2] =	stream.indirect.gather @!p0 [hbm4b:s29+s8], $0x80, s8, s8, $0xb8;
	[tilespmem:$0x1F000] =	vst v63  }
0x2b3: {  	_ =	swait.ge [sflag:s24], $0x4000  }
0x2b4: {  	[sflag:s24] =	ssyncset.done $0x0  }
0x2b5: {  	[sflag:s24] =	ssyncadd.s32 $0xFFFFC000  }
0x2b6: {  	[spmem:s26] =	stream.indirect.scatter.add.f32 [tilespmem:s20], [sflag:$0x3], $0x80, s7, s19, $0xb8;
	[tilespmem:$0x1F000] =	vst v63  }
0x2b7: {  	_ =	swait.ge [sflag:s17], $0x4000  }
0x2b8: {  	[sflag:s17] =	ssyncset.done $0x0  }
0x2b9: {  	s11 =	simm.s32 $0x100;
	[sflag:s17] =	ssyncadd.s32 $0xFFFFC000  }
0x2ba: {  	[tilespmem:s20], [sflag:$0x1] =	stream.indirect.gather [hbm4b:s29+s19], $0x80, s11, s19, $0xb8;
	[tilespmem:$0x1F000] =	vst v63  }
0x2bb: {  	_ =	swait.ge [sflag:s1], $0x4000  }
0x2bc: {  	[sflag:s1] =	ssyncset.done $0x0  }
0x2bd: {  	s8 =	simm.s32 $0x880;
	[sflag:s1] =	ssyncadd.s32 $0xFFFFC000  }
0x2be: {  	[spmem:s26] =	stream.indirect.scatter.add.f32 [tilespmem:s28], [sflag:$0x3], $0x80, s8, s19, $0xb8;
	[tilespmem:$0x1F000] =	vst v63  }
0x2bf: {  	_ =	swait.ge [sflag:s17], $0x4000  }
0x2c0: {  	[sflag:s17] =	ssyncset.done $0x0  }
0x2c1: {  	s9 =	simm.s32 $0x180;
	[sflag:s17] =	ssyncadd.s32 $0xFFFFC000  }
0x2c2: {  	[tilespmem:s28], [sflag:$0x2] =	stream.indirect.gather [hbm4b:s29+s19], $0x80, s9, s19, $0xb8;
	[tilespmem:$0x1F000] =	vst v63  }
0x2c3: {  	_ =	swait.ge [sflag:s24], $0x4000  }
0x2c4: {  	[sflag:s24] =	ssyncset.done $0x0  }
0x2c5: {  	s10 =	simm.s32 $0x900;
	[sflag:s24] =	ssyncadd.s32 $0xFFFFC000  }
0x2c6: {  	[spmem:s26] =	stream.indirect.scatter.add.f32 [tilespmem:s20], [sflag:$0x3], $0x80, s10, s19, $0xb8;
	[tilespmem:$0x1F000] =	vst v63  }
0x2c7: {  	_ =	swait.ge [sflag:s17], $0x4000  }
0x2c8: {  	[sflag:s17] =	ssyncset.done $0x0  }
0x2c9: {  	s11 =	simm.s32 $0x200;
	[sflag:s17] =	ssyncadd.s32 $0xFFFFC000  }
0x2ca: {  	[tilespmem:s20], [sflag:$0x1] =	stream.indirect.gather [hbm4b:s29+s19], $0x80, s11, s19, $0xb8;
	[tilespmem:$0x1F000] =	vst v63  }
0x2cb: {  	_ =	swait.ge [sflag:s1], $0x4000  }
0x2cc: {  	[sflag:s1] =	ssyncset.done $0x0  }
0x2cd: {  	s8 =	simm.s32 $0x980;
	[sflag:s1] =	ssyncadd.s32 $0xFFFFC000  }
0x2ce: {  	[spmem:s26] =	stream.indirect.scatter.add.f32 [tilespmem:s28], [sflag:$0x3], $0x80, s8, s19, $0xb8;
	[tilespmem:$0x1F000] =	vst v63  }
0x2cf: {  	_ =	swait.ge [sflag:s17], $0x4000  }
0x2d0: {  	[sflag:s17] =	ssyncset.done $0x0  }
0x2d1: {  	s9 =	simm.s32 $0x280;
	[sflag:s17] =	ssyncadd.s32 $0xFFFFC000  }
0x2d2: {  	[tilespmem:s28], [sflag:$0x2] =	stream.indirect.gather [hbm4b:s29+s19], $0x80, s9, s19, $0xb8;
	[tilespmem:$0x1F000] =	vst v63  }
0x2d3: {  	_ =	swait.ge [sflag:s24], $0x4000  }
0x2d4: {  	[sflag:s24] =	ssyncset.done $0x0  }
0x2d5: {  	s10 =	simm.s32 $0xA00;
	[sflag:s24] =	ssyncadd.s32 $0xFFFFC000  }
0x2d6: {  	[spmem:s26] =	stream.indirect.scatter.add.f32 [tilespmem:s20], [sflag:$0x3], $0x80, s10, s19, $0xb8;
	[tilespmem:$0x1F000] =	vst v63  }
0x2d7: {  	_ =	swait.ge [sflag:s17], $0x4000  }
0x2d8: {  	[sflag:s17] =	ssyncset.done $0x0  }
0x2d9: {  	s11 =	simm.s32 $0x300;
	[sflag:s17] =	ssyncadd.s32 $0xFFFFC000  }
0x2da: {  	[tilespmem:s20], [sflag:$0x1] =	stream.indirect.gather [hbm4b:s29+s19], $0x80, s11, s19, $0xb8;
	[tilespmem:$0x1F000] =	vst v63  }
0x2db: {  	_ =	swait.ge [sflag:s1], $0x4000  }
0x2dc: {  	[sflag:s1] =	ssyncset.done $0x0  }
0x2dd: {  	s8 =	simm.s32 $0xA80;
	[sflag:s1] =	ssyncadd.s32 $0xFFFFC000  }
0x2de: {  	[spmem:s26] =	stream.indirect.scatter.add.f32 [tilespmem:s28], [sflag:$0x3], $0x80, s8, s19, $0xb8;
	[tilespmem:$0x1F000] =	vst v63  }
0x2df: {  	_ =	swait.ge [sflag:s17], $0x4000  }
0x2e0: {  	[sflag:s17] =	ssyncset.done $0x0  }
0x2e1: {  	s9 =	simm.s32 $0x380;
	[sflag:s17] =	ssyncadd.s32 $0xFFFFC000  }
0x2e2: {  	[tilespmem:s28], [sflag:$0x2] =	stream.indirect.gather [hbm4b:s29+s19], $0x80, s9, s19, $0xb8;
	[tilespmem:$0x1F000] =	vst v63  }
0x2e3: {  	_ =	swait.ge [sflag:s24], $0x4000  }
0x2e4: {  	[sflag:s24] =	ssyncset.done $0x0  }
0x2e5: {  	s10 =	simm.s32 $0xB00;
	[sflag:s24] =	ssyncadd.s32 $0xFFFFC000  }
0x2e6: {  	[spmem:s26] =	stream.indirect.scatter.add.f32 [tilespmem:s20], [sflag:$0x3], $0x80, s10, s19, $0xb8;
	[tilespmem:$0x1F000] =	vst v63  }
0x2e7: {  	_ =	swait.ge [sflag:s17], $0x4000  }
0x2e8: {  	[sflag:s17] =	ssyncset.done $0x0  }
0x2e9: {  	s11 =	simm.s32 $0x400;
	[sflag:s17] =	ssyncadd.s32 $0xFFFFC000  }
0x2ea: {  	[tilespmem:s20], [sflag:$0x1] =	stream.indirect.gather [hbm4b:s29+s19], $0x80, s11, s19, $0xb8;
	[tilespmem:$0x1F000] =	vst v63  }
0x2eb: {  	_ =	swait.ge [sflag:s1], $0x4000  }
0x2ec: {  	[sflag:s1] =	ssyncset.done $0x0  }
0x2ed: {  	[sflag:s1] =	ssyncadd.s32 $0xFFFFC000  }
0x2ee: {  	[spmem:s26] =	stream.indirect.scatter.add.f32 [tilespmem:s28], [sflag:$0x3], $0x80, s31, s19, $0xb8;
	[tilespmem:$0x1F000] =	vst v63  }
0x2ef: {  	_ =	swait.ge [sflag:s17], $0x4000  }
0x2f0: {  	[sflag:s17] =	ssyncset.done $0x0  }
0x2f1: {  	[sflag:s17] =	ssyncadd.s32 $0xFFFFC000  }
0x2f2: {  	[tilespmem:s28], [sflag:$0x2] =	stream.indirect.gather [hbm4b:s29+s19], $0x80, s14, s19, $0xb8;
	[tilespmem:$0x1F000] =	vst v63  }
0x2f3: {  	_ =	swait.ge [sflag:s24], $0x4000  }
0x2f4: {  	[sflag:s24] =	ssyncset.done $0x0  }
0x2f5: {  	[sflag:s24] =	ssyncadd.s32 $0xFFFFC000  }
0x2f6: {  	[spmem:s26] =	stream.indirect.scatter.add.f32 [tilespmem:s20], [sflag:$0x3], $0x80, s15, s19, $0xb8;
	[tilespmem:$0x1F000] =	vst v63  }
0x2f7: {  	_ =	swait.ge [sflag:s17], $0x4000  }
0x2f8: {  	[sflag:s17] =	ssyncset.done $0x0  }
0x2f9: {  	[sflag:s17] =	ssyncadd.s32 $0xFFFFC000  }
0x2fa: {  	[tilespmem:s20], [sflag:$0x1] =	stream.indirect.gather [hbm4b:s29+s19], $0x80, s12, s19, $0xb8;
	[tilespmem:$0x1F000] =	vst v63  }
0x2fb: {  	_ =	swait.ge [sflag:s1], $0x4000  }
0x2fc: {  	[sflag:s1] =	ssyncset.done $0x0  }
0x2fd: {  	[sflag:s1] =	ssyncadd.s32 $0xFFFFC000  }
0x2fe: {  	[spmem:s26] =	stream.indirect.scatter.add.f32 [tilespmem:s28], [sflag:$0x3], $0x80, s6, s19, $0xb8;
	[tilespmem:$0x1F000] =	vst v63  }
0x2ff: {  	_ =	swait.ge [sflag:s17], $0x4000  }
0x300: {  	[sflag:s17] =	ssyncset.done $0x0  }
0x301: {  	[sflag:s17] =	ssyncadd.s32 $0xFFFFC000  }
0x302: {  	[tilespmem:s28], [sflag:$0x2] =	stream.indirect.gather [hbm4b:s29+s19], $0x80, s5, s19, $0xb8;
	[tilespmem:$0x1F000] =	vst v63  }
0x303: {  	_ =	swait.ge [sflag:s24], $0x4000  }
0x304: {  	[sflag:s24] =	ssyncset.done $0x0  }
0x305: {  	[sflag:s24] =	ssyncadd.s32 $0xFFFFC000  }
0x306: {  	[spmem:s26] =	stream.indirect.scatter.add.f32 [tilespmem:s20], [sflag:$0x3], $0x80, s4, s19, $0xb8;
	[tilespmem:$0x1F000] =	vst v63  }
0x307: {  	_ =	swait.ge [sflag:s17], $0x4000  }
0x308: {  	[sflag:s17] =	ssyncset.done $0x0  }
0x309: {  	[sflag:s17] =	ssyncadd.s32 $0xFFFFC000  }
0x30a: {  	[tilespmem:s20], [sflag:$0x1] =	stream.indirect.gather [hbm4b:s29+s19], $0x80, s3, s19, $0xb8;
	[tilespmem:$0x1F000] =	vst v63  }
0x30b: {  	_ =	swait.ge [sflag:s1], $0x4000  }
0x30c: {  	[sflag:s1] =	ssyncset.done $0x0  }
0x30d: {  	[sflag:s1] =	ssyncadd.s32 $0xFFFFC000  }
0x30e: {  	[spmem:s26] =	stream.indirect.scatter.add.f32 [tilespmem:s28], [sflag:$0x3], $0x80, s2, s19, $0xb8;
	[tilespmem:$0x1F000] =	vst v63  }
0x30f: {  	_ =	swait.ge [sflag:s17], $0x4000  }
0x310: {  	[sflag:s17] =	ssyncset.done $0x0  }
0x311: {  	[sflag:s17] =	ssyncadd.s32 $0xFFFFC000  }
0x312: {  	[tilespmem:s28], [sflag:$0x2] =	stream.indirect.gather [hbm4b:s29+s19], $0x80, s0, s19, $0xb8;
	[tilespmem:$0x1F000] =	vst v63  }
0x313: {  	_ =	swait.ge [sflag:s24], $0x4000  }
0x314: {  	[sflag:s24] =	ssyncset.done $0x0  }
0x315: {  	[sflag:s24] =	ssyncadd.s32 $0xFFFFC000  }
0x316: {  	[spmem:s26] =	stream.indirect.scatter.add.f32 [tilespmem:s20], [sflag:$0x3], $0x80, s18, s19, $0xb8;
	[tilespmem:$0x1F000] =	vst v63  }
0x317: {  	_ =	swait.ge [sflag:s17], $0x4000  }
0x318: {  	[sflag:s17] =	ssyncset.done $0x0  }
0x319: {  	[sflag:s17] =	ssyncadd.s32 $0xFFFFC000  }
0x31a: {  	[tilespmem:s20], [sflag:$0x1] =	stream.indirect.gather [hbm4b:s29+s19], $0x80, s21, s19, $0xb8;
	[tilespmem:$0x1F000] =	vst v63  }
0x31b: {  	_ =	swait.ge [sflag:s1], $0x4000  }
0x31c: {  	[sflag:s1] =	ssyncset.done $0x0  }
0x31d: {  	[sflag:s1] =	ssyncadd.s32 $0xFFFFC000  }
0x31e: {  	[spmem:s26] =	stream.indirect.scatter.add.f32 [tilespmem:s28], [sflag:$0x3], $0x80, s25, s19, $0xb8;
	[tilespmem:$0x1F000] =	vst v63  }
0x31f: {  	_ =	swait.ge [sflag:s17], $0x4000  }
0x320: {  	[sflag:s17] =	ssyncset.done $0x0  }
0x321: {  	[sflag:s17] =	ssyncadd.s32 $0xFFFFC000  }
0x322: {  	[tilespmem:s28], [sflag:$0x2] =	stream.indirect.gather [hbm4b:s29+s19], $0x80, s22, s19, $0xb8;
	[tilespmem:$0x1F000] =	vst v63  }
0x323: {  	_ =	swait.ge [sflag:s24], $0x4000  }
0x324: {  	[sflag:s24] =	ssyncset.done $0x0  }
0x325: {  	s7 =	simm.s32 $0xC80;
	s8 =	simm.s32 $0x100;
	[sflag:s24] =	ssyncadd.s32 $0xFFFFC000  }
0x326: {  	[spmem:s26] =	stream.indirect.scatter.add.f32 [tilespmem:s20], [sflag:$0x3], $0x80, s30, s19, $0xb8;
	[tilespmem:$0x1F000] =	vst v63  }
0x327: {  	s31 =	simm.s32 $0x480;
	s14 =	simm.s32 $0x880;
	_ =	swait.ge [sflag:s17], $0x4000  }
0x328: {  	s15 =	simm.s32 $0x180;
	s6 =	simm.s32 $0xB80;
	[sflag:s17] =	ssyncset.done $0x0  }
0x329: {  	s5 =	simm.s32 $0x400;
	s4 =	simm.s32 $0xB00;
	[sflag:s17] =	ssyncadd.s32 $0xFFFFC000  }
0x32a: {  	s3 =	simm.s32 $0x380;
	s2 =	simm.s32 $0xA80;
	_ =	swait.ge [sflag:s1], $0x4000  }
0x32b: {  	s0 =	simm.s32 $0x300;
	s18 =	simm.s32 $0xA00;
	[sflag:s1] =	ssyncset.done $0x0  }
0x32c: {  	s21 =	simm.s32 $0x800;
	s25 =	simm.s32 $0x280;
	[sflag:s1] =	ssyncadd.s32 $0xFFFFC000  }
0x32d: {  	[spmem:s26] =	stream.indirect.scatter.add.f32 [tilespmem:s28], [sflag:$0x3], $0x80, s16, s19, $0xb8;
	[tilespmem:$0x1F000] =	vst v63  }
0x32e: {  	s22 =	simm.s32 $0x200;
	s30 =	simm.s32 $0x980;
	s16 =	simm.s32 $0x900  }
.LBB2_6:
0x32f: {  	s9 =	smov.u32 s8  }
0x330: {  	_ =	swait.ge [sflag:s17], $0x4000;
	p1 =	seq.s32 s9, $0x0  }
0x331: {  	s10 =	rddreg [dreg:$0x3];
	[sflag:s17] =	ssyncset.done $0x0;
	s11 =	simm.s32 @!p1 $0x0  }
0x332: {  	s12 =	simm.s32 @!p1 $0x3;
	s10 =	sadd.s32 @!p1 s9, s10;
	[sflag:s17] =	ssyncadd.s32 $0xFFFFC000  }
0x333: {  	[tilespmem:s11], [sflag:$0x3] =	stream.linear.gather @!p1 [hbm4b:s10+s11], $0x800, $0x38;
	[tilespmem:$0x1F000] =	vst v63  }
0x334: {  	_ =	swait.ge @!p1 [sflag:s12], $0x800  }
0x335: {  	[sflag:s12] =	ssyncset.done @!p1 $0x0  }
0x336: {  	s9 =	sadd.s32 @!p1 s9, s23;
	s10 =	simm.s32 @!p1 $0x800;
	[sflag:s12] =	ssyncadd.s32 @!p1 $0xFFFFF800  }
0x337: {  	[tilespmem:s10], [sflag:$0x3] =	stream.linear.gather @!p1 [hbm4b:s9+s11], $0x800, $0x38;
	[tilespmem:$0x1F000] =	vst v63  }
0x338: {  	_ =	swait.ge @!p1 [sflag:s12], $0x800  }
0x339: {  	[sflag:s12] =	ssyncset.done @!p1 $0x0  }
0x33a: {  	s9 =	simm.s32 @!p1 $0x80;
	s10 =	simm.s32 @!p1 $0x1000;
	[sflag:s12] =	ssyncadd.s32 @!p1 $0xFFFFF800  }
0x33b: {  	[tilespmem:s10], [sflag:$0x1] =	stream.indirect.gather @!p1 [hbm4b:s29+s9], $0x80, s11, s9, $0xb8;
	[tilespmem:$0x1F000] =	vst v63  }
0x33c: {  	s10 =	simm.s32 @!p1 $0x5000  }
0x33d: {  	[tilespmem:s10], [sflag:$0x2] =	stream.indirect.gather @!p1 [hbm4b:s29+s9], $0x80, s9, s9, $0xb8;
	[tilespmem:$0x1F000] =	vst v63  }
0x33e: {  	_ =	swait.ge [sflag:s24], $0x4000  }
0x33f: {  	[sflag:s24] =	ssyncset.done $0x0  }
0x340: {  	[sflag:s24] =	ssyncadd.s32 $0xFFFFC000  }
0x341: {  	[spmem:s26] =	stream.indirect.scatter.add.f32 [tilespmem:s20], [sflag:$0x3], $0x80, s21, s19, $0xb8;
	[tilespmem:$0x1F000] =	vst v63  }
0x342: {  	_ =	swait.ge [sflag:s17], $0x4000  }
0x343: {  	[sflag:s17] =	ssyncset.done $0x0  }
0x344: {  	s10 =	simm.s32 $0x100;
	[sflag:s17] =	ssyncadd.s32 $0xFFFFC000  }
0x345: {  	[tilespmem:s20], [sflag:$0x1] =	stream.indirect.gather [hbm4b:s29+s19], $0x80, s10, s19, $0xb8;
	[tilespmem:$0x1F000] =	vst v63  }
0x346: {  	_ =	swait.ge [sflag:s1], $0x4000  }
0x347: {  	[sflag:s1] =	ssyncset.done $0x0  }
0x348: {  	[sflag:s1] =	ssyncadd.s32 $0xFFFFC000  }
0x349: {  	[spmem:s26] =	stream.indirect.scatter.add.f32 [tilespmem:s28], [sflag:$0x3], $0x80, s14, s19, $0xb8;
	[tilespmem:$0x1F000] =	vst v63  }
0x34a: {  	_ =	swait.ge [sflag:s17], $0x4000  }
0x34b: {  	[sflag:s17] =	ssyncset.done $0x0  }
0x34c: {  	[sflag:s17] =	ssyncadd.s32 $0xFFFFC000  }
0x34d: {  	[tilespmem:s28], [sflag:$0x2] =	stream.indirect.gather [hbm4b:s29+s19], $0x80, s15, s19, $0xb8;
	[tilespmem:$0x1F000] =	vst v63  }
0x34e: {  	_ =	swait.ge [sflag:s24], $0x4000  }
0x34f: {  	[sflag:s24] =	ssyncset.done $0x0  }
0x350: {  	[sflag:s24] =	ssyncadd.s32 $0xFFFFC000  }
0x351: {  	[spmem:s26] =	stream.indirect.scatter.add.f32 [tilespmem:s20], [sflag:$0x3], $0x80, s16, s19, $0xb8;
	[tilespmem:$0x1F000] =	vst v63  }
0x352: {  	_ =	swait.ge [sflag:s17], $0x4000  }
0x353: {  	[sflag:s17] =	ssyncset.done $0x0  }
0x354: {  	[sflag:s17] =	ssyncadd.s32 $0xFFFFC000  }
0x355: {  	[tilespmem:s20], [sflag:$0x1] =	stream.indirect.gather [hbm4b:s29+s19], $0x80, s22, s19, $0xb8;
	[tilespmem:$0x1F000] =	vst v63  }
0x356: {  	_ =	swait.ge [sflag:s1], $0x4000  }
0x357: {  	[sflag:s1] =	ssyncset.done $0x0  }
0x358: {  	[sflag:s1] =	ssyncadd.s32 $0xFFFFC000  }
0x359: {  	[spmem:s26] =	stream.indirect.scatter.add.f32 [tilespmem:s28], [sflag:$0x3], $0x80, s30, s19, $0xb8;
	[tilespmem:$0x1F000] =	vst v63  }
0x35a: {  	_ =	swait.ge [sflag:s17], $0x4000  }
0x35b: {  	[sflag:s17] =	ssyncset.done $0x0  }
0x35c: {  	[sflag:s17] =	ssyncadd.s32 $0xFFFFC000  }
0x35d: {  	[tilespmem:s28], [sflag:$0x2] =	stream.indirect.gather [hbm4b:s29+s19], $0x80, s25, s19, $0xb8;
	[tilespmem:$0x1F000] =	vst v63  }
0x35e: {  	_ =	swait.ge [sflag:s24], $0x4000  }
0x35f: {  	[sflag:s24] =	ssyncset.done $0x0  }
0x360: {  	[sflag:s24] =	ssyncadd.s32 $0xFFFFC000  }
0x361: {  	[spmem:s26] =	stream.indirect.scatter.add.f32 [tilespmem:s20], [sflag:$0x3], $0x80, s18, s19, $0xb8;
	[tilespmem:$0x1F000] =	vst v63  }
0x362: {  	_ =	swait.ge [sflag:s17], $0x4000  }
0x363: {  	[sflag:s17] =	ssyncset.done $0x0  }
0x364: {  	[sflag:s17] =	ssyncadd.s32 $0xFFFFC000  }
0x365: {  	[tilespmem:s20], [sflag:$0x1] =	stream.indirect.gather [hbm4b:s29+s19], $0x80, s0, s19, $0xb8;
	[tilespmem:$0x1F000] =	vst v63  }
0x366: {  	_ =	swait.ge [sflag:s1], $0x4000  }
0x367: {  	[sflag:s1] =	ssyncset.done $0x0  }
0x368: {  	[sflag:s1] =	ssyncadd.s32 $0xFFFFC000  }
0x369: {  	[spmem:s26] =	stream.indirect.scatter.add.f32 [tilespmem:s28], [sflag:$0x3], $0x80, s2, s19, $0xb8;
	[tilespmem:$0x1F000] =	vst v63  }
0x36a: {  	_ =	swait.ge [sflag:s17], $0x4000  }
0x36b: {  	[sflag:s17] =	ssyncset.done $0x0  }
0x36c: {  	[sflag:s17] =	ssyncadd.s32 $0xFFFFC000  }
0x36d: {  	[tilespmem:s28], [sflag:$0x2] =	stream.indirect.gather [hbm4b:s29+s19], $0x80, s3, s19, $0xb8;
	[tilespmem:$0x1F000] =	vst v63  }
0x36e: {  	_ =	swait.ge [sflag:s24], $0x4000  }
0x36f: {  	[sflag:s24] =	ssyncset.done $0x0  }
0x370: {  	[sflag:s24] =	ssyncadd.s32 $0xFFFFC000  }
0x371: {  	[spmem:s26] =	stream.indirect.scatter.add.f32 [tilespmem:s20], [sflag:$0x3], $0x80, s4, s19, $0xb8;
	[tilespmem:$0x1F000] =	vst v63  }
0x372: {  	_ =	swait.ge [sflag:s17], $0x4000  }
0x373: {  	[sflag:s17] =	ssyncset.done $0x0  }
0x374: {  	[sflag:s17] =	ssyncadd.s32 $0xFFFFC000  }
0x375: {  	[tilespmem:s20], [sflag:$0x1] =	stream.indirect.gather [hbm4b:s29+s19], $0x80, s5, s19, $0xb8;
	[tilespmem:$0x1F000] =	vst v63  }
0x376: {  	_ =	swait.ge [sflag:s1], $0x4000  }
0x377: {  	[sflag:s1] =	ssyncset.done $0x0  }
0x378: {  	[sflag:s1] =	ssyncadd.s32 $0xFFFFC000  }
0x379: {  	[spmem:s26] =	stream.indirect.scatter.add.f32 [tilespmem:s28], [sflag:$0x3], $0x80, s6, s19, $0xb8;
	[tilespmem:$0x1F000] =	vst v63  }
0x37a: {  	_ =	swait.ge [sflag:s17], $0x4000  }
0x37b: {  	[sflag:s17] =	ssyncset.done $0x0  }
0x37c: {  	[sflag:s17] =	ssyncadd.s32 $0xFFFFC000  }
0x37d: {  	[tilespmem:s28], [sflag:$0x2] =	stream.indirect.gather [hbm4b:s29+s19], $0x80, s31, s19, $0xb8;
	[tilespmem:$0x1F000] =	vst v63  }
0x37e: {  	_ =	swait.ge [sflag:s24], $0x4000  }
0x37f: {  	[sflag:s24] =	ssyncset.done $0x0  }
0x380: {  	s11 =	simm.s32 $0xC00;
	[sflag:s24] =	ssyncadd.s32 $0xFFFFC000  }
0x381: {  	[spmem:s26] =	stream.indirect.scatter.add.f32 [tilespmem:s20], [sflag:$0x3], $0x80, s11, s19, $0xb8;
	[tilespmem:$0x1F000] =	vst v63  }
0x382: {  	_ =	swait.ge [sflag:s17], $0x4000  }
0x383: {  	[sflag:s17] =	ssyncset.done $0x0  }
0x384: {  	s12 =	simm.s32 $0x500;
	[sflag:s17] =	ssyncadd.s32 $0xFFFFC000  }
0x385: {  	[tilespmem:s20], [sflag:$0x1] =	stream.indirect.gather [hbm4b:s29+s19], $0x80, s12, s19, $0xb8;
	[tilespmem:$0x1F000] =	vst v63  }
0x386: {  	_ =	swait.ge [sflag:s1], $0x4000  }
0x387: {  	[sflag:s1] =	ssyncset.done $0x0  }
0x388: {  	[sflag:s1] =	ssyncadd.s32 $0xFFFFC000  }
0x389: {  	[spmem:s26] =	stream.indirect.scatter.add.f32 [tilespmem:s28], [sflag:$0x3], $0x80, s7, s19, $0xb8;
	[tilespmem:$0x1F000] =	vst v63  }
0x38a: {  	_ =	swait.ge [sflag:s17], $0x4000  }
0x38b: {  	[sflag:s17] =	ssyncset.done $0x0  }
0x38c: {  	s9 =	simm.s32 $0x580;
	[sflag:s17] =	ssyncadd.s32 $0xFFFFC000  }
0x38d: {  	[tilespmem:s28], [sflag:$0x2] =	stream.indirect.gather [hbm4b:s29+s19], $0x80, s9, s19, $0xb8;
	[tilespmem:$0x1F000] =	vst v63  }
0x38e: {  	_ =	swait.ge [sflag:s24], $0x4000  }
0x38f: {  	[sflag:s24] =	ssyncset.done $0x0  }
0x390: {  	s12 =	simm.s32 $0xD00;
	[sflag:s24] =	ssyncadd.s32 $0xFFFFC000  }
0x391: {  	[spmem:s26] =	stream.indirect.scatter.add.f32 [tilespmem:s20], [sflag:$0x3], $0x80, s12, s19, $0xb8;
	[tilespmem:$0x1F000] =	vst v63  }
0x392: {  	_ =	swait.ge [sflag:s17], $0x4000  }
0x393: {  	[sflag:s17] =	ssyncset.done $0x0  }
0x394: {  	s12 =	simm.s32 $0x600;
	[sflag:s17] =	ssyncadd.s32 $0xFFFFC000  }
0x395: {  	[tilespmem:s20], [sflag:$0x1] =	stream.indirect.gather [hbm4b:s29+s19], $0x80, s12, s19, $0xb8;
	[tilespmem:$0x1F000] =	vst v63  }
0x396: {  	_ =	swait.ge [sflag:s1], $0x4000  }
0x397: {  	[sflag:s1] =	ssyncset.done $0x0  }
0x398: {  	s12 =	simm.s32 $0xD80;
	[sflag:s1] =	ssyncadd.s32 $0xFFFFC000  }
0x399: {  	[spmem:s26] =	stream.indirect.scatter.add.f32 [tilespmem:s28], [sflag:$0x3], $0x80, s12, s19, $0xb8;
	[tilespmem:$0x1F000] =	vst v63  }
0x39a: {  	_ =	swait.ge [sflag:s17], $0x4000  }
0x39b: {  	[sflag:s17] =	ssyncset.done $0x0  }
0x39c: {  	s12 =	simm.s32 $0x680;
	[sflag:s17] =	ssyncadd.s32 $0xFFFFC000  }
0x39d: {  	[tilespmem:s28], [sflag:$0x2] =	stream.indirect.gather [hbm4b:s29+s19], $0x80, s12, s19, $0xb8;
	[tilespmem:$0x1F000] =	vst v63  }
0x39e: {  	_ =	swait.ge [sflag:s24], $0x4000  }
0x39f: {  	[sflag:s24] =	ssyncset.done $0x0  }
0x3a0: {  	s12 =	simm.s32 $0xE00;
	[sflag:s24] =	ssyncadd.s32 $0xFFFFC000  }
0x3a1: {  	[spmem:s26] =	stream.indirect.scatter.add.f32 [tilespmem:s20], [sflag:$0x3], $0x80, s12, s19, $0xb8;
	[tilespmem:$0x1F000] =	vst v63  }
0x3a2: {  	_ =	swait.ge [sflag:s17], $0x4000  }
0x3a3: {  	[sflag:s17] =	ssyncset.done $0x0  }
0x3a4: {  	s12 =	simm.s32 $0x700;
	[sflag:s17] =	ssyncadd.s32 $0xFFFFC000  }
0x3a5: {  	[tilespmem:s20], [sflag:$0x1] =	stream.indirect.gather [hbm4b:s29+s19], $0x80, s12, s19, $0xb8;
	[tilespmem:$0x1F000] =	vst v63  }
0x3a6: {  	_ =	swait.ge [sflag:s1], $0x4000  }
0x3a7: {  	[sflag:s1] =	ssyncset.done $0x0  }
0x3a8: {  	s12 =	simm.s32 $0xE80;
	[sflag:s1] =	ssyncadd.s32 $0xFFFFC000  }
0x3a9: {  	[spmem:s26] =	stream.indirect.scatter.add.f32 [tilespmem:s28], [sflag:$0x3], $0x80, s12, s19, $0xb8;
	[tilespmem:$0x1F000] =	vst v63  }
0x3aa: {  	_ =	swait.ge [sflag:s17], $0x4000  }
0x3ab: {  	[sflag:s17] =	ssyncset.done $0x0  }
0x3ac: {  	s12 =	simm.s32 $0x780;
	[sflag:s17] =	ssyncadd.s32 $0xFFFFC000  }
0x3ad: {  	[tilespmem:s28], [sflag:$0x2] =	stream.indirect.gather [hbm4b:s29+s19], $0x80, s12, s19, $0xb8;
	[tilespmem:$0x1F000] =	vst v63  }
0x3ae: {  	_ =	swait.ge [sflag:s24], $0x4000  }
0x3af: {  	[sflag:s24] =	ssyncset.done $0x0  }
0x3b0: {  	s12 =	simm.s32 $0xF00;
	[sflag:s24] =	ssyncadd.s32 $0xFFFFC000  }
0x3b1: {  	[spmem:s26] =	stream.indirect.scatter.add.f32 [tilespmem:s20], [sflag:$0x3], $0x80, s12, s19, $0xb8;
	[tilespmem:$0x1F000] =	vst v63  }
0x3b2: {  	s8 =	sadd.s32 $0x100, s8;
	_ =	swait.ge [sflag:s17], $0x4000  }
0x3b3: {  	p0 =	sne.s32 s8, $0x500;
	[sflag:s17] =	ssyncset.done $0x0  }
.Ltmp2:
0x3b4: {  	[sflag:s17] =	ssyncadd.s32 $0xFFFFC000;
	(pc) =	sbr.rel @p0 .LBB2_6-.Ltmp2, $4  }
0x3b5: {  	_ =	swait.ge [sflag:s1], $0x4000  }
0x3b6: {  	[sflag:s1] =	ssyncset.done $0x0  }
0x3b7: {  	s12 =	simm.s32 $0xF80;
	[sflag:s1] =	ssyncadd.s32 $0xFFFFC000  }
0x3b8: {  	[spmem:s26] =	stream.indirect.scatter.add.f32 [tilespmem:s28], [sflag:$0x3], $0x80, s12, s19, $0xb8;
	[tilespmem:$0x1F000] =	vst v63  }
0x3b9: {  	_ =	swait.ge [sflag:s17], $0x4000  }
0x3ba: {  	[sflag:s17] =	ssyncset.done $0x0  }
0x3bb: {  	[sflag:s17] =	ssyncadd.s32 $0xFFFFC000  }
0x3bc: {  	[bflag:$0x0] =	sbarrier.arrive $0xFFFF  }
0x3bd: {  	s7 =	sld [smem:$0x7EC]  }
0x3be: {  	s9 =	sld [smem:$0x7E3];
	_ =	sdelay $0x1  }
0x3bf: {  	s8 =	rddreg [dreg:$0x4]  }
0x3c0: {  	[hbm:s8], [sflag:s7] =	dma.local [spmem:s9], $0x400  }
0x3c1: {  	_ =	swait.ge [sflag:s17], $0x400  }
0x3c2: {  	s21 =	sld [smem:$0x7E4]  }
0x3c3: {  	[sflag:s17] =	ssyncset.done $0x0  }
0x3c4: {  	s12 =	rddreg [dreg:$0xf];
	[sflag:s17] =	ssyncadd.s32 $0xFFFFFC00  }
0x3c5: {  	[hbm:s12], [sflag:s7] =	dma.local [spmem:s21], $0x400  }
0x3c6: {  	_ =	swait.ge [sflag:s17], $0x400  }
0x3c7: {  	s21 =	sld [smem:$0x7E5]  }
0x3c8: {  	[sflag:s17] =	ssyncset.done $0x0  }
0x3c9: {  	s12 =	rddreg [dreg:$0x10];
	[sflag:s17] =	ssyncadd.s32 $0xFFFFFC00  }
0x3ca: {  	[hbm:s12], [sflag:s7] =	dma.local [spmem:s21], $0x400  }
0x3cb: {  	_ =	swait.ge [sflag:s17], $0x400  }
0x3cc: {  	s21 =	sld [smem:$0x7E6]  }
0x3cd: {  	[sflag:s17] =	ssyncset.done $0x0  }
0x3ce: {  	s12 =	rddreg [dreg:$0x11];
	[sflag:s17] =	ssyncadd.s32 $0xFFFFFC00  }
0x3cf: {  	[hbm:s12], [sflag:s7] =	dma.local [spmem:s21], $0x400  }
0x3d0: {  	_ =	swait.ge [sflag:s17], $0x400  }
0x3d1: {  	s21 =	sld [smem:$0x7E7]  }
0x3d2: {  	[sflag:s17] =	ssyncset.done $0x0  }
0x3d3: {  	s12 =	rddreg [dreg:$0x12];
	[sflag:s17] =	ssyncadd.s32 $0xFFFFFC00  }
0x3d4: {  	[hbm:s12], [sflag:s7] =	dma.local [spmem:s21], $0x400  }
0x3d5: {  	_ =	swait.ge [sflag:s17], $0x400  }
0x3d6: {  	s21 =	sld [smem:$0x7E8]  }
0x3d7: {  	[sflag:s17] =	ssyncset.done $0x0  }
0x3d8: {  	s12 =	rddreg [dreg:$0x13];
	[sflag:s17] =	ssyncadd.s32 $0xFFFFFC00  }
0x3d9: {  	[hbm:s12], [sflag:s7] =	dma.local [spmem:s21], $0x400  }
0x3da: {  	_ =	swait.ge [sflag:s17], $0x400  }
0x3db: {  	s21 =	sld [smem:$0x7E9]  }
0x3dc: {  	[sflag:s17] =	ssyncset.done $0x0  }
0x3dd: {  	s12 =	rddreg [dreg:$0x14];
	[sflag:s17] =	ssyncadd.s32 $0xFFFFFC00  }
0x3de: {  	[hbm:s12], [sflag:s7] =	dma.local [spmem:s21], $0x400  }
0x3df: {  	_ =	swait.ge [sflag:s17], $0x400  }
0x3e0: {  	s21 =	sld [smem:$0x7EA]  }
0x3e1: {  	[sflag:s17] =	ssyncset.done $0x0  }
0x3e2: {  	s12 =	rddreg [dreg:$0x15];
	[sflag:s17] =	ssyncadd.s32 $0xFFFFFC00  }
0x3e3: {  	[hbm:s12], [sflag:s7] =	dma.local [spmem:s21], $0x400  }
0x3e4: {  	_ =	swait.ge [sflag:s17], $0x400  }
0x3e5: {  	s21 =	sld [smem:$0x7EB]  }
0x3e6: {  	[sflag:s17] =	ssyncset.done $0x0  }
0x3e7: {  	s12 =	rddreg [dreg:$0x16];
	[sflag:s17] =	ssyncadd.s32 $0xFFFFFC00  }
0x3e8: {  	[hbm:s12], [sflag:s7] =	dma.local [spmem:s21], $0x400  }
0x3e9: {  	_ =	swait.ge [sflag:s17], $0x400  }
0x3ea: {  	s21 =	sld [smem:$0x7ED]  }
0x3eb: {  	[sflag:s17] =	ssyncset.done $0x0  }
0x3ec: {  	s12 =	rddreg [dreg:$0x17];
	[sflag:s17] =	ssyncadd.s32 $0xFFFFFC00  }
0x3ed: {  	[hbm:s12], [sflag:s7] =	dma.local [spmem:s21], $0x400  }
0x3ee: {  	_ =	swait.ge [sflag:s17], $0x400  }
0x3ef: {  	s21 =	rddreg [dreg:$0x19]  }
0x3f0: {  	s12 =	rddreg [dreg:$0x1c];
	s21 =	sadd.s32 $0x1, s21  }
0x3f1: {  	p0 =	sne.s32 s21, s12  }
.Ltmp3:
0x3f2: {  	_ = 	snop;
	(pc) =	sbr.rel @p0 .LBB2_1-.Ltmp3, $3  }
0x3f3: {  	_ =	sdelay $0x1  }
0x3f4: {  	[sflag:s17] =	ssyncset.done $0x0  }
0x3f5: {  	s7 =	simm.s32 $0x500;
	[sflag:s17] =	ssyncadd.s32 $0xFFFFFC00;
	s12 =	smov.u32 s13  }
0x3f6: {  	_ =	sfence.sel $0x180000  }
0x3f7: {  	[bflag:$0x0] =	sbarrier.arrive $0xFFFF  }
0x3f8: {  	_ =	strace $0x9000004D  }
0x3f9: {  	s0 =	stileid.u32;
	[bflag:$0x2] =	sbarrier.arrive $0xFFFF  }
0x3fa: {  	p0 =	sne.s32 s0, $0x0;
	s0 =	rddreg [dreg:$0x2]  }
0x3fb: {  	s0 =	sadd.s32 @!p0 $0x100000, s0  }
0x3fc: {  	[sflag:s0] =	ssyncadd.tile.s32 @!p0 $0x1;
	_ =	shalt  }
.Lfunc_end2:
_tile_overlayer_lowered:
.L_overlay_start_2:
0x3fd: {  	(tag) =	ssettag $0x2  }
0x3fe: {  	s0 =	rddreg [dreg:$0x0];
	s2 =	stileid.u32  }
0x3ff: {  	s1 =	rddreg [dreg:$0x1];
	p0 =	sne.s32 s2, $0x0  }
0x400: {  	s3 =	rddreg [dreg:$0x2];
	[bflag:$0x3] =	sbarrier.arrive $0xFFFF;
	s2 =	simm.s32 @!p0 $0x1C03  }
0x401: {  	[timem:s3], [sflag:s2] =	dma.local @!p0 [hbm:s0], s1  }
0x402: {  	s0 =	simm.s32 @!p0 $0x3  }
0x403: {  	_ =	swait.ge @!p0 [sflag:s0], s1  }
0x404: {  	s1 =	ssub.s32 @!p0 $0x0, s1;
	[sflag:s0] =	ssyncset.done @!p0 $0x0  }
0x405: {  	[sflag:s0] =	ssyncadd.s32 @!p0 s1  }
0x406: {  	[bflag:$0x3] =	sbarrier.arrive $0xFFFF  }
0x407: {  	_ =	shalt  }

// kernel: kernel.19.cloned.1.call-start
scs
__scs_entry_jumppad:
0x0: {  	(pc) =	sbr.rel $0x88, $3  }
0x1: {  	(tag) =	ssettag $0x0;
	lr =	simm.s32 $0x1  }
0x2: {  	[smem:$0x3F96] =	sst lr;
	_ =	strace $0xD0000000  }
0x3: {  	_ = 	snop  }
0x4: {  	_ = 	snop  }
0x5: {  	_ = 	snop  }
0x6: {  	_ = 	snop  }
0x7: {  	_ = 	snop  }
__scs_overlays_trampoline_lowered:
0x8: {  	[smem:$0x3FA5] =	sst s0  }
0x9: {  	[smem:$0x3FA6] =	sst s1  }
0xa: {  	[smem:$0x3FA7] =	sst s2  }
0xb: {  	[smem:$0x3FA8] =	sst s3  }
0xc: {  	[smem:$0x3FA9] =	sst s4  }
0xd: {  	[smem:$0x3FAA] =	sst s5  }
0xe: {  	[smem:$0x3FAB] =	sst s6  }
0xf: {  	[smem:$0x3FAC] =	sst s7  }
0x10: {  	[smem:$0x3FAD] =	sst s8  }
0x11: {  	[smem:$0x3FAE] =	sst s9;
	s0 =	simm.s32 @!p0 $0x0  }
0x12: {  	s1 =	sld [smem:$0x3F94];
	s0 =	simm.s32 @p0 $0x1  }
0x13: {  	[smem:$0x3FAF] =	sst s0;
	s0 =	simm.s32 @!p1 $0x0  }
0x14: {  	s2 =	sld [smem:$0x3F93];
	s0 =	simm.s32 @p1 $0x1  }
0x15: {  	[smem:$0x3FB0] =	sst s0;
	s0 =	simm.s32 @!p2 $0x0  }
0x16: {  	s3 =	sld [smem:$0x3FDB];
	s0 =	simm.s32 @p2 $0x1  }
0x17: {  	s4 =	simm.s32 $0x1BF5;
	[smem:$0x3FB2] =	sst s0  }
0x18: {  	s0 =	sld [smem:$0x3F95];
	_ =	swait.ge [sflag:s4], $0x0  }
0x19: {  	s7 =	sld [smem:$0x3F96]  }
0x1a: {  	s8 =	sadd.s32 $0xFFFFE003, lr  }
0x1b: {  	s9 =	sadd.s32 $0xFFFFFEF7, lr;
	s5 =	simm.s32 $0xFFFFFFFF;
	p2 =	slt.u32 s8, $0xFFFFF086  }
0x1c: {  	p1 =	slt.u32 s9, $0xF7A;
	s5 =	simm.s32 @!p2 $0x0  }
0x1d: {  	s5 =	simm.s32 @p1 $0x1;
	p0 =	seq.s32 s7, s2  }
0x1e: {  	s7 =	smul.u32 @!p0 $0xF7A, s2;
	p2 =	seq.s32 @!p0 s5, $0x0  }
0x1f: {  	s9 =	smul.u32 $0xF7A, s1;
	s8 =	simm.s32 @!p0 $0x1BF5;
	p2 =	por !p2, p0  }
0x20: {  	[sflag:s8] =	ssyncset.s32 @!p0 $0xFFFFF086;
	s6 =	sadd.s32 @!p0 s3, s7;
	s7 =	simm.s32 @!p0 $0x108  }
0x21: {  	s3 =	sadd.s32 s3, s9;
	s6 =	sadd.s32 @!p0 $0x88, s6;
	s7 =	simm.s32 @p2 $0x1082  }
0x22: {  	[simem:s7], [sflag:s8] =	dma.local @!p0 [hbm:s6], $0xF7A  }
0x23: {  	s9 =	sor.u32 $0xD0000000, s2;
	s6 =	simm.s32 $0x108;
	_ =	swait.ge @!p0 [sflag:s8], $0x0  }
0x24: {  	s3 =	sadd.s32 $0x88, s3;
	s6 =	simm.s32 @!p1 $0x1082;
	[sflag:s4] =	ssyncset.s32 $0xFFFFF086  }
0x25: {  	[simem:s6], [sflag:s4] =	dma.local [hbm:s3], $0xF7A  }
0x26: {  	[smem:$0x3F96] =	sst s1;
	(tag) =	ssettag s2;
	_ =	strace s9  }
0x27: {  	s1 =	sld [smem:$0x3FA6]  }
0x28: {  	s2 =	sld [smem:$0x3FA7]  }
0x29: {  	s4 =	sld [smem:$0x3FA9]  }
0x2a: {  	p0 =	seq.s32 s5, $0x0;
	s5 =	sld [smem:$0x3FAA]  }
0x2b: {  	s6 =	sld [smem:$0x3FAB]  }
0x2c: {  	s7 =	sld [smem:$0x3FAC]  }
0x2d: {  	s3 =	simm.s32 $0x108;
	s8 =	sld [smem:$0x3FAD]  }
0x2e: {  	s3 =	simm.s32 @!p0 $0x1082;
	s9 =	sld [smem:$0x3FAE]  }
0x2f: {  	lr =	sadd.s32 s0, s3;
	s0 =	sld [smem:$0x3FA5]  }
0x30: {  	s3 =	sld [smem:$0x3FA8]  }
0x31: {  	[smem:$0x3FB1] =	sst s10  }
0x32: {  	s10 =	sld [smem:$0x3FAF];
	_ =	sdelay $0x3  }
0x33: {  	p0 =	seq.s32 s10, $0x1;
	s10 =	sld [smem:$0x3FB1];
	_ =	sdelay $0x3  }
0x34: {  	[smem:$0x3FB1] =	sst s10  }
0x35: {  	s10 =	sld [smem:$0x3FB0];
	_ =	sdelay $0x3  }
0x36: {  	p1 =	seq.s32 s10, $0x1;
	s10 =	sld [smem:$0x3FB1];
	_ =	sdelay $0x3  }
0x37: {  	[smem:$0x3FB1] =	sst s10  }
0x38: {  	s10 =	sld [smem:$0x3FB2]  }
0x39: {  	_ = 	snop;
	(pc) =	sbr.ind lr, $3  }
0x3a: {  	_ = 	snop  }
0x3b: {  	_ = 	snop  }
0x3c: {  	p2 =	seq.s32 s10, $0x1;
	s10 =	sld [smem:$0x3FB1]  }
0x3d: {  	_ =	shalt  }
0x3e: {  	_ =	shalt  }
0x3f: {  	_ =	shalt  }
0x40: {  	_ =	shalt  }
0x41: {  	_ =	shalt  }
0x42: {  	_ =	shalt  }
0x43: {  	_ =	shalt  }
0x44: {  	_ =	shalt  }
0x45: {  	_ =	shalt  }
0x46: {  	_ =	shalt  }
0x47: {  	_ =	shalt  }
0x48: {  	_ =	shalt  }
0x49: {  	_ =	shalt  }
0x4a: {  	_ =	shalt  }
0x4b: {  	_ =	shalt  }
0x4c: {  	_ =	shalt  }
0x4d: {  	_ =	shalt  }
0x4e: {  	_ =	shalt  }
0x4f: {  	_ =	shalt  }
0x50: {  	_ =	shalt  }
0x51: {  	_ =	shalt  }
0x52: {  	_ =	shalt  }
0x53: {  	_ =	shalt  }
0x54: {  	_ =	shalt  }
0x55: {  	_ =	shalt  }
0x56: {  	_ =	shalt  }
0x57: {  	_ =	shalt  }
0x58: {  	_ =	shalt  }
0x59: {  	_ =	shalt  }
0x5a: {  	_ =	shalt  }
0x5b: {  	_ =	shalt  }
0x5c: {  	_ =	shalt  }
0x5d: {  	_ =	shalt  }
0x5e: {  	_ =	shalt  }
0x5f: {  	_ =	shalt  }
0x60: {  	_ =	shalt  }
0x61: {  	_ =	shalt  }
0x62: {  	_ =	shalt  }
0x63: {  	_ =	shalt  }
0x64: {  	_ =	shalt  }
0x65: {  	_ =	shalt  }
0x66: {  	_ =	shalt  }
0x67: {  	_ =	shalt  }
0x68: {  	_ =	shalt  }
0x69: {  	_ =	shalt  }
0x6a: {  	_ =	shalt  }
0x6b: {  	_ =	shalt  }
0x6c: {  	_ =	shalt  }
0x6d: {  	_ =	shalt  }
0x6e: {  	_ =	shalt  }
0x6f: {  	_ =	shalt  }
0x70: {  	_ =	shalt  }
0x71: {  	_ =	shalt  }
0x72: {  	_ =	shalt  }
0x73: {  	_ =	shalt  }
0x74: {  	_ =	shalt  }
0x75: {  	_ =	shalt  }
0x76: {  	_ =	shalt  }
0x77: {  	_ =	shalt  }
0x78: {  	_ =	shalt  }
0x79: {  	_ =	shalt  }
0x7a: {  	_ =	shalt  }
0x7b: {  	_ =	shalt  }
0x7c: {  	_ =	shalt  }
0x7d: {  	_ =	shalt  }
0x7e: {  	_ =	shalt  }
0x7f: {  	_ =	shalt  }
0x80: {  	_ =	shalt  }
0x81: {  	_ =	shalt  }
0x82: {  	_ =	shalt  }
0x83: {  	_ =	shalt  }
0x84: {  	_ =	shalt  }
0x85: {  	_ =	shalt  }
0x86: {  	_ =	shalt  }
0x87: {  	_ =	shalt  }
.Lfunc_end0:
.L_simem_size_0:
called_computation.3_lowered:
.L_overlay_start_0:
0x88: {  	s2 =	sld [smem:$0x3FD9]  }
0x89: {  	s3 =	sld [smem:$0x3FFE];
	_ =	sdelay $0x1  }
0x8a: {  	s1 =	srdreg.scid  }
0x8b: {  	s0 =	sand.u32 $0x1, s1  }
0x8c: {  	s16 =	sshll.u32 s0, $0xA;
	s2 =	sadd.s32 s3, s2  }
0x8d: {  	s2 =	sadd.s32 s2, s16  }
0x8e: {  	[smem:$0x3FBD] =	sst s2  }
0x8f: {  	_ = 	snop  }
0x90: {  	(tm) =	ssettm $0x1  }
0x91: {  	s17 =	sld [smem:$0x3FFB];
	_ =	sdelay $0x3  }
0x92: {  	_ =	strace s17  }
0x93: {  	s2 =	sld [smem:$0x3FFC];
	_ =	sdelay $0x3  }
0x94: {  	_ =	strace s2  }
0x95: {  	s2 =	sld [smem:$0x3FFD];
	_ =	sdelay $0x3  }
0x96: {  	_ =	strace s2  }
0x97: {  	_ =	strace $0x8FFFFFFF  }
0x98: {  	s18 =	sld [smem:$0x3FDB];
	_ =	sdelay $0x1  }
0x99: {  	s19 =	simm.s32 $_scs_section_size  }
0x9a: {  	s4 =	simm.s32 $_size__tile_overlayer_lowered;
	s5 =	simm.s32 $_tile_overlayer_lowered  }
0x9b: {  	s22 =	simm.s32 $0x1BFF;
	s21 =	sshll.u32 s5, $0x1;
	s2 =	sadd.s32 s19, s18  }
0x9c: {  	s6 =	simm.s32 $0x0;
	s20 =	sshll.u32 s4, $0x1;
	s4 =	sadd.s32 s21, s2  }
0x9d: {  	[timem:s6], [sflag:s22] =	dma.local [hbm:s4], s20  }
0x9e: {  	_ =	swait.ge [sflag:s22], s20  }
0x9f: {  	s3 =	ssub.s32 $0x0, s20;
	[sflag:s22] =	ssyncset.done $0x0  }
0xa0: {  	[sflag:s22] =	ssyncadd.s32 s3;
	_ =	sdelay $0x1  }
0xa1: {  	s23 =	simm.s32 $0x1B8B  }
0xa2: {  	_ =	swait.ge [sflag:s23], $0x1  }
0xa3: {  	[sflag:s23] =	ssyncset.done $0x0  }
0xa4: {  	s25 =	simm.s32 $0x1B8E;
	s24 =	sld [smem:$0x3FFE];
	[sflag:s23] =	ssyncadd.s32 $0xFFFFFFFF  }
0xa5: {  	s26 =	simm.s32 $execute0_lowered;
	[smem:$0x3FD2] =	sst s25  }
0xa6: {  	s4 =	sshll.u32 s26, $0x1;
	_ =	strace $0x8000004F;
	[dreg:$0x1] =	wrdreg $0xFFFFFFFF  }
0xa7: {  	s28 =	simm.s32 $_size_execute0_lowered;
	s2 =	sadd.s32 s2, s4;
	[dreg:$0x0] =	wrdreg $0x0  }
0xa8: {  	s4 =	sshll.u32 s28, $0x1;
	[dreg:$0x2] =	wrdreg s2  }
0xa9: {  	[dreg:$0x3] =	wrdreg s4  }
0xaa: {  	[dreg:$0x4] =	wrdreg $0xC0  }
0xab: {  	_ =	task [dreg:s6], $0x5FFFF  }
0xac: {  	[dreg:$0x1] =	wrdreg $0xFFFFFFFF  }
0xad: {  	[dreg:$0x0] =	wrdreg $0x60  }
0xae: {  	[dreg:$0x2] =	wrdreg s24  }
0xaf: {  	[dreg:$0x3] =	wrdreg $0xB0000  }
0xb0: {  	[dreg:$0x4] =	wrdreg $0x9  }
0xb1: {  	_ =	task.clear_ibuf [dreg:s6], $0x5FFFF;
	_ =	strace $0x9000004F  }
0xb2: {  	s29 =	simm.s32 $0x9;
	_ =	strace $0x80000051  }
0xb3: {  	_ =	swait.ge [sflag:s29], $0x1  }
0xb4: {  	[sflag:s29] =	ssyncadd.s32 $0xFFFFFFFF  }
0xb5: {  	_ =	strace $0x90000051  }
0xb6: {  	_ =	sfence  }
0xb7: {  	s30 =	sld [smem:$0x0];
	_ =	sdelay $0x2  }
0xb8: {  	s31 =	sshll.u32 s1, $0xD;
	s1 =	sshrl.u32 s1, $0x2  }
0xb9: {  	s3 =	sand.u32 $0x4000, s31;
	s1 =	sadd.s32 s1, s30  }
0xba: {  	s0 =	sor.u32 s3, s0;
	s1 =	sshll.u32 s1, $0x11  }
0xbb: {  	s0 =	sor.u32 s1, s0  }
0xbc: {  	s0 =	sadd.s32 $0x8F2B, s0  }
0xbd: {  	[sflag:s0] =	ssyncadd.remote.s32 $0x1  }
0xbe: {  	_ =	sfence.sel $0xFFFF  }
0xbf: {  	[dreg:$0x0] =	wrdreg $0xFFFFFFFF;
	(pc) =	sbr.abs _section_cstart, $3  }
0xc0: {  	[dreg:$0x1] =	wrdreg $0xFFFFFFFF  }
0xc1: {  	_ =	task.clear_ibuf [dreg:s6], $0x2FFFF;
	_ =	strace $0x9FFFFFFF  }
0xc2: {  	(tm) =	ssettm $0x7FFFFFFF  }
0xc3: {  	_ =	shalt  }
tec
execute0_lowered:
.L_overlay_start_1:
0x0: {  	(tag) =	ssettag $0x1  }
0x1: {  	s19 =	stileid.u32  }
0x2: {  	s0 =	srdreg.scid;
	s3 =	smul.u32 $0x2800, s19  }
0x3: {  	s0 =	sand.u32 $0x1, s0;
	s15 =	smul.u32 $0x14000, s19  }
0x4: {  	s2 =	smul.u32 $0x50000, s0  }
0x5: {  	s16 =	smul.u32 $0x280000, s0  }
0x6: {  	s4 =	sshllo.u32 s0, $0x1;
	s1 =	ssub.s32 $0x2, s0;
	s0 =	rddreg [dreg:$0x0]  }
0x7: {  	s10 =	smul.u32 $0x140000, s4;
	s5 =	sshrl.u32 s1, $0x1;
	s9 =	sadd.s32 $0x117200, s0  }
0x8: {  	s4 =	smul.u32 $0x28000, s4;
	s12 =	sshrl.u32 s3, $0x3;
	s1 =	ssub.s32 s1, s5  }
0x9: {  	s5 =	sadd.s32 s3, s2;
	s18 =	sadd.s32 s16, s15;
	s17 =	sadd.s32 s10, s15  }
0xa: {  	s6 =	sadd.s32 s3, s4;
	s3 =	sshrl.u32 s18, $0x3;
	s4 =	sadd.s32 $0x6000, s15  }
0xb: {  	s2 =	sshrl.u32 s17, $0x3;
	s3 =	sadd.s32 s9, s3;
	s22 =	sadd.s32 s16, s4  }
0xc: {  	s2 =	sadd.s32 s9, s2;
	[dreg:$0x5] =	wrdreg s3;
	s3 =	sadd.s32 $0x4000, s15  }
0xd: {  	[dreg:$0x4] =	wrdreg s2;
	s2 =	sor.u32 $0x2000, s15;
	s8 =	sadd.s32 s16, s3  }
0xe: {  	s20 =	sadd.s32 s16, s2;
	s21 =	sshrl.u32 s8, $0x3;
	s8 =	sshrl.u32 s22, $0x3  }
0xf: {  	s6 =	sshrl.u32 s6, $0x3;
	s7 =	sshrl.u32 s20, $0x3;
	s8 =	sadd.s32 s9, s8  }
0x10: {  	s26 =	sadd.s32 s10, s2;
	s7 =	sadd.s32 s9, s7;
	[dreg:$0x8] =	wrdreg s8  }
0x11: {  	s22 =	sadd.s32 s10, s4;
	[dreg:$0x6] =	wrdreg s7;
	s7 =	sadd.s32 s9, s21  }
0x12: {  	s8 =	sadd.s32 $0xA000, s15;
	[dreg:$0x7] =	wrdreg s7;
	s7 =	sadd.s32 $0x8000, s15  }
0x13: {  	s20 =	sadd.s32 s10, s3;
	s14 =	sadd.s32 s16, s8;
	s11 =	sadd.s32 s16, s7  }
0x14: {  	s21 =	sshrl.u32 s20, $0x3;
	s13 =	sshrl.u32 s11, $0x3;
	s11 =	sadd.s32 $0xC000, s15  }
0x15: {  	s23 =	sshrl.u32 s14, $0x3;
	s13 =	sadd.s32 s9, s13;
	s24 =	sadd.s32 s16, s11  }
0x16: {  	s20 =	sadd.s32 s10, s11;
	[dreg:$0x9] =	wrdreg s13;
	s13 =	sadd.s32 s9, s23  }
0x17: {  	s14 =	sshrl.u32 s24, $0x3;
	s23 =	sshrl.u32 s22, $0x3;
	s24 =	sadd.s32 s10, s7  }
0x18: {  	[dreg:$0xa] =	wrdreg s13;
	s13 =	sadd.s32 $0xE000, s15;
	s14 =	sadd.s32 s9, s14  }
0x19: {  	[dreg:$0xb] =	wrdreg s14;
	s17 =	sadd.s32 s16, s13;
	s14 =	sadd.s32 $0x10000, s15  }
0x1a: {  	s15 =	sadd.s32 $0x12000, s15;
	s22 =	sadd.s32 s10, s13;
	s17 =	sshrl.u32 s17, $0x3  }
0x1b: {  	s18 =	sadd.s32 s16, s14;
	s16 =	sadd.s32 s16, s15;
	s17 =	sadd.s32 s9, s17  }
0x1c: {  	s25 =	sshrl.u32 s18, $0x3;
	s16 =	sshrl.u32 s16, $0x3;
	s18 =	sshrl.u32 s26, $0x3  }
0x1d: {  	s26 =	sadd.s32 s10, s8;
	[dreg:$0xc] =	wrdreg s17;
	s17 =	sadd.s32 s9, s25  }
0x1e: {  	s16 =	sadd.s32 s9, s16;
	s25 =	sshrl.u32 s24, $0x3;
	[dreg:$0xd] =	wrdreg s17  }
0x1f: {  	[dreg:$0xe] =	wrdreg s16;
	s16 =	sadd.s32 s9, s18;
	s18 =	sshrl.u32 s26, $0x3  }
0x20: {  	s26 =	sadd.s32 $0x4200, s0;
	[dreg:$0xf] =	wrdreg s16;
	s16 =	sadd.s32 s9, s21  }
0x21: {  	s21 =	sshrl.u32 s20, $0x3;
	s17 =	sadd.s32 s26, s12;
	[dreg:$0x10] =	wrdreg s16  }
0x22: {  	s20 =	sadd.s32 $0x103200, s0;
	s16 =	sadd.s32 s9, s23;
	[dreg:$0x18] =	wrdreg s17  }
0x23: {  	s24 =	sadd.s32 s10, s14;
	s6 =	sadd.s32 s20, s6;
	[dreg:$0x11] =	wrdreg s16  }
0x24: {  	s10 =	sadd.s32 s10, s15;
	s16 =	sadd.s32 s9, s25;
	[dreg:$0x1a] =	wrdreg s6  }
0x25: {  	s10 =	sshrl.u32 s10, $0x3;
	[dreg:$0x12] =	wrdreg s16;
	s16 =	sadd.s32 s9, s18  }
0x26: {  	s23 =	sshrl.u32 s22, $0x3;
	[dreg:$0x13] =	wrdreg s16;
	s16 =	sadd.s32 s9, s21  }
0x27: {  	s18 =	smul.u32 $0x500, s19;
	s21 =	simm.s32 $0x0;
	[dreg:$0x14] =	wrdreg s16  }
0x28: {  	s22 =	sshrl.u32 s5, $0x3;
	s25 =	sshrl.u32 s24, $0x3;
	[smem:$0x7FF] =	sst s21  }
0x29: {  	s16 =	sadd.s32 s9, s23;
	s23 =	sadd.s32 s18, s26;
	s26 =	rddreg [dreg:$0x1]  }
0x2a: {  	s5 =	sadd.s32 $0x28000, s5;
	[dreg:$0x15] =	wrdreg s16;
	s16 =	sadd.s32 s9, s25  }
0x2b: {  	s5 =	sshrl.u32 s5, $0x3;
	s9 =	sadd.s32 s9, s10;
	[dreg:$0x16] =	wrdreg s16  }
0x2c: {  	s5 =	sadd.s32 s5, s20;
	[dreg:$0x17] =	wrdreg s9  }
0x2d: {  	s1 =	smax.u32 s1, $0x1;
	_ =	strace $0x80000050;
	[dreg:$0x3] =	wrdreg s5  }
0x2e: {  	s2 =	sadd.s32 s2, s26;
	[dreg:$0x1c] =	wrdreg s1  }
0x2f: {  	s6 =	sadd.s32 s4, s26;
	[dreg:$0x1d] =	wrdreg s2  }
0x30: {  	s9 =	sadd.s32 s7, s26;
	[dreg:$0x1f] =	wrdreg s6  }
0x31: {  	s28 =	simm.s32 $0x5000;
	s10 =	sadd.s32 s8, s26;
	[smem:$0x7EF] =	sst s9  }
0x32: {  	s30 =	simm.s32 $0x980;
	s11 =	sadd.s32 s11, s26;
	[smem:$0x7F0] =	sst s10  }
0x33: {  	s24 =	smul.u32 $0x50000, s19;
	s13 =	sadd.s32 s13, s26;
	[smem:$0x7F1] =	sst s11  }
0x34: {  	s31 =	simm.s32 $0x480;
	s14 =	sadd.s32 s14, s26;
	[smem:$0x7F2] =	sst s13  }
0x35: {  	s25 =	sshrl.u32 s24, $0x2;
	s15 =	sadd.s32 s15, s26;
	[smem:$0x7F3] =	sst s14  }
0x36: {  	s29 =	sadd.s32 $0x1B7200, s0;
	s0 =	sadd.s32 s25, s26;
	[smem:$0x7F4] =	sst s15  }
0x37: {  	s12 =	sadd.s32 s20, s22;
	s5 =	sadd.s32 s3, s26;
	[dreg:$0x1b] =	wrdreg s0  }
0x38: {  	s4 =	simm.s32 $0xB00;
	s16 =	sadd.s32 $0x2000, s0;
	[dreg:$0x1e] =	wrdreg s5  }
0x39: {  	s7 =	simm.s32 $0x500;
	s17 =	sadd.s32 $0x4000, s0;
	[smem:$0x7F5] =	sst s16  }
0x3a: {  	s18 =	sadd.s32 $0x6000, s0;
	s19 =	sadd.s32 $0x8000, s0;
	[smem:$0x7F6] =	sst s17  }
0x3b: {  	s20 =	sadd.s32 $0xA000, s0;
	s22 =	sadd.s32 $0xC000, s0;
	[smem:$0x7F7] =	sst s18  }
0x3c: {  	s24 =	sadd.s32 $0xE000, s0;
	s25 =	sadd.s32 $0x10000, s0;
	[smem:$0x7F8] =	sst s19  }
0x3d: {  	s0 =	sadd.s32 $0x12000, s0;
	s10 =	simm.s32 $0x100;
	[smem:$0x7F9] =	sst s20  }
0x3e: {  	s1 =	simm.s32 $0x2;
	s14 =	simm.s32 $0x880;
	[smem:$0x7FA] =	sst s22  }
0x3f: {  	s15 =	simm.s32 $0x180;
	s2 =	simm.s32 $0xA80;
	[smem:$0x7FB] =	sst s24  }
0x40: {  	s3 =	simm.s32 $0x380;
	s6 =	simm.s32 $0xB80;
	[smem:$0x7FC] =	sst s25  }
0x41: {  	s11 =	simm.s32 $0xC00;
	[smem:$0x7FD] =	sst s0;
	s17 =	simm.s32 $0x3  }
0x42: {  	s19 =	simm.s32 $0x80;
	s20 =	simm.s32 $0x1000;
	s24 =	simm.s32 $0x1  }
0x43: {  	s16 =	simm.s32 $0x900;
	s22 =	simm.s32 $0x200;
	s25 =	simm.s32 $0x280  }
0x44: {  	v0 =	vimm.f32 $0.0e+00;
	s18 =	simm.s32 $0xA00;
	s0 =	simm.s32 $0x300;
	s5 =	simm.s32 $0x400  }
.LBB2_1:
0x45: {  	[dreg:$0x19] =	wrdreg s21;
	s8 =	simm.s32 $0x0;
	s21 =	simm.s32 $0x200  }
.LBB2_2:
0x46: {  	p0 =	sne.s32 s21, $0x7E00;
	[tilespmem:s8+$0x9070] =	vst v0  }
0x47: {  	[tilespmem:s8+$0x9000] =	vst v0  }
0x48: {  	[tilespmem:s8+$0x9010] =	vst v0  }
.Ltmp0:
0x49: {  	[tilespmem:s8+$0x9020] =	vst v0;
	(pc) =	sbr.rel @p0 .LBB2_2-.Ltmp0, $4  }
0x4a: {  	[tilespmem:s8+$0x9030] =	vst v0  }
0x4b: {  	[tilespmem:s8+$0x9040] =	vst v0  }
0x4c: {  	[tilespmem:s8+$0x9050] =	vst v0  }
0x4d: {  	[tilespmem:s8+$0x9060] =	vst v0;
	s8 =	sshra.s32 s21, $0x2;
	s21 =	sadd.s32 $0x200, s21  }
0x4e: {  	[tilespmem:s8+$0x9070] =	vst v0  }
0x4f: {  	[tilespmem:s8+$0x9000] =	vst v0  }
0x50: {  	[tilespmem:s8+$0x9010] =	vst v0  }
0x51: {  	[tilespmem:s8+$0x9020] =	vst v0  }
0x52: {  	[tilespmem:s8+$0x9030] =	vst v0  }
0x53: {  	[tilespmem:s8+$0x9040] =	vst v0  }
0x54: {  	[tilespmem:s8+$0x9050] =	vst v0  }
0x55: {  	[tilespmem:s8+$0x9060] =	vst v0;
	s13 =	simm.s32 $0x0  }
0x56: {  	[tilespmem:s13], [sflag:$0x3] =	stream.linear.gather [hbm4b:s12+s13], $0x800, $0x38;
	[tilespmem:$0x1F000] =	vst v63  }
0x57: {  	_ =	swait.ge [sflag:s17], $0x800  }
0x58: {  	[sflag:s17] =	ssyncset.done $0x0  }
0x59: {  	s21 =	simm.s32 $0x800;
	s9 =	rddreg [dreg:$0x18];
	[sflag:s17] =	ssyncadd.s32 $0xFFFFF800  }
0x5a: {  	[tilespmem:s21], [sflag:$0x3] =	stream.linear.gather [hbm4b:s9+s13], $0x800, $0x38;
	[tilespmem:$0x1F000] =	vst v63  }
0x5b: {  	_ =	swait.ge [sflag:s17], $0x800  }
0x5c: {  	[sflag:s17] =	ssyncset.done $0x0  }
0x5d: {  	[sflag:s17] =	ssyncadd.s32 $0xFFFFF800  }
0x5e: {  	[tilespmem:s20], [sflag:$0x1] =	stream.indirect.gather [hbm4b:s29+s19], $0x80, s13, s19, $0xb8;
	[tilespmem:$0x1F000] =	vst v63  }
0x5f: {  	_ = 	snop  }
0x60: {  	[tilespmem:s28], [sflag:$0x2] =	stream.indirect.gather [hbm4b:s29+s19], $0x80, s19, s19, $0xb8;
	[tilespmem:$0x1F000] =	vst v63  }
0x61: {  	s9 =	simm.s32 $0x9000;
	s21 =	rddreg [dreg:$0x1b]  }
0x62: {  	[spmem:s21] =	stream.linear.scatter [tilespmem:s9], [sflag:$0x3], $0x2000, $0x38;
	[tilespmem:$0x1F000] =	vst v63  }
0x63: {  	_ =	swait.ge [sflag:s17], $0x2000  }
0x64: {  	s13 =	sld [smem:$0x7F5]  }
0x65: {  	[sflag:s17] =	ssyncset.done $0x0  }
0x66: {  	[sflag:s17] =	ssyncadd.s32 $0xFFFFE000  }
0x67: {  	[spmem:s13] =	stream.linear.scatter [tilespmem:s9], [sflag:$0x3], $0x2000, $0x38;
	[tilespmem:$0x1F000] =	vst v63  }
0x68: {  	_ =	swait.ge [sflag:s17], $0x2000  }
0x69: {  	s21 =	sld [smem:$0x7F6]  }
0x6a: {  	[sflag:s17] =	ssyncset.done $0x0  }
0x6b: {  	[sflag:s17] =	ssyncadd.s32 $0xFFFFE000  }
0x6c: {  	[spmem:s21] =	stream.linear.scatter [tilespmem:s9], [sflag:$0x3], $0x2000, $0x38;
	[tilespmem:$0x1F000] =	vst v63  }
0x6d: {  	_ =	swait.ge [sflag:s17], $0x2000  }
0x6e: {  	s13 =	sld [smem:$0x7F7]  }
0x6f: {  	[sflag:s17] =	ssyncset.done $0x0  }
0x70: {  	[sflag:s17] =	ssyncadd.s32 $0xFFFFE000  }
0x71: {  	[spmem:s13] =	stream.linear.scatter [tilespmem:s9], [sflag:$0x3], $0x2000, $0x38;
	[tilespmem:$0x1F000] =	vst v63  }
0x72: {  	_ =	swait.ge [sflag:s17], $0x2000  }
0x73: {  	s21 =	sld [smem:$0x7F8]  }
0x74: {  	[sflag:s17] =	ssyncset.done $0x0  }
0x75: {  	[sflag:s17] =	ssyncadd.s32 $0xFFFFE000  }
0x76: {  	[spmem:s21] =	stream.linear.scatter [tilespmem:s9], [sflag:$0x3], $0x2000, $0x38;
	[tilespmem:$0x1F000] =	vst v63  }
0x77: {  	_ =	swait.ge [sflag:s17], $0x2000  }
0x78: {  	s13 =	sld [smem:$0x7F9]  }
0x79: {  	[sflag:s17] =	ssyncset.done $0x0  }
0x7a: {  	[sflag:s17] =	ssyncadd.s32 $0xFFFFE000  }
0x7b: {  	[spmem:s13] =	stream.linear.scatter [tilespmem:s9], [sflag:$0x3], $0x2000, $0x38;
	[tilespmem:$0x1F000] =	vst v63  }
0x7c: {  	_ =	swait.ge [sflag:s17], $0x2000  }
0x7d: {  	s21 =	sld [smem:$0x7FA]  }
0x7e: {  	[sflag:s17] =	ssyncset.done $0x0  }
0x7f: {  	[sflag:s17] =	ssyncadd.s32 $0xFFFFE000  }
0x80: {  	[spmem:s21] =	stream.linear.scatter [tilespmem:s9], [sflag:$0x3], $0x2000, $0x38;
	[tilespmem:$0x1F000] =	vst v63  }
0x81: {  	_ =	swait.ge [sflag:s17], $0x2000  }
0x82: {  	s13 =	sld [smem:$0x7FB]  }
0x83: {  	[sflag:s17] =	ssyncset.done $0x0  }
0x84: {  	[sflag:s17] =	ssyncadd.s32 $0xFFFFE000  }
0x85: {  	[spmem:s13] =	stream.linear.scatter [tilespmem:s9], [sflag:$0x3], $0x2000, $0x38;
	[tilespmem:$0x1F000] =	vst v63  }
0x86: {  	_ =	swait.ge [sflag:s17], $0x2000  }
0x87: {  	s21 =	sld [smem:$0x7FC]  }
0x88: {  	[sflag:s17] =	ssyncset.done $0x0  }
0x89: {  	[sflag:s17] =	ssyncadd.s32 $0xFFFFE000  }
0x8a: {  	[spmem:s21] =	stream.linear.scatter [tilespmem:s9], [sflag:$0x3], $0x2000, $0x38;
	[tilespmem:$0x1F000] =	vst v63  }
0x8b: {  	_ =	swait.ge [sflag:s17], $0x2000  }
0x8c: {  	s13 =	sld [smem:$0x7FD]  }
0x8d: {  	[sflag:s17] =	ssyncset.done $0x0  }
0x8e: {  	[sflag:s17] =	ssyncadd.s32 $0xFFFFE000  }
0x8f: {  	[spmem:s13] =	stream.linear.scatter [tilespmem:s9], [sflag:$0x3], $0x2000, $0x38;
	[tilespmem:$0x1F000] =	vst v63  }
0x90: {  	_ =	swait.ge [sflag:s17], $0x2000  }
0x91: {  	p0 =	por $0x1, $0x1;
	[sflag:s17] =	ssyncset.done $0x0  }
0x92: {  	s8 =	simm.s32 @!p0 $0x3;
	[sflag:s17] =	ssyncadd.s32 $0xFFFFE000  }
0x93: {  	s21 =	sadd.s32 @!p0 $0x0, s12;
	s9 =	simm.s32 @!p0 $0x0;
	[bflag:$0x0] =	sbarrier.arrive $0xFFFF  }
0x94: {  	[tilespmem:s9], [sflag:$0x3] =	stream.linear.gather @!p0 [hbm4b:s21+s9], $0x800, $0x38;
	[tilespmem:$0x1F000] =	vst v63  }
0x95: {  	s21 =	sadd.s32 @!p0 $0x0, s23;
	_ =	swait.ge @!p0 [sflag:s8], $0x800  }
0x96: {  	[smem:$0x7EE] =	sst s21  }
0x97: {  	s13 =	sld [smem:$0x7EE]  }
0x98: {  	[sflag:s8] =	ssyncset.done @!p0 $0x0  }
0x99: {  	s21 =	simm.s32 @!p0 $0x800;
	[sflag:s8] =	ssyncadd.s32 @!p0 $0xFFFFF800  }
0x9a: {  	[tilespmem:s21], [sflag:$0x3] =	stream.linear.gather @!p0 [hbm4b:s13+s9], $0x800, $0x38;
	[tilespmem:$0x1F000] =	vst v63  }
0x9b: {  	_ =	swait.ge @!p0 [sflag:s8], $0x800  }
0x9c: {  	[sflag:s8] =	ssyncset.done @!p0 $0x0  }
0x9d: {  	s21 =	simm.s32 @!p0 $0x1000;
	[sflag:s8] =	ssyncadd.s32 @!p0 $0xFFFFF800;
	s8 =	simm.s32 @!p0 $0x80  }
0x9e: {  	[tilespmem:s21], [sflag:$0x1] =	stream.indirect.gather @!p0 [hbm4b:s29+s8], $0x80, s9, s8, $0xb8;
	[tilespmem:$0x1F000] =	vst v63  }
0x9f: {  	s21 =	simm.s32 @!p0 $0x5000  }
0xa0: {  	[tilespmem:s21], [sflag:$0x2] =	stream.indirect.gather @!p0 [hbm4b:s29+s8], $0x80, s8, s8, $0xb8;
	[tilespmem:$0x1F000] =	vst v63  }
0xa1: {  	_ =	swait.ge [sflag:s24], $0x4000  }
0xa2: {  	[sflag:s24] =	ssyncset.done $0x0  }
0xa3: {  	s21 =	simm.s32 $0x800;
	[sflag:s24] =	ssyncadd.s32 $0xFFFFC000  }
0xa4: {  	[spmem:s26] =	stream.indirect.scatter.add.f32 [tilespmem:s20], [sflag:$0x3], $0x80, s21, s19, $0xb8;
	[tilespmem:$0x1F000] =	vst v63  }
0xa5: {  	_ =	swait.ge [sflag:s17], $0x4000  }
0xa6: {  	[sflag:s17] =	ssyncset.done $0x0  }
0xa7: {  	[sflag:s17] =	ssyncadd.s32 $0xFFFFC000  }
0xa8: {  	[tilespmem:s20], [sflag:$0x1] =	stream.indirect.gather [hbm4b:s29+s19], $0x80, s10, s19, $0xb8;
	[tilespmem:$0x1F000] =	vst v63  }
0xa9: {  	_ =	swait.ge [sflag:s1], $0x4000  }
0xaa: {  	[sflag:s1] =	ssyncset.done $0x0  }
0xab: {  	[sflag:s1] =	ssyncadd.s32 $0xFFFFC000  }
0xac: {  	[spmem:s26] =	stream.indirect.scatter.add.f32 [tilespmem:s28], [sflag:$0x3], $0x80, s14, s19, $0xb8;
	[tilespmem:$0x1F000] =	vst v63  }
0xad: {  	_ =	swait.ge [sflag:s17], $0x4000  }
0xae: {  	[sflag:s17] =	ssyncset.done $0x0  }
0xaf: {  	[sflag:s17] =	ssyncadd.s32 $0xFFFFC000  }
0xb0: {  	[tilespmem:s28], [sflag:$0x2] =	stream.indirect.gather [hbm4b:s29+s19], $0x80, s15, s19, $0xb8;
	[tilespmem:$0x1F000] =	vst v63  }
0xb1: {  	_ =	swait.ge [sflag:s24], $0x4000  }
0xb2: {  	[sflag:s24] =	ssyncset.done $0x0  }
0xb3: {  	[sflag:s24] =	ssyncadd.s32 $0xFFFFC000  }
0xb4: {  	[spmem:s26] =	stream.indirect.scatter.add.f32 [tilespmem:s20], [sflag:$0x3], $0x80, s16, s19, $0xb8;
	[tilespmem:$0x1F000] =	vst v63  }
0xb5: {  	_ =	swait.ge [sflag:s17], $0x4000  }
0xb6: {  	[sflag:s17] =	ssyncset.done $0x0  }
0xb7: {  	[sflag:s17] =	ssyncadd.s32 $0xFFFFC000  }
0xb8: {  	[tilespmem:s20], [sflag:$0x1] =	stream.indirect.gather [hbm4b:s29+s19], $0x80, s22, s19, $0xb8;
	[tilespmem:$0x1F000] =	vst v63  }
0xb9: {  	_ =	swait.ge [sflag:s1], $0x4000  }
0xba: {  	[sflag:s1] =	ssyncset.done $0x0  }
0xbb: {  	[sflag:s1] =	ssyncadd.s32 $0xFFFFC000  }
0xbc: {  	[spmem:s26] =	stream.indirect.scatter.add.f32 [tilespmem:s28], [sflag:$0x3], $0x80, s30, s19, $0xb8;
	[tilespmem:$0x1F000] =	vst v63  }
0xbd: {  	_ =	swait.ge [sflag:s17], $0x4000  }
0xbe: {  	[sflag:s17] =	ssyncset.done $0x0  }
0xbf: {  	[sflag:s17] =	ssyncadd.s32 $0xFFFFC000  }
0xc0: {  	[tilespmem:s28], [sflag:$0x2] =	stream.indirect.gather [hbm4b:s29+s19], $0x80, s25, s19, $0xb8;
	[tilespmem:$0x1F000] =	vst v63  }
0xc1: {  	_ =	swait.ge [sflag:s24], $0x4000  }
0xc2: {  	[sflag:s24] =	ssyncset.done $0x0  }
0xc3: {  	[sflag:s24] =	ssyncadd.s32 $0xFFFFC000  }
0xc4: {  	[spmem:s26] =	stream.indirect.scatter.add.f32 [tilespmem:s20], [sflag:$0x3], $0x80, s18, s19, $0xb8;
	[tilespmem:$0x1F000] =	vst v63  }
0xc5: {  	_ =	swait.ge [sflag:s17], $0x4000  }
0xc6: {  	[sflag:s17] =	ssyncset.done $0x0  }
0xc7: {  	[sflag:s17] =	ssyncadd.s32 $0xFFFFC000  }
0xc8: {  	[tilespmem:s20], [sflag:$0x1] =	stream.indirect.gather [hbm4b:s29+s19], $0x80, s0, s19, $0xb8;
	[tilespmem:$0x1F000] =	vst v63  }
0xc9: {  	_ =	swait.ge [sflag:s1], $0x4000  }
0xca: {  	[sflag:s1] =	ssyncset.done $0x0  }
0xcb: {  	[sflag:s1] =	ssyncadd.s32 $0xFFFFC000  }
0xcc: {  	[spmem:s26] =	stream.indirect.scatter.add.f32 [tilespmem:s28], [sflag:$0x3], $0x80, s2, s19, $0xb8;
	[tilespmem:$0x1F000] =	vst v63  }
0xcd: {  	_ =	swait.ge [sflag:s17], $0x4000  }
0xce: {  	[sflag:s17] =	ssyncset.done $0x0  }
0xcf: {  	[sflag:s17] =	ssyncadd.s32 $0xFFFFC000  }
0xd0: {  	[tilespmem:s28], [sflag:$0x2] =	stream.indirect.gather [hbm4b:s29+s19], $0x80, s3, s19, $0xb8;
	[tilespmem:$0x1F000] =	vst v63  }
0xd1: {  	_ =	swait.ge [sflag:s24], $0x4000  }
0xd2: {  	[sflag:s24] =	ssyncset.done $0x0  }
0xd3: {  	[sflag:s24] =	ssyncadd.s32 $0xFFFFC000  }
0xd4: {  	[spmem:s26] =	stream.indirect.scatter.add.f32 [tilespmem:s20], [sflag:$0x3], $0x80, s4, s19, $0xb8;
	[tilespmem:$0x1F000] =	vst v63  }
0xd5: {  	_ =	swait.ge [sflag:s17], $0x4000  }
0xd6: {  	[sflag:s17] =	ssyncset.done $0x0  }
0xd7: {  	[sflag:s17] =	ssyncadd.s32 $0xFFFFC000  }
0xd8: {  	[tilespmem:s20], [sflag:$0x1] =	stream.indirect.gather [hbm4b:s29+s19], $0x80, s5, s19, $0xb8;
	[tilespmem:$0x1F000] =	vst v63  }
0xd9: {  	_ =	swait.ge [sflag:s1], $0x4000  }
0xda: {  	[sflag:s1] =	ssyncset.done $0x0  }
0xdb: {  	[sflag:s1] =	ssyncadd.s32 $0xFFFFC000  }
0xdc: {  	[spmem:s26] =	stream.indirect.scatter.add.f32 [tilespmem:s28], [sflag:$0x3], $0x80, s6, s19, $0xb8;
	[tilespmem:$0x1F000] =	vst v63  }
0xdd: {  	_ =	swait.ge [sflag:s17], $0x4000  }
0xde: {  	[sflag:s17] =	ssyncset.done $0x0  }
0xdf: {  	[sflag:s17] =	ssyncadd.s32 $0xFFFFC000  }
0xe0: {  	[tilespmem:s28], [sflag:$0x2] =	stream.indirect.gather [hbm4b:s29+s19], $0x80, s31, s19, $0xb8;
	[tilespmem:$0x1F000] =	vst v63  }
0xe1: {  	_ =	swait.ge [sflag:s24], $0x4000  }
0xe2: {  	[sflag:s24] =	ssyncset.done $0x0  }
0xe3: {  	[sflag:s24] =	ssyncadd.s32 $0xFFFFC000  }
0xe4: {  	[spmem:s26] =	stream.indirect.scatter.add.f32 [tilespmem:s20], [sflag:$0x3], $0x80, s11, s19, $0xb8;
	[tilespmem:$0x1F000] =	vst v63  }
0xe5: {  	_ =	swait.ge [sflag:s17], $0x4000  }
0xe6: {  	[sflag:s17] =	ssyncset.done $0x0  }
0xe7: {  	[sflag:s17] =	ssyncadd.s32 $0xFFFFC000  }
0xe8: {  	[tilespmem:s20], [sflag:$0x1] =	stream.indirect.gather [hbm4b:s29+s19], $0x80, s7, s19, $0xb8;
	[tilespmem:$0x1F000] =	vst v63  }
0xe9: {  	_ =	swait.ge [sflag:s1], $0x4000  }
0xea: {  	[sflag:s1] =	ssyncset.done $0x0  }
0xeb: {  	s8 =	simm.s32 $0xC80;
	[sflag:s1] =	ssyncadd.s32 $0xFFFFC000  }
0xec: {  	[spmem:s26] =	stream.indirect.scatter.add.f32 [tilespmem:s28], [sflag:$0x3], $0x80, s8, s19, $0xb8;
	[tilespmem:$0x1F000] =	vst v63  }
0xed: {  	_ =	swait.ge [sflag:s17], $0x4000  }
0xee: {  	[sflag:s17] =	ssyncset.done $0x0  }
0xef: {  	s9 =	simm.s32 $0x580;
	[sflag:s17] =	ssyncadd.s32 $0xFFFFC000  }
0xf0: {  	[tilespmem:s28], [sflag:$0x2] =	stream.indirect.gather [hbm4b:s29+s19], $0x80, s9, s19, $0xb8;
	[tilespmem:$0x1F000] =	vst v63  }
0xf1: {  	_ =	swait.ge [sflag:s24], $0x4000  }
0xf2: {  	[sflag:s24] =	ssyncset.done $0x0  }
0xf3: {  	s10 =	simm.s32 $0xD00;
	[sflag:s24] =	ssyncadd.s32 $0xFFFFC000  }
0xf4: {  	[spmem:s26] =	stream.indirect.scatter.add.f32 [tilespmem:s20], [sflag:$0x3], $0x80, s10, s19, $0xb8;
	[tilespmem:$0x1F000] =	vst v63  }
0xf5: {  	_ =	swait.ge [sflag:s17], $0x4000  }
0xf6: {  	[sflag:s17] =	ssyncset.done $0x0  }
0xf7: {  	s11 =	simm.s32 $0x600;
	[sflag:s17] =	ssyncadd.s32 $0xFFFFC000  }
0xf8: {  	[tilespmem:s20], [sflag:$0x1] =	stream.indirect.gather [hbm4b:s29+s19], $0x80, s11, s19, $0xb8;
	[tilespmem:$0x1F000] =	vst v63  }
0xf9: {  	_ =	swait.ge [sflag:s1], $0x4000  }
0xfa: {  	[sflag:s1] =	ssyncset.done $0x0  }
0xfb: {  	s13 =	simm.s32 $0xD80;
	[sflag:s1] =	ssyncadd.s32 $0xFFFFC000  }
0xfc: {  	[spmem:s26] =	stream.indirect.scatter.add.f32 [tilespmem:s28], [sflag:$0x3], $0x80, s13, s19, $0xb8;
	[tilespmem:$0x1F000] =	vst v63  }
0xfd: {  	_ =	swait.ge [sflag:s17], $0x4000  }
0xfe: {  	[sflag:s17] =	ssyncset.done $0x0  }
0xff: {  	s14 =	simm.s32 $0x680;
	[sflag:s17] =	ssyncadd.s32 $0xFFFFC000  }
0x100: {  	[tilespmem:s28], [sflag:$0x2] =	stream.indirect.gather [hbm4b:s29+s19], $0x80, s14, s19, $0xb8;
	[tilespmem:$0x1F000] =	vst v63  }
0x101: {  	_ =	swait.ge [sflag:s24], $0x4000  }
0x102: {  	[sflag:s24] =	ssyncset.done $0x0  }
0x103: {  	s15 =	simm.s32 $0xE00;
	[sflag:s24] =	ssyncadd.s32 $0xFFFFC000  }
0x104: {  	[spmem:s26] =	stream.indirect.scatter.add.f32 [tilespmem:s20], [sflag:$0x3], $0x80, s15, s19, $0xb8;
	[tilespmem:$0x1F000] =	vst v63  }
0x105: {  	_ =	swait.ge [sflag:s17], $0x4000  }
0x106: {  	[sflag:s17] =	ssyncset.done $0x0  }
0x107: {  	s16 =	simm.s32 $0x700;
	[sflag:s17] =	ssyncadd.s32 $0xFFFFC000  }
0x108: {  	[tilespmem:s20], [sflag:$0x1] =	stream.indirect.gather [hbm4b:s29+s19], $0x80, s16, s19, $0xb8;
	[tilespmem:$0x1F000] =	vst v63  }
0x109: {  	_ =	swait.ge [sflag:s1], $0x4000  }
0x10a: {  	[sflag:s1] =	ssyncset.done $0x0  }
0x10b: {  	s18 =	simm.s32 $0xE80;
	[sflag:s1] =	ssyncadd.s32 $0xFFFFC000  }
0x10c: {  	[spmem:s26] =	stream.indirect.scatter.add.f32 [tilespmem:s28], [sflag:$0x3], $0x80, s18, s19, $0xb8;
	[tilespmem:$0x1F000] =	vst v63  }
0x10d: {  	_ =	swait.ge [sflag:s17], $0x4000  }
0x10e: {  	[sflag:s17] =	ssyncset.done $0x0  }
0x10f: {  	s21 =	simm.s32 $0x780;
	[sflag:s17] =	ssyncadd.s32 $0xFFFFC000  }
0x110: {  	[tilespmem:s28], [sflag:$0x2] =	stream.indirect.gather [hbm4b:s29+s19], $0x80, s21, s19, $0xb8;
	[tilespmem:$0x1F000] =	vst v63  }
0x111: {  	p1 =	por $0x0, $0x0;
	s22 =	simm.s32 $0xF00;
	_ =	swait.ge [sflag:s24], $0x4000  }
0x112: {  	s30 =	simm.s32 $0x980;
	s25 =	simm.s32 $0xF80;
	[sflag:s24] =	ssyncset.done $0x0  }
0x113: {  	s0 =	simm.s32 $0xA80;
	s2 =	simm.s32 $0x380;
	[sflag:s24] =	ssyncadd.s32 $0xFFFFC000  }
0x114: {  	[spmem:s26] =	stream.indirect.scatter.add.f32 [tilespmem:s20], [sflag:$0x3], $0x80, s22, s19, $0xb8;
	[tilespmem:$0x1F000] =	vst v63  }
0x115: {  	s3 =	simm.s32 $0xB00;
	s4 =	simm.s32 $0x400;
	_ =	swait.ge [sflag:s17], $0x4000  }
0x116: {  	s5 =	simm.s32 $0xB80;
	s6 =	simm.s32 $0xC80;
	[sflag:s17] =	ssyncset.done $0x0  }
0x117: {  	s31 =	simm.s32 $0x880;
	s7 =	simm.s32 $0x500;
	[sflag:s17] =	ssyncadd.s32 $0xFFFFC000  }
0x118: {  	s8 =	simm.s32 $0x200;
	s14 =	simm.s32 $0x480;
	_ =	swait.ge [sflag:s1], $0x4000  }
0x119: {  	s15 =	simm.s32 $0xC00;
	s16 =	simm.s32 $0x900;
	[sflag:s1] =	ssyncset.done $0x0  }
0x11a: {  	s18 =	simm.s32 $0x300;
	s21 =	simm.s32 $0x100;
	[sflag:s1] =	ssyncadd.s32 $0xFFFFC000  }
0x11b: {  	[spmem:s26] =	stream.indirect.scatter.add.f32 [tilespmem:s28], [sflag:$0x3], $0x80, s25, s19, $0xb8;
	[tilespmem:$0x1F000] =	vst v63  }
0x11c: {  	s22 =	simm.s32 $0x180;
	s25 =	simm.s32 $0x100;
	_ =	swait.ge [sflag:s17], $0x4000  }
.LBB2_4:
0x11d: {  	s9 =	sadd.s32 @!p1 s21, s12;
	s10 =	simm.s32 @!p1 $0x0  }
0x11e: {  	[sflag:s17] =	ssyncset.done $0x0;
	s11 =	smov.u32 s8;
	s8 =	sadd.s32 $0x100, s8  }
0x11f: {  	s13 =	smov.u32 s12;
	s12 =	simm.s32 @!p1 $0x3;
	[sflag:s17] =	ssyncadd.s32 $0xFFFFC000  }
0x120: {  	[tilespmem:s10], [sflag:$0x3] =	stream.linear.gather @!p1 [hbm4b:s9+s10], $0x800, $0x38;
	[tilespmem:$0x1F000] =	vst v63  }
0x121: {  	p0 =	sne.s32 s8, $0x500;
	_ =	swait.ge @!p1 [sflag:s12], $0x800  }
0x122: {  	[sflag:s12] =	ssyncset.done @!p1 $0x0  }
0x123: {  	s9 =	sadd.s32 @!p1 s21, s23;
	s21 =	simm.s32 @!p1 $0x800;
	[sflag:s12] =	ssyncadd.s32 @!p1 $0xFFFFF800  }
0x124: {  	[tilespmem:s21], [sflag:$0x3] =	stream.linear.gather @!p1 [hbm4b:s9+s10], $0x800, $0x38;
	[tilespmem:$0x1F000] =	vst v63  }
0x125: {  	s21 =	smov.u32 s11;
	_ =	swait.ge @!p1 [sflag:s12], $0x800  }
0x126: {  	s9 =	simm.s32 @!p1 $0x80;
	[sflag:s12] =	ssyncset.done @!p1 $0x0  }
0x127: {  	s11 =	simm.s32 @!p1 $0x1000;
	[sflag:s12] =	ssyncadd.s32 @!p1 $0xFFFFF800;
	s12 =	smov.u32 s13  }
0x128: {  	[tilespmem:s11], [sflag:$0x1] =	stream.indirect.gather @!p1 [hbm4b:s29+s9], $0x80, s10, s9, $0xb8;
	[tilespmem:$0x1F000] =	vst v63  }
0x129: {  	s10 =	simm.s32 @!p1 $0x5000  }
0x12a: {  	[tilespmem:s10], [sflag:$0x2] =	stream.indirect.gather @!p1 [hbm4b:s29+s9], $0x80, s9, s9, $0xb8;
	[tilespmem:$0x1F000] =	vst v63  }
0x12b: {  	_ =	swait.ge [sflag:s24], $0x4000  }
0x12c: {  	[sflag:s24] =	ssyncset.done $0x0  }
0x12d: {  	s9 =	simm.s32 $0x800;
	[sflag:s24] =	ssyncadd.s32 $0xFFFFC000  }
0x12e: {  	[spmem:s26] =	stream.indirect.scatter.add.f32 [tilespmem:s20], [sflag:$0x3], $0x80, s9, s19, $0xb8;
	[tilespmem:$0x1F000] =	vst v63  }
0x12f: {  	_ =	swait.ge [sflag:s17], $0x4000  }
0x130: {  	[sflag:s17] =	ssyncset.done $0x0  }
0x131: {  	[sflag:s17] =	ssyncadd.s32 $0xFFFFC000  }
0x132: {  	[tilespmem:s20], [sflag:$0x1] =	stream.indirect.gather [hbm4b:s29+s19], $0x80, s25, s19, $0xb8;
	[tilespmem:$0x1F000] =	vst v63  }
0x133: {  	_ =	swait.ge [sflag:s1], $0x4000  }
0x134: {  	[sflag:s1] =	ssyncset.done $0x0  }
0x135: {  	[sflag:s1] =	ssyncadd.s32 $0xFFFFC000  }
0x136: {  	[spmem:s26] =	stream.indirect.scatter.add.f32 [tilespmem:s28], [sflag:$0x3], $0x80, s31, s19, $0xb8;
	[tilespmem:$0x1F000] =	vst v63  }
0x137: {  	_ =	swait.ge [sflag:s17], $0x4000  }
0x138: {  	[sflag:s17] =	ssyncset.done $0x0  }
0x139: {  	[sflag:s17] =	ssyncadd.s32 $0xFFFFC000  }
0x13a: {  	[tilespmem:s28], [sflag:$0x2] =	stream.indirect.gather [hbm4b:s29+s19], $0x80, s22, s19, $0xb8;
	[tilespmem:$0x1F000] =	vst v63  }
0x13b: {  	_ =	swait.ge [sflag:s24], $0x4000  }
0x13c: {  	[sflag:s24] =	ssyncset.done $0x0  }
0x13d: {  	[sflag:s24] =	ssyncadd.s32 $0xFFFFC000  }
0x13e: {  	[spmem:s26] =	stream.indirect.scatter.add.f32 [tilespmem:s20], [sflag:$0x3], $0x80, s16, s19, $0xb8;
	[tilespmem:$0x1F000] =	vst v63  }
0x13f: {  	_ =	swait.ge [sflag:s17], $0x4000  }
0x140: {  	[sflag:s17] =	ssyncset.done $0x0  }
0x141: {  	s9 =	simm.s32 $0x200;
	[sflag:s17] =	ssyncadd.s32 $0xFFFFC000  }
0x142: {  	[tilespmem:s20], [sflag:$0x1] =	stream.indirect.gather [hbm4b:s29+s19], $0x80, s9, s19, $0xb8;
	[tilespmem:$0x1F000] =	vst v63  }
0x143: {  	_ =	swait.ge [sflag:s1], $0x4000  }
0x144: {  	[sflag:s1] =	ssyncset.done $0x0  }
0x145: {  	[sflag:s1] =	ssyncadd.s32 $0xFFFFC000  }
0x146: {  	[spmem:s26] =	stream.indirect.scatter.add.f32 [tilespmem:s28], [sflag:$0x3], $0x80, s30, s19, $0xb8;
	[tilespmem:$0x1F000] =	vst v63  }
0x147: {  	_ =	swait.ge [sflag:s17], $0x4000  }
0x148: {  	[sflag:s17] =	ssyncset.done $0x0  }
0x149: {  	s9 =	simm.s32 $0x280;
	[sflag:s17] =	ssyncadd.s32 $0xFFFFC000  }
0x14a: {  	[tilespmem:s28], [sflag:$0x2] =	stream.indirect.gather [hbm4b:s29+s19], $0x80, s9, s19, $0xb8;
	[tilespmem:$0x1F000] =	vst v63  }
0x14b: {  	_ =	swait.ge [sflag:s24], $0x4000  }
0x14c: {  	[sflag:s24] =	ssyncset.done $0x0  }
0x14d: {  	s9 =	simm.s32 $0xA00;
	[sflag:s24] =	ssyncadd.s32 $0xFFFFC000  }
0x14e: {  	[spmem:s26] =	stream.indirect.scatter.add.f32 [tilespmem:s20], [sflag:$0x3], $0x80, s9, s19, $0xb8;
	[tilespmem:$0x1F000] =	vst v63  }
0x14f: {  	_ =	swait.ge [sflag:s17], $0x4000  }
0x150: {  	[sflag:s17] =	ssyncset.done $0x0  }
0x151: {  	[sflag:s17] =	ssyncadd.s32 $0xFFFFC000  }
0x152: {  	[tilespmem:s20], [sflag:$0x1] =	stream.indirect.gather [hbm4b:s29+s19], $0x80, s18, s19, $0xb8;
	[tilespmem:$0x1F000] =	vst v63  }
0x153: {  	_ =	swait.ge [sflag:s1], $0x4000  }
0x154: {  	[sflag:s1] =	ssyncset.done $0x0  }
0x155: {  	[sflag:s1] =	ssyncadd.s32 $0xFFFFC000  }
0x156: {  	[spmem:s26] =	stream.indirect.scatter.add.f32 [tilespmem:s28], [sflag:$0x3], $0x80, s0, s19, $0xb8;
	[tilespmem:$0x1F000] =	vst v63  }
0x157: {  	_ =	swait.ge [sflag:s17], $0x4000  }
0x158: {  	[sflag:s17] =	ssyncset.done $0x0  }
0x159: {  	[sflag:s17] =	ssyncadd.s32 $0xFFFFC000  }
0x15a: {  	[tilespmem:s28], [sflag:$0x2] =	stream.indirect.gather [hbm4b:s29+s19], $0x80, s2, s19, $0xb8;
	[tilespmem:$0x1F000] =	vst v63  }
0x15b: {  	_ =	swait.ge [sflag:s24], $0x4000  }
0x15c: {  	[sflag:s24] =	ssyncset.done $0x0  }
0x15d: {  	[sflag:s24] =	ssyncadd.s32 $0xFFFFC000  }
0x15e: {  	[spmem:s26] =	stream.indirect.scatter.add.f32 [tilespmem:s20], [sflag:$0x3], $0x80, s3, s19, $0xb8;
	[tilespmem:$0x1F000] =	vst v63  }
0x15f: {  	_ =	swait.ge [sflag:s17], $0x4000  }
0x160: {  	[sflag:s17] =	ssyncset.done $0x0  }
0x161: {  	[sflag:s17] =	ssyncadd.s32 $0xFFFFC000  }
0x162: {  	[tilespmem:s20], [sflag:$0x1] =	stream.indirect.gather [hbm4b:s29+s19], $0x80, s4, s19, $0xb8;
	[tilespmem:$0x1F000] =	vst v63  }
0x163: {  	_ =	swait.ge [sflag:s1], $0x4000  }
0x164: {  	[sflag:s1] =	ssyncset.done $0x0  }
0x165: {  	[sflag:s1] =	ssyncadd.s32 $0xFFFFC000  }
0x166: {  	[spmem:s26] =	stream.indirect.scatter.add.f32 [tilespmem:s28], [sflag:$0x3], $0x80, s5, s19, $0xb8;
	[tilespmem:$0x1F000] =	vst v63  }
0x167: {  	_ =	swait.ge [sflag:s17], $0x4000  }
0x168: {  	[sflag:s17] =	ssyncset.done $0x0  }
0x169: {  	[sflag:s17] =	ssyncadd.s32 $0xFFFFC000  }
0x16a: {  	[tilespmem:s28], [sflag:$0x2] =	stream.indirect.gather [hbm4b:s29+s19], $0x80, s14, s19, $0xb8;
	[tilespmem:$0x1F000] =	vst v63  }
0x16b: {  	_ =	swait.ge [sflag:s24], $0x4000  }
0x16c: {  	[sflag:s24] =	ssyncset.done $0x0  }
0x16d: {  	[sflag:s24] =	ssyncadd.s32 $0xFFFFC000  }
0x16e: {  	[spmem:s26] =	stream.indirect.scatter.add.f32 [tilespmem:s20], [sflag:$0x3], $0x80, s15, s19, $0xb8;
	[tilespmem:$0x1F000] =	vst v63  }
0x16f: {  	_ =	swait.ge [sflag:s17], $0x4000  }
0x170: {  	[sflag:s17] =	ssyncset.done $0x0  }
0x171: {  	[sflag:s17] =	ssyncadd.s32 $0xFFFFC000  }
0x172: {  	[tilespmem:s20], [sflag:$0x1] =	stream.indirect.gather [hbm4b:s29+s19], $0x80, s7, s19, $0xb8;
	[tilespmem:$0x1F000] =	vst v63  }
0x173: {  	_ =	swait.ge [sflag:s1], $0x4000  }
0x174: {  	[sflag:s1] =	ssyncset.done $0x0  }
0x175: {  	[sflag:s1] =	ssyncadd.s32 $0xFFFFC000  }
0x176: {  	[spmem:s26] =	stream.indirect.scatter.add.f32 [tilespmem:s28], [sflag:$0x3], $0x80, s6, s19, $0xb8;
	[tilespmem:$0x1F000] =	vst v63  }
0x177: {  	_ =	swait.ge [sflag:s17], $0x4000  }
0x178: {  	[sflag:s17] =	ssyncset.done $0x0  }
0x179: {  	s9 =	simm.s32 $0x580;
	[sflag:s17] =	ssyncadd.s32 $0xFFFFC000  }
0x17a: {  	[tilespmem:s28], [sflag:$0x2] =	stream.indirect.gather [hbm4b:s29+s19], $0x80, s9, s19, $0xb8;
	[tilespmem:$0x1F000] =	vst v63  }
0x17b: {  	_ =	swait.ge [sflag:s24], $0x4000  }
0x17c: {  	[sflag:s24] =	ssyncset.done $0x0  }
0x17d: {  	s9 =	simm.s32 $0xD00;
	[sflag:s24] =	ssyncadd.s32 $0xFFFFC000  }
0x17e: {  	[spmem:s26] =	stream.indirect.scatter.add.f32 [tilespmem:s20], [sflag:$0x3], $0x80, s9, s19, $0xb8;
	[tilespmem:$0x1F000] =	vst v63  }
0x17f: {  	_ =	swait.ge [sflag:s17], $0x4000  }
0x180: {  	[sflag:s17] =	ssyncset.done $0x0  }
0x181: {  	s9 =	simm.s32 $0x600;
	[sflag:s17] =	ssyncadd.s32 $0xFFFFC000  }
0x182: {  	[tilespmem:s20], [sflag:$0x1] =	stream.indirect.gather [hbm4b:s29+s19], $0x80, s9, s19, $0xb8;
	[tilespmem:$0x1F000] =	vst v63  }
0x183: {  	_ =	swait.ge [sflag:s1], $0x4000  }
0x184: {  	[sflag:s1] =	ssyncset.done $0x0  }
0x185: {  	s9 =	simm.s32 $0xD80;
	[sflag:s1] =	ssyncadd.s32 $0xFFFFC000  }
0x186: {  	[spmem:s26] =	stream.indirect.scatter.add.f32 [tilespmem:s28], [sflag:$0x3], $0x80, s9, s19, $0xb8;
	[tilespmem:$0x1F000] =	vst v63  }
0x187: {  	_ =	swait.ge [sflag:s17], $0x4000  }
0x188: {  	[sflag:s17] =	ssyncset.done $0x0  }
0x189: {  	s9 =	simm.s32 $0x680;
	[sflag:s17] =	ssyncadd.s32 $0xFFFFC000  }
0x18a: {  	[tilespmem:s28], [sflag:$0x2] =	stream.indirect.gather [hbm4b:s29+s19], $0x80, s9, s19, $0xb8;
	[tilespmem:$0x1F000] =	vst v63  }
0x18b: {  	_ =	swait.ge [sflag:s24], $0x4000  }
0x18c: {  	[sflag:s24] =	ssyncset.done $0x0  }
0x18d: {  	s9 =	simm.s32 $0xE00;
	[sflag:s24] =	ssyncadd.s32 $0xFFFFC000  }
0x18e: {  	[spmem:s26] =	stream.indirect.scatter.add.f32 [tilespmem:s20], [sflag:$0x3], $0x80, s9, s19, $0xb8;
	[tilespmem:$0x1F000] =	vst v63  }
0x18f: {  	_ =	swait.ge [sflag:s17], $0x4000  }
0x190: {  	[sflag:s17] =	ssyncset.done $0x0  }
0x191: {  	s9 =	simm.s32 $0x700;
	[sflag:s17] =	ssyncadd.s32 $0xFFFFC000  }
0x192: {  	[tilespmem:s20], [sflag:$0x1] =	stream.indirect.gather [hbm4b:s29+s19], $0x80, s9, s19, $0xb8;
	[tilespmem:$0x1F000] =	vst v63  }
0x193: {  	_ =	swait.ge [sflag:s1], $0x4000  }
0x194: {  	[sflag:s1] =	ssyncset.done $0x0  }
0x195: {  	s9 =	simm.s32 $0xE80;
	[sflag:s1] =	ssyncadd.s32 $0xFFFFC000  }
0x196: {  	[spmem:s26] =	stream.indirect.scatter.add.f32 [tilespmem:s28], [sflag:$0x3], $0x80, s9, s19, $0xb8;
	[tilespmem:$0x1F000] =	vst v63  }
0x197: {  	_ =	swait.ge [sflag:s17], $0x4000  }
0x198: {  	[sflag:s17] =	ssyncset.done $0x0  }
0x199: {  	s9 =	simm.s32 $0x780;
	[sflag:s17] =	ssyncadd.s32 $0xFFFFC000  }
0x19a: {  	[tilespmem:s28], [sflag:$0x2] =	stream.indirect.gather [hbm4b:s29+s19], $0x80, s9, s19, $0xb8;
	[tilespmem:$0x1F000] =	vst v63  }
0x19b: {  	_ =	swait.ge [sflag:s24], $0x4000  }
0x19c: {  	[sflag:s24] =	ssyncset.done $0x0  }
0x19d: {  	s9 =	simm.s32 $0xF00;
	[sflag:s24] =	ssyncadd.s32 $0xFFFFC000  }
0x19e: {  	[spmem:s26] =	stream.indirect.scatter.add.f32 [tilespmem:s20], [sflag:$0x3], $0x80, s9, s19, $0xb8;
	[tilespmem:$0x1F000] =	vst v63  }
0x19f: {  	_ =	swait.ge [sflag:s17], $0x4000  }
0x1a0: {  	[sflag:s17] =	ssyncset.done $0x0  }
0x1a1: {  	[sflag:s17] =	ssyncadd.s32 $0xFFFFC000  }
.Ltmp1:
0x1a2: {  	_ =	swait.ge [sflag:s1], $0x4000;
	(pc) =	sbr.rel @p0 .LBB2_4-.Ltmp1, $4  }
0x1a3: {  	[sflag:s1] =	ssyncset.done $0x0  }
0x1a4: {  	s9 =	simm.s32 $0xF80;
	[sflag:s1] =	ssyncadd.s32 $0xFFFFC000  }
0x1a5: {  	[spmem:s26] =	stream.indirect.scatter.add.f32 [tilespmem:s28], [sflag:$0x3], $0x80, s9, s19, $0xb8;
	[tilespmem:$0x1F000] =	vst v63  }
0x1a6: {  	p1 =	seq.s32 s21, $0x0;
	_ =	swait.ge [sflag:s17], $0x4000  }
0x1a7: {  	s8 =	sadd.s32 @!p1 s21, s12;
	[sflag:s17] =	ssyncset.done $0x0  }
0x1a8: {  	s9 =	simm.s32 @!p1 $0x0;
	s10 =	simm.s32 @!p1 $0x3;
	[sflag:s17] =	ssyncadd.s32 $0xFFFFC000  }
0x1a9: {  	[tilespmem:s9], [sflag:$0x3] =	stream.linear.gather @!p1 [hbm4b:s8+s9], $0x800, $0x38;
	[tilespmem:$0x1F000] =	vst v63  }
0x1aa: {  	_ =	swait.ge @!p1 [sflag:s10], $0x800  }
0x1ab: {  	[sflag:s10] =	ssyncset.done @!p1 $0x0  }
0x1ac: {  	s11 =	simm.s32 @!p1 $0x800;
	s8 =	sadd.s32 @!p1 s21, s23;
	[sflag:s10] =	ssyncadd.s32 @!p1 $0xFFFFF800  }
0x1ad: {  	[tilespmem:s11], [sflag:$0x3] =	stream.linear.gather @!p1 [hbm4b:s8+s9], $0x800, $0x38;
	[tilespmem:$0x1F000] =	vst v63  }
0x1ae: {  	_ =	swait.ge @!p1 [sflag:s10], $0x800  }
0x1af: {  	[sflag:s10] =	ssyncset.done @!p1 $0x0  }
0x1b0: {  	s8 =	simm.s32 @!p1 $0x80;
	[sflag:s10] =	ssyncadd.s32 @!p1 $0xFFFFF800;
	s10 =	simm.s32 @!p1 $0x1000  }
0x1b1: {  	[tilespmem:s10], [sflag:$0x1] =	stream.indirect.gather @!p1 [hbm4b:s29+s8], $0x80, s9, s8, $0xb8;
	[tilespmem:$0x1F000] =	vst v63  }
0x1b2: {  	s9 =	simm.s32 @!p1 $0x5000  }
0x1b3: {  	[tilespmem:s9], [sflag:$0x2] =	stream.indirect.gather @!p1 [hbm4b:s29+s8], $0x80, s8, s8, $0xb8;
	[tilespmem:$0x1F000] =	vst v63  }
0x1b4: {  	_ =	swait.ge [sflag:s24], $0x4000  }
0x1b5: {  	[sflag:s24] =	ssyncset.done $0x0  }
0x1b6: {  	s7 =	simm.s32 $0x800;
	[sflag:s24] =	ssyncadd.s32 $0xFFFFC000  }
0x1b7: {  	[spmem:s26] =	stream.indirect.scatter.add.f32 [tilespmem:s20], [sflag:$0x3], $0x80, s7, s19, $0xb8;
	[tilespmem:$0x1F000] =	vst v63  }
0x1b8: {  	_ =	swait.ge [sflag:s17], $0x4000  }
0x1b9: {  	[sflag:s17] =	ssyncset.done $0x0  }
0x1ba: {  	s0 =	simm.s32 $0x100;
	[sflag:s17] =	ssyncadd.s32 $0xFFFFC000  }
0x1bb: {  	[tilespmem:s20], [sflag:$0x1] =	stream.indirect.gather [hbm4b:s29+s19], $0x80, s0, s19, $0xb8;
	[tilespmem:$0x1F000] =	vst v63  }
0x1bc: {  	_ =	swait.ge [sflag:s1], $0x4000  }
0x1bd: {  	[sflag:s1] =	ssyncset.done $0x0  }
0x1be: {  	s16 =	simm.s32 $0x880;
	[sflag:s1] =	ssyncadd.s32 $0xFFFFC000  }
0x1bf: {  	[spmem:s26] =	stream.indirect.scatter.add.f32 [tilespmem:s28], [sflag:$0x3], $0x80, s16, s19, $0xb8;
	[tilespmem:$0x1F000] =	vst v63  }
0x1c0: {  	_ =	swait.ge [sflag:s17], $0x4000  }
0x1c1: {  	[sflag:s17] =	ssyncset.done $0x0  }
0x1c2: {  	s18 =	simm.s32 $0x180;
	[sflag:s17] =	ssyncadd.s32 $0xFFFFC000  }
0x1c3: {  	[tilespmem:s28], [sflag:$0x2] =	stream.indirect.gather [hbm4b:s29+s19], $0x80, s18, s19, $0xb8;
	[tilespmem:$0x1F000] =	vst v63  }
0x1c4: {  	_ =	swait.ge [sflag:s24], $0x4000  }
0x1c5: {  	[sflag:s24] =	ssyncset.done $0x0  }
0x1c6: {  	s21 =	simm.s32 $0x900;
	[sflag:s24] =	ssyncadd.s32 $0xFFFFC000  }
0x1c7: {  	[spmem:s26] =	stream.indirect.scatter.add.f32 [tilespmem:s20], [sflag:$0x3], $0x80, s21, s19, $0xb8;
	[tilespmem:$0x1F000] =	vst v63  }
0x1c8: {  	_ =	swait.ge [sflag:s17], $0x4000  }
0x1c9: {  	[sflag:s17] =	ssyncset.done $0x0  }
0x1ca: {  	s22 =	simm.s32 $0x200;
	[sflag:s17] =	ssyncadd.s32 $0xFFFFC000  }
0x1cb: {  	[tilespmem:s20], [sflag:$0x1] =	stream.indirect.gather [hbm4b:s29+s19], $0x80, s22, s19, $0xb8;
	[tilespmem:$0x1F000] =	vst v63  }
0x1cc: {  	_ =	swait.ge [sflag:s1], $0x4000  }
0x1cd: {  	[sflag:s1] =	ssyncset.done $0x0  }
0x1ce: {  	s25 =	simm.s32 $0x980;
	[sflag:s1] =	ssyncadd.s32 $0xFFFFC000  }
0x1cf: {  	[spmem:s26] =	stream.indirect.scatter.add.f32 [tilespmem:s28], [sflag:$0x3], $0x80, s25, s19, $0xb8;
	[tilespmem:$0x1F000] =	vst v63  }
0x1d0: {  	_ =	swait.ge [sflag:s17], $0x4000  }
0x1d1: {  	[sflag:s17] =	ssyncset.done $0x0  }
0x1d2: {  	s2 =	simm.s32 $0x280;
	[sflag:s17] =	ssyncadd.s32 $0xFFFFC000  }
0x1d3: {  	[tilespmem:s28], [sflag:$0x2] =	stream.indirect.gather [hbm4b:s29+s19], $0x80, s2, s19, $0xb8;
	[tilespmem:$0x1F000] =	vst v63  }
0x1d4: {  	_ =	swait.ge [sflag:s24], $0x4000  }
0x1d5: {  	[sflag:s24] =	ssyncset.done $0x0  }
0x1d6: {  	s3 =	simm.s32 $0xA00;
	[sflag:s24] =	ssyncadd.s32 $0xFFFFC000  }
0x1d7: {  	[spmem:s26] =	stream.indirect.scatter.add.f32 [tilespmem:s20], [sflag:$0x3], $0x80, s3, s19, $0xb8;
	[tilespmem:$0x1F000] =	vst v63  }
0x1d8: {  	_ =	swait.ge [sflag:s17], $0x4000  }
0x1d9: {  	[sflag:s17] =	ssyncset.done $0x0  }
0x1da: {  	s4 =	simm.s32 $0x300;
	[sflag:s17] =	ssyncadd.s32 $0xFFFFC000  }
0x1db: {  	[tilespmem:s20], [sflag:$0x1] =	stream.indirect.gather [hbm4b:s29+s19], $0x80, s4, s19, $0xb8;
	[tilespmem:$0x1F000] =	vst v63  }
0x1dc: {  	_ =	swait.ge [sflag:s1], $0x4000  }
0x1dd: {  	[sflag:s1] =	ssyncset.done $0x0  }
0x1de: {  	s5 =	simm.s32 $0xA80;
	[sflag:s1] =	ssyncadd.s32 $0xFFFFC000  }
0x1df: {  	[spmem:s26] =	stream.indirect.scatter.add.f32 [tilespmem:s28], [sflag:$0x3], $0x80, s5, s19, $0xb8;
	[tilespmem:$0x1F000] =	vst v63  }
0x1e0: {  	_ =	swait.ge [sflag:s17], $0x4000  }
0x1e1: {  	[sflag:s17] =	ssyncset.done $0x0  }
0x1e2: {  	s6 =	simm.s32 $0x380;
	[sflag:s17] =	ssyncadd.s32 $0xFFFFC000  }
0x1e3: {  	[tilespmem:s28], [sflag:$0x2] =	stream.indirect.gather [hbm4b:s29+s19], $0x80, s6, s19, $0xb8;
	[tilespmem:$0x1F000] =	vst v63  }
0x1e4: {  	_ =	swait.ge [sflag:s24], $0x4000  }
0x1e5: {  	[sflag:s24] =	ssyncset.done $0x0  }
0x1e6: {  	s8 =	simm.s32 $0xB00;
	[sflag:s24] =	ssyncadd.s32 $0xFFFFC000  }
0x1e7: {  	[spmem:s26] =	stream.indirect.scatter.add.f32 [tilespmem:s20], [sflag:$0x3], $0x80, s8, s19, $0xb8;
	[tilespmem:$0x1F000] =	vst v63  }
0x1e8: {  	_ =	swait.ge [sflag:s17], $0x4000  }
0x1e9: {  	[sflag:s17] =	ssyncset.done $0x0  }
0x1ea: {  	s9 =	simm.s32 $0x400;
	[sflag:s17] =	ssyncadd.s32 $0xFFFFC000  }
0x1eb: {  	[tilespmem:s20], [sflag:$0x1] =	stream.indirect.gather [hbm4b:s29+s19], $0x80, s9, s19, $0xb8;
	[tilespmem:$0x1F000] =	vst v63  }
0x1ec: {  	_ =	swait.ge [sflag:s1], $0x4000  }
0x1ed: {  	[sflag:s1] =	ssyncset.done $0x0  }
0x1ee: {  	s31 =	simm.s32 $0xB80;
	[sflag:s1] =	ssyncadd.s32 $0xFFFFC000  }
0x1ef: {  	[spmem:s26] =	stream.indirect.scatter.add.f32 [tilespmem:s28], [sflag:$0x3], $0x80, s31, s19, $0xb8;
	[tilespmem:$0x1F000] =	vst v63  }
0x1f0: {  	_ =	swait.ge [sflag:s17], $0x4000  }
0x1f1: {  	[sflag:s17] =	ssyncset.done $0x0  }
0x1f2: {  	s14 =	simm.s32 $0x480;
	[sflag:s17] =	ssyncadd.s32 $0xFFFFC000  }
0x1f3: {  	[tilespmem:s28], [sflag:$0x2] =	stream.indirect.gather [hbm4b:s29+s19], $0x80, s14, s19, $0xb8;
	[tilespmem:$0x1F000] =	vst v63  }
0x1f4: {  	_ =	swait.ge [sflag:s24], $0x4000  }
0x1f5: {  	[sflag:s24] =	ssyncset.done $0x0  }
0x1f6: {  	s15 =	simm.s32 $0xC00;
	[sflag:s24] =	ssyncadd.s32 $0xFFFFC000  }
0x1f7: {  	[spmem:s26] =	stream.indirect.scatter.add.f32 [tilespmem:s20], [sflag:$0x3], $0x80, s15, s19, $0xb8;
	[tilespmem:$0x1F000] =	vst v63  }
0x1f8: {  	_ =	swait.ge [sflag:s17], $0x4000  }
0x1f9: {  	[sflag:s17] =	ssyncset.done $0x0  }
0x1fa: {  	s12 =	simm.s32 $0x500;
	[sflag:s17] =	ssyncadd.s32 $0xFFFFC000  }
0x1fb: {  	[tilespmem:s20], [sflag:$0x1] =	stream.indirect.gather [hbm4b:s29+s19], $0x80, s12, s19, $0xb8;
	[tilespmem:$0x1F000] =	vst v63  }
0x1fc: {  	_ =	swait.ge [sflag:s1], $0x4000  }
0x1fd: {  	[sflag:s1] =	ssyncset.done $0x0  }
0x1fe: {  	s6 =	simm.s32 $0xC80;
	[sflag:s1] =	ssyncadd.s32 $0xFFFFC000  }
0x1ff: {  	[spmem:s26] =	stream.indirect.scatter.add.f32 [tilespmem:s28], [sflag:$0x3], $0x80, s6, s19, $0xb8;
	[tilespmem:$0x1F000] =	vst v63  }
0x200: {  	_ =	swait.ge [sflag:s17], $0x4000  }
0x201: {  	[sflag:s17] =	ssyncset.done $0x0  }
0x202: {  	s5 =	simm.s32 $0x580;
	[sflag:s17] =	ssyncadd.s32 $0xFFFFC000  }
0x203: {  	[tilespmem:s28], [sflag:$0x2] =	stream.indirect.gather [hbm4b:s29+s19], $0x80, s5, s19, $0xb8;
	[tilespmem:$0x1F000] =	vst v63  }
0x204: {  	_ =	swait.ge [sflag:s24], $0x4000  }
0x205: {  	[sflag:s24] =	ssyncset.done $0x0  }
0x206: {  	s4 =	simm.s32 $0xD00;
	[sflag:s24] =	ssyncadd.s32 $0xFFFFC000  }
0x207: {  	[spmem:s26] =	stream.indirect.scatter.add.f32 [tilespmem:s20], [sflag:$0x3], $0x80, s4, s19, $0xb8;
	[tilespmem:$0x1F000] =	vst v63  }
0x208: {  	_ =	swait.ge [sflag:s17], $0x4000  }
0x209: {  	[sflag:s17] =	ssyncset.done $0x0  }
0x20a: {  	s3 =	simm.s32 $0x600;
	[sflag:s17] =	ssyncadd.s32 $0xFFFFC000  }
0x20b: {  	[tilespmem:s20], [sflag:$0x1] =	stream.indirect.gather [hbm4b:s29+s19], $0x80, s3, s19, $0xb8;
	[tilespmem:$0x1F000] =	vst v63  }
0x20c: {  	_ =	swait.ge [sflag:s1], $0x4000  }
0x20d: {  	[sflag:s1] =	ssyncset.done $0x0  }
0x20e: {  	s2 =	simm.s32 $0xD80;
	[sflag:s1] =	ssyncadd.s32 $0xFFFFC000  }
0x20f: {  	[spmem:s26] =	stream.indirect.scatter.add.f32 [tilespmem:s28], [sflag:$0x3], $0x80, s2, s19, $0xb8;
	[tilespmem:$0x1F000] =	vst v63  }
0x210: {  	_ =	swait.ge [sflag:s17], $0x4000  }
0x211: {  	[sflag:s17] =	ssyncset.done $0x0  }
0x212: {  	s0 =	simm.s32 $0x680;
	[sflag:s17] =	ssyncadd.s32 $0xFFFFC000  }
0x213: {  	[tilespmem:s28], [sflag:$0x2] =	stream.indirect.gather [hbm4b:s29+s19], $0x80, s0, s19, $0xb8;
	[tilespmem:$0x1F000] =	vst v63  }
0x214: {  	_ =	swait.ge [sflag:s24], $0x4000  }
0x215: {  	[sflag:s24] =	ssyncset.done $0x0  }
0x216: {  	s18 =	simm.s32 $0xE00;
	[sflag:s24] =	ssyncadd.s32 $0xFFFFC000  }
0x217: {  	[spmem:s26] =	stream.indirect.scatter.add.f32 [tilespmem:s20], [sflag:$0x3], $0x80, s18, s19, $0xb8;
	[tilespmem:$0x1F000] =	vst v63  }
0x218: {  	_ =	swait.ge [sflag:s17], $0x4000  }
0x219: {  	[sflag:s17] =	ssyncset.done $0x0  }
0x21a: {  	s21 =	simm.s32 $0x700;
	[sflag:s17] =	ssyncadd.s32 $0xFFFFC000  }
0x21b: {  	[tilespmem:s20], [sflag:$0x1] =	stream.indirect.gather [hbm4b:s29+s19], $0x80, s21, s19, $0xb8;
	[tilespmem:$0x1F000] =	vst v63  }
0x21c: {  	_ =	swait.ge [sflag:s1], $0x4000  }
0x21d: {  	[sflag:s1] =	ssyncset.done $0x0  }
0x21e: {  	s25 =	simm.s32 $0xE80;
	[sflag:s1] =	ssyncadd.s32 $0xFFFFC000  }
0x21f: {  	[spmem:s26] =	stream.indirect.scatter.add.f32 [tilespmem:s28], [sflag:$0x3], $0x80, s25, s19, $0xb8;
	[tilespmem:$0x1F000] =	vst v63  }
0x220: {  	_ =	swait.ge [sflag:s17], $0x4000  }
0x221: {  	[sflag:s17] =	ssyncset.done $0x0  }
0x222: {  	s22 =	simm.s32 $0x780;
	[sflag:s17] =	ssyncadd.s32 $0xFFFFC000  }
0x223: {  	[tilespmem:s28], [sflag:$0x2] =	stream.indirect.gather [hbm4b:s29+s19], $0x80, s22, s19, $0xb8;
	[tilespmem:$0x1F000] =	vst v63  }
0x224: {  	_ =	swait.ge [sflag:s24], $0x4000  }
0x225: {  	[sflag:s24] =	ssyncset.done $0x0  }
0x226: {  	s30 =	simm.s32 $0xF00;
	[sflag:s24] =	ssyncadd.s32 $0xFFFFC000  }
0x227: {  	[spmem:s26] =	stream.indirect.scatter.add.f32 [tilespmem:s20], [sflag:$0x3], $0x80, s30, s19, $0xb8;
	[tilespmem:$0x1F000] =	vst v63  }
0x228: {  	_ =	swait.ge [sflag:s17], $0x4000  }
0x229: {  	[sflag:s17] =	ssyncset.done $0x0  }
0x22a: {  	[sflag:s17] =	ssyncadd.s32 $0xFFFFC000  }
0x22b: {  	_ =	swait.ge [sflag:s1], $0x4000  }
0x22c: {  	[sflag:s1] =	ssyncset.done $0x0  }
0x22d: {  	s16 =	simm.s32 $0xF80;
	[sflag:s1] =	ssyncadd.s32 $0xFFFFC000  }
0x22e: {  	[spmem:s26] =	stream.indirect.scatter.add.f32 [tilespmem:s28], [sflag:$0x3], $0x80, s16, s19, $0xb8;
	[tilespmem:$0x1F000] =	vst v63  }
0x22f: {  	_ =	swait.ge [sflag:s17], $0x4000  }
0x230: {  	[sflag:s17] =	ssyncset.done $0x0  }
0x231: {  	[sflag:s17] =	ssyncadd.s32 $0xFFFFC000  }
0x232: {  	s10 =	stileid.u32;
	[bflag:$0x0] =	sbarrier.arrive $0xFFFF  }
0x233: {  	s8 =	sshll.u32 s10, $0x6;
	s10 =	rddreg [dreg:$0x1b]  }
0x234: {  	s9 =	sor.u32 $0x1C03, s8;
	s8 =	rddreg [dreg:$0x5];
	s11 =	sshrl.u32 s10, $0x3  }
0x235: {  	[smem:$0x7E3] =	sst s11  }
0x236: {  	[hbm:s8], [sflag:s9] =	dma.local [spmem:s11], $0x400  }
0x237: {  	_ =	swait.ge [sflag:s17], $0x400  }
0x238: {  	s11 =	rddreg [dreg:$0x1d]  }
0x239: {  	[sflag:s17] =	ssyncset.done $0x0;
	s8 =	rddreg [dreg:$0x6];
	s11 =	sshrl.u32 s11, $0x3  }
0x23a: {  	[sflag:s17] =	ssyncadd.s32 $0xFFFFFC00;
	[smem:$0x7E4] =	sst s11  }
0x23b: {  	[hbm:s8], [sflag:s9] =	dma.local [spmem:s11], $0x400  }
0x23c: {  	_ =	swait.ge [sflag:s17], $0x400  }
0x23d: {  	s11 =	rddreg [dreg:$0x1e]  }
0x23e: {  	[sflag:s17] =	ssyncset.done $0x0;
	s8 =	rddreg [dreg:$0x7];
	s11 =	sshrl.u32 s11, $0x3  }
0x23f: {  	[sflag:s17] =	ssyncadd.s32 $0xFFFFFC00;
	[smem:$0x7E5] =	sst s11  }
0x240: {  	[hbm:s8], [sflag:s9] =	dma.local [spmem:s11], $0x400  }
0x241: {  	_ =	swait.ge [sflag:s17], $0x400  }
0x242: {  	s11 =	rddreg [dreg:$0x1f]  }
0x243: {  	[sflag:s17] =	ssyncset.done $0x0;
	s8 =	rddreg [dreg:$0x8];
	s11 =	sshrl.u32 s11, $0x3  }
0x244: {  	[sflag:s17] =	ssyncadd.s32 $0xFFFFFC00;
	[smem:$0x7E6] =	sst s11  }
0x245: {  	[hbm:s8], [sflag:s9] =	dma.local [spmem:s11], $0x400  }
0x246: {  	_ =	swait.ge [sflag:s17], $0x400  }
0x247: {  	s11 =	sld [smem:$0x7EF];
	_ =	sdelay $0x2  }
0x248: {  	[sflag:s17] =	ssyncset.done $0x0;
	s8 =	rddreg [dreg:$0x9];
	s11 =	sshrl.u32 s11, $0x3  }
0x249: {  	[sflag:s17] =	ssyncadd.s32 $0xFFFFFC00;
	[smem:$0x7E7] =	sst s11  }
0x24a: {  	[hbm:s8], [sflag:s9] =	dma.local [spmem:s11], $0x400  }
0x24b: {  	_ =	swait.ge [sflag:s17], $0x400  }
0x24c: {  	s11 =	sld [smem:$0x7F0];
	_ =	sdelay $0x2  }
0x24d: {  	[sflag:s17] =	ssyncset.done $0x0;
	s8 =	rddreg [dreg:$0xa];
	s11 =	sshrl.u32 s11, $0x3  }
0x24e: {  	[sflag:s17] =	ssyncadd.s32 $0xFFFFFC00;
	[smem:$0x7E8] =	sst s11  }
0x24f: {  	[hbm:s8], [sflag:s9] =	dma.local [spmem:s11], $0x400  }
0x250: {  	_ =	swait.ge [sflag:s17], $0x400  }
0x251: {  	s11 =	sld [smem:$0x7F1];
	_ =	sdelay $0x2  }
0x252: {  	[sflag:s17] =	ssyncset.done $0x0;
	s8 =	rddreg [dreg:$0xb];
	s11 =	sshrl.u32 s11, $0x3  }
0x253: {  	[sflag:s17] =	ssyncadd.s32 $0xFFFFFC00;
	[smem:$0x7E9] =	sst s11  }
0x254: {  	[hbm:s8], [sflag:s9] =	dma.local [spmem:s11], $0x400  }
0x255: {  	_ =	swait.ge [sflag:s17], $0x400  }
0x256: {  	s11 =	sld [smem:$0x7F2];
	_ =	sdelay $0x2  }
0x257: {  	[sflag:s17] =	ssyncset.done $0x0;
	s8 =	rddreg [dreg:$0xc];
	s11 =	sshrl.u32 s11, $0x3  }
0x258: {  	[sflag:s17] =	ssyncadd.s32 $0xFFFFFC00;
	[smem:$0x7EA] =	sst s11  }
0x259: {  	[hbm:s8], [sflag:s9] =	dma.local [spmem:s11], $0x400  }
0x25a: {  	_ =	swait.ge [sflag:s17], $0x400  }
0x25b: {  	s11 =	sld [smem:$0x7F3];
	_ =	sdelay $0x2  }
0x25c: {  	[sflag:s17] =	ssyncset.done $0x0;
	s8 =	rddreg [dreg:$0xd];
	s11 =	sshrl.u32 s11, $0x3  }
0x25d: {  	[sflag:s17] =	ssyncadd.s32 $0xFFFFFC00;
	[smem:$0x7EB] =	sst s11  }
0x25e: {  	[hbm:s8], [sflag:s9] =	dma.local [spmem:s11], $0x400  }
0x25f: {  	_ =	swait.ge [sflag:s17], $0x400  }
0x260: {  	s11 =	sld [smem:$0x7F4];
	_ =	sdelay $0x1  }
0x261: {  	s8 =	rddreg [dreg:$0xe]  }
0x262: {  	[sflag:s17] =	ssyncset.done $0x0;
	[smem:$0x7EC] =	sst s9;
	s11 =	sshrl.u32 s11, $0x3  }
0x263: {  	[sflag:s17] =	ssyncadd.s32 $0xFFFFFC00;
	[smem:$0x7ED] =	sst s11  }
0x264: {  	[hbm:s8], [sflag:s9] =	dma.local [spmem:s11], $0x400  }
0x265: {  	_ =	swait.ge [sflag:s17], $0x400  }
0x266: {  	[sflag:s17] =	ssyncset.done $0x0  }
0x267: {  	s8 =	simm.s32 $0x0;
	s11 =	rddreg [dreg:$0x1a];
	[sflag:s17] =	ssyncadd.s32 $0xFFFFFC00  }
0x268: {  	[tilespmem:s8], [sflag:$0x3] =	stream.linear.gather [hbm4b:s11+s8], $0x800, $0x38;
	[tilespmem:$0x1F000] =	vst v63  }
0x269: {  	_ =	swait.ge [sflag:s17], $0x800  }
0x26a: {  	[sflag:s17] =	ssyncset.done $0x0  }
0x26b: {  	s11 =	rddreg [dreg:$0x18];
	[sflag:s17] =	ssyncadd.s32 $0xFFFFF800  }
0x26c: {  	[tilespmem:s7], [sflag:$0x3] =	stream.linear.gather [hbm4b:s11+s8], $0x800, $0x38;
	[tilespmem:$0x1F000] =	vst v63  }
0x26d: {  	_ =	swait.ge [sflag:s17], $0x800  }
0x26e: {  	[sflag:s17] =	ssyncset.done $0x0  }
0x26f: {  	[sflag:s17] =	ssyncadd.s32 $0xFFFFF800  }
0x270: {  	[tilespmem:s20], [sflag:$0x1] =	stream.indirect.gather [hbm4b:s29+s19], $0x80, s8, s19, $0xb8;
	[tilespmem:$0x1F000] =	vst v63  }
0x271: {  	_ = 	snop  }
0x272: {  	[tilespmem:s28], [sflag:$0x2] =	stream.indirect.gather [hbm4b:s29+s19], $0x80, s19, s19, $0xb8;
	[tilespmem:$0x1F000] =	vst v63  }
0x273: {  	s9 =	simm.s32 $0x9000  }
0x274: {  	[spmem:s10] =	stream.linear.scatter [tilespmem:s9], [sflag:$0x3], $0x2000, $0x38;
	[tilespmem:$0x1F000] =	vst v63  }
0x275: {  	_ =	swait.ge [sflag:s17], $0x2000  }
0x276: {  	s10 =	sld [smem:$0x7F5]  }
0x277: {  	[sflag:s17] =	ssyncset.done $0x0  }
0x278: {  	[sflag:s17] =	ssyncadd.s32 $0xFFFFE000  }
0x279: {  	[spmem:s10] =	stream.linear.scatter [tilespmem:s9], [sflag:$0x3], $0x2000, $0x38;
	[tilespmem:$0x1F000] =	vst v63  }
0x27a: {  	_ =	swait.ge [sflag:s17], $0x2000  }
0x27b: {  	s11 =	sld [smem:$0x7F6]  }
0x27c: {  	[sflag:s17] =	ssyncset.done $0x0  }
0x27d: {  	[sflag:s17] =	ssyncadd.s32 $0xFFFFE000  }
0x27e: {  	[spmem:s11] =	stream.linear.scatter [tilespmem:s9], [sflag:$0x3], $0x2000, $0x38;
	[tilespmem:$0x1F000] =	vst v63  }
0x27f: {  	_ =	swait.ge [sflag:s17], $0x2000  }
0x280: {  	s10 =	sld [smem:$0x7F7]  }
0x281: {  	[sflag:s17] =	ssyncset.done $0x0  }
0x282: {  	[sflag:s17] =	ssyncadd.s32 $0xFFFFE000  }
0x283: {  	[spmem:s10] =	stream.linear.scatter [tilespmem:s9], [sflag:$0x3], $0x2000, $0x38;
	[tilespmem:$0x1F000] =	vst v63  }
0x284: {  	_ =	swait.ge [sflag:s17], $0x2000  }
0x285: {  	s11 =	sld [smem:$0x7F8]  }
0x286: {  	[sflag:s17] =	ssyncset.done $0x0  }
0x287: {  	[sflag:s17] =	ssyncadd.s32 $0xFFFFE000  }
0x288: {  	[spmem:s11] =	stream.linear.scatter [tilespmem:s9], [sflag:$0x3], $0x2000, $0x38;
	[tilespmem:$0x1F000] =	vst v63  }
0x289: {  	_ =	swait.ge [sflag:s17], $0x2000  }
0x28a: {  	s10 =	sld [smem:$0x7F9]  }
0x28b: {  	[sflag:s17] =	ssyncset.done $0x0  }
0x28c: {  	[sflag:s17] =	ssyncadd.s32 $0xFFFFE000  }
0x28d: {  	[spmem:s10] =	stream.linear.scatter [tilespmem:s9], [sflag:$0x3], $0x2000, $0x38;
	[tilespmem:$0x1F000] =	vst v63  }
0x28e: {  	_ =	swait.ge [sflag:s17], $0x2000  }
0x28f: {  	s11 =	sld [smem:$0x7FA]  }
0x290: {  	[sflag:s17] =	ssyncset.done $0x0  }
0x291: {  	[sflag:s17] =	ssyncadd.s32 $0xFFFFE000  }
0x292: {  	[spmem:s11] =	stream.linear.scatter [tilespmem:s9], [sflag:$0x3], $0x2000, $0x38;
	[tilespmem:$0x1F000] =	vst v63  }
0x293: {  	_ =	swait.ge [sflag:s17], $0x2000  }
0x294: {  	s10 =	sld [smem:$0x7FB]  }
0x295: {  	[sflag:s17] =	ssyncset.done $0x0  }
0x296: {  	[sflag:s17] =	ssyncadd.s32 $0xFFFFE000  }
0x297: {  	[spmem:s10] =	stream.linear.scatter [tilespmem:s9], [sflag:$0x3], $0x2000, $0x38;
	[tilespmem:$0x1F000] =	vst v63  }
0x298: {  	_ =	swait.ge [sflag:s17], $0x2000  }
0x299: {  	s11 =	sld [smem:$0x7FC]  }
0x29a: {  	[sflag:s17] =	ssyncset.done $0x0  }
0x29b: {  	[sflag:s17] =	ssyncadd.s32 $0xFFFFE000  }
0x29c: {  	[spmem:s11] =	stream.linear.scatter [tilespmem:s9], [sflag:$0x3], $0x2000, $0x38;
	[tilespmem:$0x1F000] =	vst v63  }
0x29d: {  	_ =	swait.ge [sflag:s17], $0x2000  }
0x29e: {  	s10 =	sld [smem:$0x7FD]  }
0x29f: {  	[sflag:s17] =	ssyncset.done $0x0  }
0x2a0: {  	[sflag:s17] =	ssyncadd.s32 $0xFFFFE000  }
0x2a1: {  	[spmem:s10] =	stream.linear.scatter [tilespmem:s9], [sflag:$0x3], $0x2000, $0x38;
	[tilespmem:$0x1F000] =	vst v63  }
0x2a2: {  	_ =	swait.ge [sflag:s17], $0x2000  }
0x2a3: {  	[sflag:s17] =	ssyncset.done $0x0  }
0x2a4: {  	[sflag:s17] =	ssyncadd.s32 $0xFFFFE000  }
0x2a5: {  	[bflag:$0x0] =	sbarrier.arrive $0xFFFF  }
0x2a6: {  	p0 =	por $0x1, $0x1;
	s8 =	rddreg [dreg:$0x3]  }
0x2a7: {  	s9 =	simm.s32 @!p0 $0x0;
	s10 =	simm.s32 @!p0 $0x3;
	s8 =	sadd.s32 @!p0 $0x0, s8  }
0x2a8: {  	[tilespmem:s9], [sflag:$0x3] =	stream.linear.gather @!p0 [hbm4b:s8+s9], $0x800, $0x38;
	[tilespmem:$0x1F000] =	vst v63  }
0x2a9: {  	_ =	swait.ge @!p0 [sflag:s10], $0x800  }
0x2aa: {  	[sflag:s10] =	ssyncset.done @!p0 $0x0  }
0x2ab: {  	s11 =	simm.s32 @!p0 $0x800;
	s8 =	sadd.s32 @!p0 $0x0, s23;
	[sflag:s10] =	ssyncadd.s32 @!p0 $0xFFFFF800  }
0x2ac: {  	[tilespmem:s11], [sflag:$0x3] =	stream.linear.gather @!p0 [hbm4b:s8+s9], $0x800, $0x38;
	[tilespmem:$0x1F000] =	vst v63  }
0x2ad: {  	_ =	swait.ge @!p0 [sflag:s10], $0x800  }
0x2ae: {  	[sflag:s10] =	ssyncset.done @!p0 $0x0  }
0x2af: {  	s8 =	simm.s32 @!p0 $0x80;
	[sflag:s10] =	ssyncadd.s32 @!p0 $0xFFFFF800;
	s10 =	simm.s32 @!p0 $0x1000  }
0x2b0: {  	[tilespmem:s10], [sflag:$0x1] =	stream.indirect.gather @!p0 [hbm4b:s29+s8], $0x80, s9, s8, $0xb8;
	[tilespmem:$0x1F000] =	vst v63  }
0x2b1: {  	s9 =	simm.s32 @!p0 $0x5000  }
0x2b2: {  	[tilespmem:s9], [sflag:$0x2] =	stream.indirect.gather @!p0 [hbm4b:s29+s8], $0x80, s8, s8, $0xb8;
	[tilespmem:$0x1F000] =	vst v63  }
0x2b3: {  	_ =	swait.ge [sflag:s24], $0x4000  }
0x2b4: {  	[sflag:s24] =	ssyncset.done $0x0  }
0x2b5: {  	[sflag:s24] =	ssyncadd.s32 $0xFFFFC000  }
0x2b6: {  	[spmem:s26] =	stream.indirect.scatter.add.f32 [tilespmem:s20], [sflag:$0x3], $0x80, s7, s19, $0xb8;
	[tilespmem:$0x1F000] =	vst v63  }
0x2b7: {  	_ =	swait.ge [sflag:s17], $0x4000  }
0x2b8: {  	[sflag:s17] =	ssyncset.done $0x0  }
0x2b9: {  	s11 =	simm.s32 $0x100;
	[sflag:s17] =	ssyncadd.s32 $0xFFFFC000  }
0x2ba: {  	[tilespmem:s20], [sflag:$0x1] =	stream.indirect.gather [hbm4b:s29+s19], $0x80, s11, s19, $0xb8;
	[tilespmem:$0x1F000] =	vst v63  }
0x2bb: {  	_ =	swait.ge [sflag:s1], $0x4000  }
0x2bc: {  	[sflag:s1] =	ssyncset.done $0x0  }
0x2bd: {  	s8 =	simm.s32 $0x880;
	[sflag:s1] =	ssyncadd.s32 $0xFFFFC000  }
0x2be: {  	[spmem:s26] =	stream.indirect.scatter.add.f32 [tilespmem:s28], [sflag:$0x3], $0x80, s8, s19, $0xb8;
	[tilespmem:$0x1F000] =	vst v63  }
0x2bf: {  	_ =	swait.ge [sflag:s17], $0x4000  }
0x2c0: {  	[sflag:s17] =	ssyncset.done $0x0  }
0x2c1: {  	s9 =	simm.s32 $0x180;
	[sflag:s17] =	ssyncadd.s32 $0xFFFFC000  }
0x2c2: {  	[tilespmem:s28], [sflag:$0x2] =	stream.indirect.gather [hbm4b:s29+s19], $0x80, s9, s19, $0xb8;
	[tilespmem:$0x1F000] =	vst v63  }
0x2c3: {  	_ =	swait.ge [sflag:s24], $0x4000  }
0x2c4: {  	[sflag:s24] =	ssyncset.done $0x0  }
0x2c5: {  	s10 =	simm.s32 $0x900;
	[sflag:s24] =	ssyncadd.s32 $0xFFFFC000  }
0x2c6: {  	[spmem:s26] =	stream.indirect.scatter.add.f32 [tilespmem:s20], [sflag:$0x3], $0x80, s10, s19, $0xb8;
	[tilespmem:$0x1F000] =	vst v63  }
0x2c7: {  	_ =	swait.ge [sflag:s17], $0x4000  }
0x2c8: {  	[sflag:s17] =	ssyncset.done $0x0  }
0x2c9: {  	s11 =	simm.s32 $0x200;
	[sflag:s17] =	ssyncadd.s32 $0xFFFFC000  }
0x2ca: {  	[tilespmem:s20], [sflag:$0x1] =	stream.indirect.gather [hbm4b:s29+s19], $0x80, s11, s19, $0xb8;
	[tilespmem:$0x1F000] =	vst v63  }
0x2cb: {  	_ =	swait.ge [sflag:s1], $0x4000  }
0x2cc: {  	[sflag:s1] =	ssyncset.done $0x0  }
0x2cd: {  	s8 =	simm.s32 $0x980;
	[sflag:s1] =	ssyncadd.s32 $0xFFFFC000  }
0x2ce: {  	[spmem:s26] =	stream.indirect.scatter.add.f32 [tilespmem:s28], [sflag:$0x3], $0x80, s8, s19, $0xb8;
	[tilespmem:$0x1F000] =	vst v63  }
0x2cf: {  	_ =	swait.ge [sflag:s17], $0x4000  }
0x2d0: {  	[sflag:s17] =	ssyncset.done $0x0  }
0x2d1: {  	s9 =	simm.s32 $0x280;
	[sflag:s17] =	ssyncadd.s32 $0xFFFFC000  }
0x2d2: {  	[tilespmem:s28], [sflag:$0x2] =	stream.indirect.gather [hbm4b:s29+s19], $0x80, s9, s19, $0xb8;
	[tilespmem:$0x1F000] =	vst v63  }
0x2d3: {  	_ =	swait.ge [sflag:s24], $0x4000  }
0x2d4: {  	[sflag:s24] =	ssyncset.done $0x0  }
0x2d5: {  	s10 =	simm.s32 $0xA00;
	[sflag:s24] =	ssyncadd.s32 $0xFFFFC000  }
0x2d6: {  	[spmem:s26] =	stream.indirect.scatter.add.f32 [tilespmem:s20], [sflag:$0x3], $0x80, s10, s19, $0xb8;
	[tilespmem:$0x1F000] =	vst v63  }
0x2d7: {  	_ =	swait.ge [sflag:s17], $0x4000  }
0x2d8: {  	[sflag:s17] =	ssyncset.done $0x0  }
0x2d9: {  	s11 =	simm.s32 $0x300;
	[sflag:s17] =	ssyncadd.s32 $0xFFFFC000  }
0x2da: {  	[tilespmem:s20], [sflag:$0x1] =	stream.indirect.gather [hbm4b:s29+s19], $0x80, s11, s19, $0xb8;
	[tilespmem:$0x1F000] =	vst v63  }
0x2db: {  	_ =	swait.ge [sflag:s1], $0x4000  }
0x2dc: {  	[sflag:s1] =	ssyncset.done $0x0  }
0x2dd: {  	s8 =	simm.s32 $0xA80;
	[sflag:s1] =	ssyncadd.s32 $0xFFFFC000  }
0x2de: {  	[spmem:s26] =	stream.indirect.scatter.add.f32 [tilespmem:s28], [sflag:$0x3], $0x80, s8, s19, $0xb8;
	[tilespmem:$0x1F000] =	vst v63  }
0x2df: {  	_ =	swait.ge [sflag:s17], $0x4000  }
0x2e0: {  	[sflag:s17] =	ssyncset.done $0x0  }
0x2e1: {  	s9 =	simm.s32 $0x380;
	[sflag:s17] =	ssyncadd.s32 $0xFFFFC000  }
0x2e2: {  	[tilespmem:s28], [sflag:$0x2] =	stream.indirect.gather [hbm4b:s29+s19], $0x80, s9, s19, $0xb8;
	[tilespmem:$0x1F000] =	vst v63  }
0x2e3: {  	_ =	swait.ge [sflag:s24], $0x4000  }
0x2e4: {  	[sflag:s24] =	ssyncset.done $0x0  }
0x2e5: {  	s10 =	simm.s32 $0xB00;
	[sflag:s24] =	ssyncadd.s32 $0xFFFFC000  }
0x2e6: {  	[spmem:s26] =	stream.indirect.scatter.add.f32 [tilespmem:s20], [sflag:$0x3], $0x80, s10, s19, $0xb8;
	[tilespmem:$0x1F000] =	vst v63  }
0x2e7: {  	_ =	swait.ge [sflag:s17], $0x4000  }
0x2e8: {  	[sflag:s17] =	ssyncset.done $0x0  }
0x2e9: {  	s11 =	simm.s32 $0x400;
	[sflag:s17] =	ssyncadd.s32 $0xFFFFC000  }
0x2ea: {  	[tilespmem:s20], [sflag:$0x1] =	stream.indirect.gather [hbm4b:s29+s19], $0x80, s11, s19, $0xb8;
	[tilespmem:$0x1F000] =	vst v63  }
0x2eb: {  	_ =	swait.ge [sflag:s1], $0x4000  }
0x2ec: {  	[sflag:s1] =	ssyncset.done $0x0  }
0x2ed: {  	[sflag:s1] =	ssyncadd.s32 $0xFFFFC000  }
0x2ee: {  	[spmem:s26] =	stream.indirect.scatter.add.f32 [tilespmem:s28], [sflag:$0x3], $0x80, s31, s19, $0xb8;
	[tilespmem:$0x1F000] =	vst v63  }
0x2ef: {  	_ =	swait.ge [sflag:s17], $0x4000  }
0x2f0: {  	[sflag:s17] =	ssyncset.done $0x0  }
0x2f1: {  	[sflag:s17] =	ssyncadd.s32 $0xFFFFC000  }
0x2f2: {  	[tilespmem:s28], [sflag:$0x2] =	stream.indirect.gather [hbm4b:s29+s19], $0x80, s14, s19, $0xb8;
	[tilespmem:$0x1F000] =	vst v63  }
0x2f3: {  	_ =	swait.ge [sflag:s24], $0x4000  }
0x2f4: {  	[sflag:s24] =	ssyncset.done $0x0  }
0x2f5: {  	[sflag:s24] =	ssyncadd.s32 $0xFFFFC000  }
0x2f6: {  	[spmem:s26] =	stream.indirect.scatter.add.f32 [tilespmem:s20], [sflag:$0x3], $0x80, s15, s19, $0xb8;
	[tilespmem:$0x1F000] =	vst v63  }
0x2f7: {  	_ =	swait.ge [sflag:s17], $0x4000  }
0x2f8: {  	[sflag:s17] =	ssyncset.done $0x0  }
0x2f9: {  	[sflag:s17] =	ssyncadd.s32 $0xFFFFC000  }
0x2fa: {  	[tilespmem:s20], [sflag:$0x1] =	stream.indirect.gather [hbm4b:s29+s19], $0x80, s12, s19, $0xb8;
	[tilespmem:$0x1F000] =	vst v63  }
0x2fb: {  	_ =	swait.ge [sflag:s1], $0x4000  }
0x2fc: {  	[sflag:s1] =	ssyncset.done $0x0  }
0x2fd: {  	[sflag:s1] =	ssyncadd.s32 $0xFFFFC000  }
0x2fe: {  	[spmem:s26] =	stream.indirect.scatter.add.f32 [tilespmem:s28], [sflag:$0x3], $0x80, s6, s19, $0xb8;
	[tilespmem:$0x1F000] =	vst v63  }
0x2ff: {  	_ =	swait.ge [sflag:s17], $0x4000  }
0x300: {  	[sflag:s17] =	ssyncset.done $0x0  }
0x301: {  	[sflag:s17] =	ssyncadd.s32 $0xFFFFC000  }
0x302: {  	[tilespmem:s28], [sflag:$0x2] =	stream.indirect.gather [hbm4b:s29+s19], $0x80, s5, s19, $0xb8;
	[tilespmem:$0x1F000] =	vst v63  }
0x303: {  	_ =	swait.ge [sflag:s24], $0x4000  }
0x304: {  	[sflag:s24] =	ssyncset.done $0x0  }
0x305: {  	[sflag:s24] =	ssyncadd.s32 $0xFFFFC000  }
0x306: {  	[spmem:s26] =	stream.indirect.scatter.add.f32 [tilespmem:s20], [sflag:$0x3], $0x80, s4, s19, $0xb8;
	[tilespmem:$0x1F000] =	vst v63  }
0x307: {  	_ =	swait.ge [sflag:s17], $0x4000  }
0x308: {  	[sflag:s17] =	ssyncset.done $0x0  }
0x309: {  	[sflag:s17] =	ssyncadd.s32 $0xFFFFC000  }
0x30a: {  	[tilespmem:s20], [sflag:$0x1] =	stream.indirect.gather [hbm4b:s29+s19], $0x80, s3, s19, $0xb8;
	[tilespmem:$0x1F000] =	vst v63  }
0x30b: {  	_ =	swait.ge [sflag:s1], $0x4000  }
0x30c: {  	[sflag:s1] =	ssyncset.done $0x0  }
0x30d: {  	[sflag:s1] =	ssyncadd.s32 $0xFFFFC000  }
0x30e: {  	[spmem:s26] =	stream.indirect.scatter.add.f32 [tilespmem:s28], [sflag:$0x3], $0x80, s2, s19, $0xb8;
	[tilespmem:$0x1F000] =	vst v63  }
0x30f: {  	_ =	swait.ge [sflag:s17], $0x4000  }
0x310: {  	[sflag:s17] =	ssyncset.done $0x0  }
0x311: {  	[sflag:s17] =	ssyncadd.s32 $0xFFFFC000  }
0x312: {  	[tilespmem:s28], [sflag:$0x2] =	stream.indirect.gather [hbm4b:s29+s19], $0x80, s0, s19, $0xb8;
	[tilespmem:$0x1F000] =	vst v63  }
0x313: {  	_ =	swait.ge [sflag:s24], $0x4000  }
0x314: {  	[sflag:s24] =	ssyncset.done $0x0  }
0x315: {  	[sflag:s24] =	ssyncadd.s32 $0xFFFFC000  }
0x316: {  	[spmem:s26] =	stream.indirect.scatter.add.f32 [tilespmem:s20], [sflag:$0x3], $0x80, s18, s19, $0xb8;
	[tilespmem:$0x1F000] =	vst v63  }
0x317: {  	_ =	swait.ge [sflag:s17], $0x4000  }
0x318: {  	[sflag:s17] =	ssyncset.done $0x0  }
0x319: {  	[sflag:s17] =	ssyncadd.s32 $0xFFFFC000  }
0x31a: {  	[tilespmem:s20], [sflag:$0x1] =	stream.indirect.gather [hbm4b:s29+s19], $0x80, s21, s19, $0xb8;
	[tilespmem:$0x1F000] =	vst v63  }
0x31b: {  	_ =	swait.ge [sflag:s1], $0x4000  }
0x31c: {  	[sflag:s1] =	ssyncset.done $0x0  }
0x31d: {  	[sflag:s1] =	ssyncadd.s32 $0xFFFFC000  }
0x31e: {  	[spmem:s26] =	stream.indirect.scatter.add.f32 [tilespmem:s28], [sflag:$0x3], $0x80, s25, s19, $0xb8;
	[tilespmem:$0x1F000] =	vst v63  }
0x31f: {  	_ =	swait.ge [sflag:s17], $0x4000  }
0x320: {  	[sflag:s17] =	ssyncset.done $0x0  }
0x321: {  	[sflag:s17] =	ssyncadd.s32 $0xFFFFC000  }
0x322: {  	[tilespmem:s28], [sflag:$0x2] =	stream.indirect.gather [hbm4b:s29+s19], $0x80, s22, s19, $0xb8;
	[tilespmem:$0x1F000] =	vst v63  }
0x323: {  	_ =	swait.ge [sflag:s24], $0x4000  }
0x324: {  	[sflag:s24] =	ssyncset.done $0x0  }
0x325: {  	s7 =	simm.s32 $0xC80;
	s8 =	simm.s32 $0x100;
	[sflag:s24] =	ssyncadd.s32 $0xFFFFC000  }
0x326: {  	[spmem:s26] =	stream.indirect.scatter.add.f32 [tilespmem:s20], [sflag:$0x3], $0x80, s30, s19, $0xb8;
	[tilespmem:$0x1F000] =	vst v63  }
0x327: {  	s31 =	simm.s32 $0x480;
	s14 =	simm.s32 $0x880;
	_ =	swait.ge [sflag:s17], $0x4000  }
0x328: {  	s15 =	simm.s32 $0x180;
	s6 =	simm.s32 $0xB80;
	[sflag:s17] =	ssyncset.done $0x0  }
0x329: {  	s5 =	simm.s32 $0x400;
	s4 =	simm.s32 $0xB00;
	[sflag:s17] =	ssyncadd.s32 $0xFFFFC000  }
0x32a: {  	s3 =	simm.s32 $0x380;
	s2 =	simm.s32 $0xA80;
	_ =	swait.ge [sflag:s1], $0x4000  }
0x32b: {  	s0 =	simm.s32 $0x300;
	s18 =	simm.s32 $0xA00;
	[sflag:s1] =	ssyncset.done $0x0  }
0x32c: {  	s21 =	simm.s32 $0x800;
	s25 =	simm.s32 $0x280;
	[sflag:s1] =	ssyncadd.s32 $0xFFFFC000  }
0x32d: {  	[spmem:s26] =	stream.indirect.scatter.add.f32 [tilespmem:s28], [sflag:$0x3], $0x80, s16, s19, $0xb8;
	[tilespmem:$0x1F000] =	vst v63  }
0x32e: {  	s22 =	simm.s32 $0x200;
	s30 =	simm.s32 $0x980;
	s16 =	simm.s32 $0x900  }
.LBB2_6:
0x32f: {  	s9 =	smov.u32 s8  }
0x330: {  	_ =	swait.ge [sflag:s17], $0x4000;
	p1 =	seq.s32 s9, $0x0  }
0x331: {  	s10 =	rddreg [dreg:$0x3];
	[sflag:s17] =	ssyncset.done $0x0;
	s11 =	simm.s32 @!p1 $0x0  }
0x332: {  	s12 =	simm.s32 @!p1 $0x3;
	s10 =	sadd.s32 @!p1 s9, s10;
	[sflag:s17] =	ssyncadd.s32 $0xFFFFC000  }
0x333: {  	[tilespmem:s11], [sflag:$0x3] =	stream.linear.gather @!p1 [hbm4b:s10+s11], $0x800, $0x38;
	[tilespmem:$0x1F000] =	vst v63  }
0x334: {  	_ =	swait.ge @!p1 [sflag:s12], $0x800  }
0x335: {  	[sflag:s12] =	ssyncset.done @!p1 $0x0  }
0x336: {  	s9 =	sadd.s32 @!p1 s9, s23;
	s10 =	simm.s32 @!p1 $0x800;
	[sflag:s12] =	ssyncadd.s32 @!p1 $0xFFFFF800  }
0x337: {  	[tilespmem:s10], [sflag:$0x3] =	stream.linear.gather @!p1 [hbm4b:s9+s11], $0x800, $0x38;
	[tilespmem:$0x1F000] =	vst v63  }
0x338: {  	_ =	swait.ge @!p1 [sflag:s12], $0x800  }
0x339: {  	[sflag:s12] =	ssyncset.done @!p1 $0x0  }
0x33a: {  	s9 =	simm.s32 @!p1 $0x80;
	s10 =	simm.s32 @!p1 $0x1000;
	[sflag:s12] =	ssyncadd.s32 @!p1 $0xFFFFF800  }
0x33b: {  	[tilespmem:s10], [sflag:$0x1] =	stream.indirect.gather @!p1 [hbm4b:s29+s9], $0x80, s11, s9, $0xb8;
	[tilespmem:$0x1F000] =	vst v63  }
0x33c: {  	s10 =	simm.s32 @!p1 $0x5000  }
0x33d: {  	[tilespmem:s10], [sflag:$0x2] =	stream.indirect.gather @!p1 [hbm4b:s29+s9], $0x80, s9, s9, $0xb8;
	[tilespmem:$0x1F000] =	vst v63  }
0x33e: {  	_ =	swait.ge [sflag:s24], $0x4000  }
0x33f: {  	[sflag:s24] =	ssyncset.done $0x0  }
0x340: {  	[sflag:s24] =	ssyncadd.s32 $0xFFFFC000  }
0x341: {  	[spmem:s26] =	stream.indirect.scatter.add.f32 [tilespmem:s20], [sflag:$0x3], $0x80, s21, s19, $0xb8;
	[tilespmem:$0x1F000] =	vst v63  }
0x342: {  	_ =	swait.ge [sflag:s17], $0x4000  }
0x343: {  	[sflag:s17] =	ssyncset.done $0x0  }
0x344: {  	s10 =	simm.s32 $0x100;
	[sflag:s17] =	ssyncadd.s32 $0xFFFFC000  }
0x345: {  	[tilespmem:s20], [sflag:$0x1] =	stream.indirect.gather [hbm4b:s29+s19], $0x80, s10, s19, $0xb8;
	[tilespmem:$0x1F000] =	vst v63  }
0x346: {  	_ =	swait.ge [sflag:s1], $0x4000  }
0x347: {  	[sflag:s1] =	ssyncset.done $0x0  }
0x348: {  	[sflag:s1] =	ssyncadd.s32 $0xFFFFC000  }
0x349: {  	[spmem:s26] =	stream.indirect.scatter.add.f32 [tilespmem:s28], [sflag:$0x3], $0x80, s14, s19, $0xb8;
	[tilespmem:$0x1F000] =	vst v63  }
0x34a: {  	_ =	swait.ge [sflag:s17], $0x4000  }
0x34b: {  	[sflag:s17] =	ssyncset.done $0x0  }
0x34c: {  	[sflag:s17] =	ssyncadd.s32 $0xFFFFC000  }
0x34d: {  	[tilespmem:s28], [sflag:$0x2] =	stream.indirect.gather [hbm4b:s29+s19], $0x80, s15, s19, $0xb8;
	[tilespmem:$0x1F000] =	vst v63  }
0x34e: {  	_ =	swait.ge [sflag:s24], $0x4000  }
0x34f: {  	[sflag:s24] =	ssyncset.done $0x0  }
0x350: {  	[sflag:s24] =	ssyncadd.s32 $0xFFFFC000  }
0x351: {  	[spmem:s26] =	stream.indirect.scatter.add.f32 [tilespmem:s20], [sflag:$0x3], $0x80, s16, s19, $0xb8;
	[tilespmem:$0x1F000] =	vst v63  }
0x352: {  	_ =	swait.ge [sflag:s17], $0x4000  }
0x353: {  	[sflag:s17] =	ssyncset.done $0x0  }
0x354: {  	[sflag:s17] =	ssyncadd.s32 $0xFFFFC000  }
0x355: {  	[tilespmem:s20], [sflag:$0x1] =	stream.indirect.gather [hbm4b:s29+s19], $0x80, s22, s19, $0xb8;
	[tilespmem:$0x1F000] =	vst v63  }
0x356: {  	_ =	swait.ge [sflag:s1], $0x4000  }
0x357: {  	[sflag:s1] =	ssyncset.done $0x0  }
0x358: {  	[sflag:s1] =	ssyncadd.s32 $0xFFFFC000  }
0x359: {  	[spmem:s26] =	stream.indirect.scatter.add.f32 [tilespmem:s28], [sflag:$0x3], $0x80, s30, s19, $0xb8;
	[tilespmem:$0x1F000] =	vst v63  }
0x35a: {  	_ =	swait.ge [sflag:s17], $0x4000  }
0x35b: {  	[sflag:s17] =	ssyncset.done $0x0  }
0x35c: {  	[sflag:s17] =	ssyncadd.s32 $0xFFFFC000  }
0x35d: {  	[tilespmem:s28], [sflag:$0x2] =	stream.indirect.gather [hbm4b:s29+s19], $0x80, s25, s19, $0xb8;
	[tilespmem:$0x1F000] =	vst v63  }
0x35e: {  	_ =	swait.ge [sflag:s24], $0x4000  }
0x35f: {  	[sflag:s24] =	ssyncset.done $0x0  }
0x360: {  	[sflag:s24] =	ssyncadd.s32 $0xFFFFC000  }
0x361: {  	[spmem:s26] =	stream.indirect.scatter.add.f32 [tilespmem:s20], [sflag:$0x3], $0x80, s18, s19, $0xb8;
	[tilespmem:$0x1F000] =	vst v63  }
0x362: {  	_ =	swait.ge [sflag:s17], $0x4000  }
0x363: {  	[sflag:s17] =	ssyncset.done $0x0  }
0x364: {  	[sflag:s17] =	ssyncadd.s32 $0xFFFFC000  }
0x365: {  	[tilespmem:s20], [sflag:$0x1] =	stream.indirect.gather [hbm4b:s29+s19], $0x80, s0, s19, $0xb8;
	[tilespmem:$0x1F000] =	vst v63  }
0x366: {  	_ =	swait.ge [sflag:s1], $0x4000  }
0x367: {  	[sflag:s1] =	ssyncset.done $0x0  }
0x368: {  	[sflag:s1] =	ssyncadd.s32 $0xFFFFC000  }
0x369: {  	[spmem:s26] =	stream.indirect.scatter.add.f32 [tilespmem:s28], [sflag:$0x3], $0x80, s2, s19, $0xb8;
	[tilespmem:$0x1F000] =	vst v63  }
0x36a: {  	_ =	swait.ge [sflag:s17], $0x4000  }
0x36b: {  	[sflag:s17] =	ssyncset.done $0x0  }
0x36c: {  	[sflag:s17] =	ssyncadd.s32 $0xFFFFC000  }
0x36d: {  	[tilespmem:s28], [sflag:$0x2] =	stream.indirect.gather [hbm4b:s29+s19], $0x80, s3, s19, $0xb8;
	[tilespmem:$0x1F000] =	vst v63  }
0x36e: {  	_ =	swait.ge [sflag:s24], $0x4000  }
0x36f: {  	[sflag:s24] =	ssyncset.done $0x0  }
0x370: {  	[sflag:s24] =	ssyncadd.s32 $0xFFFFC000  }
0x371: {  	[spmem:s26] =	stream.indirect.scatter.add.f32 [tilespmem:s20], [sflag:$0x3], $0x80, s4, s19, $0xb8;
	[tilespmem:$0x1F000] =	vst v63  }
0x372: {  	_ =	swait.ge [sflag:s17], $0x4000  }
0x373: {  	[sflag:s17] =	ssyncset.done $0x0  }
0x374: {  	[sflag:s17] =	ssyncadd.s32 $0xFFFFC000  }
0x375: {  	[tilespmem:s20], [sflag:$0x1] =	stream.indirect.gather [hbm4b:s29+s19], $0x80, s5, s19, $0xb8;
	[tilespmem:$0x1F000] =	vst v63  }
0x376: {  	_ =	swait.ge [sflag:s1], $0x4000  }
0x377: {  	[sflag:s1] =	ssyncset.done $0x0  }
0x378: {  	[sflag:s1] =	ssyncadd.s32 $0xFFFFC000  }
0x379: {  	[spmem:s26] =	stream.indirect.scatter.add.f32 [tilespmem:s28], [sflag:$0x3], $0x80, s6, s19, $0xb8;
	[tilespmem:$0x1F000] =	vst v63  }
0x37a: {  	_ =	swait.ge [sflag:s17], $0x4000  }
0x37b: {  	[sflag:s17] =	ssyncset.done $0x0  }
0x37c: {  	[sflag:s17] =	ssyncadd.s32 $0xFFFFC000  }
0x37d: {  	[tilespmem:s28], [sflag:$0x2] =	stream.indirect.gather [hbm4b:s29+s19], $0x80, s31, s19, $0xb8;
	[tilespmem:$0x1F000] =	vst v63  }
0x37e: {  	_ =	swait.ge [sflag:s24], $0x4000  }
0x37f: {  	[sflag:s24] =	ssyncset.done $0x0  }
0x380: {  	s11 =	simm.s32 $0xC00;
	[sflag:s24] =	ssyncadd.s32 $0xFFFFC000  }
0x381: {  	[spmem:s26] =	stream.indirect.scatter.add.f32 [tilespmem:s20], [sflag:$0x3], $0x80, s11, s19, $0xb8;
	[tilespmem:$0x1F000] =	vst v63  }
0x382: {  	_ =	swait.ge [sflag:s17], $0x4000  }
0x383: {  	[sflag:s17] =	ssyncset.done $0x0  }
0x384: {  	s12 =	simm.s32 $0x500;
	[sflag:s17] =	ssyncadd.s32 $0xFFFFC000  }
0x385: {  	[tilespmem:s20], [sflag:$0x1] =	stream.indirect.gather [hbm4b:s29+s19], $0x80, s12, s19, $0xb8;
	[tilespmem:$0x1F000] =	vst v63  }
0x386: {  	_ =	swait.ge [sflag:s1], $0x4000  }
0x387: {  	[sflag:s1] =	ssyncset.done $0x0  }
0x388: {  	[sflag:s1] =	ssyncadd.s32 $0xFFFFC000  }
0x389: {  	[spmem:s26] =	stream.indirect.scatter.add.f32 [tilespmem:s28], [sflag:$0x3], $0x80, s7, s19, $0xb8;
	[tilespmem:$0x1F000] =	vst v63  }
0x38a: {  	_ =	swait.ge [sflag:s17], $0x4000  }
0x38b: {  	[sflag:s17] =	ssyncset.done $0x0  }
0x38c: {  	s9 =	simm.s32 $0x580;
	[sflag:s17] =	ssyncadd.s32 $0xFFFFC000  }
0x38d: {  	[tilespmem:s28], [sflag:$0x2] =	stream.indirect.gather [hbm4b:s29+s19], $0x80, s9, s19, $0xb8;
	[tilespmem:$0x1F000] =	vst v63  }
0x38e: {  	_ =	swait.ge [sflag:s24], $0x4000  }
0x38f: {  	[sflag:s24] =	ssyncset.done $0x0  }
0x390: {  	s12 =	simm.s32 $0xD00;
	[sflag:s24] =	ssyncadd.s32 $0xFFFFC000  }
0x391: {  	[spmem:s26] =	stream.indirect.scatter.add.f32 [tilespmem:s20], [sflag:$0x3], $0x80, s12, s19, $0xb8;
	[tilespmem:$0x1F000] =	vst v63  }
0x392: {  	_ =	swait.ge [sflag:s17], $0x4000  }
0x393: {  	[sflag:s17] =	ssyncset.done $0x0  }
0x394: {  	s12 =	simm.s32 $0x600;
	[sflag:s17] =	ssyncadd.s32 $0xFFFFC000  }
0x395: {  	[tilespmem:s20], [sflag:$0x1] =	stream.indirect.gather [hbm4b:s29+s19], $0x80, s12, s19, $0xb8;
	[tilespmem:$0x1F000] =	vst v63  }
0x396: {  	_ =	swait.ge [sflag:s1], $0x4000  }
0x397: {  	[sflag:s1] =	ssyncset.done $0x0  }
0x398: {  	s12 =	simm.s32 $0xD80;
	[sflag:s1] =	ssyncadd.s32 $0xFFFFC000  }
0x399: {  	[spmem:s26] =	stream.indirect.scatter.add.f32 [tilespmem:s28], [sflag:$0x3], $0x80, s12, s19, $0xb8;
	[tilespmem:$0x1F000] =	vst v63  }
0x39a: {  	_ =	swait.ge [sflag:s17], $0x4000  }
0x39b: {  	[sflag:s17] =	ssyncset.done $0x0  }
0x39c: {  	s12 =	simm.s32 $0x680;
	[sflag:s17] =	ssyncadd.s32 $0xFFFFC000  }
0x39d: {  	[tilespmem:s28], [sflag:$0x2] =	stream.indirect.gather [hbm4b:s29+s19], $0x80, s12, s19, $0xb8;
	[tilespmem:$0x1F000] =	vst v63  }
0x39e: {  	_ =	swait.ge [sflag:s24], $0x4000  }
0x39f: {  	[sflag:s24] =	ssyncset.done $0x0  }
0x3a0: {  	s12 =	simm.s32 $0xE00;
	[sflag:s24] =	ssyncadd.s32 $0xFFFFC000  }
0x3a1: {  	[spmem:s26] =	stream.indirect.scatter.add.f32 [tilespmem:s20], [sflag:$0x3], $0x80, s12, s19, $0xb8;
	[tilespmem:$0x1F000] =	vst v63  }
0x3a2: {  	_ =	swait.ge [sflag:s17], $0x4000  }
0x3a3: {  	[sflag:s17] =	ssyncset.done $0x0  }
0x3a4: {  	s12 =	simm.s32 $0x700;
	[sflag:s17] =	ssyncadd.s32 $0xFFFFC000  }
0x3a5: {  	[tilespmem:s20], [sflag:$0x1] =	stream.indirect.gather [hbm4b:s29+s19], $0x80, s12, s19, $0xb8;
	[tilespmem:$0x1F000] =	vst v63  }
0x3a6: {  	_ =	swait.ge [sflag:s1], $0x4000  }
0x3a7: {  	[sflag:s1] =	ssyncset.done $0x0  }
0x3a8: {  	s12 =	simm.s32 $0xE80;
	[sflag:s1] =	ssyncadd.s32 $0xFFFFC000  }
0x3a9: {  	[spmem:s26] =	stream.indirect.scatter.add.f32 [tilespmem:s28], [sflag:$0x3], $0x80, s12, s19, $0xb8;
	[tilespmem:$0x1F000] =	vst v63  }
0x3aa: {  	_ =	swait.ge [sflag:s17], $0x4000  }
0x3ab: {  	[sflag:s17] =	ssyncset.done $0x0  }
0x3ac: {  	s12 =	simm.s32 $0x780;
	[sflag:s17] =	ssyncadd.s32 $0xFFFFC000  }
0x3ad: {  	[tilespmem:s28], [sflag:$0x2] =	stream.indirect.gather [hbm4b:s29+s19], $0x80, s12, s19, $0xb8;
	[tilespmem:$0x1F000] =	vst v63  }
0x3ae: {  	_ =	swait.ge [sflag:s24], $0x4000  }
0x3af: {  	[sflag:s24] =	ssyncset.done $0x0  }
0x3b0: {  	s12 =	simm.s32 $0xF00;
	[sflag:s24] =	ssyncadd.s32 $0xFFFFC000  }
0x3b1: {  	[spmem:s26] =	stream.indirect.scatter.add.f32 [tilespmem:s20], [sflag:$0x3], $0x80, s12, s19, $0xb8;
	[tilespmem:$0x1F000] =	vst v63  }
0x3b2: {  	s8 =	sadd.s32 $0x100, s8;
	_ =	swait.ge [sflag:s17], $0x4000  }
0x3b3: {  	p0 =	sne.s32 s8, $0x500;
	[sflag:s17] =	ssyncset.done $0x0  }
.Ltmp2:
0x3b4: {  	[sflag:s17] =	ssyncadd.s32 $0xFFFFC000;
	(pc) =	sbr.rel @p0 .LBB2_6-.Ltmp2, $4  }
0x3b5: {  	_ =	swait.ge [sflag:s1], $0x4000  }
0x3b6: {  	[sflag:s1] =	ssyncset.done $0x0  }
0x3b7: {  	s12 =	simm.s32 $0xF80;
	[sflag:s1] =	ssyncadd.s32 $0xFFFFC000  }
0x3b8: {  	[spmem:s26] =	stream.indirect.scatter.add.f32 [tilespmem:s28], [sflag:$0x3], $0x80, s12, s19, $0xb8;
	[tilespmem:$0x1F000] =	vst v63  }
0x3b9: {  	_ =	swait.ge [sflag:s17], $0x4000  }
0x3ba: {  	[sflag:s17] =	ssyncset.done $0x0  }
0x3bb: {  	[sflag:s17] =	ssyncadd.s32 $0xFFFFC000  }
0x3bc: {  	[bflag:$0x0] =	sbarrier.arrive $0xFFFF  }
0x3bd: {  	s7 =	sld [smem:$0x7EC]  }
0x3be: {  	s9 =	sld [smem:$0x7E3];
	_ =	sdelay $0x1  }
0x3bf: {  	s8 =	rddreg [dreg:$0x4]  }
0x3c0: {  	[hbm:s8], [sflag:s7] =	dma.local [spmem:s9], $0x400  }
0x3c1: {  	_ =	swait.ge [sflag:s17], $0x400  }
0x3c2: {  	s21 =	sld [smem:$0x7E4]  }
0x3c3: {  	[sflag:s17] =	ssyncset.done $0x0  }
0x3c4: {  	s12 =	rddreg [dreg:$0xf];
	[sflag:s17] =	ssyncadd.s32 $0xFFFFFC00  }
0x3c5: {  	[hbm:s12], [sflag:s7] =	dma.local [spmem:s21], $0x400  }
0x3c6: {  	_ =	swait.ge [sflag:s17], $0x400  }
0x3c7: {  	s21 =	sld [smem:$0x7E5]  }
0x3c8: {  	[sflag:s17] =	ssyncset.done $0x0  }
0x3c9: {  	s12 =	rddreg [dreg:$0x10];
	[sflag:s17] =	ssyncadd.s32 $0xFFFFFC00  }
0x3ca: {  	[hbm:s12], [sflag:s7] =	dma.local [spmem:s21], $0x400  }
0x3cb: {  	_ =	swait.ge [sflag:s17], $0x400  }
0x3cc: {  	s21 =	sld [smem:$0x7E6]  }
0x3cd: {  	[sflag:s17] =	ssyncset.done $0x0  }
0x3ce: {  	s12 =	rddreg [dreg:$0x11];
	[sflag:s17] =	ssyncadd.s32 $0xFFFFFC00  }
0x3cf: {  	[hbm:s12], [sflag:s7] =	dma.local [spmem:s21], $0x400  }
0x3d0: {  	_ =	swait.ge [sflag:s17], $0x400  }
0x3d1: {  	s21 =	sld [smem:$0x7E7]  }
0x3d2: {  	[sflag:s17] =	ssyncset.done $0x0  }
0x3d3: {  	s12 =	rddreg [dreg:$0x12];
	[sflag:s17] =	ssyncadd.s32 $0xFFFFFC00  }
0x3d4: {  	[hbm:s12], [sflag:s7] =	dma.local [spmem:s21], $0x400  }
0x3d5: {  	_ =	swait.ge [sflag:s17], $0x400  }
0x3d6: {  	s21 =	sld [smem:$0x7E8]  }
0x3d7: {  	[sflag:s17] =	ssyncset.done $0x0  }
0x3d8: {  	s12 =	rddreg [dreg:$0x13];
	[sflag:s17] =	ssyncadd.s32 $0xFFFFFC00  }
0x3d9: {  	[hbm:s12], [sflag:s7] =	dma.local [spmem:s21], $0x400  }
0x3da: {  	_ =	swait.ge [sflag:s17], $0x400  }
0x3db: {  	s21 =	sld [smem:$0x7E9]  }
0x3dc: {  	[sflag:s17] =	ssyncset.done $0x0  }
0x3dd: {  	s12 =	rddreg [dreg:$0x14];
	[sflag:s17] =	ssyncadd.s32 $0xFFFFFC00  }
0x3de: {  	[hbm:s12], [sflag:s7] =	dma.local [spmem:s21], $0x400  }
0x3df: {  	_ =	swait.ge [sflag:s17], $0x400  }
0x3e0: {  	s21 =	sld [smem:$0x7EA]  }
0x3e1: {  	[sflag:s17] =	ssyncset.done $0x0  }
0x3e2: {  	s12 =	rddreg [dreg:$0x15];
	[sflag:s17] =	ssyncadd.s32 $0xFFFFFC00  }
0x3e3: {  	[hbm:s12], [sflag:s7] =	dma.local [spmem:s21], $0x400  }
0x3e4: {  	_ =	swait.ge [sflag:s17], $0x400  }
0x3e5: {  	s21 =	sld [smem:$0x7EB]  }
0x3e6: {  	[sflag:s17] =	ssyncset.done $0x0  }
0x3e7: {  	s12 =	rddreg [dreg:$0x16];
	[sflag:s17] =	ssyncadd.s32 $0xFFFFFC00  }
0x3e8: {  	[hbm:s12], [sflag:s7] =	dma.local [spmem:s21], $0x400  }
0x3e9: {  	_ =	swait.ge [sflag:s17], $0x400  }
0x3ea: {  	s21 =	sld [smem:$0x7ED]  }
0x3eb: {  	[sflag:s17] =	ssyncset.done $0x0  }
0x3ec: {  	s12 =	rddreg [dreg:$0x17];
	[sflag:s17] =	ssyncadd.s32 $0xFFFFFC00  }
0x3ed: {  	[hbm:s12], [sflag:s7] =	dma.local [spmem:s21], $0x400  }
0x3ee: {  	_ =	swait.ge [sflag:s17], $0x400  }
0x3ef: {  	s21 =	rddreg [dreg:$0x19]  }
0x3f0: {  	s12 =	rddreg [dreg:$0x1c];
	s21 =	sadd.s32 $0x1, s21  }
0x3f1: {  	p0 =	sne.s32 s21, s12  }
.Ltmp3:
0x3f2: {  	_ = 	snop;
	(pc) =	sbr.rel @p0 .LBB2_1-.Ltmp3, $3  }
0x3f3: {  	_ =	sdelay $0x1  }
0x3f4: {  	[sflag:s17] =	ssyncset.done $0x0  }
0x3f5: {  	s7 =	simm.s32 $0x500;
	[sflag:s17] =	ssyncadd.s32 $0xFFFFFC00;
	s12 =	smov.u32 s13  }
0x3f6: {  	_ =	sfence.sel $0x180000  }
0x3f7: {  	[bflag:$0x0] =	sbarrier.arrive $0xFFFF  }
0x3f8: {  	_ =	strace $0x90000050  }
0x3f9: {  	s0 =	stileid.u32;
	[bflag:$0x2] =	sbarrier.arrive $0xFFFF  }
0x3fa: {  	p0 =	sne.s32 s0, $0x0;
	s0 =	rddreg [dreg:$0x2]  }
0x3fb: {  	s0 =	sadd.s32 @!p0 $0x100000, s0  }
0x3fc: {  	[sflag:s0] =	ssyncadd.tile.s32 @!p0 $0x1;
	_ =	shalt  }
.Lfunc_end2:
_tile_overlayer_lowered:
.L_overlay_start_2:
0x3fd: {  	(tag) =	ssettag $0x2  }
0x3fe: {  	s0 =	rddreg [dreg:$0x0];
	s2 =	stileid.u32  }
0x3ff: {  	s1 =	rddreg [dreg:$0x1];
	p0 =	sne.s32 s2, $0x0  }
0x400: {  	s3 =	rddreg [dreg:$0x2];
	[bflag:$0x3] =	sbarrier.arrive $0xFFFF;
	s2 =	simm.s32 @!p0 $0x1C03  }
0x401: {  	[timem:s3], [sflag:s2] =	dma.local @!p0 [hbm:s0], s1  }
0x402: {  	s0 =	simm.s32 @!p0 $0x3  }
0x403: {  	_ =	swait.ge @!p0 [sflag:s0], s1  }
0x404: {  	s1 =	ssub.s32 @!p0 $0x0, s1;
	[sflag:s0] =	ssyncset.done @!p0 $0x0  }
0x405: {  	[sflag:s0] =	ssyncadd.s32 @!p0 s1  }
0x406: {  	[bflag:$0x3] =	sbarrier.arrive $0xFFFF  }
0x407: {  	_ =	shalt  }

</sc_bundles>
